<compile_context>
chip_gen: v7x
topology: tpu7x:2x2x1
jax: 0.10.2.dev20260603
libtpu: 0.0.44.dev20260713+nightly
codegen_flags: <defaults>
</compile_context>

<pallas_src>
import functools
import jax
import jax.numpy as jnp
from jax import lax
from jax.experimental import pallas as pl
from jax.experimental.pallas import tpu as pltpu
from jax.experimental.pallas import tpu_sc as plsc

N = 10000
D = 256
G = 64
OUT = 256
BLK = 5000
NBLK = N // BLK

E = 160000
HD = D // 2
NS = 16
CH = 125
EPT = E // NS
NCH = EPT // CH
NPH = 2
CPP = NCH // NPH
NPAD = 10240
RPT = NPAD // NS
ZR = 80



def _sc_agg_body(hp_hbm, srcr_hbm, dstr_hbm, out_hbm,
                 idx_s, idx_d, gbuf, acc, sems):
    c = lax.axis_index("c")
    s = lax.axis_index("s")

    def _zrow(i, _):
        for j in range(HD // 16):
            gbuf[0, i, pl.ds(j * 16, 16)] = jnp.zeros((16,), jnp.float32)
        return 0
    lax.fori_loop(0, ZR, _zrow, 0)
    zsrc = gbuf.at[0].at[pl.ds(0, ZR)]
    for k in range(RPT // ZR):
        pltpu.sync_copy(zsrc, acc.at[pl.ds(s * RPT + k * ZR, ZR)])

    plsc.subcore_barrier()

    for ph in range(NPH):
        base = s * NCH + ph * CPP
        pltpu.sync_copy(srcr_hbm.at[pl.ds(base, CPP)], idx_s)
        pltpu.sync_copy(dstr_hbm.at[pl.ds(base, CPP)], idx_d)

        pltpu.async_copy(hp_hbm.at[c].at[idx_s.at[0]], gbuf.at[0],
                         sems.at[0])

        def _step(k, _):
            p = lax.rem(k, 2)
            pn = lax.rem(k + 1, 2)

            @pl.when(k + 1 < CPP)
            def _():
                pltpu.async_copy(hp_hbm.at[c].at[idx_s.at[k + 1]],
                                 gbuf.at[pn], sems.at[pn])

            pltpu.make_async_copy(hp_hbm.at[c].at[idx_s.at[k]],
                                  gbuf.at[p], sems.at[p]).wait()
            pltpu.sync_copy(gbuf.at[p], acc.at[idx_d.at[k]], add=True)
            return 0

        lax.fori_loop(0, CPP, _step, 0)

    plsc.subcore_barrier()
    pltpu.sync_copy(acc.at[pl.ds(s * RPT, RPT)],
                    out_hbm.at[c].at[pl.ds(s * RPT, RPT)])


@functools.partial(
    pl.kernel,
    mesh=plsc.VectorSubcoreMesh(core_axis_name="c", subcore_axis_name="s"),
    out_type=jax.ShapeDtypeStruct((2, NPAD, HD), jnp.float32),
    scratch_types=[
        pltpu.VMEM((CPP, CH), jnp.int32),
        pltpu.VMEM((CPP, CH), jnp.int32),
        pltpu.VMEM((2, CH, HD), jnp.float32),
        pltpu.VMEM_SHARED((NPAD, HD), jnp.float32),
        pltpu.SemaphoreType.DMA((2,)),
    ],
)
def _sc_aggregate(hp_hbm, srcr_hbm, dstr_hbm, out_hbm,
                  idx_s, idx_d, gbuf, acc, sems):
    _sc_agg_body(hp_hbm, srcr_hbm, dstr_hbm, out_hbm,
                 idx_s, idx_d, gbuf, acc, sems)



def _mlp_stats_body(aggp_ref, hp_ref, w1_ref, b1_ref, w2_ref, b2_ref,
                    r_ref, sums_ref):
    i = pl.program_id(0)
    m = jnp.concatenate(
        [aggp_ref[0] + hp_ref[0], aggp_ref[1] + hp_ref[1]], axis=-1)
    z = jnp.maximum(
        jnp.dot(m, w1_ref[...], preferred_element_type=jnp.float32)
        + b1_ref[...], 0.0)
    z = jnp.dot(z, w2_ref[...], preferred_element_type=jnp.float32) \
        + b2_ref[...]
    r = jnp.maximum(z, 0.0)
    r_ref[...] = r

    @pl.when(i == 0)
    def _():
        sums_ref[...] = jnp.zeros_like(sums_ref)

    sums_ref[...] += jnp.concatenate(
        [jnp.sum(r, axis=0)[None, :], jnp.sum(r * r, axis=0)[None, :]],
        axis=0)


def _mlp_stats(aggp, hp, w1, b1, w2, b2):
    return pl.pallas_call(
        _mlp_stats_body,
        grid=(NBLK,),
        in_specs=[
            pl.BlockSpec((2, BLK, HD), lambda i: (0, i, 0)),
            pl.BlockSpec((2, BLK, HD), lambda i: (0, i, 0)),
            pl.BlockSpec((D, D), lambda i: (0, 0)),
            pl.BlockSpec((1, D), lambda i: (0, 0)),
            pl.BlockSpec((D, D), lambda i: (0, 0)),
            pl.BlockSpec((1, D), lambda i: (0, 0)),
        ],
        out_specs=[
            pl.BlockSpec((BLK, D), lambda i: (i, 0)),
            pl.BlockSpec((2, D), lambda i: (0, 0)),
        ],
        out_shape=[
            jax.ShapeDtypeStruct((N, D), jnp.float32),
            jax.ShapeDtypeStruct((2, D), jnp.float32),
        ],
    )(aggp, hp, w1, b1, w2, b2)



def _mlp_pool_body(aggp_ref, hp_ref, batch_ref, w1_ref, b1_ref,
                   w2_ref, b2_ref, sums_ref, pool_ref):
    i = pl.program_id(0)
    m = jnp.concatenate(
        [aggp_ref[0] + hp_ref[0], aggp_ref[1] + hp_ref[1]], axis=-1)
    z = jnp.maximum(
        jnp.dot(m, w1_ref[...], preferred_element_type=jnp.float32)
        + b1_ref[...], 0.0)
    z = jnp.dot(z, w2_ref[...], preferred_element_type=jnp.float32) \
        + b2_ref[...]
    r = jnp.maximum(z, 0.0)

    oh_t = jnp.equal(
        lax.broadcasted_iota(jnp.int32, (G, BLK), 0),
        batch_ref[0]).astype(jnp.float32)

    @pl.when(i == 0)
    def _():
        sums_ref[...] = jnp.zeros_like(sums_ref)
        pool_ref[...] = jnp.zeros_like(pool_ref)

    sums_ref[...] += jnp.concatenate(
        [jnp.sum(r, axis=0)[None, :], jnp.sum(r * r, axis=0)[None, :]],
        axis=0)
    pool_ref[...] += jnp.dot(oh_t, r, preferred_element_type=jnp.float32)


def _mlp_pool(aggp, hp, batch2d, w1, b1, w2, b2):
    return pl.pallas_call(
        _mlp_pool_body,
        grid=(NBLK,),
        in_specs=[
            pl.BlockSpec((2, BLK, HD), lambda i: (0, i, 0)),
            pl.BlockSpec((2, BLK, HD), lambda i: (0, i, 0)),
            pl.BlockSpec((1, 1, BLK), lambda i: (i, 0, 0)),
            pl.BlockSpec((D, D), lambda i: (0, 0)),
            pl.BlockSpec((1, D), lambda i: (0, 0)),
            pl.BlockSpec((D, D), lambda i: (0, 0)),
            pl.BlockSpec((1, D), lambda i: (0, 0)),
        ],
        out_specs=[
            pl.BlockSpec((2, D), lambda i: (0, 0)),
            pl.BlockSpec((G, D), lambda i: (0, 0)),
        ],
        out_shape=[
            jax.ShapeDtypeStruct((2, D), jnp.float32),
            jax.ShapeDtypeStruct((G, D), jnp.float32),
        ],
    )(aggp, hp, batch2d, w1, b1, w2, b2)



def _norm_pool_body(r_ref, sums_ref, g_ref, be_ref, batch_ref,
                    hp_ref, pool_ref, cnt_ref):
    i = pl.program_id(0)
    mu = sums_ref[0, :] * (1.0 / N)
    var = sums_ref[1, :] * (1.0 / N) - mu * mu
    rstd = lax.rsqrt(var + 1e-5)
    h = g_ref[...] * (r_ref[...] - mu[None, :]) * rstd[None, :] + be_ref[...]
    hp_ref[0] = h[:, :HD]
    hp_ref[1] = h[:, HD:]

    oh_t = jnp.equal(
        lax.broadcasted_iota(jnp.int32, (G, BLK), 0),
        batch_ref[0]).astype(jnp.float32)

    @pl.when(i == 0)
    def _():
        pool_ref[...] = jnp.zeros_like(pool_ref)
        cnt_ref[...] = jnp.zeros_like(cnt_ref)

    pool_ref[...] += jnp.dot(oh_t, h, preferred_element_type=jnp.float32)
    cnt_ref[...] += jnp.dot(oh_t, jnp.ones((BLK, 128), jnp.float32),
                            preferred_element_type=jnp.float32)


def _norm_pool(r, sums, gamma, beta, batch2d):
    return pl.pallas_call(
        _norm_pool_body,
        grid=(NBLK,),
        in_specs=[
            pl.BlockSpec((BLK, D), lambda i: (i, 0)),
            pl.BlockSpec((2, D), lambda i: (0, 0)),
            pl.BlockSpec((1, D), lambda i: (0, 0)),
            pl.BlockSpec((1, D), lambda i: (0, 0)),
            pl.BlockSpec((1, 1, BLK), lambda i: (i, 0, 0)),
        ],
        out_specs=[
            pl.BlockSpec((2, BLK, HD), lambda i: (0, i, 0)),
            pl.BlockSpec((G, D), lambda i: (0, 0)),
            pl.BlockSpec((G, 128), lambda i: (0, 0)),
        ],
        out_shape=[
            jax.ShapeDtypeStruct((2, N, HD), jnp.float32),
            jax.ShapeDtypeStruct((G, D), jnp.float32),
            jax.ShapeDtypeStruct((G, 128), jnp.float32),
        ],
    )(r, sums, gamma, beta, batch2d)



def _final_body(p1_ref, p2_ref, p3_ref, s3_ref, g3_ref, be3_ref,
                cnt_ref, wd_ref, bd_ref, out_ref):
    cc = cnt_ref[...][:, 0:1]
    inv = 1.0 / jnp.maximum(cc, 1.0)
    mu = s3_ref[0, :] * (1.0 / N)
    var = s3_ref[1, :] * (1.0 / N) - mu * mu
    a = g3_ref[0, :] * lax.rsqrt(var + 1e-5)
    b = be3_ref[0, :] - mu * a
    pool3 = (p3_ref[...] * a[None, :] + cc * b[None, :]) * inv
    p = jnp.concatenate(
        [p1_ref[...] * inv, p2_ref[...] * inv, pool3], axis=1)
    out_ref[...] = jnp.dot(p, wd_ref[...],
                           preferred_element_type=jnp.float32) + bd_ref[...]


def _final(p1, p2, p3, s3, g3, be3, cnt, wd, bd):
    return pl.pallas_call(
        _final_body,
        out_shape=jax.ShapeDtypeStruct((G, OUT), jnp.float32),
    )(p1, p2, p3, s3, g3, be3, cnt, wd, bd)


@jax.jit
def kernel(x, edge_index, batch, W1, b1, W2, b2, gamma, beta, Wd, bd):
    srcr = edge_index[0].reshape(E // CH, CH)
    dstr = edge_index[1].reshape(E // CH, CH)
    batch2d = batch.reshape(NBLK, 1, BLK)
    hp = x.reshape(N, 2, HD).transpose(1, 0, 2)

    aggp = _sc_aggregate(hp, srcr, dstr)
    r, sums = _mlp_stats(aggp, hp, W1[0], b1[0][None, :],
                         W2[0], b2[0][None, :])
    hp, P1, cnt = _norm_pool(r, sums, gamma[0][None, :],
                             beta[0][None, :], batch2d)

    aggp = _sc_aggregate(hp, srcr, dstr)
    r, sums = _mlp_stats(aggp, hp, W1[1], b1[1][None, :],
                         W2[1], b2[1][None, :])
    hp, P2, _ = _norm_pool(r, sums, gamma[1][None, :],
                           beta[1][None, :], batch2d)

    aggp = _sc_aggregate(hp, srcr, dstr)
    sums3, P3raw = _mlp_pool(aggp, hp, batch2d, W1[2], b1[2][None, :],
                             W2[2], b2[2][None, :])

    return _final(P1, P2, P3raw, sums3, gamma[2][None, :],
                  beta[2][None, :], cnt, Wd, bd[None, :])

# --- scband reference (transcript-rebuilt; emitter-appended) ---
"""Pipeline reference for scband-gnnencoder-38955353375314 (READ-ONLY COPY).

The authoritative reference and input builder live on the scoring server;
editing this copy changes nothing except your own understanding.
"""

import jax, jax.numpy as jnp
import numpy as np

N = 10000
E = 160000
D = 256
L = 3
G = 64
OUT = 256

def setup_inputs(seed: int = 0) -> dict:
    key = jax.random.key(seed)
    ks = jax.random.split(key, 12)
    x = jax.random.normal(ks[0], (N, D), dtype=jnp.float32)
    edge_index = jax.random.randint(ks[1], (2, E), 0, N, dtype=jnp.int32)
    batch = jnp.sort(jax.random.randint(ks[2], (N,), 0, G, dtype=jnp.int32))
    s = 1.0 / np.sqrt(D)
    W1 = jax.random.uniform(ks[3], (L, D, D), minval=-s, maxval=s, dtype=jnp.float32)
    b1 = jax.random.uniform(ks[4], (L, D), minval=-s, maxval=s, dtype=jnp.float32)
    W2 = jax.random.uniform(ks[5], (L, D, D), minval=-s, maxval=s, dtype=jnp.float32)
    b2 = jax.random.uniform(ks[6], (L, D), minval=-s, maxval=s, dtype=jnp.float32)
    gamma = jnp.ones((L, D), dtype=jnp.float32)
    beta = jnp.zeros((L, D), dtype=jnp.float32)
    sd = 1.0 / np.sqrt(L * D)
    Wd = jax.random.uniform(ks[7], (L * D, OUT), minval=-sd, maxval=sd, dtype=jnp.float32)
    bd = jax.random.uniform(ks[8], (OUT,), minval=-sd, maxval=sd, dtype=jnp.float32)
    return {"x": x, "edge_index": edge_index, "batch": batch, "W1": W1, "b1": b1, "W2": W2, "b2": b2, "gamma": gamma, "beta": beta, "Wd": Wd, "bd": bd}

def reference(x, edge_index, batch, W1, b1, W2, b2, gamma, beta, Wd, bd):
    # GNNEncoder with GIN convs (eps=0, sum aggregation), ReLU->BatchNorm1d (batch stats,
    # eval-dropout identity), global_mean_pool per layer, concat, final linear.
    src = edge_index[0]
    dst = edge_index[1]
    h = x
    xs = []
    for i in range(L):
        # GINConv: MLP((1+eps)*x + sum_{j in N(i)} x_j), eps=0
        agg = jnp.zeros_like(h).at[dst].add(h[src])
        m = agg + h
        m = jnp.maximum(m @ W1[i] + b1[i], 0.0)
        m = m @ W2[i] + b2[i]
        # F.relu then BatchNorm1d (training-mode batch statistics, biased variance)
        m = jnp.maximum(m, 0.0)
        mu = jnp.mean(m, axis=0)
        var = jnp.var(m, axis=0)
        h = gamma[i] * (m - mu) / jnp.sqrt(var + 1e-5) + beta[i]
        xs.append(h)
    counts = jnp.maximum(jnp.bincount(batch, length=G), 1).astype(x.dtype)
    pools = [jax.ops.segment_sum(xi, batch, num_segments=G) / counts[:, None] for xi in xs]
    xpool = jnp.concatenate(pools, axis=1)
    # dim_align: Dropout (identity in eval) + Linear(L*D -> OUT)
    out = xpool @ Wd + bd
    return out

if __name__ == "__main__":
    import jax
    _d = setup_inputs()
    print(jax.jit(kernel)(*tuple(_d.values())))

</pallas_src>

<mosaic_0001>
#map = affine_map<(d0, d1) -> (0, 0, 0)>
#map1 = affine_map<(d0, d1) -> (0, 0)>
module attributes {stable_mosaic.version = 14 : i64} {
  func.func @_sc_aggregate(%arg0: i32, %arg1: i32, %arg2: memref<2x10000x128xf32, #tpu.memory_space<hbm>>, %arg3: memref<1280x125xi32, #tpu.memory_space<hbm>>, %arg4: memref<1280x125xi32, #tpu.memory_space<hbm>>, %arg5: memref<2x10240x128xf32, #tpu.memory_space<hbm>>, %arg6: memref<40x125xi32, #tpu.memory_space<vmem>>, %arg7: memref<40x125xi32, #tpu.memory_space<vmem>>, %arg8: memref<2x125x128xf32, #tpu.memory_space<vmem>>, %arg9: memref<10240x128xf32, #tpu.memory_space<vmem_shared>>, %arg10: memref<2x!tpu.dma_semaphore, #tpu.memory_space<semaphore_mem>>) attributes {dimension_semantics = [#tpu.dimension_semantics<core_parallel>, #tpu.dimension_semantics<subcore_parallel>], iteration_bounds = array<i64: 2, 16>, scalar_prefetch = 0 : i64, scratch_operands = 5 : i64, tpu.core_type = #tpu.core_type<sc_vector_subcore>, window_params = [{transform_indices = #map}, {transform_indices = #map1}, {transform_indices = #map1}, {transform_indices = #map}]} {
    %scan3A = arith.constant 0 : i32
    %scan3A_0 = arith.constant 0 : i32
    %scan3A_1 = arith.constant 80 : i32
    %scan3A_2 = arith.addi %scan3A_0, %scan3A_1 : i32
    %scan3A_3 = arith.constant 1 : i32
    %scan3A_4 = scf.for %scan3A_107 = %scan3A_0 to %scan3A_2 step %scan3A_3 iter_args(%scan3A_108 = %scan3A) -> (i32)  : i32 {
      %broadcast_in_dim3A = arith.constant 0.000000e+00 : f32
      %broadcast_in_dim3A_109 = vector.broadcast %broadcast_in_dim3A : f32 to vector<16xf32>
      %swap3A = arith.constant 0 : i32
      %swap3A_110 = arith.index_cast %swap3A : i32 to index
      %swap3A_111 = arith.index_cast %scan3A_107 : i32 to index
      %swap3A_112 = arith.constant 0 : index
      %swap3A_113 = tpu.vector_load %arg8[%swap3A_110, %swap3A_111, %swap3A_112] {strides = array<i32>} : memref<2x125x128xf32, #tpu.memory_space<vmem>>, vector<1x1x16xf32>,
      %swap3A_114 = vector.shape_cast %swap3A_113 : vector<1x1x16xf32> to vector<16xf32>
      %swap3A_115 = vector.shape_cast %broadcast_in_dim3A_109 : vector<16xf32> to vector<1x1x16xf32>
      tpu.vector_store %arg8[%swap3A_110, %swap3A_111, %swap3A_112], %swap3A_115 {strides = array<i32>} : memref<2x125x128xf32, #tpu.memory_space<vmem>>, vector<1x1x16xf32>,
      %broadcast_in_dim3A_116 = arith.constant 0.000000e+00 : f32
      %broadcast_in_dim3A_117 = vector.broadcast %broadcast_in_dim3A_116 : f32 to vector<16xf32>
      %swap3A_118 = arith.constant 0 : i32
      %swap3A_119 = arith.index_cast %swap3A_118 : i32 to index
      %swap3A_120 = arith.index_cast %scan3A_107 : i32 to index
      %swap3A_121 = arith.constant 16 : index
      %swap3A_122 = tpu.vector_load %arg8[%swap3A_119, %swap3A_120, %swap3A_121] {strides = array<i32>} : memref<2x125x128xf32, #tpu.memory_space<vmem>>, vector<1x1x16xf32>,
      %swap3A_123 = vector.shape_cast %swap3A_122 : vector<1x1x16xf32> to vector<16xf32>
      %swap3A_124 = vector.shape_cast %broadcast_in_dim3A_117 : vector<16xf32> to vector<1x1x16xf32>
      tpu.vector_store %arg8[%swap3A_119, %swap3A_120, %swap3A_121], %swap3A_124 {strides = array<i32>} : memref<2x125x128xf32, #tpu.memory_space<vmem>>, vector<1x1x16xf32>,
      %broadcast_in_dim3A_125 = arith.constant 0.000000e+00 : f32
      %broadcast_in_dim3A_126 = vector.broadcast %broadcast_in_dim3A_125 : f32 to vector<16xf32>
      %swap3A_127 = arith.constant 0 : i32
      %swap3A_128 = arith.index_cast %swap3A_127 : i32 to index
      %swap3A_129 = arith.index_cast %scan3A_107 : i32 to index
      %swap3A_130 = arith.constant 32 : index
      %swap3A_131 = tpu.vector_load %arg8[%swap3A_128, %swap3A_129, %swap3A_130] {strides = array<i32>} : memref<2x125x128xf32, #tpu.memory_space<vmem>>, vector<1x1x16xf32>,
      %swap3A_132 = vector.shape_cast %swap3A_131 : vector<1x1x16xf32> to vector<16xf32>
      %swap3A_133 = vector.shape_cast %broadcast_in_dim3A_126 : vector<16xf32> to vector<1x1x16xf32>
      tpu.vector_store %arg8[%swap3A_128, %swap3A_129, %swap3A_130], %swap3A_133 {strides = array<i32>} : memref<2x125x128xf32, #tpu.memory_space<vmem>>, vector<1x1x16xf32>,
      %broadcast_in_dim3A_134 = arith.constant 0.000000e+00 : f32
      %broadcast_in_dim3A_135 = vector.broadcast %broadcast_in_dim3A_134 : f32 to vector<16xf32>
      %swap3A_136 = arith.constant 0 : i32
      %swap3A_137 = arith.index_cast %swap3A_136 : i32 to index
      %swap3A_138 = arith.index_cast %scan3A_107 : i32 to index
      %swap3A_139 = arith.constant 48 : index
      %swap3A_140 = tpu.vector_load %arg8[%swap3A_137, %swap3A_138, %swap3A_139] {strides = array<i32>} : memref<2x125x128xf32, #tpu.memory_space<vmem>>, vector<1x1x16xf32>,
      %swap3A_141 = vector.shape_cast %swap3A_140 : vector<1x1x16xf32> to vector<16xf32>
      %swap3A_142 = vector.shape_cast %broadcast_in_dim3A_135 : vector<16xf32> to vector<1x1x16xf32>
      tpu.vector_store %arg8[%swap3A_137, %swap3A_138, %swap3A_139], %swap3A_142 {strides = array<i32>} : memref<2x125x128xf32, #tpu.memory_space<vmem>>, vector<1x1x16xf32>,
      %broadcast_in_dim3A_143 = arith.constant 0.000000e+00 : f32
      %broadcast_in_dim3A_144 = vector.broadcast %broadcast_in_dim3A_143 : f32 to vector<16xf32>
      %swap3A_145 = arith.constant 0 : i32
      %swap3A_146 = arith.index_cast %swap3A_145 : i32 to index
      %swap3A_147 = arith.index_cast %scan3A_107 : i32 to index
      %swap3A_148 = arith.constant 64 : index
      %swap3A_149 = tpu.vector_load %arg8[%swap3A_146, %swap3A_147, %swap3A_148] {strides = array<i32>} : memref<2x125x128xf32, #tpu.memory_space<vmem>>, vector<1x1x16xf32>,
      %swap3A_150 = vector.shape_cast %swap3A_149 : vector<1x1x16xf32> to vector<16xf32>
      %swap3A_151 = vector.shape_cast %broadcast_in_dim3A_144 : vector<16xf32> to vector<1x1x16xf32>
      tpu.vector_store %arg8[%swap3A_146, %swap3A_147, %swap3A_148], %swap3A_151 {strides = array<i32>} : memref<2x125x128xf32, #tpu.memory_space<vmem>>, vector<1x1x16xf32>,
      %broadcast_in_dim3A_152 = arith.constant 0.000000e+00 : f32
      %broadcast_in_dim3A_153 = vector.broadcast %broadcast_in_dim3A_152 : f32 to vector<16xf32>
      %swap3A_154 = arith.constant 0 : i32
      %swap3A_155 = arith.index_cast %swap3A_154 : i32 to index
      %swap3A_156 = arith.index_cast %scan3A_107 : i32 to index
      %swap3A_157 = arith.constant 80 : index
      %swap3A_158 = tpu.vector_load %arg8[%swap3A_155, %swap3A_156, %swap3A_157] {strides = array<i32>} : memref<2x125x128xf32, #tpu.memory_space<vmem>>, vector<1x1x16xf32>,
      %swap3A_159 = vector.shape_cast %swap3A_158 : vector<1x1x16xf32> to vector<16xf32>
      %swap3A_160 = vector.shape_cast %broadcast_in_dim3A_153 : vector<16xf32> to vector<1x1x16xf32>
      tpu.vector_store %arg8[%swap3A_155, %swap3A_156, %swap3A_157], %swap3A_160 {strides = array<i32>} : memref<2x125x128xf32, #tpu.memory_space<vmem>>, vector<1x1x16xf32>,
      %broadcast_in_dim3A_161 = arith.constant 0.000000e+00 : f32
      %broadcast_in_dim3A_162 = vector.broadcast %broadcast_in_dim3A_161 : f32 to vector<16xf32>
      %swap3A_163 = arith.constant 0 : i32
      %swap3A_164 = arith.index_cast %swap3A_163 : i32 to index
      %swap3A_165 = arith.index_cast %scan3A_107 : i32 to index
      %swap3A_166 = arith.constant 96 : index
      %swap3A_167 = tpu.vector_load %arg8[%swap3A_164, %swap3A_165, %swap3A_166] {strides = array<i32>} : memref<2x125x128xf32, #tpu.memory_space<vmem>>, vector<1x1x16xf32>,
      %swap3A_168 = vector.shape_cast %swap3A_167 : vector<1x1x16xf32> to vector<16xf32>
      %swap3A_169 = vector.shape_cast %broadcast_in_dim3A_162 : vector<16xf32> to vector<1x1x16xf32>
      tpu.vector_store %arg8[%swap3A_164, %swap3A_165, %swap3A_166], %swap3A_169 {strides = array<i32>} : memref<2x125x128xf32, #tpu.memory_space<vmem>>, vector<1x1x16xf32>,
      %broadcast_in_dim3A_170 = arith.constant 0.000000e+00 : f32
      %broadcast_in_dim3A_171 = vector.broadcast %broadcast_in_dim3A_170 : f32 to vector<16xf32>
      %swap3A_172 = arith.constant 0 : i32
      %swap3A_173 = arith.index_cast %swap3A_172 : i32 to index
      %swap3A_174 = arith.index_cast %scan3A_107 : i32 to index
      %swap3A_175 = arith.constant 112 : index
      %swap3A_176 = tpu.vector_load %arg8[%swap3A_173, %swap3A_174, %swap3A_175] {strides = array<i32>} : memref<2x125x128xf32, #tpu.memory_space<vmem>>, vector<1x1x16xf32>,
      %swap3A_177 = vector.shape_cast %swap3A_176 : vector<1x1x16xf32> to vector<16xf32>
      %swap3A_178 = vector.shape_cast %broadcast_in_dim3A_171 : vector<16xf32> to vector<1x1x16xf32>
      tpu.vector_store %arg8[%swap3A_173, %swap3A_174, %swap3A_175], %swap3A_178 {strides = array<i32>} : memref<2x125x128xf32, #tpu.memory_space<vmem>>, vector<1x1x16xf32>,
      %scan3A_179 = arith.constant 0 : i32
      scf.yield %scan3A_179 : i32
    }
    %scan3A_5 = arith.constant 80 : i32
    %mul3A = arith.constant 640 : i32
    %mul3A_6 = arith.muli %arg1, %mul3A : i32
    %add3A = arith.constant 0 : i32
    %add3A_7 = arith.addi %mul3A_6, %add3A : i32
    %run_scoped3A = arith.constant 0 : i32
    "tpu.region"() ({
      %run_scoped3A_107 = tpu.sem_alloc : memref<!tpu.dma_semaphore, #tpu.memory_space<semaphore_mem>>
      %dma_start3A_108 = arith.constant 0 : i32
      %dma_start3A_109 = arith.constant 0 : i32
      %dma_start3A_110 = tpu.memref_slice %arg8[%run_scoped3A, %dma_start3A_108, %dma_start3A_109] : memref<2x125x128xf32, #tpu.memory_space<vmem>> -> memref<1x125x128xf32, #tpu.memory_space<vmem>>
      %dma_start3A_111 = tpu.memref_squeeze %dma_start3A_110 : memref<1x125x128xf32, #tpu.memory_space<vmem>> -> memref<125x128xf32, #tpu.memory_space<vmem>>
      %dma_start3A_112 = arith.constant 0 : i32
      %dma_start3A_113 = arith.constant 0 : i32
      %dma_start3A_114 = tpu.memref_slice %dma_start3A_111[%dma_start3A_112, %dma_start3A_113] : memref<125x128xf32, #tpu.memory_space<vmem>> -> memref<80x128xf32, #tpu.memory_space<vmem>>
      %dma_start3A_115 = arith.constant 0 : i32
      %dma_start3A_116 = tpu.memref_slice %arg9[%add3A_7, %dma_start3A_115] : memref<10240x128xf32, #tpu.memory_space<vmem_shared>> -> memref<80x128xf32, #tpu.memory_space<vmem_shared>>
      %dma_start3A_117 = arith.constant 0 : i32
      %dma_start3A_118 = tpu.memref_slice %arg9[%add3A_7, %dma_start3A_117] : memref<10240x128xf32, #tpu.memory_space<vmem_shared>> -> memref<80x128xf32, #tpu.memory_space<vmem_shared>>
      %dma_start3A_119 = arith.constant 0 : i32
      %dma_start3A_120 = arith.constant 0 : i32
      %dma_start3A_121 = tpu.memref_slice %arg8[%run_scoped3A, %dma_start3A_119, %dma_start3A_120] : memref<2x125x128xf32, #tpu.memory_space<vmem>> -> memref<1x125x128xf32, #tpu.memory_space<vmem>>
      %dma_start3A_122 = tpu.memref_squeeze %dma_start3A_121 : memref<1x125x128xf32, #tpu.memory_space<vmem>> -> memref<125x128xf32, #tpu.memory_space<vmem>>
      %dma_start3A_123 = arith.constant 0 : i32
      %dma_start3A_124 = arith.constant 0 : i32
      %dma_start3A_125 = tpu.memref_slice %dma_start3A_122[%dma_start3A_123, %dma_start3A_124] : memref<125x128xf32, #tpu.memory_space<vmem>> -> memref<80x128xf32, #tpu.memory_space<vmem>>
      tpu.enqueue_dma source(%dma_start3A_125 : memref<80x128xf32, #tpu.memory_space<vmem>>) target(%dma_start3A_118 : memref<80x128xf32, #tpu.memory_space<vmem_shared>>) target_semaphore(%run_scoped3A_107 : memref<!tpu.dma_semaphore, #tpu.memory_space<semaphore_mem>>)
      %dma_wait3A = arith.constant 0 : i32
      %dma_wait3A_126 = arith.constant 0 : i32
      %dma_wait3A_127 = tpu.memref_slice %arg8[%run_scoped3A, %dma_wait3A, %dma_wait3A_126] : memref<2x125x128xf32, #tpu.memory_space<vmem>> -> memref<1x125x128xf32, #tpu.memory_space<vmem>>
      %dma_wait3A_128 = tpu.memref_squeeze %dma_wait3A_127 : memref<1x125x128xf32, #tpu.memory_space<vmem>> -> memref<125x128xf32, #tpu.memory_space<vmem>>
      %dma_wait3A_129 = arith.constant 0 : i32
      %dma_wait3A_130 = arith.constant 0 : i32
      %dma_wait3A_131 = tpu.memref_slice %dma_wait3A_128[%dma_wait3A_129, %dma_wait3A_130] : memref<125x128xf32, #tpu.memory_space<vmem>> -> memref<80x128xf32, #tpu.memory_space<vmem>>
      %dma_wait3A_132 = arith.constant 0 : i32
      %dma_wait3A_133 = tpu.memref_slice %arg9[%add3A_7, %dma_wait3A_132] : memref<10240x128xf32, #tpu.memory_space<vmem_shared>> -> memref<80x128xf32, #tpu.memory_space<vmem_shared>>
      %dma_wait3A_134 = arith.constant 0 : i32
      %dma_wait3A_135 = tpu.memref_slice %arg9[%add3A_7, %dma_wait3A_134] : memref<10240x128xf32, #tpu.memory_space<vmem_shared>> -> memref<80x128xf32, #tpu.memory_space<vmem_shared>>
      %dma_wait3A_136 = arith.constant 0 : i32
      %dma_wait3A_137 = arith.constant 0 : i32
      %dma_wait3A_138 = tpu.memref_slice %arg8[%run_scoped3A, %dma_wait3A_136, %dma_wait3A_137] : memref<2x125x128xf32, #tpu.memory_space<vmem>> -> memref<1x125x128xf32, #tpu.memory_space<vmem>>
      %dma_wait3A_139 = tpu.memref_squeeze %dma_wait3A_138 : memref<1x125x128xf32, #tpu.memory_space<vmem>> -> memref<125x128xf32, #tpu.memory_space<vmem>>
      %dma_wait3A_140 = arith.constant 0 : i32
      %dma_wait3A_141 = arith.constant 0 : i32
      %dma_wait3A_142 = tpu.memref_slice %dma_wait3A_139[%dma_wait3A_140, %dma_wait3A_141] : memref<125x128xf32, #tpu.memory_space<vmem>> -> memref<80x128xf32, #tpu.memory_space<vmem>>
      tpu.wait_dma2 semaphore(%run_scoped3A_107 : memref<!tpu.dma_semaphore, #tpu.memory_space<semaphore_mem>>) src(%dma_wait3A_142 : memref<80x128xf32, #tpu.memory_space<vmem>>) dst(%dma_wait3A_135 : memref<80x128xf32, #tpu.memory_space<vmem_shared>>)
      tpu.yield
    }) : () -> ()
    %mul3A_8 = arith.constant 640 : i32
    %mul3A_9 = arith.muli %arg1, %mul3A_8 : i32
    %add3A_10 = arith.constant 80 : i32
    %add3A_11 = arith.addi %mul3A_9, %add3A_10 : i32
    %run_scoped3A_12 = arith.constant 0 : i32
    "tpu.region"() ({
      %run_scoped3A_107 = tpu.sem_alloc : memref<!tpu.dma_semaphore, #tpu.memory_space<semaphore_mem>>
      %dma_start3A_108 = arith.constant 0 : i32
      %dma_start3A_109 = arith.constant 0 : i32
      %dma_start3A_110 = tpu.memref_slice %arg8[%run_scoped3A_12, %dma_start3A_108, %dma_start3A_109] : memref<2x125x128xf32, #tpu.memory_space<vmem>> -> memref<1x125x128xf32, #tpu.memory_space<vmem>>
      %dma_start3A_111 = tpu.memref_squeeze %dma_start3A_110 : memref<1x125x128xf32, #tpu.memory_space<vmem>> -> memref<125x128xf32, #tpu.memory_space<vmem>>
      %dma_start3A_112 = arith.constant 0 : i32
      %dma_start3A_113 = arith.constant 0 : i32
      %dma_start3A_114 = tpu.memref_slice %dma_start3A_111[%dma_start3A_112, %dma_start3A_113] : memref<125x128xf32, #tpu.memory_space<vmem>> -> memref<80x128xf32, #tpu.memory_space<vmem>>
      %dma_start3A_115 = arith.constant 0 : i32
      %dma_start3A_116 = tpu.memref_slice %arg9[%add3A_11, %dma_start3A_115] : memref<10240x128xf32, #tpu.memory_space<vmem_shared>> -> memref<80x128xf32, #tpu.memory_space<vmem_shared>>
      %dma_start3A_117 = arith.constant 0 : i32
      %dma_start3A_118 = tpu.memref_slice %arg9[%add3A_11, %dma_start3A_117] : memref<10240x128xf32, #tpu.memory_space<vmem_shared>> -> memref<80x128xf32, #tpu.memory_space<vmem_shared>>
      %dma_start3A_119 = arith.constant 0 : i32
      %dma_start3A_120 = arith.constant 0 : i32
      %dma_start3A_121 = tpu.memref_slice %arg8[%run_scoped3A_12, %dma_start3A_119, %dma_start3A_120] : memref<2x125x128xf32, #tpu.memory_space<vmem>> -> memref<1x125x128xf32, #tpu.memory_space<vmem>>
      %dma_start3A_122 = tpu.memref_squeeze %dma_start3A_121 : memref<1x125x128xf32, #tpu.memory_space<vmem>> -> memref<125x128xf32, #tpu.memory_space<vmem>>
      %dma_start3A_123 = arith.constant 0 : i32
      %dma_start3A_124 = arith.constant 0 : i32
      %dma_start3A_125 = tpu.memref_slice %dma_start3A_122[%dma_start3A_123, %dma_start3A_124] : memref<125x128xf32, #tpu.memory_space<vmem>> -> memref<80x128xf32, #tpu.memory_space<vmem>>
      tpu.enqueue_dma source(%dma_start3A_125 : memref<80x128xf32, #tpu.memory_space<vmem>>) target(%dma_start3A_118 : memref<80x128xf32, #tpu.memory_space<vmem_shared>>) target_semaphore(%run_scoped3A_107 : memref<!tpu.dma_semaphore, #tpu.memory_space<semaphore_mem>>)
      %dma_wait3A = arith.constant 0 : i32
      %dma_wait3A_126 = arith.constant 0 : i32
      %dma_wait3A_127 = tpu.memref_slice %arg8[%run_scoped3A_12, %dma_wait3A, %dma_wait3A_126] : memref<2x125x128xf32, #tpu.memory_space<vmem>> -> memref<1x125x128xf32, #tpu.memory_space<vmem>>
      %dma_wait3A_128 = tpu.memref_squeeze %dma_wait3A_127 : memref<1x125x128xf32, #tpu.memory_space<vmem>> -> memref<125x128xf32, #tpu.memory_space<vmem>>
      %dma_wait3A_129 = arith.constant 0 : i32
      %dma_wait3A_130 = arith.constant 0 : i32
      %dma_wait3A_131 = tpu.memref_slice %dma_wait3A_128[%dma_wait3A_129, %dma_wait3A_130] : memref<125x128xf32, #tpu.memory_space<vmem>> -> memref<80x128xf32, #tpu.memory_space<vmem>>
      %dma_wait3A_132 = arith.constant 0 : i32
      %dma_wait3A_133 = tpu.memref_slice %arg9[%add3A_11, %dma_wait3A_132] : memref<10240x128xf32, #tpu.memory_space<vmem_shared>> -> memref<80x128xf32, #tpu.memory_space<vmem_shared>>
      %dma_wait3A_134 = arith.constant 0 : i32
      %dma_wait3A_135 = tpu.memref_slice %arg9[%add3A_11, %dma_wait3A_134] : memref<10240x128xf32, #tpu.memory_space<vmem_shared>> -> memref<80x128xf32, #tpu.memory_space<vmem_shared>>
      %dma_wait3A_136 = arith.constant 0 : i32
      %dma_wait3A_137 = arith.constant 0 : i32
      %dma_wait3A_138 = tpu.memref_slice %arg8[%run_scoped3A_12, %dma_wait3A_136, %dma_wait3A_137] : memref<2x125x128xf32, #tpu.memory_space<vmem>> -> memref<1x125x128xf32, #tpu.memory_space<vmem>>
      %dma_wait3A_139 = tpu.memref_squeeze %dma_wait3A_138 : memref<1x125x128xf32, #tpu.memory_space<vmem>> -> memref<125x128xf32, #tpu.memory_space<vmem>>
      %dma_wait3A_140 = arith.constant 0 : i32
      %dma_wait3A_141 = arith.constant 0 : i32
      %dma_wait3A_142 = tpu.memref_slice %dma_wait3A_139[%dma_wait3A_140, %dma_wait3A_141] : memref<125x128xf32, #tpu.memory_space<vmem>> -> memref<80x128xf32, #tpu.memory_space<vmem>>
      tpu.wait_dma2 semaphore(%run_scoped3A_107 : memref<!tpu.dma_semaphore, #tpu.memory_space<semaphore_mem>>) src(%dma_wait3A_142 : memref<80x128xf32, #tpu.memory_space<vmem>>) dst(%dma_wait3A_135 : memref<80x128xf32, #tpu.memory_space<vmem_shared>>)
      tpu.yield
    }) : () -> ()
    %mul3A_13 = arith.constant 640 : i32
    %mul3A_14 = arith.muli %arg1, %mul3A_13 : i32
    %add3A_15 = arith.constant 160 : i32
    %add3A_16 = arith.addi %mul3A_14, %add3A_15 : i32
    %run_scoped3A_17 = arith.constant 0 : i32
    "tpu.region"() ({
      %run_scoped3A_107 = tpu.sem_alloc : memref<!tpu.dma_semaphore, #tpu.memory_space<semaphore_mem>>
      %dma_start3A_108 = arith.constant 0 : i32
      %dma_start3A_109 = arith.constant 0 : i32
      %dma_start3A_110 = tpu.memref_slice %arg8[%run_scoped3A_17, %dma_start3A_108, %dma_start3A_109] : memref<2x125x128xf32, #tpu.memory_space<vmem>> -> memref<1x125x128xf32, #tpu.memory_space<vmem>>
      %dma_start3A_111 = tpu.memref_squeeze %dma_start3A_110 : memref<1x125x128xf32, #tpu.memory_space<vmem>> -> memref<125x128xf32, #tpu.memory_space<vmem>>
      %dma_start3A_112 = arith.constant 0 : i32
      %dma_start3A_113 = arith.constant 0 : i32
      %dma_start3A_114 = tpu.memref_slice %dma_start3A_111[%dma_start3A_112, %dma_start3A_113] : memref<125x128xf32, #tpu.memory_space<vmem>> -> memref<80x128xf32, #tpu.memory_space<vmem>>
      %dma_start3A_115 = arith.constant 0 : i32
      %dma_start3A_116 = tpu.memref_slice %arg9[%add3A_16, %dma_start3A_115] : memref<10240x128xf32, #tpu.memory_space<vmem_shared>> -> memref<80x128xf32, #tpu.memory_space<vmem_shared>>
      %dma_start3A_117 = arith.constant 0 : i32
      %dma_start3A_118 = tpu.memref_slice %arg9[%add3A_16, %dma_start3A_117] : memref<10240x128xf32, #tpu.memory_space<vmem_shared>> -> memref<80x128xf32, #tpu.memory_space<vmem_shared>>
      %dma_start3A_119 = arith.constant 0 : i32
      %dma_start3A_120 = arith.constant 0 : i32
      %dma_start3A_121 = tpu.memref_slice %arg8[%run_scoped3A_17, %dma_start3A_119, %dma_start3A_120] : memref<2x125x128xf32, #tpu.memory_space<vmem>> -> memref<1x125x128xf32, #tpu.memory_space<vmem>>
      %dma_start3A_122 = tpu.memref_squeeze %dma_start3A_121 : memref<1x125x128xf32, #tpu.memory_space<vmem>> -> memref<125x128xf32, #tpu.memory_space<vmem>>
      %dma_start3A_123 = arith.constant 0 : i32
      %dma_start3A_124 = arith.constant 0 : i32
      %dma_start3A_125 = tpu.memref_slice %dma_start3A_122[%dma_start3A_123, %dma_start3A_124] : memref<125x128xf32, #tpu.memory_space<vmem>> -> memref<80x128xf32, #tpu.memory_space<vmem>>
      tpu.enqueue_dma source(%dma_start3A_125 : memref<80x128xf32, #tpu.memory_space<vmem>>) target(%dma_start3A_118 : memref<80x128xf32, #tpu.memory_space<vmem_shared>>) target_semaphore(%run_scoped3A_107 : memref<!tpu.dma_semaphore, #tpu.memory_space<semaphore_mem>>)
      %dma_wait3A = arith.constant 0 : i32
      %dma_wait3A_126 = arith.constant 0 : i32
      %dma_wait3A_127 = tpu.memref_slice %arg8[%run_scoped3A_17, %dma_wait3A, %dma_wait3A_126] : memref<2x125x128xf32, #tpu.memory_space<vmem>> -> memref<1x125x128xf32, #tpu.memory_space<vmem>>
      %dma_wait3A_128 = tpu.memref_squeeze %dma_wait3A_127 : memref<1x125x128xf32, #tpu.memory_space<vmem>> -> memref<125x128xf32, #tpu.memory_space<vmem>>
      %dma_wait3A_129 = arith.constant 0 : i32
      %dma_wait3A_130 = arith.constant 0 : i32
      %dma_wait3A_131 = tpu.memref_slice %dma_wait3A_128[%dma_wait3A_129, %dma_wait3A_130] : memref<125x128xf32, #tpu.memory_space<vmem>> -> memref<80x128xf32, #tpu.memory_space<vmem>>
      %dma_wait3A_132 = arith.constant 0 : i32
      %dma_wait3A_133 = tpu.memref_slice %arg9[%add3A_16, %dma_wait3A_132] : memref<10240x128xf32, #tpu.memory_space<vmem_shared>> -> memref<80x128xf32, #tpu.memory_space<vmem_shared>>
      %dma_wait3A_134 = arith.constant 0 : i32
      %dma_wait3A_135 = tpu.memref_slice %arg9[%add3A_16, %dma_wait3A_134] : memref<10240x128xf32, #tpu.memory_space<vmem_shared>> -> memref<80x128xf32, #tpu.memory_space<vmem_shared>>
      %dma_wait3A_136 = arith.constant 0 : i32
      %dma_wait3A_137 = arith.constant 0 : i32
      %dma_wait3A_138 = tpu.memref_slice %arg8[%run_scoped3A_17, %dma_wait3A_136, %dma_wait3A_137] : memref<2x125x128xf32, #tpu.memory_space<vmem>> -> memref<1x125x128xf32, #tpu.memory_space<vmem>>
      %dma_wait3A_139 = tpu.memref_squeeze %dma_wait3A_138 : memref<1x125x128xf32, #tpu.memory_space<vmem>> -> memref<125x128xf32, #tpu.memory_space<vmem>>
      %dma_wait3A_140 = arith.constant 0 : i32
      %dma_wait3A_141 = arith.constant 0 : i32
      %dma_wait3A_142 = tpu.memref_slice %dma_wait3A_139[%dma_wait3A_140, %dma_wait3A_141] : memref<125x128xf32, #tpu.memory_space<vmem>> -> memref<80x128xf32, #tpu.memory_space<vmem>>
      tpu.wait_dma2 semaphore(%run_scoped3A_107 : memref<!tpu.dma_semaphore, #tpu.memory_space<semaphore_mem>>) src(%dma_wait3A_142 : memref<80x128xf32, #tpu.memory_space<vmem>>) dst(%dma_wait3A_135 : memref<80x128xf32, #tpu.memory_space<vmem_shared>>)
      tpu.yield
    }) : () -> ()
    %mul3A_18 = arith.constant 640 : i32
    %mul3A_19 = arith.muli %arg1, %mul3A_18 : i32
    %add3A_20 = arith.constant 240 : i32
    %add3A_21 = arith.addi %mul3A_19, %add3A_20 : i32
    %run_scoped3A_22 = arith.constant 0 : i32
    "tpu.region"() ({
      %run_scoped3A_107 = tpu.sem_alloc : memref<!tpu.dma_semaphore, #tpu.memory_space<semaphore_mem>>
      %dma_start3A_108 = arith.constant 0 : i32
      %dma_start3A_109 = arith.constant 0 : i32
      %dma_start3A_110 = tpu.memref_slice %arg8[%run_scoped3A_22, %dma_start3A_108, %dma_start3A_109] : memref<2x125x128xf32, #tpu.memory_space<vmem>> -> memref<1x125x128xf32, #tpu.memory_space<vmem>>
      %dma_start3A_111 = tpu.memref_squeeze %dma_start3A_110 : memref<1x125x128xf32, #tpu.memory_space<vmem>> -> memref<125x128xf32, #tpu.memory_space<vmem>>
      %dma_start3A_112 = arith.constant 0 : i32
      %dma_start3A_113 = arith.constant 0 : i32
      %dma_start3A_114 = tpu.memref_slice %dma_start3A_111[%dma_start3A_112, %dma_start3A_113] : memref<125x128xf32, #tpu.memory_space<vmem>> -> memref<80x128xf32, #tpu.memory_space<vmem>>
      %dma_start3A_115 = arith.constant 0 : i32
      %dma_start3A_116 = tpu.memref_slice %arg9[%add3A_21, %dma_start3A_115] : memref<10240x128xf32, #tpu.memory_space<vmem_shared>> -> memref<80x128xf32, #tpu.memory_space<vmem_shared>>
      %dma_start3A_117 = arith.constant 0 : i32
      %dma_start3A_118 = tpu.memref_slice %arg9[%add3A_21, %dma_start3A_117] : memref<10240x128xf32, #tpu.memory_space<vmem_shared>> -> memref<80x128xf32, #tpu.memory_space<vmem_shared>>
      %dma_start3A_119 = arith.constant 0 : i32
      %dma_start3A_120 = arith.constant 0 : i32
      %dma_start3A_121 = tpu.memref_slice %arg8[%run_scoped3A_22, %dma_start3A_119, %dma_start3A_120] : memref<2x125x128xf32, #tpu.memory_space<vmem>> -> memref<1x125x128xf32, #tpu.memory_space<vmem>>
      %dma_start3A_122 = tpu.memref_squeeze %dma_start3A_121 : memref<1x125x128xf32, #tpu.memory_space<vmem>> -> memref<125x128xf32, #tpu.memory_space<vmem>>
      %dma_start3A_123 = arith.constant 0 : i32
      %dma_start3A_124 = arith.constant 0 : i32
      %dma_start3A_125 = tpu.memref_slice %dma_start3A_122[%dma_start3A_123, %dma_start3A_124] : memref<125x128xf32, #tpu.memory_space<vmem>> -> memref<80x128xf32, #tpu.memory_space<vmem>>
      tpu.enqueue_dma source(%dma_start3A_125 : memref<80x128xf32, #tpu.memory_space<vmem>>) target(%dma_start3A_118 : memref<80x128xf32, #tpu.memory_space<vmem_shared>>) target_semaphore(%run_scoped3A_107 : memref<!tpu.dma_semaphore, #tpu.memory_space<semaphore_mem>>)
      %dma_wait3A = arith.constant 0 : i32
      %dma_wait3A_126 = arith.constant 0 : i32
      %dma_wait3A_127 = tpu.memref_slice %arg8[%run_scoped3A_22, %dma_wait3A, %dma_wait3A_126] : memref<2x125x128xf32, #tpu.memory_space<vmem>> -> memref<1x125x128xf32, #tpu.memory_space<vmem>>
      %dma_wait3A_128 = tpu.memref_squeeze %dma_wait3A_127 : memref<1x125x128xf32, #tpu.memory_space<vmem>> -> memref<125x128xf32, #tpu.memory_space<vmem>>
      %dma_wait3A_129 = arith.constant 0 : i32
      %dma_wait3A_130 = arith.constant 0 : i32
      %dma_wait3A_131 = tpu.memref_slice %dma_wait3A_128[%dma_wait3A_129, %dma_wait3A_130] : memref<125x128xf32, #tpu.memory_space<vmem>> -> memref<80x128xf32, #tpu.memory_space<vmem>>
      %dma_wait3A_132 = arith.constant 0 : i32
      %dma_wait3A_133 = tpu.memref_slice %arg9[%add3A_21, %dma_wait3A_132] : memref<10240x128xf32, #tpu.memory_space<vmem_shared>> -> memref<80x128xf32, #tpu.memory_space<vmem_shared>>
      %dma_wait3A_134 = arith.constant 0 : i32
      %dma_wait3A_135 = tpu.memref_slice %arg9[%add3A_21, %dma_wait3A_134] : memref<10240x128xf32, #tpu.memory_space<vmem_shared>> -> memref<80x128xf32, #tpu.memory_space<vmem_shared>>
      %dma_wait3A_136 = arith.constant 0 : i32
      %dma_wait3A_137 = arith.constant 0 : i32
      %dma_wait3A_138 = tpu.memref_slice %arg8[%run_scoped3A_22, %dma_wait3A_136, %dma_wait3A_137] : memref<2x125x128xf32, #tpu.memory_space<vmem>> -> memref<1x125x128xf32, #tpu.memory_space<vmem>>
      %dma_wait3A_139 = tpu.memref_squeeze %dma_wait3A_138 : memref<1x125x128xf32, #tpu.memory_space<vmem>> -> memref<125x128xf32, #tpu.memory_space<vmem>>
      %dma_wait3A_140 = arith.constant 0 : i32
      %dma_wait3A_141 = arith.constant 0 : i32
      %dma_wait3A_142 = tpu.memref_slice %dma_wait3A_139[%dma_wait3A_140, %dma_wait3A_141] : memref<125x128xf32, #tpu.memory_space<vmem>> -> memref<80x128xf32, #tpu.memory_space<vmem>>
      tpu.wait_dma2 semaphore(%run_scoped3A_107 : memref<!tpu.dma_semaphore, #tpu.memory_space<semaphore_mem>>) src(%dma_wait3A_142 : memref<80x128xf32, #tpu.memory_space<vmem>>) dst(%dma_wait3A_135 : memref<80x128xf32, #tpu.memory_space<vmem_shared>>)
      tpu.yield
    }) : () -> ()
    %mul3A_23 = arith.constant 640 : i32
    %mul3A_24 = arith.muli %arg1, %mul3A_23 : i32
    %add3A_25 = arith.constant 320 : i32
    %add3A_26 = arith.addi %mul3A_24, %add3A_25 : i32
    %run_scoped3A_27 = arith.constant 0 : i32
    "tpu.region"() ({
      %run_scoped3A_107 = tpu.sem_alloc : memref<!tpu.dma_semaphore, #tpu.memory_space<semaphore_mem>>
      %dma_start3A_108 = arith.constant 0 : i32
      %dma_start3A_109 = arith.constant 0 : i32
      %dma_start3A_110 = tpu.memref_slice %arg8[%run_scoped3A_27, %dma_start3A_108, %dma_start3A_109] : memref<2x125x128xf32, #tpu.memory_space<vmem>> -> memref<1x125x128xf32, #tpu.memory_space<vmem>>
      %dma_start3A_111 = tpu.memref_squeeze %dma_start3A_110 : memref<1x125x128xf32, #tpu.memory_space<vmem>> -> memref<125x128xf32, #tpu.memory_space<vmem>>
      %dma_start3A_112 = arith.constant 0 : i32
      %dma_start3A_113 = arith.constant 0 : i32
      %dma_start3A_114 = tpu.memref_slice %dma_start3A_111[%dma_start3A_112, %dma_start3A_113] : memref<125x128xf32, #tpu.memory_space<vmem>> -> memref<80x128xf32, #tpu.memory_space<vmem>>
      %dma_start3A_115 = arith.constant 0 : i32
      %dma_start3A_116 = tpu.memref_slice %arg9[%add3A_26, %dma_start3A_115] : memref<10240x128xf32, #tpu.memory_space<vmem_shared>> -> memref<80x128xf32, #tpu.memory_space<vmem_shared>>
      %dma_start3A_117 = arith.constant 0 : i32
      %dma_start3A_118 = tpu.memref_slice %arg9[%add3A_26, %dma_start3A_117] : memref<10240x128xf32, #tpu.memory_space<vmem_shared>> -> memref<80x128xf32, #tpu.memory_space<vmem_shared>>
      %dma_start3A_119 = arith.constant 0 : i32
      %dma_start3A_120 = arith.constant 0 : i32
      %dma_start3A_121 = tpu.memref_slice %arg8[%run_scoped3A_27, %dma_start3A_119, %dma_start3A_120] : memref<2x125x128xf32, #tpu.memory_space<vmem>> -> memref<1x125x128xf32, #tpu.memory_space<vmem>>
      %dma_start3A_122 = tpu.memref_squeeze %dma_start3A_121 : memref<1x125x128xf32, #tpu.memory_space<vmem>> -> memref<125x128xf32, #tpu.memory_space<vmem>>
      %dma_start3A_123 = arith.constant 0 : i32
      %dma_start3A_124 = arith.constant 0 : i32
      %dma_start3A_125 = tpu.memref_slice %dma_start3A_122[%dma_start3A_123, %dma_start3A_124] : memref<125x128xf32, #tpu.memory_space<vmem>> -> memref<80x128xf32, #tpu.memory_space<vmem>>
      tpu.enqueue_dma source(%dma_start3A_125 : memref<80x128xf32, #tpu.memory_space<vmem>>) target(%dma_start3A_118 : memref<80x128xf32, #tpu.memory_space<vmem_shared>>) target_semaphore(%run_scoped3A_107 : memref<!tpu.dma_semaphore, #tpu.memory_space<semaphore_mem>>)
      %dma_wait3A = arith.constant 0 : i32
      %dma_wait3A_126 = arith.constant 0 : i32
      %dma_wait3A_127 = tpu.memref_slice %arg8[%run_scoped3A_27, %dma_wait3A, %dma_wait3A_126] : memref<2x125x128xf32, #tpu.memory_space<vmem>> -> memref<1x125x128xf32, #tpu.memory_space<vmem>>
      %dma_wait3A_128 = tpu.memref_squeeze %dma_wait3A_127 : memref<1x125x128xf32, #tpu.memory_space<vmem>> -> memref<125x128xf32, #tpu.memory_space<vmem>>
      %dma_wait3A_129 = arith.constant 0 : i32
      %dma_wait3A_130 = arith.constant 0 : i32
      %dma_wait3A_131 = tpu.memref_slice %dma_wait3A_128[%dma_wait3A_129, %dma_wait3A_130] : memref<125x128xf32, #tpu.memory_space<vmem>> -> memref<80x128xf32, #tpu.memory_space<vmem>>
      %dma_wait3A_132 = arith.constant 0 : i32
      %dma_wait3A_133 = tpu.memref_slice %arg9[%add3A_26, %dma_wait3A_132] : memref<10240x128xf32, #tpu.memory_space<vmem_shared>> -> memref<80x128xf32, #tpu.memory_space<vmem_shared>>
      %dma_wait3A_134 = arith.constant 0 : i32
      %dma_wait3A_135 = tpu.memref_slice %arg9[%add3A_26, %dma_wait3A_134] : memref<10240x128xf32, #tpu.memory_space<vmem_shared>> -> memref<80x128xf32, #tpu.memory_space<vmem_shared>>
      %dma_wait3A_136 = arith.constant 0 : i32
      %dma_wait3A_137 = arith.constant 0 : i32
      %dma_wait3A_138 = tpu.memref_slice %arg8[%run_scoped3A_27, %dma_wait3A_136, %dma_wait3A_137] : memref<2x125x128xf32, #tpu.memory_space<vmem>> -> memref<1x125x128xf32, #tpu.memory_space<vmem>>
      %dma_wait3A_139 = tpu.memref_squeeze %dma_wait3A_138 : memref<1x125x128xf32, #tpu.memory_space<vmem>> -> memref<125x128xf32, #tpu.memory_space<vmem>>
      %dma_wait3A_140 = arith.constant 0 : i32
      %dma_wait3A_141 = arith.constant 0 : i32
      %dma_wait3A_142 = tpu.memref_slice %dma_wait3A_139[%dma_wait3A_140, %dma_wait3A_141] : memref<125x128xf32, #tpu.memory_space<vmem>> -> memref<80x128xf32, #tpu.memory_space<vmem>>
      tpu.wait_dma2 semaphore(%run_scoped3A_107 : memref<!tpu.dma_semaphore, #tpu.memory_space<semaphore_mem>>) src(%dma_wait3A_142 : memref<80x128xf32, #tpu.memory_space<vmem>>) dst(%dma_wait3A_135 : memref<80x128xf32, #tpu.memory_space<vmem_shared>>)
      tpu.yield
    }) : () -> ()
    %mul3A_28 = arith.constant 640 : i32
    %mul3A_29 = arith.muli %arg1, %mul3A_28 : i32
    %add3A_30 = arith.constant 400 : i32
    %add3A_31 = arith.addi %mul3A_29, %add3A_30 : i32
    %run_scoped3A_32 = arith.constant 0 : i32
    "tpu.region"() ({
      %run_scoped3A_107 = tpu.sem_alloc : memref<!tpu.dma_semaphore, #tpu.memory_space<semaphore_mem>>
      %dma_start3A_108 = arith.constant 0 : i32
      %dma_start3A_109 = arith.constant 0 : i32
      %dma_start3A_110 = tpu.memref_slice %arg8[%run_scoped3A_32, %dma_start3A_108, %dma_start3A_109] : memref<2x125x128xf32, #tpu.memory_space<vmem>> -> memref<1x125x128xf32, #tpu.memory_space<vmem>>
      %dma_start3A_111 = tpu.memref_squeeze %dma_start3A_110 : memref<1x125x128xf32, #tpu.memory_space<vmem>> -> memref<125x128xf32, #tpu.memory_space<vmem>>
      %dma_start3A_112 = arith.constant 0 : i32
      %dma_start3A_113 = arith.constant 0 : i32
      %dma_start3A_114 = tpu.memref_slice %dma_start3A_111[%dma_start3A_112, %dma_start3A_113] : memref<125x128xf32, #tpu.memory_space<vmem>> -> memref<80x128xf32, #tpu.memory_space<vmem>>
      %dma_start3A_115 = arith.constant 0 : i32
      %dma_start3A_116 = tpu.memref_slice %arg9[%add3A_31, %dma_start3A_115] : memref<10240x128xf32, #tpu.memory_space<vmem_shared>> -> memref<80x128xf32, #tpu.memory_space<vmem_shared>>
      %dma_start3A_117 = arith.constant 0 : i32
      %dma_start3A_118 = tpu.memref_slice %arg9[%add3A_31, %dma_start3A_117] : memref<10240x128xf32, #tpu.memory_space<vmem_shared>> -> memref<80x128xf32, #tpu.memory_space<vmem_shared>>
      %dma_start3A_119 = arith.constant 0 : i32
      %dma_start3A_120 = arith.constant 0 : i32
      %dma_start3A_121 = tpu.memref_slice %arg8[%run_scoped3A_32, %dma_start3A_119, %dma_start3A_120] : memref<2x125x128xf32, #tpu.memory_space<vmem>> -> memref<1x125x128xf32, #tpu.memory_space<vmem>>
      %dma_start3A_122 = tpu.memref_squeeze %dma_start3A_121 : memref<1x125x128xf32, #tpu.memory_space<vmem>> -> memref<125x128xf32, #tpu.memory_space<vmem>>
      %dma_start3A_123 = arith.constant 0 : i32
      %dma_start3A_124 = arith.constant 0 : i32
      %dma_start3A_125 = tpu.memref_slice %dma_start3A_122[%dma_start3A_123, %dma_start3A_124] : memref<125x128xf32, #tpu.memory_space<vmem>> -> memref<80x128xf32, #tpu.memory_space<vmem>>
      tpu.enqueue_dma source(%dma_start3A_125 : memref<80x128xf32, #tpu.memory_space<vmem>>) target(%dma_start3A_118 : memref<80x128xf32, #tpu.memory_space<vmem_shared>>) target_semaphore(%run_scoped3A_107 : memref<!tpu.dma_semaphore, #tpu.memory_space<semaphore_mem>>)
      %dma_wait3A = arith.constant 0 : i32
      %dma_wait3A_126 = arith.constant 0 : i32
      %dma_wait3A_127 = tpu.memref_slice %arg8[%run_scoped3A_32, %dma_wait3A, %dma_wait3A_126] : memref<2x125x128xf32, #tpu.memory_space<vmem>> -> memref<1x125x128xf32, #tpu.memory_space<vmem>>
      %dma_wait3A_128 = tpu.memref_squeeze %dma_wait3A_127 : memref<1x125x128xf32, #tpu.memory_space<vmem>> -> memref<125x128xf32, #tpu.memory_space<vmem>>
      %dma_wait3A_129 = arith.constant 0 : i32
      %dma_wait3A_130 = arith.constant 0 : i32
      %dma_wait3A_131 = tpu.memref_slice %dma_wait3A_128[%dma_wait3A_129, %dma_wait3A_130] : memref<125x128xf32, #tpu.memory_space<vmem>> -> memref<80x128xf32, #tpu.memory_space<vmem>>
      %dma_wait3A_132 = arith.constant 0 : i32
      %dma_wait3A_133 = tpu.memref_slice %arg9[%add3A_31, %dma_wait3A_132] : memref<10240x128xf32, #tpu.memory_space<vmem_shared>> -> memref<80x128xf32, #tpu.memory_space<vmem_shared>>
      %dma_wait3A_134 = arith.constant 0 : i32
      %dma_wait3A_135 = tpu.memref_slice %arg9[%add3A_31, %dma_wait3A_134] : memref<10240x128xf32, #tpu.memory_space<vmem_shared>> -> memref<80x128xf32, #tpu.memory_space<vmem_shared>>
      %dma_wait3A_136 = arith.constant 0 : i32
      %dma_wait3A_137 = arith.constant 0 : i32
      %dma_wait3A_138 = tpu.memref_slice %arg8[%run_scoped3A_32, %dma_wait3A_136, %dma_wait3A_137] : memref<2x125x128xf32, #tpu.memory_space<vmem>> -> memref<1x125x128xf32, #tpu.memory_space<vmem>>
      %dma_wait3A_139 = tpu.memref_squeeze %dma_wait3A_138 : memref<1x125x128xf32, #tpu.memory_space<vmem>> -> memref<125x128xf32, #tpu.memory_space<vmem>>
      %dma_wait3A_140 = arith.constant 0 : i32
      %dma_wait3A_141 = arith.constant 0 : i32
      %dma_wait3A_142 = tpu.memref_slice %dma_wait3A_139[%dma_wait3A_140, %dma_wait3A_141] : memref<125x128xf32, #tpu.memory_space<vmem>> -> memref<80x128xf32, #tpu.memory_space<vmem>>
      tpu.wait_dma2 semaphore(%run_scoped3A_107 : memref<!tpu.dma_semaphore, #tpu.memory_space<semaphore_mem>>) src(%dma_wait3A_142 : memref<80x128xf32, #tpu.memory_space<vmem>>) dst(%dma_wait3A_135 : memref<80x128xf32, #tpu.memory_space<vmem_shared>>)
      tpu.yield
    }) : () -> ()
    %mul3A_33 = arith.constant 640 : i32
    %mul3A_34 = arith.muli %arg1, %mul3A_33 : i32
    %add3A_35 = arith.constant 480 : i32
    %add3A_36 = arith.addi %mul3A_34, %add3A_35 : i32
    %run_scoped3A_37 = arith.constant 0 : i32
    "tpu.region"() ({
      %run_scoped3A_107 = tpu.sem_alloc : memref<!tpu.dma_semaphore, #tpu.memory_space<semaphore_mem>>
      %dma_start3A_108 = arith.constant 0 : i32
      %dma_start3A_109 = arith.constant 0 : i32
      %dma_start3A_110 = tpu.memref_slice %arg8[%run_scoped3A_37, %dma_start3A_108, %dma_start3A_109] : memref<2x125x128xf32, #tpu.memory_space<vmem>> -> memref<1x125x128xf32, #tpu.memory_space<vmem>>
      %dma_start3A_111 = tpu.memref_squeeze %dma_start3A_110 : memref<1x125x128xf32, #tpu.memory_space<vmem>> -> memref<125x128xf32, #tpu.memory_space<vmem>>
      %dma_start3A_112 = arith.constant 0 : i32
      %dma_start3A_113 = arith.constant 0 : i32
      %dma_start3A_114 = tpu.memref_slice %dma_start3A_111[%dma_start3A_112, %dma_start3A_113] : memref<125x128xf32, #tpu.memory_space<vmem>> -> memref<80x128xf32, #tpu.memory_space<vmem>>
      %dma_start3A_115 = arith.constant 0 : i32
      %dma_start3A_116 = tpu.memref_slice %arg9[%add3A_36, %dma_start3A_115] : memref<10240x128xf32, #tpu.memory_space<vmem_shared>> -> memref<80x128xf32, #tpu.memory_space<vmem_shared>>
      %dma_start3A_117 = arith.constant 0 : i32
      %dma_start3A_118 = tpu.memref_slice %arg9[%add3A_36, %dma_start3A_117] : memref<10240x128xf32, #tpu.memory_space<vmem_shared>> -> memref<80x128xf32, #tpu.memory_space<vmem_shared>>
      %dma_start3A_119 = arith.constant 0 : i32
      %dma_start3A_120 = arith.constant 0 : i32
      %dma_start3A_121 = tpu.memref_slice %arg8[%run_scoped3A_37, %dma_start3A_119, %dma_start3A_120] : memref<2x125x128xf32, #tpu.memory_space<vmem>> -> memref<1x125x128xf32, #tpu.memory_space<vmem>>
      %dma_start3A_122 = tpu.memref_squeeze %dma_start3A_121 : memref<1x125x128xf32, #tpu.memory_space<vmem>> -> memref<125x128xf32, #tpu.memory_space<vmem>>
      %dma_start3A_123 = arith.constant 0 : i32
      %dma_start3A_124 = arith.constant 0 : i32
      %dma_start3A_125 = tpu.memref_slice %dma_start3A_122[%dma_start3A_123, %dma_start3A_124] : memref<125x128xf32, #tpu.memory_space<vmem>> -> memref<80x128xf32, #tpu.memory_space<vmem>>
      tpu.enqueue_dma source(%dma_start3A_125 : memref<80x128xf32, #tpu.memory_space<vmem>>) target(%dma_start3A_118 : memref<80x128xf32, #tpu.memory_space<vmem_shared>>) target_semaphore(%run_scoped3A_107 : memref<!tpu.dma_semaphore, #tpu.memory_space<semaphore_mem>>)
      %dma_wait3A = arith.constant 0 : i32
      %dma_wait3A_126 = arith.constant 0 : i32
      %dma_wait3A_127 = tpu.memref_slice %arg8[%run_scoped3A_37, %dma_wait3A, %dma_wait3A_126] : memref<2x125x128xf32, #tpu.memory_space<vmem>> -> memref<1x125x128xf32, #tpu.memory_space<vmem>>
      %dma_wait3A_128 = tpu.memref_squeeze %dma_wait3A_127 : memref<1x125x128xf32, #tpu.memory_space<vmem>> -> memref<125x128xf32, #tpu.memory_space<vmem>>
      %dma_wait3A_129 = arith.constant 0 : i32
      %dma_wait3A_130 = arith.constant 0 : i32
      %dma_wait3A_131 = tpu.memref_slice %dma_wait3A_128[%dma_wait3A_129, %dma_wait3A_130] : memref<125x128xf32, #tpu.memory_space<vmem>> -> memref<80x128xf32, #tpu.memory_space<vmem>>
      %dma_wait3A_132 = arith.constant 0 : i32
      %dma_wait3A_133 = tpu.memref_slice %arg9[%add3A_36, %dma_wait3A_132] : memref<10240x128xf32, #tpu.memory_space<vmem_shared>> -> memref<80x128xf32, #tpu.memory_space<vmem_shared>>
      %dma_wait3A_134 = arith.constant 0 : i32
      %dma_wait3A_135 = tpu.memref_slice %arg9[%add3A_36, %dma_wait3A_134] : memref<10240x128xf32, #tpu.memory_space<vmem_shared>> -> memref<80x128xf32, #tpu.memory_space<vmem_shared>>
      %dma_wait3A_136 = arith.constant 0 : i32
      %dma_wait3A_137 = arith.constant 0 : i32
      %dma_wait3A_138 = tpu.memref_slice %arg8[%run_scoped3A_37, %dma_wait3A_136, %dma_wait3A_137] : memref<2x125x128xf32, #tpu.memory_space<vmem>> -> memref<1x125x128xf32, #tpu.memory_space<vmem>>
      %dma_wait3A_139 = tpu.memref_squeeze %dma_wait3A_138 : memref<1x125x128xf32, #tpu.memory_space<vmem>> -> memref<125x128xf32, #tpu.memory_space<vmem>>
      %dma_wait3A_140 = arith.constant 0 : i32
      %dma_wait3A_141 = arith.constant 0 : i32
      %dma_wait3A_142 = tpu.memref_slice %dma_wait3A_139[%dma_wait3A_140, %dma_wait3A_141] : memref<125x128xf32, #tpu.memory_space<vmem>> -> memref<80x128xf32, #tpu.memory_space<vmem>>
      tpu.wait_dma2 semaphore(%run_scoped3A_107 : memref<!tpu.dma_semaphore, #tpu.memory_space<semaphore_mem>>) src(%dma_wait3A_142 : memref<80x128xf32, #tpu.memory_space<vmem>>) dst(%dma_wait3A_135 : memref<80x128xf32, #tpu.memory_space<vmem_shared>>)
      tpu.yield
    }) : () -> ()
    %mul3A_38 = arith.constant 640 : i32
    %mul3A_39 = arith.muli %arg1, %mul3A_38 : i32
    %add3A_40 = arith.constant 560 : i32
    %add3A_41 = arith.addi %mul3A_39, %add3A_40 : i32
    %run_scoped3A_42 = arith.constant 0 : i32
    "tpu.region"() ({
      %run_scoped3A_107 = tpu.sem_alloc : memref<!tpu.dma_semaphore, #tpu.memory_space<semaphore_mem>>
      %dma_start3A_108 = arith.constant 0 : i32
      %dma_start3A_109 = arith.constant 0 : i32
      %dma_start3A_110 = tpu.memref_slice %arg8[%run_scoped3A_42, %dma_start3A_108, %dma_start3A_109] : memref<2x125x128xf32, #tpu.memory_space<vmem>> -> memref<1x125x128xf32, #tpu.memory_space<vmem>>
      %dma_start3A_111 = tpu.memref_squeeze %dma_start3A_110 : memref<1x125x128xf32, #tpu.memory_space<vmem>> -> memref<125x128xf32, #tpu.memory_space<vmem>>
      %dma_start3A_112 = arith.constant 0 : i32
      %dma_start3A_113 = arith.constant 0 : i32
      %dma_start3A_114 = tpu.memref_slice %dma_start3A_111[%dma_start3A_112, %dma_start3A_113] : memref<125x128xf32, #tpu.memory_space<vmem>> -> memref<80x128xf32, #tpu.memory_space<vmem>>
      %dma_start3A_115 = arith.constant 0 : i32
      %dma_start3A_116 = tpu.memref_slice %arg9[%add3A_41, %dma_start3A_115] : memref<10240x128xf32, #tpu.memory_space<vmem_shared>> -> memref<80x128xf32, #tpu.memory_space<vmem_shared>>
      %dma_start3A_117 = arith.constant 0 : i32
      %dma_start3A_118 = tpu.memref_slice %arg9[%add3A_41, %dma_start3A_117] : memref<10240x128xf32, #tpu.memory_space<vmem_shared>> -> memref<80x128xf32, #tpu.memory_space<vmem_shared>>
      %dma_start3A_119 = arith.constant 0 : i32
      %dma_start3A_120 = arith.constant 0 : i32
      %dma_start3A_121 = tpu.memref_slice %arg8[%run_scoped3A_42, %dma_start3A_119, %dma_start3A_120] : memref<2x125x128xf32, #tpu.memory_space<vmem>> -> memref<1x125x128xf32, #tpu.memory_space<vmem>>
      %dma_start3A_122 = tpu.memref_squeeze %dma_start3A_121 : memref<1x125x128xf32, #tpu.memory_space<vmem>> -> memref<125x128xf32, #tpu.memory_space<vmem>>
      %dma_start3A_123 = arith.constant 0 : i32
      %dma_start3A_124 = arith.constant 0 : i32
      %dma_start3A_125 = tpu.memref_slice %dma_start3A_122[%dma_start3A_123, %dma_start3A_124] : memref<125x128xf32, #tpu.memory_space<vmem>> -> memref<80x128xf32, #tpu.memory_space<vmem>>
      tpu.enqueue_dma source(%dma_start3A_125 : memref<80x128xf32, #tpu.memory_space<vmem>>) target(%dma_start3A_118 : memref<80x128xf32, #tpu.memory_space<vmem_shared>>) target_semaphore(%run_scoped3A_107 : memref<!tpu.dma_semaphore, #tpu.memory_space<semaphore_mem>>)
      %dma_wait3A = arith.constant 0 : i32
      %dma_wait3A_126 = arith.constant 0 : i32
      %dma_wait3A_127 = tpu.memref_slice %arg8[%run_scoped3A_42, %dma_wait3A, %dma_wait3A_126] : memref<2x125x128xf32, #tpu.memory_space<vmem>> -> memref<1x125x128xf32, #tpu.memory_space<vmem>>
      %dma_wait3A_128 = tpu.memref_squeeze %dma_wait3A_127 : memref<1x125x128xf32, #tpu.memory_space<vmem>> -> memref<125x128xf32, #tpu.memory_space<vmem>>
      %dma_wait3A_129 = arith.constant 0 : i32
      %dma_wait3A_130 = arith.constant 0 : i32
      %dma_wait3A_131 = tpu.memref_slice %dma_wait3A_128[%dma_wait3A_129, %dma_wait3A_130] : memref<125x128xf32, #tpu.memory_space<vmem>> -> memref<80x128xf32, #tpu.memory_space<vmem>>
      %dma_wait3A_132 = arith.constant 0 : i32
      %dma_wait3A_133 = tpu.memref_slice %arg9[%add3A_41, %dma_wait3A_132] : memref<10240x128xf32, #tpu.memory_space<vmem_shared>> -> memref<80x128xf32, #tpu.memory_space<vmem_shared>>
      %dma_wait3A_134 = arith.constant 0 : i32
      %dma_wait3A_135 = tpu.memref_slice %arg9[%add3A_41, %dma_wait3A_134] : memref<10240x128xf32, #tpu.memory_space<vmem_shared>> -> memref<80x128xf32, #tpu.memory_space<vmem_shared>>
      %dma_wait3A_136 = arith.constant 0 : i32
      %dma_wait3A_137 = arith.constant 0 : i32
      %dma_wait3A_138 = tpu.memref_slice %arg8[%run_scoped3A_42, %dma_wait3A_136, %dma_wait3A_137] : memref<2x125x128xf32, #tpu.memory_space<vmem>> -> memref<1x125x128xf32, #tpu.memory_space<vmem>>
      %dma_wait3A_139 = tpu.memref_squeeze %dma_wait3A_138 : memref<1x125x128xf32, #tpu.memory_space<vmem>> -> memref<125x128xf32, #tpu.memory_space<vmem>>
      %dma_wait3A_140 = arith.constant 0 : i32
      %dma_wait3A_141 = arith.constant 0 : i32
      %dma_wait3A_142 = tpu.memref_slice %dma_wait3A_139[%dma_wait3A_140, %dma_wait3A_141] : memref<125x128xf32, #tpu.memory_space<vmem>> -> memref<80x128xf32, #tpu.memory_space<vmem>>
      tpu.wait_dma2 semaphore(%run_scoped3A_107 : memref<!tpu.dma_semaphore, #tpu.memory_space<semaphore_mem>>) src(%dma_wait3A_142 : memref<80x128xf32, #tpu.memory_space<vmem>>) dst(%dma_wait3A_135 : memref<80x128xf32, #tpu.memory_space<vmem_shared>>)
      tpu.yield
    }) : () -> ()
    %barrier3A = arith.constant 0 : index
    tpu.barrier barrier_id(%barrier3A)
    %mul3A_43 = arith.constant 80 : i32
    %mul3A_44 = arith.muli %arg1, %mul3A_43 : i32
    %add3A_45 = arith.constant 0 : i32
    %add3A_46 = arith.addi %mul3A_44, %add3A_45 : i32
    "tpu.region"() ({
      %run_scoped3A_107 = tpu.sem_alloc : memref<!tpu.dma_semaphore, #tpu.memory_space<semaphore_mem>>
      %dma_start3A_108 = arith.constant 0 : i32
      %dma_start3A_109 = tpu.memref_slice %arg3[%add3A_46, %dma_start3A_108] : memref<1280x125xi32, #tpu.memory_space<hbm>> -> memref<40x125xi32, #tpu.memory_space<hbm>>
      %dma_start3A_110 = arith.constant 0 : i32
      %dma_start3A_111 = tpu.memref_slice %arg3[%add3A_46, %dma_start3A_110] : memref<1280x125xi32, #tpu.memory_space<hbm>> -> memref<40x125xi32, #tpu.memory_space<hbm>>
      tpu.enqueue_dma source(%dma_start3A_111 : memref<40x125xi32, #tpu.memory_space<hbm>>) target(%arg6 : memref<40x125xi32, #tpu.memory_space<vmem>>) target_semaphore(%run_scoped3A_107 : memref<!tpu.dma_semaphore, #tpu.memory_space<semaphore_mem>>)
      %dma_wait3A = arith.constant 0 : i32
      %dma_wait3A_112 = tpu.memref_slice %arg3[%add3A_46, %dma_wait3A] : memref<1280x125xi32, #tpu.memory_space<hbm>> -> memref<40x125xi32, #tpu.memory_space<hbm>>
      %dma_wait3A_113 = arith.constant 0 : i32
      %dma_wait3A_114 = tpu.memref_slice %arg3[%add3A_46, %dma_wait3A_113] : memref<1280x125xi32, #tpu.memory_space<hbm>> -> memref<40x125xi32, #tpu.memory_space<hbm>>
      tpu.wait_dma2 semaphore(%run_scoped3A_107 : memref<!tpu.dma_semaphore, #tpu.memory_space<semaphore_mem>>) src(%dma_wait3A_114 : memref<40x125xi32, #tpu.memory_space<hbm>>) dst(%arg6 : memref<40x125xi32, #tpu.memory_space<vmem>>)
      tpu.yield
    }) : () -> ()
    "tpu.region"() ({
      %run_scoped3A_107 = tpu.sem_alloc : memref<!tpu.dma_semaphore, #tpu.memory_space<semaphore_mem>>
      %dma_start3A_108 = arith.constant 0 : i32
      %dma_start3A_109 = tpu.memref_slice %arg4[%add3A_46, %dma_start3A_108] : memref<1280x125xi32, #tpu.memory_space<hbm>> -> memref<40x125xi32, #tpu.memory_space<hbm>>
      %dma_start3A_110 = arith.constant 0 : i32
      %dma_start3A_111 = tpu.memref_slice %arg4[%add3A_46, %dma_start3A_110] : memref<1280x125xi32, #tpu.memory_space<hbm>> -> memref<40x125xi32, #tpu.memory_space<hbm>>
      tpu.enqueue_dma source(%dma_start3A_111 : memref<40x125xi32, #tpu.memory_space<hbm>>) target(%arg7 : memref<40x125xi32, #tpu.memory_space<vmem>>) target_semaphore(%run_scoped3A_107 : memref<!tpu.dma_semaphore, #tpu.memory_space<semaphore_mem>>)
      %dma_wait3A = arith.constant 0 : i32
      %dma_wait3A_112 = tpu.memref_slice %arg4[%add3A_46, %dma_wait3A] : memref<1280x125xi32, #tpu.memory_space<hbm>> -> memref<40x125xi32, #tpu.memory_space<hbm>>
      %dma_wait3A_113 = arith.constant 0 : i32
      %dma_wait3A_114 = tpu.memref_slice %arg4[%add3A_46, %dma_wait3A_113] : memref<1280x125xi32, #tpu.memory_space<hbm>> -> memref<40x125xi32, #tpu.memory_space<hbm>>
      tpu.wait_dma2 semaphore(%run_scoped3A_107 : memref<!tpu.dma_semaphore, #tpu.memory_space<semaphore_mem>>) src(%dma_wait3A_114 : memref<40x125xi32, #tpu.memory_space<hbm>>) dst(%arg7 : memref<40x125xi32, #tpu.memory_space<vmem>>)
      tpu.yield
    }) : () -> ()
    %dma_start3A = arith.constant 0 : i32
    %dma_start3A_47 = arith.constant 0 : i32
    %dma_start3A_48 = arith.constant 0 : i32
    %dma_start3A_49 = arith.constant 0 : i32
    %dma_start3A_50 = arith.constant 0 : i32
    %dma_start3A_51 = tpu.memref_slice %arg8[%dma_start3A_47, %dma_start3A_49, %dma_start3A_50] : memref<2x125x128xf32, #tpu.memory_space<vmem>> -> memref<1x125x128xf32, #tpu.memory_space<vmem>>
    %dma_start3A_52 = tpu.memref_squeeze %dma_start3A_51 : memref<1x125x128xf32, #tpu.memory_space<vmem>> -> memref<125x128xf32, #tpu.memory_space<vmem>>
    %dma_start3A_53 = arith.constant 0 : i32
    %dma_start3A_54 = tpu.memref_slice %arg6[%dma_start3A, %dma_start3A_53] : memref<40x125xi32, #tpu.memory_space<vmem>> -> memref<1x125xi32, #tpu.memory_space<vmem>>
    %dma_start3A_55 = tpu.memref_squeeze %dma_start3A_54 : memref<1x125xi32, #tpu.memory_space<vmem>> -> memref<125xi32, #tpu.memory_space<vmem>>
    %dma_start3A_56 = arith.constant 0 : i32
    %dma_start3A_57 = arith.constant 0 : i32
    %dma_start3A_58 = tpu.memref_slice %arg2[%arg0, %dma_start3A_56, %dma_start3A_57] : memref<2x10000x128xf32, #tpu.memory_space<hbm>> -> memref<1x10000x128xf32, #tpu.memory_space<hbm>>
    %dma_start3A_59 = tpu.memref_squeeze %dma_start3A_58 : memref<1x10000x128xf32, #tpu.memory_space<hbm>> -> memref<10000x128xf32, #tpu.memory_space<hbm>>
    %dma_start3A_60 = arith.constant 0 : i32
    %dma_start3A_61 = arith.constant 0 : i32
    %dma_start3A_62 = tpu.memref_slice %dma_start3A_59[%dma_start3A_60, %dma_start3A_61] : memref<10000x128xf32, #tpu.memory_space<hbm>> -> memref<10000x128xf32, #tpu.memory_space<hbm>>
    %dma_start3A_63 = tpu.memref_slice %arg10[%dma_start3A_48] : memref<2x!tpu.dma_semaphore, #tpu.memory_space<semaphore_mem>> -> memref<1x!tpu.dma_semaphore, #tpu.memory_space<semaphore_mem>>
    %dma_start3A_64 = tpu.memref_squeeze %dma_start3A_63 : memref<1x!tpu.dma_semaphore, #tpu.memory_space<semaphore_mem>> -> memref<!tpu.dma_semaphore, #tpu.memory_space<semaphore_mem>>
    tpu.enqueue_indirect_dma source(%dma_start3A_62 : memref<10000x128xf32, #tpu.memory_space<hbm>>) target(%dma_start3A_52 : memref<125x128xf32, #tpu.memory_space<vmem>>) offsets(%dma_start3A_55 : memref<125xi32, #tpu.memory_space<vmem>>) semaphore(%dma_start3A_64 : memref<!tpu.dma_semaphore, #tpu.memory_space<semaphore_mem>>)
    %scan3A_65 = arith.constant 0 : i32
    %scan3A_66 = arith.constant 0 : i32
    %scan3A_67 = arith.constant 40 : i32
    %scan3A_68 = arith.addi %scan3A_66, %scan3A_67 : i32
    %scan3A_69 = arith.constant 1 : i32
    %scan3A_70 = scf.for %scan3A_107 = %scan3A_66 to %scan3A_68 step %scan3A_69 iter_args(%scan3A_108 = %scan3A_65) -> (i32)  : i32 {
      %rem3A = arith.constant 2 : i32
      %rem3A_109 = arith.remsi %scan3A_107, %rem3A : i32
      %add3A_110 = arith.constant 1 : i32
      %add3A_111 = arith.addi %scan3A_107, %add3A_110 : i32
      %rem3A_112 = arith.constant 2 : i32
      %rem3A_113 = arith.remsi %add3A_111, %rem3A_112 : i32
      %add3A_114 = arith.constant 1 : i32
      %add3A_115 = arith.addi %scan3A_107, %add3A_114 : i32
      %lt3A = arith.constant 40 : i32
      %lt3A_116 = arith.cmpi slt, %add3A_115, %lt3A : i32
      %convert_element_type3A = arith.extui %lt3A_116 : i1 to i32
      %cond3A = arith.constant 0 : i32
      %cond3A_117 = arith.cmpi ne, %convert_element_type3A, %cond3A : i32
      scf.if %cond3A_117 {
        %add3A_134 = arith.constant 1 : i32
        %add3A_135 = arith.addi %scan3A_107, %add3A_134 : i32
        %dma_start3A_136 = arith.constant 0 : i32
        %dma_start3A_137 = arith.constant 0 : i32
        %dma_start3A_138 = tpu.memref_slice %arg8[%rem3A_113, %dma_start3A_136, %dma_start3A_137] : memref<2x125x128xf32, #tpu.memory_space<vmem>> -> memref<1x125x128xf32, #tpu.memory_space<vmem>>
        %dma_start3A_139 = tpu.memref_squeeze %dma_start3A_138 : memref<1x125x128xf32, #tpu.memory_space<vmem>> -> memref<125x128xf32, #tpu.memory_space<vmem>>
        %dma_start3A_140 = arith.constant 0 : i32
        %dma_start3A_141 = tpu.memref_slice %arg6[%add3A_135, %dma_start3A_140] : memref<40x125xi32, #tpu.memory_space<vmem>> -> memref<1x125xi32, #tpu.memory_space<vmem>>
        %dma_start3A_142 = tpu.memref_squeeze %dma_start3A_141 : memref<1x125xi32, #tpu.memory_space<vmem>> -> memref<125xi32, #tpu.memory_space<vmem>>
        %dma_start3A_143 = arith.constant 0 : i32
        %dma_start3A_144 = arith.constant 0 : i32
        %dma_start3A_145 = tpu.memref_slice %arg2[%arg0, %dma_start3A_143, %dma_start3A_144] : memref<2x10000x128xf32, #tpu.memory_space<hbm>> -> memref<1x10000x128xf32, #tpu.memory_space<hbm>>
        %dma_start3A_146 = tpu.memref_squeeze %dma_start3A_145 : memref<1x10000x128xf32, #tpu.memory_space<hbm>> -> memref<10000x128xf32, #tpu.memory_space<hbm>>
        %dma_start3A_147 = arith.constant 0 : i32
        %dma_start3A_148 = arith.constant 0 : i32
        %dma_start3A_149 = tpu.memref_slice %dma_start3A_146[%dma_start3A_147, %dma_start3A_148] : memref<10000x128xf32, #tpu.memory_space<hbm>> -> memref<10000x128xf32, #tpu.memory_space<hbm>>
        %dma_start3A_150 = tpu.memref_slice %arg10[%rem3A_113] : memref<2x!tpu.dma_semaphore, #tpu.memory_space<semaphore_mem>> -> memref<1x!tpu.dma_semaphore, #tpu.memory_space<semaphore_mem>>
        %dma_start3A_151 = tpu.memref_squeeze %dma_start3A_150 : memref<1x!tpu.dma_semaphore, #tpu.memory_space<semaphore_mem>> -> memref<!tpu.dma_semaphore, #tpu.memory_space<semaphore_mem>>
        tpu.enqueue_indirect_dma source(%dma_start3A_149 : memref<10000x128xf32, #tpu.memory_space<hbm>>) target(%dma_start3A_139 : memref<125x128xf32, #tpu.memory_space<vmem>>) offsets(%dma_start3A_142 : memref<125xi32, #tpu.memory_space<vmem>>) semaphore(%dma_start3A_151 : memref<!tpu.dma_semaphore, #tpu.memory_space<semaphore_mem>>)
      } else {
      }
      %dma_wait3A = arith.constant 0 : i32
      %dma_wait3A_118 = arith.constant 0 : i32
      %dma_wait3A_119 = tpu.memref_slice %arg8[%rem3A_109, %dma_wait3A, %dma_wait3A_118] : memref<2x125x128xf32, #tpu.memory_space<vmem>> -> memref<1x125x128xf32, #tpu.memory_space<vmem>>
      %dma_wait3A_120 = tpu.memref_squeeze %dma_wait3A_119 : memref<1x125x128xf32, #tpu.memory_space<vmem>> -> memref<125x128xf32, #tpu.memory_space<vmem>>
      %dma_wait3A_121 = arith.constant 0 : i32
      %dma_wait3A_122 = tpu.memref_slice %arg6[%scan3A_107, %dma_wait3A_121] : memref<40x125xi32, #tpu.memory_space<vmem>> -> memref<1x125xi32, #tpu.memory_space<vmem>>
      %dma_wait3A_123 = tpu.memref_squeeze %dma_wait3A_122 : memref<1x125xi32, #tpu.memory_space<vmem>> -> memref<125xi32, #tpu.memory_space<vmem>>
      %dma_wait3A_124 = arith.constant 0 : i32
      %dma_wait3A_125 = arith.constant 0 : i32
      %dma_wait3A_126 = tpu.memref_slice %arg2[%arg0, %dma_wait3A_124, %dma_wait3A_125] : memref<2x10000x128xf32, #tpu.memory_space<hbm>> -> memref<1x10000x128xf32, #tpu.memory_space<hbm>>
      %dma_wait3A_127 = tpu.memref_squeeze %dma_wait3A_126 : memref<1x10000x128xf32, #tpu.memory_space<hbm>> -> memref<10000x128xf32, #tpu.memory_space<hbm>>
      %dma_wait3A_128 = arith.constant 0 : i32
      %dma_wait3A_129 = arith.constant 0 : i32
      %dma_wait3A_130 = tpu.memref_slice %dma_wait3A_127[%dma_wait3A_128, %dma_wait3A_129] : memref<10000x128xf32, #tpu.memory_space<hbm>> -> memref<10000x128xf32, #tpu.memory_space<hbm>>
      %dma_wait3A_131 = tpu.memref_slice %arg10[%rem3A_109] : memref<2x!tpu.dma_semaphore, #tpu.memory_space<semaphore_mem>> -> memref<1x!tpu.dma_semaphore, #tpu.memory_space<semaphore_mem>>
      %dma_wait3A_132 = tpu.memref_squeeze %dma_wait3A_131 : memref<1x!tpu.dma_semaphore, #tpu.memory_space<semaphore_mem>> -> memref<!tpu.dma_semaphore, #tpu.memory_space<semaphore_mem>>
      tpu.wait_indirect_dma semaphore(%dma_wait3A_132 : memref<!tpu.dma_semaphore, #tpu.memory_space<semaphore_mem>>) src(%dma_wait3A_130 : memref<10000x128xf32, #tpu.memory_space<hbm>>) dst(%dma_wait3A_120 : memref<125x128xf32, #tpu.memory_space<vmem>>)
      "tpu.region"() ({
        %run_scoped3A_134 = tpu.sem_alloc : memref<!tpu.dma_semaphore, #tpu.memory_space<semaphore_mem>>
        %dma_start3A_135 = arith.constant 0 : i32
        %dma_start3A_136 = arith.constant 0 : i32
        %dma_start3A_137 = tpu.memref_slice %arg8[%rem3A_109, %dma_start3A_135, %dma_start3A_136] : memref<2x125x128xf32, #tpu.memory_space<vmem>> -> memref<1x125x128xf32, #tpu.memory_space<vmem>>
        %dma_start3A_138 = tpu.memref_squeeze %dma_start3A_137 : memref<1x125x128xf32, #tpu.memory_space<vmem>> -> memref<125x128xf32, #tpu.memory_space<vmem>>
        %dma_start3A_139 = arith.constant 0 : i32
        %dma_start3A_140 = tpu.memref_slice %arg7[%scan3A_107, %dma_start3A_139] : memref<40x125xi32, #tpu.memory_space<vmem>> -> memref<1x125xi32, #tpu.memory_space<vmem>>
        %dma_start3A_141 = tpu.memref_squeeze %dma_start3A_140 : memref<1x125xi32, #tpu.memory_space<vmem>> -> memref<125xi32, #tpu.memory_space<vmem>>
        %dma_start3A_142 = arith.constant 0 : i32
        %dma_start3A_143 = arith.constant 0 : i32
        %dma_start3A_144 = tpu.memref_slice %arg9[%dma_start3A_142, %dma_start3A_143] : memref<10240x128xf32, #tpu.memory_space<vmem_shared>> -> memref<10240x128xf32, #tpu.memory_space<vmem_shared>>
        tpu.enqueue_indirect_dma source(%dma_start3A_138 : memref<125x128xf32, #tpu.memory_space<vmem>>) target(%dma_start3A_144 : memref<10240x128xf32, #tpu.memory_space<vmem_shared>>) offsets(%dma_start3A_141 : memref<125xi32, #tpu.memory_space<vmem>>) semaphore(%run_scoped3A_134 : memref<!tpu.dma_semaphore, #tpu.memory_space<semaphore_mem>>) {add = true}
        %dma_wait3A_145 = arith.constant 0 : i32
        %dma_wait3A_146 = arith.constant 0 : i32
        %dma_wait3A_147 = tpu.memref_slice %arg8[%rem3A_109, %dma_wait3A_145, %dma_wait3A_146] : memref<2x125x128xf32, #tpu.memory_space<vmem>> -> memref<1x125x128xf32, #tpu.memory_space<vmem>>
        %dma_wait3A_148 = tpu.memref_squeeze %dma_wait3A_147 : memref<1x125x128xf32, #tpu.memory_space<vmem>> -> memref<125x128xf32, #tpu.memory_space<vmem>>
        %dma_wait3A_149 = arith.constant 0 : i32
        %dma_wait3A_150 = tpu.memref_slice %arg7[%scan3A_107, %dma_wait3A_149] : memref<40x125xi32, #tpu.memory_space<vmem>> -> memref<1x125xi32, #tpu.memory_space<vmem>>
        %dma_wait3A_151 = tpu.memref_squeeze %dma_wait3A_150 : memref<1x125xi32, #tpu.memory_space<vmem>> -> memref<125xi32, #tpu.memory_space<vmem>>
        %dma_wait3A_152 = arith.constant 0 : i32
        %dma_wait3A_153 = arith.constant 0 : i32
        %dma_wait3A_154 = tpu.memref_slice %arg9[%dma_wait3A_152, %dma_wait3A_153] : memref<10240x128xf32, #tpu.memory_space<vmem_shared>> -> memref<10240x128xf32, #tpu.memory_space<vmem_shared>>
        tpu.wait_indirect_dma semaphore(%run_scoped3A_134 : memref<!tpu.dma_semaphore, #tpu.memory_space<semaphore_mem>>) src(%dma_wait3A_148 : memref<125x128xf32, #tpu.memory_space<vmem>>) dst(%dma_wait3A_154 : memref<10240x128xf32, #tpu.memory_space<vmem_shared>>)
        tpu.yield
      }) : () -> ()
      %scan3A_133 = arith.constant 0 : i32
      scf.yield %scan3A_133 : i32
    }
    %scan3A_71 = arith.constant 40 : i32
    %mul3A_72 = arith.constant 80 : i32
    %mul3A_73 = arith.muli %arg1, %mul3A_72 : i32
    %add3A_74 = arith.constant 40 : i32
    %add3A_75 = arith.addi %mul3A_73, %add3A_74 : i32
    "tpu.region"() ({
      %run_scoped3A_107 = tpu.sem_alloc : memref<!tpu.dma_semaphore, #tpu.memory_space<semaphore_mem>>
      %dma_start3A_108 = arith.constant 0 : i32
      %dma_start3A_109 = tpu.memref_slice %arg3[%add3A_75, %dma_start3A_108] : memref<1280x125xi32, #tpu.memory_space<hbm>> -> memref<40x125xi32, #tpu.memory_space<hbm>>
      %dma_start3A_110 = arith.constant 0 : i32
      %dma_start3A_111 = tpu.memref_slice %arg3[%add3A_75, %dma_start3A_110] : memref<1280x125xi32, #tpu.memory_space<hbm>> -> memref<40x125xi32, #tpu.memory_space<hbm>>
      tpu.enqueue_dma source(%dma_start3A_111 : memref<40x125xi32, #tpu.memory_space<hbm>>) target(%arg6 : memref<40x125xi32, #tpu.memory_space<vmem>>) target_semaphore(%run_scoped3A_107 : memref<!tpu.dma_semaphore, #tpu.memory_space<semaphore_mem>>)
      %dma_wait3A = arith.constant 0 : i32
      %dma_wait3A_112 = tpu.memref_slice %arg3[%add3A_75, %dma_wait3A] : memref<1280x125xi32, #tpu.memory_space<hbm>> -> memref<40x125xi32, #tpu.memory_space<hbm>>
      %dma_wait3A_113 = arith.constant 0 : i32
      %dma_wait3A_114 = tpu.memref_slice %arg3[%add3A_75, %dma_wait3A_113] : memref<1280x125xi32, #tpu.memory_space<hbm>> -> memref<40x125xi32, #tpu.memory_space<hbm>>
      tpu.wait_dma2 semaphore(%run_scoped3A_107 : memref<!tpu.dma_semaphore, #tpu.memory_space<semaphore_mem>>) src(%dma_wait3A_114 : memref<40x125xi32, #tpu.memory_space<hbm>>) dst(%arg6 : memref<40x125xi32, #tpu.memory_space<vmem>>)
      tpu.yield
    }) : () -> ()
    "tpu.region"() ({
      %run_scoped3A_107 = tpu.sem_alloc : memref<!tpu.dma_semaphore, #tpu.memory_space<semaphore_mem>>
      %dma_start3A_108 = arith.constant 0 : i32
      %dma_start3A_109 = tpu.memref_slice %arg4[%add3A_75, %dma_start3A_108] : memref<1280x125xi32, #tpu.memory_space<hbm>> -> memref<40x125xi32, #tpu.memory_space<hbm>>
      %dma_start3A_110 = arith.constant 0 : i32
      %dma_start3A_111 = tpu.memref_slice %arg4[%add3A_75, %dma_start3A_110] : memref<1280x125xi32, #tpu.memory_space<hbm>> -> memref<40x125xi32, #tpu.memory_space<hbm>>
      tpu.enqueue_dma source(%dma_start3A_111 : memref<40x125xi32, #tpu.memory_space<hbm>>) target(%arg7 : memref<40x125xi32, #tpu.memory_space<vmem>>) target_semaphore(%run_scoped3A_107 : memref<!tpu.dma_semaphore, #tpu.memory_space<semaphore_mem>>)
      %dma_wait3A = arith.constant 0 : i32
      %dma_wait3A_112 = tpu.memref_slice %arg4[%add3A_75, %dma_wait3A] : memref<1280x125xi32, #tpu.memory_space<hbm>> -> memref<40x125xi32, #tpu.memory_space<hbm>>
      %dma_wait3A_113 = arith.constant 0 : i32
      %dma_wait3A_114 = tpu.memref_slice %arg4[%add3A_75, %dma_wait3A_113] : memref<1280x125xi32, #tpu.memory_space<hbm>> -> memref<40x125xi32, #tpu.memory_space<hbm>>
      tpu.wait_dma2 semaphore(%run_scoped3A_107 : memref<!tpu.dma_semaphore, #tpu.memory_space<semaphore_mem>>) src(%dma_wait3A_114 : memref<40x125xi32, #tpu.memory_space<hbm>>) dst(%arg7 : memref<40x125xi32, #tpu.memory_space<vmem>>)
      tpu.yield
    }) : () -> ()
    %dma_start3A_76 = arith.constant 0 : i32
    %dma_start3A_77 = arith.constant 0 : i32
    %dma_start3A_78 = arith.constant 0 : i32
    %dma_start3A_79 = arith.constant 0 : i32
    %dma_start3A_80 = arith.constant 0 : i32
    %dma_start3A_81 = tpu.memref_slice %arg8[%dma_start3A_77, %dma_start3A_79, %dma_start3A_80] : memref<2x125x128xf32, #tpu.memory_space<vmem>> -> memref<1x125x128xf32, #tpu.memory_space<vmem>>
    %dma_start3A_82 = tpu.memref_squeeze %dma_start3A_81 : memref<1x125x128xf32, #tpu.memory_space<vmem>> -> memref<125x128xf32, #tpu.memory_space<vmem>>
    %dma_start3A_83 = arith.constant 0 : i32
    %dma_start3A_84 = tpu.memref_slice %arg6[%dma_start3A_76, %dma_start3A_83] : memref<40x125xi32, #tpu.memory_space<vmem>> -> memref<1x125xi32, #tpu.memory_space<vmem>>
    %dma_start3A_85 = tpu.memref_squeeze %dma_start3A_84 : memref<1x125xi32, #tpu.memory_space<vmem>> -> memref<125xi32, #tpu.memory_space<vmem>>
    %dma_start3A_86 = arith.constant 0 : i32
    %dma_start3A_87 = arith.constant 0 : i32
    %dma_start3A_88 = tpu.memref_slice %arg2[%arg0, %dma_start3A_86, %dma_start3A_87] : memref<2x10000x128xf32, #tpu.memory_space<hbm>> -> memref<1x10000x128xf32, #tpu.memory_space<hbm>>
    %dma_start3A_89 = tpu.memref_squeeze %dma_start3A_88 : memref<1x10000x128xf32, #tpu.memory_space<hbm>> -> memref<10000x128xf32, #tpu.memory_space<hbm>>
    %dma_start3A_90 = arith.constant 0 : i32
    %dma_start3A_91 = arith.constant 0 : i32
    %dma_start3A_92 = tpu.memref_slice %dma_start3A_89[%dma_start3A_90, %dma_start3A_91] : memref<10000x128xf32, #tpu.memory_space<hbm>> -> memref<10000x128xf32, #tpu.memory_space<hbm>>
    %dma_start3A_93 = tpu.memref_slice %arg10[%dma_start3A_78] : memref<2x!tpu.dma_semaphore, #tpu.memory_space<semaphore_mem>> -> memref<1x!tpu.dma_semaphore, #tpu.memory_space<semaphore_mem>>
    %dma_start3A_94 = tpu.memref_squeeze %dma_start3A_93 : memref<1x!tpu.dma_semaphore, #tpu.memory_space<semaphore_mem>> -> memref<!tpu.dma_semaphore, #tpu.memory_space<semaphore_mem>>
    tpu.enqueue_indirect_dma source(%dma_start3A_92 : memref<10000x128xf32, #tpu.memory_space<hbm>>) target(%dma_start3A_82 : memref<125x128xf32, #tpu.memory_space<vmem>>) offsets(%dma_start3A_85 : memref<125xi32, #tpu.memory_space<vmem>>) semaphore(%dma_start3A_94 : memref<!tpu.dma_semaphore, #tpu.memory_space<semaphore_mem>>)
    %scan3A_95 = arith.constant 0 : i32
    %scan3A_96 = arith.constant 0 : i32
    %scan3A_97 = arith.constant 40 : i32
    %scan3A_98 = arith.addi %scan3A_96, %scan3A_97 : i32
    %scan3A_99 = arith.constant 1 : i32
    %scan3A_100 = scf.for %scan3A_107 = %scan3A_96 to %scan3A_98 step %scan3A_99 iter_args(%scan3A_108 = %scan3A_95) -> (i32)  : i32 {
      %rem3A = arith.constant 2 : i32
      %rem3A_109 = arith.remsi %scan3A_107, %rem3A : i32
      %add3A_110 = arith.constant 1 : i32
      %add3A_111 = arith.addi %scan3A_107, %add3A_110 : i32
      %rem3A_112 = arith.constant 2 : i32
      %rem3A_113 = arith.remsi %add3A_111, %rem3A_112 : i32
      %add3A_114 = arith.constant 1 : i32
      %add3A_115 = arith.addi %scan3A_107, %add3A_114 : i32
      %lt3A = arith.constant 40 : i32
      %lt3A_116 = arith.cmpi slt, %add3A_115, %lt3A : i32
      %convert_element_type3A = arith.extui %lt3A_116 : i1 to i32
      %cond3A = arith.constant 0 : i32
      %cond3A_117 = arith.cmpi ne, %convert_element_type3A, %cond3A : i32
      scf.if %cond3A_117 {
        %add3A_134 = arith.constant 1 : i32
        %add3A_135 = arith.addi %scan3A_107, %add3A_134 : i32
        %dma_start3A_136 = arith.constant 0 : i32
        %dma_start3A_137 = arith.constant 0 : i32
        %dma_start3A_138 = tpu.memref_slice %arg8[%rem3A_113, %dma_start3A_136, %dma_start3A_137] : memref<2x125x128xf32, #tpu.memory_space<vmem>> -> memref<1x125x128xf32, #tpu.memory_space<vmem>>
        %dma_start3A_139 = tpu.memref_squeeze %dma_start3A_138 : memref<1x125x128xf32, #tpu.memory_space<vmem>> -> memref<125x128xf32, #tpu.memory_space<vmem>>
        %dma_start3A_140 = arith.constant 0 : i32
        %dma_start3A_141 = tpu.memref_slice %arg6[%add3A_135, %dma_start3A_140] : memref<40x125xi32, #tpu.memory_space<vmem>> -> memref<1x125xi32, #tpu.memory_space<vmem>>
        %dma_start3A_142 = tpu.memref_squeeze %dma_start3A_141 : memref<1x125xi32, #tpu.memory_space<vmem>> -> memref<125xi32, #tpu.memory_space<vmem>>
        %dma_start3A_143 = arith.constant 0 : i32
        %dma_start3A_144 = arith.constant 0 : i32
        %dma_start3A_145 = tpu.memref_slice %arg2[%arg0, %dma_start3A_143, %dma_start3A_144] : memref<2x10000x128xf32, #tpu.memory_space<hbm>> -> memref<1x10000x128xf32, #tpu.memory_space<hbm>>
        %dma_start3A_146 = tpu.memref_squeeze %dma_start3A_145 : memref<1x10000x128xf32, #tpu.memory_space<hbm>> -> memref<10000x128xf32, #tpu.memory_space<hbm>>
        %dma_start3A_147 = arith.constant 0 : i32
        %dma_start3A_148 = arith.constant 0 : i32
        %dma_start3A_149 = tpu.memref_slice %dma_start3A_146[%dma_start3A_147, %dma_start3A_148] : memref<10000x128xf32, #tpu.memory_space<hbm>> -> memref<10000x128xf32, #tpu.memory_space<hbm>>
        %dma_start3A_150 = tpu.memref_slice %arg10[%rem3A_113] : memref<2x!tpu.dma_semaphore, #tpu.memory_space<semaphore_mem>> -> memref<1x!tpu.dma_semaphore, #tpu.memory_space<semaphore_mem>>
        %dma_start3A_151 = tpu.memref_squeeze %dma_start3A_150 : memref<1x!tpu.dma_semaphore, #tpu.memory_space<semaphore_mem>> -> memref<!tpu.dma_semaphore, #tpu.memory_space<semaphore_mem>>
        tpu.enqueue_indirect_dma source(%dma_start3A_149 : memref<10000x128xf32, #tpu.memory_space<hbm>>) target(%dma_start3A_139 : memref<125x128xf32, #tpu.memory_space<vmem>>) offsets(%dma_start3A_142 : memref<125xi32, #tpu.memory_space<vmem>>) semaphore(%dma_start3A_151 : memref<!tpu.dma_semaphore, #tpu.memory_space<semaphore_mem>>)
      } else {
      }
      %dma_wait3A = arith.constant 0 : i32
      %dma_wait3A_118 = arith.constant 0 : i32
      %dma_wait3A_119 = tpu.memref_slice %arg8[%rem3A_109, %dma_wait3A, %dma_wait3A_118] : memref<2x125x128xf32, #tpu.memory_space<vmem>> -> memref<1x125x128xf32, #tpu.memory_space<vmem>>
      %dma_wait3A_120 = tpu.memref_squeeze %dma_wait3A_119 : memref<1x125x128xf32, #tpu.memory_space<vmem>> -> memref<125x128xf32, #tpu.memory_space<vmem>>
      %dma_wait3A_121 = arith.constant 0 : i32
      %dma_wait3A_122 = tpu.memref_slice %arg6[%scan3A_107, %dma_wait3A_121] : memref<40x125xi32, #tpu.memory_space<vmem>> -> memref<1x125xi32, #tpu.memory_space<vmem>>
      %dma_wait3A_123 = tpu.memref_squeeze %dma_wait3A_122 : memref<1x125xi32, #tpu.memory_space<vmem>> -> memref<125xi32, #tpu.memory_space<vmem>>
      %dma_wait3A_124 = arith.constant 0 : i32
      %dma_wait3A_125 = arith.constant 0 : i32
      %dma_wait3A_126 = tpu.memref_slice %arg2[%arg0, %dma_wait3A_124, %dma_wait3A_125] : memref<2x10000x128xf32, #tpu.memory_space<hbm>> -> memref<1x10000x128xf32, #tpu.memory_space<hbm>>
      %dma_wait3A_127 = tpu.memref_squeeze %dma_wait3A_126 : memref<1x10000x128xf32, #tpu.memory_space<hbm>> -> memref<10000x128xf32, #tpu.memory_space<hbm>>
      %dma_wait3A_128 = arith.constant 0 : i32
      %dma_wait3A_129 = arith.constant 0 : i32
      %dma_wait3A_130 = tpu.memref_slice %dma_wait3A_127[%dma_wait3A_128, %dma_wait3A_129] : memref<10000x128xf32, #tpu.memory_space<hbm>> -> memref<10000x128xf32, #tpu.memory_space<hbm>>
      %dma_wait3A_131 = tpu.memref_slice %arg10[%rem3A_109] : memref<2x!tpu.dma_semaphore, #tpu.memory_space<semaphore_mem>> -> memref<1x!tpu.dma_semaphore, #tpu.memory_space<semaphore_mem>>
      %dma_wait3A_132 = tpu.memref_squeeze %dma_wait3A_131 : memref<1x!tpu.dma_semaphore, #tpu.memory_space<semaphore_mem>> -> memref<!tpu.dma_semaphore, #tpu.memory_space<semaphore_mem>>
      tpu.wait_indirect_dma semaphore(%dma_wait3A_132 : memref<!tpu.dma_semaphore, #tpu.memory_space<semaphore_mem>>) src(%dma_wait3A_130 : memref<10000x128xf32, #tpu.memory_space<hbm>>) dst(%dma_wait3A_120 : memref<125x128xf32, #tpu.memory_space<vmem>>)
      "tpu.region"() ({
        %run_scoped3A_134 = tpu.sem_alloc : memref<!tpu.dma_semaphore, #tpu.memory_space<semaphore_mem>>
        %dma_start3A_135 = arith.constant 0 : i32
        %dma_start3A_136 = arith.constant 0 : i32
        %dma_start3A_137 = tpu.memref_slice %arg8[%rem3A_109, %dma_start3A_135, %dma_start3A_136] : memref<2x125x128xf32, #tpu.memory_space<vmem>> -> memref<1x125x128xf32, #tpu.memory_space<vmem>>
        %dma_start3A_138 = tpu.memref_squeeze %dma_start3A_137 : memref<1x125x128xf32, #tpu.memory_space<vmem>> -> memref<125x128xf32, #tpu.memory_space<vmem>>
        %dma_start3A_139 = arith.constant 0 : i32
        %dma_start3A_140 = tpu.memref_slice %arg7[%scan3A_107, %dma_start3A_139] : memref<40x125xi32, #tpu.memory_space<vmem>> -> memref<1x125xi32, #tpu.memory_space<vmem>>
        %dma_start3A_141 = tpu.memref_squeeze %dma_start3A_140 : memref<1x125xi32, #tpu.memory_space<vmem>> -> memref<125xi32, #tpu.memory_space<vmem>>
        %dma_start3A_142 = arith.constant 0 : i32
        %dma_start3A_143 = arith.constant 0 : i32
        %dma_start3A_144 = tpu.memref_slice %arg9[%dma_start3A_142, %dma_start3A_143] : memref<10240x128xf32, #tpu.memory_space<vmem_shared>> -> memref<10240x128xf32, #tpu.memory_space<vmem_shared>>
        tpu.enqueue_indirect_dma source(%dma_start3A_138 : memref<125x128xf32, #tpu.memory_space<vmem>>) target(%dma_start3A_144 : memref<10240x128xf32, #tpu.memory_space<vmem_shared>>) offsets(%dma_start3A_141 : memref<125xi32, #tpu.memory_space<vmem>>) semaphore(%run_scoped3A_134 : memref<!tpu.dma_semaphore, #tpu.memory_space<semaphore_mem>>) {add = true}
        %dma_wait3A_145 = arith.constant 0 : i32
        %dma_wait3A_146 = arith.constant 0 : i32
        %dma_wait3A_147 = tpu.memref_slice %arg8[%rem3A_109, %dma_wait3A_145, %dma_wait3A_146] : memref<2x125x128xf32, #tpu.memory_space<vmem>> -> memref<1x125x128xf32, #tpu.memory_space<vmem>>
        %dma_wait3A_148 = tpu.memref_squeeze %dma_wait3A_147 : memref<1x125x128xf32, #tpu.memory_space<vmem>> -> memref<125x128xf32, #tpu.memory_space<vmem>>
        %dma_wait3A_149 = arith.constant 0 : i32
        %dma_wait3A_150 = tpu.memref_slice %arg7[%scan3A_107, %dma_wait3A_149] : memref<40x125xi32, #tpu.memory_space<vmem>> -> memref<1x125xi32, #tpu.memory_space<vmem>>
        %dma_wait3A_151 = tpu.memref_squeeze %dma_wait3A_150 : memref<1x125xi32, #tpu.memory_space<vmem>> -> memref<125xi32, #tpu.memory_space<vmem>>
        %dma_wait3A_152 = arith.constant 0 : i32
        %dma_wait3A_153 = arith.constant 0 : i32
        %dma_wait3A_154 = tpu.memref_slice %arg9[%dma_wait3A_152, %dma_wait3A_153] : memref<10240x128xf32, #tpu.memory_space<vmem_shared>> -> memref<10240x128xf32, #tpu.memory_space<vmem_shared>>
        tpu.wait_indirect_dma semaphore(%run_scoped3A_134 : memref<!tpu.dma_semaphore, #tpu.memory_space<semaphore_mem>>) src(%dma_wait3A_148 : memref<125x128xf32, #tpu.memory_space<vmem>>) dst(%dma_wait3A_154 : memref<10240x128xf32, #tpu.memory_space<vmem_shared>>)
        tpu.yield
      }) : () -> ()
      %scan3A_133 = arith.constant 0 : i32
      scf.yield %scan3A_133 : i32
    }
    %scan3A_101 = arith.constant 40 : i32
    %barrier3A_102 = arith.constant 0 : index
    tpu.barrier barrier_id(%barrier3A_102)
    %mul3A_103 = arith.constant 640 : i32
    %mul3A_104 = arith.muli %arg1, %mul3A_103 : i32
    %mul3A_105 = arith.constant 640 : i32
    %mul3A_106 = arith.muli %arg1, %mul3A_105 : i32
    "tpu.region"() ({
      %run_scoped3A_107 = tpu.sem_alloc : memref<!tpu.dma_semaphore, #tpu.memory_space<semaphore_mem>>
      %dma_start3A_108 = arith.constant 0 : i32
      %dma_start3A_109 = arith.constant 0 : i32
      %dma_start3A_110 = tpu.memref_slice %arg5[%arg0, %dma_start3A_108, %dma_start3A_109] : memref<2x10240x128xf32, #tpu.memory_space<hbm>> -> memref<1x10240x128xf32, #tpu.memory_space<hbm>>
      %dma_start3A_111 = tpu.memref_squeeze %dma_start3A_110 : memref<1x10240x128xf32, #tpu.memory_space<hbm>> -> memref<10240x128xf32, #tpu.memory_space<hbm>>
      %dma_start3A_112 = arith.constant 0 : i32
      %dma_start3A_113 = tpu.memref_slice %dma_start3A_111[%mul3A_106, %dma_start3A_112] : memref<10240x128xf32, #tpu.memory_space<hbm>> -> memref<640x128xf32, #tpu.memory_space<hbm>>
      %dma_start3A_114 = arith.constant 0 : i32
      %dma_start3A_115 = tpu.memref_slice %arg9[%mul3A_104, %dma_start3A_114] : memref<10240x128xf32, #tpu.memory_space<vmem_shared>> -> memref<640x128xf32, #tpu.memory_space<vmem_shared>>
      tpu.enqueue_dma source(%dma_start3A_115 : memref<640x128xf32, #tpu.memory_space<vmem_shared>>) target(%dma_start3A_113 : memref<640x128xf32, #tpu.memory_space<hbm>>) target_semaphore(%run_scoped3A_107 : memref<!tpu.dma_semaphore, #tpu.memory_space<semaphore_mem>>)
      %dma_wait3A = arith.constant 0 : i32
      %dma_wait3A_116 = arith.constant 0 : i32
      %dma_wait3A_117 = tpu.memref_slice %arg5[%arg0, %dma_wait3A, %dma_wait3A_116] : memref<2x10240x128xf32, #tpu.memory_space<hbm>> -> memref<1x10240x128xf32, #tpu.memory_space<hbm>>
      %dma_wait3A_118 = tpu.memref_squeeze %dma_wait3A_117 : memref<1x10240x128xf32, #tpu.memory_space<hbm>> -> memref<10240x128xf32, #tpu.memory_space<hbm>>
      %dma_wait3A_119 = arith.constant 0 : i32
      %dma_wait3A_120 = tpu.memref_slice %dma_wait3A_118[%mul3A_106, %dma_wait3A_119] : memref<10240x128xf32, #tpu.memory_space<hbm>> -> memref<640x128xf32, #tpu.memory_space<hbm>>
      %dma_wait3A_121 = arith.constant 0 : i32
      %dma_wait3A_122 = tpu.memref_slice %arg9[%mul3A_104, %dma_wait3A_121] : memref<10240x128xf32, #tpu.memory_space<vmem_shared>> -> memref<640x128xf32, #tpu.memory_space<vmem_shared>>
      tpu.wait_dma2 semaphore(%run_scoped3A_107 : memref<!tpu.dma_semaphore, #tpu.memory_space<semaphore_mem>>) src(%dma_wait3A_122 : memref<640x128xf32, #tpu.memory_space<vmem_shared>>) dst(%dma_wait3A_120 : memref<640x128xf32, #tpu.memory_space<hbm>>)
      tpu.yield
    }) : () -> ()
    return
  }
}

#map = affine_map<(d0, d1) -> (0, 0, 0)>
#map1 = affine_map<(d0, d1) -> (0, 0)>
module attributes {stable_mosaic.version = 14 : i64} {
  func.func @_sc_aggregate(%arg0: i32, %arg1: i32, %arg2: memref<2x10000x128xf32, #tpu.memory_space<hbm>>, %arg3: memref<1280x125xi32, #tpu.memory_space<hbm>>, %arg4: memref<1280x125xi32, #tpu.memory_space<hbm>>, %arg5: memref<2x10240x128xf32, #tpu.memory_space<hbm>>, %arg6: memref<40x125xi32, #tpu.memory_space<vmem>>, %arg7: memref<40x125xi32, #tpu.memory_space<vmem>>, %arg8: memref<2x125x128xf32, #tpu.memory_space<vmem>>, %arg9: memref<10240x128xf32, #tpu.memory_space<vmem_shared>>, %arg10: memref<2x!tpu.dma_semaphore, #tpu.memory_space<semaphore_mem>>) attributes {dimension_semantics = [#tpu.dimension_semantics<core_parallel>, #tpu.dimension_semantics<subcore_parallel>], iteration_bounds = array<i64: 2, 16>, scalar_prefetch = 0 : i64, scratch_operands = 5 : i64, tpu.core_type = #tpu.core_type<sc_vector_subcore>, window_params = [{transform_indices = #map}, {transform_indices = #map1}, {transform_indices = #map1}, {transform_indices = #map}]} {
    %scan3A = arith.constant 0 : i32
    %scan3A_0 = arith.constant 0 : i32
    %scan3A_1 = arith.constant 80 : i32
    %scan3A_2 = arith.addi %scan3A_0, %scan3A_1 : i32
    %scan3A_3 = arith.constant 1 : i32
    %scan3A_4 = scf.for %scan3A_107 = %scan3A_0 to %scan3A_2 step %scan3A_3 iter_args(%scan3A_108 = %scan3A) -> (i32)  : i32 {
      %broadcast_in_dim3A = arith.constant 0.000000e+00 : f32
      %broadcast_in_dim3A_109 = vector.broadcast %broadcast_in_dim3A : f32 to vector<16xf32>
      %swap3A = arith.constant 0 : i32
      %swap3A_110 = arith.index_cast %swap3A : i32 to index
      %swap3A_111 = arith.index_cast %scan3A_107 : i32 to index
      %swap3A_112 = arith.constant 0 : index
      %swap3A_113 = tpu.vector_load %arg8[%swap3A_110, %swap3A_111, %swap3A_112] {strides = array<i32>} : memref<2x125x128xf32, #tpu.memory_space<vmem>>, vector<1x1x16xf32>,
      %swap3A_114 = vector.shape_cast %swap3A_113 : vector<1x1x16xf32> to vector<16xf32>
      %swap3A_115 = vector.shape_cast %broadcast_in_dim3A_109 : vector<16xf32> to vector<1x1x16xf32>
      tpu.vector_store %arg8[%swap3A_110, %swap3A_111, %swap3A_112], %swap3A_115 {strides = array<i32>} : memref<2x125x128xf32, #tpu.memory_space<vmem>>, vector<1x1x16xf32>,
      %broadcast_in_dim3A_116 = arith.constant 0.000000e+00 : f32
      %broadcast_in_dim3A_117 = vector.broadcast %broadcast_in_dim3A_116 : f32 to vector<16xf32>
      %swap3A_118 = arith.constant 0 : i32
      %swap3A_119 = arith.index_cast %swap3A_118 : i32 to index
      %swap3A_120 = arith.index_cast %scan3A_107 : i32 to index
      %swap3A_121 = arith.constant 16 : index
      %swap3A_122 = tpu.vector_load %arg8[%swap3A_119, %swap3A_120, %swap3A_121] {strides = array<i32>} : memref<2x125x128xf32, #tpu.memory_space<vmem>>, vector<1x1x16xf32>,
      %swap3A_123 = vector.shape_cast %swap3A_122 : vector<1x1x16xf32> to vector<16xf32>
      %swap3A_124 = vector.shape_cast %broadcast_in_dim3A_117 : vector<16xf32> to vector<1x1x16xf32>
      tpu.vector_store %arg8[%swap3A_119, %swap3A_120, %swap3A_121], %swap3A_124 {strides = array<i32>} : memref<2x125x128xf32, #tpu.memory_space<vmem>>, vector<1x1x16xf32>,
      %broadcast_in_dim3A_125 = arith.constant 0.000000e+00 : f32
      %broadcast_in_dim3A_126 = vector.broadcast %broadcast_in_dim3A_125 : f32 to vector<16xf32>
      %swap3A_127 = arith.constant 0 : i32
      %swap3A_128 = arith.index_cast %swap3A_127 : i32 to index
      %swap3A_129 = arith.index_cast %scan3A_107 : i32 to index
      %swap3A_130 = arith.constant 32 : index
      %swap3A_131 = tpu.vector_load %arg8[%swap3A_128, %swap3A_129, %swap3A_130] {strides = array<i32>} : memref<2x125x128xf32, #tpu.memory_space<vmem>>, vector<1x1x16xf32>,
      %swap3A_132 = vector.shape_cast %swap3A_131 : vector<1x1x16xf32> to vector<16xf32>
      %swap3A_133 = vector.shape_cast %broadcast_in_dim3A_126 : vector<16xf32> to vector<1x1x16xf32>
      tpu.vector_store %arg8[%swap3A_128, %swap3A_129, %swap3A_130], %swap3A_133 {strides = array<i32>} : memref<2x125x128xf32, #tpu.memory_space<vmem>>, vector<1x1x16xf32>,
      %broadcast_in_dim3A_134 = arith.constant 0.000000e+00 : f32
      %broadcast_in_dim3A_135 = vector.broadcast %broadcast_in_dim3A_134 : f32 to vector<16xf32>
      %swap3A_136 = arith.constant 0 : i32
      %swap3A_137 = arith.index_cast %swap3A_136 : i32 to index
      %swap3A_138 = arith.index_cast %scan3A_107 : i32 to index
      %swap3A_139 = arith.constant 48 : index
      %swap3A_140 = tpu.vector_load %arg8[%swap3A_137, %swap3A_138, %swap3A_139] {strides = array<i32>} : memref<2x125x128xf32, #tpu.memory_space<vmem>>, vector<1x1x16xf32>,
      %swap3A_141 = vector.shape_cast %swap3A_140 : vector<1x1x16xf32> to vector<16xf32>
      %swap3A_142 = vector.shape_cast %broadcast_in_dim3A_135 : vector<16xf32> to vector<1x1x16xf32>
      tpu.vector_store %arg8[%swap3A_137, %swap3A_138, %swap3A_139], %swap3A_142 {strides = array<i32>} : memref<2x125x128xf32, #tpu.memory_space<vmem>>, vector<1x1x16xf32>,
      %broadcast_in_dim3A_143 = arith.constant 0.000000e+00 : f32
      %broadcast_in_dim3A_144 = vector.broadcast %broadcast_in_dim3A_143 : f32 to vector<16xf32>
      %swap3A_145 = arith.constant 0 : i32
      %swap3A_146 = arith.index_cast %swap3A_145 : i32 to index
      %swap3A_147 = arith.index_cast %scan3A_107 : i32 to index
      %swap3A_148 = arith.constant 64 : index
      %swap3A_149 = tpu.vector_load %arg8[%swap3A_146, %swap3A_147, %swap3A_148] {strides = array<i32>} : memref<2x125x128xf32, #tpu.memory_space<vmem>>, vector<1x1x16xf32>,
      %swap3A_150 = vector.shape_cast %swap3A_149 : vector<1x1x16xf32> to vector<16xf32>
      %swap3A_151 = vector.shape_cast %broadcast_in_dim3A_144 : vector<16xf32> to vector<1x1x16xf32>
      tpu.vector_store %arg8[%swap3A_146, %swap3A_147, %swap3A_148], %swap3A_151 {strides = array<i32>} : memref<2x125x128xf32, #tpu.memory_space<vmem>>, vector<1x1x16xf32>,
      %broadcast_in_dim3A_152 = arith.constant 0.000000e+00 : f32
      %broadcast_in_dim3A_153 = vector.broadcast %broadcast_in_dim3A_152 : f32 to vector<16xf32>
      %swap3A_154 = arith.constant 0 : i32
      %swap3A_155 = arith.index_cast %swap3A_154 : i32 to index
      %swap3A_156 = arith.index_cast %scan3A_107 : i32 to index
      %swap3A_157 = arith.constant 80 : index
      %swap3A_158 = tpu.vector_load %arg8[%swap3A_155, %swap3A_156, %swap3A_157] {strides = array<i32>} : memref<2x125x128xf32, #tpu.memory_space<vmem>>, vector<1x1x16xf32>,
      %swap3A_159 = vector.shape_cast %swap3A_158 : vector<1x1x16xf32> to vector<16xf32>
      %swap3A_160 = vector.shape_cast %broadcast_in_dim3A_153 : vector<16xf32> to vector<1x1x16xf32>
      tpu.vector_store %arg8[%swap3A_155, %swap3A_156, %swap3A_157], %swap3A_160 {strides = array<i32>} : memref<2x125x128xf32, #tpu.memory_space<vmem>>, vector<1x1x16xf32>,
      %broadcast_in_dim3A_161 = arith.constant 0.000000e+00 : f32
      %broadcast_in_dim3A_162 = vector.broadcast %broadcast_in_dim3A_161 : f32 to vector<16xf32>
      %swap3A_163 = arith.constant 0 : i32
      %swap3A_164 = arith.index_cast %swap3A_163 : i32 to index
      %swap3A_165 = arith.index_cast %scan3A_107 : i32 to index
      %swap3A_166 = arith.constant 96 : index
      %swap3A_167 = tpu.vector_load %arg8[%swap3A_164, %swap3A_165, %swap3A_166] {strides = array<i32>} : memref<2x125x128xf32, #tpu.memory_space<vmem>>, vector<1x1x16xf32>,
      %swap3A_168 = vector.shape_cast %swap3A_167 : vector<1x1x16xf32> to vector<16xf32>
      %swap3A_169 = vector.shape_cast %broadcast_in_dim3A_162 : vector<16xf32> to vector<1x1x16xf32>
      tpu.vector_store %arg8[%swap3A_164, %swap3A_165, %swap3A_166], %swap3A_169 {strides = array<i32>} : memref<2x125x128xf32, #tpu.memory_space<vmem>>, vector<1x1x16xf32>,
      %broadcast_in_dim3A_170 = arith.constant 0.000000e+00 : f32
      %broadcast_in_dim3A_171 = vector.broadcast %broadcast_in_dim3A_170 : f32 to vector<16xf32>
      %swap3A_172 = arith.constant 0 : i32
      %swap3A_173 = arith.index_cast %swap3A_172 : i32 to index
      %swap3A_174 = arith.index_cast %scan3A_107 : i32 to index
      %swap3A_175 = arith.constant 112 : index
      %swap3A_176 = tpu.vector_load %arg8[%swap3A_173, %swap3A_174, %swap3A_175] {strides = array<i32>} : memref<2x125x128xf32, #tpu.memory_space<vmem>>, vector<1x1x16xf32>,
      %swap3A_177 = vector.shape_cast %swap3A_176 : vector<1x1x16xf32> to vector<16xf32>
      %swap3A_178 = vector.shape_cast %broadcast_in_dim3A_171 : vector<16xf32> to vector<1x1x16xf32>
      tpu.vector_store %arg8[%swap3A_173, %swap3A_174, %swap3A_175], %swap3A_178 {strides = array<i32>} : memref<2x125x128xf32, #tpu.memory_space<vmem>>, vector<1x1x16xf32>,
      %scan3A_179 = arith.constant 0 : i32
      scf.yield %scan3A_179 : i32
    }
    %scan3A_5 = arith.constant 80 : i32
    %mul3A = arith.constant 640 : i32
    %mul3A_6 = arith.muli %arg1, %mul3A : i32
    %add3A = arith.constant 0 : i32
    %add3A_7 = arith.addi %mul3A_6, %add3A : i32
    %run_scoped3A = arith.constant 0 : i32
    "tpu.region"() ({
      %run_scoped3A_107 = tpu.sem_alloc : memref<!tpu.dma_semaphore, #tpu.memory_space<semaphore_mem>>
      %dma_start3A_108 = arith.constant 0 : i32
      %dma_start3A_109 = arith.constant 0 : i32
      %dma_start3A_110 = tpu.memref_slice %arg8[%run_scoped3A, %dma_start3A_108, %dma_start3A_109] : memref<2x125x128xf32, #tpu.memory_space<vmem>> -> memref<1x125x128xf32, #tpu.memory_space<vmem>>
      %dma_start3A_111 = tpu.memref_squeeze %dma_start3A_110 : memref<1x125x128xf32, #tpu.memory_space<vmem>> -> memref<125x128xf32, #tpu.memory_space<vmem>>
      %dma_start3A_112 = arith.constant 0 : i32
      %dma_start3A_113 = arith.constant 0 : i32
      %dma_start3A_114 = tpu.memref_slice %dma_start3A_111[%dma_start3A_112, %dma_start3A_113] : memref<125x128xf32, #tpu.memory_space<vmem>> -> memref<80x128xf32, #tpu.memory_space<vmem>>
      %dma_start3A_115 = arith.constant 0 : i32
      %dma_start3A_116 = tpu.memref_slice %arg9[%add3A_7, %dma_start3A_115] : memref<10240x128xf32, #tpu.memory_space<vmem_shared>> -> memref<80x128xf32, #tpu.memory_space<vmem_shared>>
      %dma_start3A_117 = arith.constant 0 : i32
      %dma_start3A_118 = tpu.memref_slice %arg9[%add3A_7, %dma_start3A_117] : memref<10240x128xf32, #tpu.memory_space<vmem_shared>> -> memref<80x128xf32, #tpu.memory_space<vmem_shared>>
      %dma_start3A_119 = arith.constant 0 : i32
      %dma_start3A_120 = arith.constant 0 : i32
      %dma_start3A_121 = tpu.memref_slice %arg8[%run_scoped3A, %dma_start3A_119, %dma_start3A_120] : memref<2x125x128xf32, #tpu.memory_space<vmem>> -> memref<1x125x128xf32, #tpu.memory_space<vmem>>
      %dma_start3A_122 = tpu.memref_squeeze %dma_start3A_121 : memref<1x125x128xf32, #tpu.memory_space<vmem>> -> memref<125x128xf32, #tpu.memory_space<vmem>>
      %dma_start3A_123 = arith.constant 0 : i32
      %dma_start3A_124 = arith.constant 0 : i32
      %dma_start3A_125 = tpu.memref_slice %dma_start3A_122[%dma_start3A_123, %dma_start3A_124] : memref<125x128xf32, #tpu.memory_space<vmem>> -> memref<80x128xf32, #tpu.memory_space<vmem>>
      tpu.enqueue_dma source(%dma_start3A_125 : memref<80x128xf32, #tpu.memory_space<vmem>>) target(%dma_start3A_118 : memref<80x128xf32, #tpu.memory_space<vmem_shared>>) target_semaphore(%run_scoped3A_107 : memref<!tpu.dma_semaphore, #tpu.memory_space<semaphore_mem>>)
      %dma_wait3A = arith.constant 0 : i32
      %dma_wait3A_126 = arith.constant 0 : i32
      %dma_wait3A_127 = tpu.memref_slice %arg8[%run_scoped3A, %dma_wait3A, %dma_wait3A_126] : memref<2x125x128xf32, #tpu.memory_space<vmem>> -> memref<1x125x128xf32, #tpu.memory_space<vmem>>
      %dma_wait3A_128 = tpu.memref_squeeze %dma_wait3A_127 : memref<1x125x128xf32, #tpu.memory_space<vmem>> -> memref<125x128xf32, #tpu.memory_space<vmem>>
      %dma_wait3A_129 = arith.constant 0 : i32
      %dma_wait3A_130 = arith.constant 0 : i32
      %dma_wait3A_131 = tpu.memref_slice %dma_wait3A_128[%dma_wait3A_129, %dma_wait3A_130] : memref<125x128xf32, #tpu.memory_space<vmem>> -> memref<80x128xf32, #tpu.memory_space<vmem>>
      %dma_wait3A_132 = arith.constant 0 : i32
      %dma_wait3A_133 = tpu.memref_slice %arg9[%add3A_7, %dma_wait3A_132] : memref<10240x128xf32, #tpu.memory_space<vmem_shared>> -> memref<80x128xf32, #tpu.memory_space<vmem_shared>>
      %dma_wait3A_134 = arith.constant 0 : i32
      %dma_wait3A_135 = tpu.memref_slice %arg9[%add3A_7, %dma_wait3A_134] : memref<10240x128xf32, #tpu.memory_space<vmem_shared>> -> memref<80x128xf32, #tpu.memory_space<vmem_shared>>
      %dma_wait3A_136 = arith.constant 0 : i32
      %dma_wait3A_137 = arith.constant 0 : i32
      %dma_wait3A_138 = tpu.memref_slice %arg8[%run_scoped3A, %dma_wait3A_136, %dma_wait3A_137] : memref<2x125x128xf32, #tpu.memory_space<vmem>> -> memref<1x125x128xf32, #tpu.memory_space<vmem>>
      %dma_wait3A_139 = tpu.memref_squeeze %dma_wait3A_138 : memref<1x125x128xf32, #tpu.memory_space<vmem>> -> memref<125x128xf32, #tpu.memory_space<vmem>>
      %dma_wait3A_140 = arith.constant 0 : i32
      %dma_wait3A_141 = arith.constant 0 : i32
      %dma_wait3A_142 = tpu.memref_slice %dma_wait3A_139[%dma_wait3A_140, %dma_wait3A_141] : memref<125x128xf32, #tpu.memory_space<vmem>> -> memref<80x128xf32, #tpu.memory_space<vmem>>
      tpu.wait_dma2 semaphore(%run_scoped3A_107 : memref<!tpu.dma_semaphore, #tpu.memory_space<semaphore_mem>>) src(%dma_wait3A_142 : memref<80x128xf32, #tpu.memory_space<vmem>>) dst(%dma_wait3A_135 : memref<80x128xf32, #tpu.memory_space<vmem_shared>>)
      tpu.yield
    }) : () -> ()
    %mul3A_8 = arith.constant 640 : i32
    %mul3A_9 = arith.muli %arg1, %mul3A_8 : i32
    %add3A_10 = arith.constant 80 : i32
    %add3A_11 = arith.addi %mul3A_9, %add3A_10 : i32
    %run_scoped3A_12 = arith.constant 0 : i32
    "tpu.region"() ({
      %run_scoped3A_107 = tpu.sem_alloc : memref<!tpu.dma_semaphore, #tpu.memory_space<semaphore_mem>>
      %dma_start3A_108 = arith.constant 0 : i32
      %dma_start3A_109 = arith.constant 0 : i32
      %dma_start3A_110 = tpu.memref_slice %arg8[%run_scoped3A_12, %dma_start3A_108, %dma_start3A_109] : memref<2x125x128xf32, #tpu.memory_space<vmem>> -> memref<1x125x128xf32, #tpu.memory_space<vmem>>
      %dma_start3A_111 = tpu.memref_squeeze %dma_start3A_110 : memref<1x125x128xf32, #tpu.memory_space<vmem>> -> memref<125x128xf32, #tpu.memory_space<vmem>>
      %dma_start3A_112 = arith.constant 0 : i32
      %dma_start3A_113 = arith.constant 0 : i32
      %dma_start3A_114 = tpu.memref_slice %dma_start3A_111[%dma_start3A_112, %dma_start3A_113] : memref<125x128xf32, #tpu.memory_space<vmem>> -> memref<80x128xf32, #tpu.memory_space<vmem>>
      %dma_start3A_115 = arith.constant 0 : i32
      %dma_start3A_116 = tpu.memref_slice %arg9[%add3A_11, %dma_start3A_115] : memref<10240x128xf32, #tpu.memory_space<vmem_shared>> -> memref<80x128xf32, #tpu.memory_space<vmem_shared>>
      %dma_start3A_117 = arith.constant 0 : i32
      %dma_start3A_118 = tpu.memref_slice %arg9[%add3A_11, %dma_start3A_117] : memref<10240x128xf32, #tpu.memory_space<vmem_shared>> -> memref<80x128xf32, #tpu.memory_space<vmem_shared>>
      %dma_start3A_119 = arith.constant 0 : i32
      %dma_start3A_120 = arith.constant 0 : i32
      %dma_start3A_121 = tpu.memref_slice %arg8[%run_scoped3A_12, %dma_start3A_119, %dma_start3A_120] : memref<2x125x128xf32, #tpu.memory_space<vmem>> -> memref<1x125x128xf32, #tpu.memory_space<vmem>>
      %dma_start3A_122 = tpu.memref_squeeze %dma_start3A_121 : memref<1x125x128xf32, #tpu.memory_space<vmem>> -> memref<125x128xf32, #tpu.memory_space<vmem>>
      %dma_start3A_123 = arith.constant 0 : i32
      %dma_start3A_124 = arith.constant 0 : i32
      %dma_start3A_125 = tpu.memref_slice %dma_start3A_122[%dma_start3A_123, %dma_start3A_124] : memref<125x128xf32, #tpu.memory_space<vmem>> -> memref<80x128xf32, #tpu.memory_space<vmem>>
      tpu.enqueue_dma source(%dma_start3A_125 : memref<80x128xf32, #tpu.memory_space<vmem>>) target(%dma_start3A_118 : memref<80x128xf32, #tpu.memory_space<vmem_shared>>) target_semaphore(%run_scoped3A_107 : memref<!tpu.dma_semaphore, #tpu.memory_space<semaphore_mem>>)
      %dma_wait3A = arith.constant 0 : i32
      %dma_wait3A_126 = arith.constant 0 : i32
      %dma_wait3A_127 = tpu.memref_slice %arg8[%run_scoped3A_12, %dma_wait3A, %dma_wait3A_126] : memref<2x125x128xf32, #tpu.memory_space<vmem>> -> memref<1x125x128xf32, #tpu.memory_space<vmem>>
      %dma_wait3A_128 = tpu.memref_squeeze %dma_wait3A_127 : memref<1x125x128xf32, #tpu.memory_space<vmem>> -> memref<125x128xf32, #tpu.memory_space<vmem>>
      %dma_wait3A_129 = arith.constant 0 : i32
      %dma_wait3A_130 = arith.constant 0 : i32
      %dma_wait3A_131 = tpu.memref_slice %dma_wait3A_128[%dma_wait3A_129, %dma_wait3A_130] : memref<125x128xf32, #tpu.memory_space<vmem>> -> memref<80x128xf32, #tpu.memory_space<vmem>>
      %dma_wait3A_132 = arith.constant 0 : i32
      %dma_wait3A_133 = tpu.memref_slice %arg9[%add3A_11, %dma_wait3A_132] : memref<10240x128xf32, #tpu.memory_space<vmem_shared>> -> memref<80x128xf32, #tpu.memory_space<vmem_shared>>
      %dma_wait3A_134 = arith.constant 0 : i32
      %dma_wait3A_135 = tpu.memref_slice %arg9[%add3A_11, %dma_wait3A_134] : memref<10240x128xf32, #tpu.memory_space<vmem_shared>> -> memref<80x128xf32, #tpu.memory_space<vmem_shared>>
      %dma_wait3A_136 = arith.constant 0 : i32
      %dma_wait3A_137 = arith.constant 0 : i32
      %dma_wait3A_138 = tpu.memref_slice %arg8[%run_scoped3A_12, %dma_wait3A_136, %dma_wait3A_137] : memref<2x125x128xf32, #tpu.memory_space<vmem>> -> memref<1x125x128xf32, #tpu.memory_space<vmem>>
      %dma_wait3A_139 = tpu.memref_squeeze %dma_wait3A_138 : memref<1x125x128xf32, #tpu.memory_space<vmem>> -> memref<125x128xf32, #tpu.memory_space<vmem>>
      %dma_wait3A_140 = arith.constant 0 : i32
      %dma_wait3A_141 = arith.constant 0 : i32
      %dma_wait3A_142 = tpu.memref_slice %dma_wait3A_139[%dma_wait3A_140, %dma_wait3A_141] : memref<125x128xf32, #tpu.memory_space<vmem>> -> memref<80x128xf32, #tpu.memory_space<vmem>>
      tpu.wait_dma2 semaphore(%run_scoped3A_107 : memref<!tpu.dma_semaphore, #tpu.memory_space<semaphore_mem>>) src(%dma_wait3A_142 : memref<80x128xf32, #tpu.memory_space<vmem>>) dst(%dma_wait3A_135 : memref<80x128xf32, #tpu.memory_space<vmem_shared>>)
      tpu.yield
    }) : () -> ()
    %mul3A_13 = arith.constant 640 : i32
    %mul3A_14 = arith.muli %arg1, %mul3A_13 : i32
    %add3A_15 = arith.constant 160 : i32
    %add3A_16 = arith.addi %mul3A_14, %add3A_15 : i32
    %run_scoped3A_17 = arith.constant 0 : i32
    "tpu.region"() ({
      %run_scoped3A_107 = tpu.sem_alloc : memref<!tpu.dma_semaphore, #tpu.memory_space<semaphore_mem>>
      %dma_start3A_108 = arith.constant 0 : i32
      %dma_start3A_109 = arith.constant 0 : i32
      %dma_start3A_110 = tpu.memref_slice %arg8[%run_scoped3A_17, %dma_start3A_108, %dma_start3A_109] : memref<2x125x128xf32, #tpu.memory_space<vmem>> -> memref<1x125x128xf32, #tpu.memory_space<vmem>>
      %dma_start3A_111 = tpu.memref_squeeze %dma_start3A_110 : memref<1x125x128xf32, #tpu.memory_space<vmem>> -> memref<125x128xf32, #tpu.memory_space<vmem>>
      %dma_start3A_112 = arith.constant 0 : i32
      %dma_start3A_113 = arith.constant 0 : i32
      %dma_start3A_114 = tpu.memref_slice %dma_start3A_111[%dma_start3A_112, %dma_start3A_113] : memref<125x128xf32, #tpu.memory_space<vmem>> -> memref<80x128xf32, #tpu.memory_space<vmem>>
      %dma_start3A_115 = arith.constant 0 : i32
      %dma_start3A_116 = tpu.memref_slice %arg9[%add3A_16, %dma_start3A_115] : memref<10240x128xf32, #tpu.memory_space<vmem_shared>> -> memref<80x128xf32, #tpu.memory_space<vmem_shared>>
      %dma_start3A_117 = arith.constant 0 : i32
      %dma_start3A_118 = tpu.memref_slice %arg9[%add3A_16, %dma_start3A_117] : memref<10240x128xf32, #tpu.memory_space<vmem_shared>> -> memref<80x128xf32, #tpu.memory_space<vmem_shared>>
      %dma_start3A_119 = arith.constant 0 : i32
      %dma_start3A_120 = arith.constant 0 : i32
      %dma_start3A_121 = tpu.memref_slice %arg8[%run_scoped3A_17, %dma_start3A_119, %dma_start3A_120] : memref<2x125x128xf32, #tpu.memory_space<vmem>> -> memref<1x125x128xf32, #tpu.memory_space<vmem>>
      %dma_start3A_122 = tpu.memref_squeeze %dma_start3A_121 : memref<1x125x128xf32, #tpu.memory_space<vmem>> -> memref<125x128xf32, #tpu.memory_space<vmem>>
      %dma_start3A_123 = arith.constant 0 : i32
      %dma_start3A_124 = arith.constant 0 : i32
      %dma_start3A_125 = tpu.memref_slice %dma_start3A_122[%dma_start3A_123, %dma_start3A_124] : memref<125x128xf32, #tpu.memory_space<vmem>> -> memref<80x128xf32, #tpu.memory_space<vmem>>
      tpu.enqueue_dma source(%dma_start3A_125 : memref<80x128xf32, #tpu.memory_space<vmem>>) target(%dma_start3A_118 : memref<80x128xf32, #tpu.memory_space<vmem_shared>>) target_semaphore(%run_scoped3A_107 : memref<!tpu.dma_semaphore, #tpu.memory_space<semaphore_mem>>)
      %dma_wait3A = arith.constant 0 : i32
      %dma_wait3A_126 = arith.constant 0 : i32
      %dma_wait3A_127 = tpu.memref_slice %arg8[%run_scoped3A_17, %dma_wait3A, %dma_wait3A_126] : memref<2x125x128xf32, #tpu.memory_space<vmem>> -> memref<1x125x128xf32, #tpu.memory_space<vmem>>
      %dma_wait3A_128 = tpu.memref_squeeze %dma_wait3A_127 : memref<1x125x128xf32, #tpu.memory_space<vmem>> -> memref<125x128xf32, #tpu.memory_space<vmem>>
      %dma_wait3A_129 = arith.constant 0 : i32
      %dma_wait3A_130 = arith.constant 0 : i32
      %dma_wait3A_131 = tpu.memref_slice %dma_wait3A_128[%dma_wait3A_129, %dma_wait3A_130] : memref<125x128xf32, #tpu.memory_space<vmem>> -> memref<80x128xf32, #tpu.memory_space<vmem>>
      %dma_wait3A_132 = arith.constant 0 : i32
      %dma_wait3A_133 = tpu.memref_slice %arg9[%add3A_16, %dma_wait3A_132] : memref<10240x128xf32, #tpu.memory_space<vmem_shared>> -> memref<80x128xf32, #tpu.memory_space<vmem_shared>>
      %dma_wait3A_134 = arith.constant 0 : i32
      %dma_wait3A_135 = tpu.memref_slice %arg9[%add3A_16, %dma_wait3A_134] : memref<10240x128xf32, #tpu.memory_space<vmem_shared>> -> memref<80x128xf32, #tpu.memory_space<vmem_shared>>
      %dma_wait3A_136 = arith.constant 0 : i32
      %dma_wait3A_137 = arith.constant 0 : i32
      %dma_wait3A_138 = tpu.memref_slice %arg8[%run_scoped3A_17, %dma_wait3A_136, %dma_wait3A_137] : memref<2x125x128xf32, #tpu.memory_space<vmem>> -> memref<1x125x128xf32, #tpu.memory_space<vmem>>
      %dma_wait3A_139 = tpu.memref_squeeze %dma_wait3A_138 : memref<1x125x128xf32, #tpu.memory_space<vmem>> -> memref<125x128xf32, #tpu.memory_space<vmem>>
      %dma_wait3A_140 = arith.constant 0 : i32
      %dma_wait3A_141 = arith.constant 0 : i32
      %dma_wait3A_142 = tpu.memref_slice %dma_wait3A_139[%dma_wait3A_140, %dma_wait3A_141] : memref<125x128xf32, #tpu.memory_space<vmem>> -> memref<80x128xf32, #tpu.memory_space<vmem>>
      tpu.wait_dma2 semaphore(%run_scoped3A_107 : memref<!tpu.dma_semaphore, #tpu.memory_space<semaphore_mem>>) src(%dma_wait3A_142 : memref<80x128xf32, #tpu.memory_space<vmem>>) dst(%dma_wait3A_135 : memref<80x128xf32, #tpu.memory_space<vmem_shared>>)
      tpu.yield
    }) : () -> ()
    %mul3A_18 = arith.constant 640 : i32
    %mul3A_19 = arith.muli %arg1, %mul3A_18 : i32
    %add3A_20 = arith.constant 240 : i32
    %add3A_21 = arith.addi %mul3A_19, %add3A_20 : i32
    %run_scoped3A_22 = arith.constant 0 : i32
    "tpu.region"() ({
      %run_scoped3A_107 = tpu.sem_alloc : memref<!tpu.dma_semaphore, #tpu.memory_space<semaphore_mem>>
      %dma_start3A_108 = arith.constant 0 : i32
      %dma_start3A_109 = arith.constant 0 : i32
      %dma_start3A_110 = tpu.memref_slice %arg8[%run_scoped3A_22, %dma_start3A_108, %dma_start3A_109] : memref<2x125x128xf32, #tpu.memory_space<vmem>> -> memref<1x125x128xf32, #tpu.memory_space<vmem>>
      %dma_start3A_111 = tpu.memref_squeeze %dma_start3A_110 : memref<1x125x128xf32, #tpu.memory_space<vmem>> -> memref<125x128xf32, #tpu.memory_space<vmem>>
      %dma_start3A_112 = arith.constant 0 : i32
      %dma_start3A_113 = arith.constant 0 : i32
      %dma_start3A_114 = tpu.memref_slice %dma_start3A_111[%dma_start3A_112, %dma_start3A_113] : memref<125x128xf32, #tpu.memory_space<vmem>> -> memref<80x128xf32, #tpu.memory_space<vmem>>
      %dma_start3A_115 = arith.constant 0 : i32
      %dma_start3A_116 = tpu.memref_slice %arg9[%add3A_21, %dma_start3A_115] : memref<10240x128xf32, #tpu.memory_space<vmem_shared>> -> memref<80x128xf32, #tpu.memory_space<vmem_shared>>
      %dma_start3A_117 = arith.constant 0 : i32
      %dma_start3A_118 = tpu.memref_slice %arg9[%add3A_21, %dma_start3A_117] : memref<10240x128xf32, #tpu.memory_space<vmem_shared>> -> memref<80x128xf32, #tpu.memory_space<vmem_shared>>
      %dma_start3A_119 = arith.constant 0 : i32
      %dma_start3A_120 = arith.constant 0 : i32
      %dma_start3A_121 = tpu.memref_slice %arg8[%run_scoped3A_22, %dma_start3A_119, %dma_start3A_120] : memref<2x125x128xf32, #tpu.memory_space<vmem>> -> memref<1x125x128xf32, #tpu.memory_space<vmem>>
      %dma_start3A_122 = tpu.memref_squeeze %dma_start3A_121 : memref<1x125x128xf32, #tpu.memory_space<vmem>> -> memref<125x128xf32, #tpu.memory_space<vmem>>
      %dma_start3A_123 = arith.constant 0 : i32
      %dma_start3A_124 = arith.constant 0 : i32
      %dma_start3A_125 = tpu.memref_slice %dma_start3A_122[%dma_start3A_123, %dma_start3A_124] : memref<125x128xf32, #tpu.memory_space<vmem>> -> memref<80x128xf32, #tpu.memory_space<vmem>>
      tpu.enqueue_dma source(%dma_start3A_125 : memref<80x128xf32, #tpu.memory_space<vmem>>) target(%dma_start3A_118 : memref<80x128xf32, #tpu.memory_space<vmem_shared>>) target_semaphore(%run_scoped3A_107 : memref<!tpu.dma_semaphore, #tpu.memory_space<semaphore_mem>>)
      %dma_wait3A = arith.constant 0 : i32
      %dma_wait3A_126 = arith.constant 0 : i32
      %dma_wait3A_127 = tpu.memref_slice %arg8[%run_scoped3A_22, %dma_wait3A, %dma_wait3A_126] : memref<2x125x128xf32, #tpu.memory_space<vmem>> -> memref<1x125x128xf32, #tpu.memory_space<vmem>>
      %dma_wait3A_128 = tpu.memref_squeeze %dma_wait3A_127 : memref<1x125x128xf32, #tpu.memory_space<vmem>> -> memref<125x128xf32, #tpu.memory_space<vmem>>
      %dma_wait3A_129 = arith.constant 0 : i32
      %dma_wait3A_130 = arith.constant 0 : i32
      %dma_wait3A_131 = tpu.memref_slice %dma_wait3A_128[%dma_wait3A_129, %dma_wait3A_130] : memref<125x128xf32, #tpu.memory_space<vmem>> -> memref<80x128xf32, #tpu.memory_space<vmem>>
      %dma_wait3A_132 = arith.constant 0 : i32
      %dma_wait3A_133 = tpu.memref_slice %arg9[%add3A_21, %dma_wait3A_132] : memref<10240x128xf32, #tpu.memory_space<vmem_shared>> -> memref<80x128xf32, #tpu.memory_space<vmem_shared>>
      %dma_wait3A_134 = arith.constant 0 : i32
      %dma_wait3A_135 = tpu.memref_slice %arg9[%add3A_21, %dma_wait3A_134] : memref<10240x128xf32, #tpu.memory_space<vmem_shared>> -> memref<80x128xf32, #tpu.memory_space<vmem_shared>>
      %dma_wait3A_136 = arith.constant 0 : i32
      %dma_wait3A_137 = arith.constant 0 : i32
      %dma_wait3A_138 = tpu.memref_slice %arg8[%run_scoped3A_22, %dma_wait3A_136, %dma_wait3A_137] : memref<2x125x128xf32, #tpu.memory_space<vmem>> -> memref<1x125x128xf32, #tpu.memory_space<vmem>>
      %dma_wait3A_139 = tpu.memref_squeeze %dma_wait3A_138 : memref<1x125x128xf32, #tpu.memory_space<vmem>> -> memref<125x128xf32, #tpu.memory_space<vmem>>
      %dma_wait3A_140 = arith.constant 0 : i32
      %dma_wait3A_141 = arith.constant 0 : i32
      %dma_wait3A_142 = tpu.memref_slice %dma_wait3A_139[%dma_wait3A_140, %dma_wait3A_141] : memref<125x128xf32, #tpu.memory_space<vmem>> -> memref<80x128xf32, #tpu.memory_space<vmem>>
      tpu.wait_dma2 semaphore(%run_scoped3A_107 : memref<!tpu.dma_semaphore, #tpu.memory_space<semaphore_mem>>) src(%dma_wait3A_142 : memref<80x128xf32, #tpu.memory_space<vmem>>) dst(%dma_wait3A_135 : memref<80x128xf32, #tpu.memory_space<vmem_shared>>)
      tpu.yield
    }) : () -> ()
    %mul3A_23 = arith.constant 640 : i32
    %mul3A_24 = arith.muli %arg1, %mul3A_23 : i32
    %add3A_25 = arith.constant 320 : i32
    %add3A_26 = arith.addi %mul3A_24, %add3A_25 : i32
    %run_scoped3A_27 = arith.constant 0 : i32
    "tpu.region"() ({
      %run_scoped3A_107 = tpu.sem_alloc : memref<!tpu.dma_semaphore, #tpu.memory_space<semaphore_mem>>
      %dma_start3A_108 = arith.constant 0 : i32
      %dma_start3A_109 = arith.constant 0 : i32
      %dma_start3A_110 = tpu.memref_slice %arg8[%run_scoped3A_27, %dma_start3A_108, %dma_start3A_109] : memref<2x125x128xf32, #tpu.memory_space<vmem>> -> memref<1x125x128xf32, #tpu.memory_space<vmem>>
      %dma_start3A_111 = tpu.memref_squeeze %dma_start3A_110 : memref<1x125x128xf32, #tpu.memory_space<vmem>> -> memref<125x128xf32, #tpu.memory_space<vmem>>
      %dma_start3A_112 = arith.constant 0 : i32
      %dma_start3A_113 = arith.constant 0 : i32
      %dma_start3A_114 = tpu.memref_slice %dma_start3A_111[%dma_start3A_112, %dma_start3A_113] : memref<125x128xf32, #tpu.memory_space<vmem>> -> memref<80x128xf32, #tpu.memory_space<vmem>>
      %dma_start3A_115 = arith.constant 0 : i32
      %dma_start3A_116 = tpu.memref_slice %arg9[%add3A_26, %dma_start3A_115] : memref<10240x128xf32, #tpu.memory_space<vmem_shared>> -> memref<80x128xf32, #tpu.memory_space<vmem_shared>>
      %dma_start3A_117 = arith.constant 0 : i32
      %dma_start3A_118 = tpu.memref_slice %arg9[%add3A_26, %dma_start3A_117] : memref<10240x128xf32, #tpu.memory_space<vmem_shared>> -> memref<80x128xf32, #tpu.memory_space<vmem_shared>>
      %dma_start3A_119 = arith.constant 0 : i32
      %dma_start3A_120 = arith.constant 0 : i32
      %dma_start3A_121 = tpu.memref_slice %arg8[%run_scoped3A_27, %dma_start3A_119, %dma_start3A_120] : memref<2x125x128xf32, #tpu.memory_space<vmem>> -> memref<1x125x128xf32, #tpu.memory_space<vmem>>
      %dma_start3A_122 = tpu.memref_squeeze %dma_start3A_121 : memref<1x125x128xf32, #tpu.memory_space<vmem>> -> memref<125x128xf32, #tpu.memory_space<vmem>>
      %dma_start3A_123 = arith.constant 0 : i32
      %dma_start3A_124 = arith.constant 0 : i32
      %dma_start3A_125 = tpu.memref_slice %dma_start3A_122[%dma_start3A_123, %dma_start3A_124] : memref<125x128xf32, #tpu.memory_space<vmem>> -> memref<80x128xf32, #tpu.memory_space<vmem>>
      tpu.enqueue_dma source(%dma_start3A_125 : memref<80x128xf32, #tpu.memory_space<vmem>>) target(%dma_start3A_118 : memref<80x128xf32, #tpu.memory_space<vmem_shared>>) target_semaphore(%run_scoped3A_107 : memref<!tpu.dma_semaphore, #tpu.memory_space<semaphore_mem>>)
      %dma_wait3A = arith.constant 0 : i32
      %dma_wait3A_126 = arith.constant 0 : i32
      %dma_wait3A_127 = tpu.memref_slice %arg8[%run_scoped3A_27, %dma_wait3A, %dma_wait3A_126] : memref<2x125x128xf32, #tpu.memory_space<vmem>> -> memref<1x125x128xf32, #tpu.memory_space<vmem>>
      %dma_wait3A_128 = tpu.memref_squeeze %dma_wait3A_127 : memref<1x125x128xf32, #tpu.memory_space<vmem>> -> memref<125x128xf32, #tpu.memory_space<vmem>>
      %dma_wait3A_129 = arith.constant 0 : i32
      %dma_wait3A_130 = arith.constant 0 : i32
      %dma_wait3A_131 = tpu.memref_slice %dma_wait3A_128[%dma_wait3A_129, %dma_wait3A_130] : memref<125x128xf32, #tpu.memory_space<vmem>> -> memref<80x128xf32, #tpu.memory_space<vmem>>
      %dma_wait3A_132 = arith.constant 0 : i32
      %dma_wait3A_133 = tpu.memref_slice %arg9[%add3A_26, %dma_wait3A_132] : memref<10240x128xf32, #tpu.memory_space<vmem_shared>> -> memref<80x128xf32, #tpu.memory_space<vmem_shared>>
      %dma_wait3A_134 = arith.constant 0 : i32
      %dma_wait3A_135 = tpu.memref_slice %arg9[%add3A_26, %dma_wait3A_134] : memref<10240x128xf32, #tpu.memory_space<vmem_shared>> -> memref<80x128xf32, #tpu.memory_space<vmem_shared>>
      %dma_wait3A_136 = arith.constant 0 : i32
      %dma_wait3A_137 = arith.constant 0 : i32
      %dma_wait3A_138 = tpu.memref_slice %arg8[%run_scoped3A_27, %dma_wait3A_136, %dma_wait3A_137] : memref<2x125x128xf32, #tpu.memory_space<vmem>> -> memref<1x125x128xf32, #tpu.memory_space<vmem>>
      %dma_wait3A_139 = tpu.memref_squeeze %dma_wait3A_138 : memref<1x125x128xf32, #tpu.memory_space<vmem>> -> memref<125x128xf32, #tpu.memory_space<vmem>>
      %dma_wait3A_140 = arith.constant 0 : i32
      %dma_wait3A_141 = arith.constant 0 : i32
      %dma_wait3A_142 = tpu.memref_slice %dma_wait3A_139[%dma_wait3A_140, %dma_wait3A_141] : memref<125x128xf32, #tpu.memory_space<vmem>> -> memref<80x128xf32, #tpu.memory_space<vmem>>
      tpu.wait_dma2 semaphore(%run_scoped3A_107 : memref<!tpu.dma_semaphore, #tpu.memory_space<semaphore_mem>>) src(%dma_wait3A_142 : memref<80x128xf32, #tpu.memory_space<vmem>>) dst(%dma_wait3A_135 : memref<80x128xf32, #tpu.memory_space<vmem_shared>>)
      tpu.yield
    }) : () -> ()
    %mul3A_28 = arith.constant 640 : i32
    %mul3A_29 = arith.muli %arg1, %mul3A_28 : i32
    %add3A_30 = arith.constant 400 : i32
    %add3A_31 = arith.addi %mul3A_29, %add3A_30 : i32
    %run_scoped3A_32 = arith.constant 0 : i32
    "tpu.region"() ({
      %run_scoped3A_107 = tpu.sem_alloc : memref<!tpu.dma_semaphore, #tpu.memory_space<semaphore_mem>>
      %dma_start3A_108 = arith.constant 0 : i32
      %dma_start3A_109 = arith.constant 0 : i32
      %dma_start3A_110 = tpu.memref_slice %arg8[%run_scoped3A_32, %dma_start3A_108, %dma_start3A_109] : memref<2x125x128xf32, #tpu.memory_space<vmem>> -> memref<1x125x128xf32, #tpu.memory_space<vmem>>
      %dma_start3A_111 = tpu.memref_squeeze %dma_start3A_110 : memref<1x125x128xf32, #tpu.memory_space<vmem>> -> memref<125x128xf32, #tpu.memory_space<vmem>>
      %dma_start3A_112 = arith.constant 0 : i32
      %dma_start3A_113 = arith.constant 0 : i32
      %dma_start3A_114 = tpu.memref_slice %dma_start3A_111[%dma_start3A_112, %dma_start3A_113] : memref<125x128xf32, #tpu.memory_space<vmem>> -> memref<80x128xf32, #tpu.memory_space<vmem>>
      %dma_start3A_115 = arith.constant 0 : i32
      %dma_start3A_116 = tpu.memref_slice %arg9[%add3A_31, %dma_start3A_115] : memref<10240x128xf32, #tpu.memory_space<vmem_shared>> -> memref<80x128xf32, #tpu.memory_space<vmem_shared>>
      %dma_start3A_117 = arith.constant 0 : i32
      %dma_start3A_118 = tpu.memref_slice %arg9[%add3A_31, %dma_start3A_117] : memref<10240x128xf32, #tpu.memory_space<vmem_shared>> -> memref<80x128xf32, #tpu.memory_space<vmem_shared>>
      %dma_start3A_119 = arith.constant 0 : i32
      %dma_start3A_120 = arith.constant 0 : i32
      %dma_start3A_121 = tpu.memref_slice %arg8[%run_scoped3A_32, %dma_start3A_119, %dma_start3A_120] : memref<2x125x128xf32, #tpu.memory_space<vmem>> -> memref<1x125x128xf32, #tpu.memory_space<vmem>>
      %dma_start3A_122 = tpu.memref_squeeze %dma_start3A_121 : memref<1x125x128xf32, #tpu.memory_space<vmem>> -> memref<125x128xf32, #tpu.memory_space<vmem>>
      %dma_start3A_123 = arith.constant 0 : i32
      %dma_start3A_124 = arith.constant 0 : i32
      %dma_start3A_125 = tpu.memref_slice %dma_start3A_122[%dma_start3A_123, %dma_start3A_124] : memref<125x128xf32, #tpu.memory_space<vmem>> -> memref<80x128xf32, #tpu.memory_space<vmem>>
      tpu.enqueue_dma source(%dma_start3A_125 : memref<80x128xf32, #tpu.memory_space<vmem>>) target(%dma_start3A_118 : memref<80x128xf32, #tpu.memory_space<vmem_shared>>) target_semaphore(%run_scoped3A_107 : memref<!tpu.dma_semaphore, #tpu.memory_space<semaphore_mem>>)
      %dma_wait3A = arith.constant 0 : i32
      %dma_wait3A_126 = arith.constant 0 : i32
      %dma_wait3A_127 = tpu.memref_slice %arg8[%run_scoped3A_32, %dma_wait3A, %dma_wait3A_126] : memref<2x125x128xf32, #tpu.memory_space<vmem>> -> memref<1x125x128xf32, #tpu.memory_space<vmem>>
      %dma_wait3A_128 = tpu.memref_squeeze %dma_wait3A_127 : memref<1x125x128xf32, #tpu.memory_space<vmem>> -> memref<125x128xf32, #tpu.memory_space<vmem>>
      %dma_wait3A_129 = arith.constant 0 : i32
      %dma_wait3A_130 = arith.constant 0 : i32
      %dma_wait3A_131 = tpu.memref_slice %dma_wait3A_128[%dma_wait3A_129, %dma_wait3A_130] : memref<125x128xf32, #tpu.memory_space<vmem>> -> memref<80x128xf32, #tpu.memory_space<vmem>>
      %dma_wait3A_132 = arith.constant 0 : i32
      %dma_wait3A_133 = tpu.memref_slice %arg9[%add3A_31, %dma_wait3A_132] : memref<10240x128xf32, #tpu.memory_space<vmem_shared>> -> memref<80x128xf32, #tpu.memory_space<vmem_shared>>
      %dma_wait3A_134 = arith.constant 0 : i32
      %dma_wait3A_135 = tpu.memref_slice %arg9[%add3A_31, %dma_wait3A_134] : memref<10240x128xf32, #tpu.memory_space<vmem_shared>> -> memref<80x128xf32, #tpu.memory_space<vmem_shared>>
      %dma_wait3A_136 = arith.constant 0 : i32
      %dma_wait3A_137 = arith.constant 0 : i32
      %dma_wait3A_138 = tpu.memref_slice %arg8[%run_scoped3A_32, %dma_wait3A_136, %dma_wait3A_137] : memref<2x125x128xf32, #tpu.memory_space<vmem>> -> memref<1x125x128xf32, #tpu.memory_space<vmem>>
      %dma_wait3A_139 = tpu.memref_squeeze %dma_wait3A_138 : memref<1x125x128xf32, #tpu.memory_space<vmem>> -> memref<125x128xf32, #tpu.memory_space<vmem>>
      %dma_wait3A_140 = arith.constant 0 : i32
      %dma_wait3A_141 = arith.constant 0 : i32
      %dma_wait3A_142 = tpu.memref_slice %dma_wait3A_139[%dma_wait3A_140, %dma_wait3A_141] : memref<125x128xf32, #tpu.memory_space<vmem>> -> memref<80x128xf32, #tpu.memory_space<vmem>>
      tpu.wait_dma2 semaphore(%run_scoped3A_107 : memref<!tpu.dma_semaphore, #tpu.memory_space<semaphore_mem>>) src(%dma_wait3A_142 : memref<80x128xf32, #tpu.memory_space<vmem>>) dst(%dma_wait3A_135 : memref<80x128xf32, #tpu.memory_space<vmem_shared>>)
      tpu.yield
    }) : () -> ()
    %mul3A_33 = arith.constant 640 : i32
    %mul3A_34 = arith.muli %arg1, %mul3A_33 : i32
    %add3A_35 = arith.constant 480 : i32
    %add3A_36 = arith.addi %mul3A_34, %add3A_35 : i32
    %run_scoped3A_37 = arith.constant 0 : i32
    "tpu.region"() ({
      %run_scoped3A_107 = tpu.sem_alloc : memref<!tpu.dma_semaphore, #tpu.memory_space<semaphore_mem>>
      %dma_start3A_108 = arith.constant 0 : i32
      %dma_start3A_109 = arith.constant 0 : i32
      %dma_start3A_110 = tpu.memref_slice %arg8[%run_scoped3A_37, %dma_start3A_108, %dma_start3A_109] : memref<2x125x128xf32, #tpu.memory_space<vmem>> -> memref<1x125x128xf32, #tpu.memory_space<vmem>>
      %dma_start3A_111 = tpu.memref_squeeze %dma_start3A_110 : memref<1x125x128xf32, #tpu.memory_space<vmem>> -> memref<125x128xf32, #tpu.memory_space<vmem>>
      %dma_start3A_112 = arith.constant 0 : i32
      %dma_start3A_113 = arith.constant 0 : i32
      %dma_start3A_114 = tpu.memref_slice %dma_start3A_111[%dma_start3A_112, %dma_start3A_113] : memref<125x128xf32, #tpu.memory_space<vmem>> -> memref<80x128xf32, #tpu.memory_space<vmem>>
      %dma_start3A_115 = arith.constant 0 : i32
      %dma_start3A_116 = tpu.memref_slice %arg9[%add3A_36, %dma_start3A_115] : memref<10240x128xf32, #tpu.memory_space<vmem_shared>> -> memref<80x128xf32, #tpu.memory_space<vmem_shared>>
      %dma_start3A_117 = arith.constant 0 : i32
      %dma_start3A_118 = tpu.memref_slice %arg9[%add3A_36, %dma_start3A_117] : memref<10240x128xf32, #tpu.memory_space<vmem_shared>> -> memref<80x128xf32, #tpu.memory_space<vmem_shared>>
      %dma_start3A_119 = arith.constant 0 : i32
      %dma_start3A_120 = arith.constant 0 : i32
      %dma_start3A_121 = tpu.memref_slice %arg8[%run_scoped3A_37, %dma_start3A_119, %dma_start3A_120] : memref<2x125x128xf32, #tpu.memory_space<vmem>> -> memref<1x125x128xf32, #tpu.memory_space<vmem>>
      %dma_start3A_122 = tpu.memref_squeeze %dma_start3A_121 : memref<1x125x128xf32, #tpu.memory_space<vmem>> -> memref<125x128xf32, #tpu.memory_space<vmem>>
      %dma_start3A_123 = arith.constant 0 : i32
      %dma_start3A_124 = arith.constant 0 : i32
      %dma_start3A_125 = tpu.memref_slice %dma_start3A_122[%dma_start3A_123, %dma_start3A_124] : memref<125x128xf32, #tpu.memory_space<vmem>> -> memref<80x128xf32, #tpu.memory_space<vmem>>
      tpu.enqueue_dma source(%dma_start3A_125 : memref<80x128xf32, #tpu.memory_space<vmem>>) target(%dma_start3A_118 : memref<80x128xf32, #tpu.memory_space<vmem_shared>>) target_semaphore(%run_scoped3A_107 : memref<!tpu.dma_semaphore, #tpu.memory_space<semaphore_mem>>)
      %dma_wait3A = arith.constant 0 : i32
      %dma_wait3A_126 = arith.constant 0 : i32
      %dma_wait3A_127 = tpu.memref_slice %arg8[%run_scoped3A_37, %dma_wait3A, %dma_wait3A_126] : memref<2x125x128xf32, #tpu.memory_space<vmem>> -> memref<1x125x128xf32, #tpu.memory_space<vmem>>
      %dma_wait3A_128 = tpu.memref_squeeze %dma_wait3A_127 : memref<1x125x128xf32, #tpu.memory_space<vmem>> -> memref<125x128xf32, #tpu.memory_space<vmem>>
      %dma_wait3A_129 = arith.constant 0 : i32
      %dma_wait3A_130 = arith.constant 0 : i32
      %dma_wait3A_131 = tpu.memref_slice %dma_wait3A_128[%dma_wait3A_129, %dma_wait3A_130] : memref<125x128xf32, #tpu.memory_space<vmem>> -> memref<80x128xf32, #tpu.memory_space<vmem>>
      %dma_wait3A_132 = arith.constant 0 : i32
      %dma_wait3A_133 = tpu.memref_slice %arg9[%add3A_36, %dma_wait3A_132] : memref<10240x128xf32, #tpu.memory_space<vmem_shared>> -> memref<80x128xf32, #tpu.memory_space<vmem_shared>>
      %dma_wait3A_134 = arith.constant 0 : i32
      %dma_wait3A_135 = tpu.memref_slice %arg9[%add3A_36, %dma_wait3A_134] : memref<10240x128xf32, #tpu.memory_space<vmem_shared>> -> memref<80x128xf32, #tpu.memory_space<vmem_shared>>
      %dma_wait3A_136 = arith.constant 0 : i32
      %dma_wait3A_137 = arith.constant 0 : i32
      %dma_wait3A_138 = tpu.memref_slice %arg8[%run_scoped3A_37, %dma_wait3A_136, %dma_wait3A_137] : memref<2x125x128xf32, #tpu.memory_space<vmem>> -> memref<1x125x128xf32, #tpu.memory_space<vmem>>
      %dma_wait3A_139 = tpu.memref_squeeze %dma_wait3A_138 : memref<1x125x128xf32, #tpu.memory_space<vmem>> -> memref<125x128xf32, #tpu.memory_space<vmem>>
      %dma_wait3A_140 = arith.constant 0 : i32
      %dma_wait3A_141 = arith.constant 0 : i32
      %dma_wait3A_142 = tpu.memref_slice %dma_wait3A_139[%dma_wait3A_140, %dma_wait3A_141] : memref<125x128xf32, #tpu.memory_space<vmem>> -> memref<80x128xf32, #tpu.memory_space<vmem>>
      tpu.wait_dma2 semaphore(%run_scoped3A_107 : memref<!tpu.dma_semaphore, #tpu.memory_space<semaphore_mem>>) src(%dma_wait3A_142 : memref<80x128xf32, #tpu.memory_space<vmem>>) dst(%dma_wait3A_135 : memref<80x128xf32, #tpu.memory_space<vmem_shared>>)
      tpu.yield
    }) : () -> ()
    %mul3A_38 = arith.constant 640 : i32
    %mul3A_39 = arith.muli %arg1, %mul3A_38 : i32
    %add3A_40 = arith.constant 560 : i32
    %add3A_41 = arith.addi %mul3A_39, %add3A_40 : i32
    %run_scoped3A_42 = arith.constant 0 : i32
    "tpu.region"() ({
      %run_scoped3A_107 = tpu.sem_alloc : memref<!tpu.dma_semaphore, #tpu.memory_space<semaphore_mem>>
      %dma_start3A_108 = arith.constant 0 : i32
      %dma_start3A_109 = arith.constant 0 : i32
      %dma_start3A_110 = tpu.memref_slice %arg8[%run_scoped3A_42, %dma_start3A_108, %dma_start3A_109] : memref<2x125x128xf32, #tpu.memory_space<vmem>> -> memref<1x125x128xf32, #tpu.memory_space<vmem>>
      %dma_start3A_111 = tpu.memref_squeeze %dma_start3A_110 : memref<1x125x128xf32, #tpu.memory_space<vmem>> -> memref<125x128xf32, #tpu.memory_space<vmem>>
      %dma_start3A_112 = arith.constant 0 : i32
      %dma_start3A_113 = arith.constant 0 : i32
      %dma_start3A_114 = tpu.memref_slice %dma_start3A_111[%dma_start3A_112, %dma_start3A_113] : memref<125x128xf32, #tpu.memory_space<vmem>> -> memref<80x128xf32, #tpu.memory_space<vmem>>
      %dma_start3A_115 = arith.constant 0 : i32
      %dma_start3A_116 = tpu.memref_slice %arg9[%add3A_41, %dma_start3A_115] : memref<10240x128xf32, #tpu.memory_space<vmem_shared>> -> memref<80x128xf32, #tpu.memory_space<vmem_shared>>
      %dma_start3A_117 = arith.constant 0 : i32
      %dma_start3A_118 = tpu.memref_slice %arg9[%add3A_41, %dma_start3A_117] : memref<10240x128xf32, #tpu.memory_space<vmem_shared>> -> memref<80x128xf32, #tpu.memory_space<vmem_shared>>
      %dma_start3A_119 = arith.constant 0 : i32
      %dma_start3A_120 = arith.constant 0 : i32
      %dma_start3A_121 = tpu.memref_slice %arg8[%run_scoped3A_42, %dma_start3A_119, %dma_start3A_120] : memref<2x125x128xf32, #tpu.memory_space<vmem>> -> memref<1x125x128xf32, #tpu.memory_space<vmem>>
      %dma_start3A_122 = tpu.memref_squeeze %dma_start3A_121 : memref<1x125x128xf32, #tpu.memory_space<vmem>> -> memref<125x128xf32, #tpu.memory_space<vmem>>
      %dma_start3A_123 = arith.constant 0 : i32
      %dma_start3A_124 = arith.constant 0 : i32
      %dma_start3A_125 = tpu.memref_slice %dma_start3A_122[%dma_start3A_123, %dma_start3A_124] : memref<125x128xf32, #tpu.memory_space<vmem>> -> memref<80x128xf32, #tpu.memory_space<vmem>>
      tpu.enqueue_dma source(%dma_start3A_125 : memref<80x128xf32, #tpu.memory_space<vmem>>) target(%dma_start3A_118 : memref<80x128xf32, #tpu.memory_space<vmem_shared>>) target_semaphore(%run_scoped3A_107 : memref<!tpu.dma_semaphore, #tpu.memory_space<semaphore_mem>>)
      %dma_wait3A = arith.constant 0 : i32
      %dma_wait3A_126 = arith.constant 0 : i32
      %dma_wait3A_127 = tpu.memref_slice %arg8[%run_scoped3A_42, %dma_wait3A, %dma_wait3A_126] : memref<2x125x128xf32, #tpu.memory_space<vmem>> -> memref<1x125x128xf32, #tpu.memory_space<vmem>>
      %dma_wait3A_128 = tpu.memref_squeeze %dma_wait3A_127 : memref<1x125x128xf32, #tpu.memory_space<vmem>> -> memref<125x128xf32, #tpu.memory_space<vmem>>
      %dma_wait3A_129 = arith.constant 0 : i32
      %dma_wait3A_130 = arith.constant 0 : i32
      %dma_wait3A_131 = tpu.memref_slice %dma_wait3A_128[%dma_wait3A_129, %dma_wait3A_130] : memref<125x128xf32, #tpu.memory_space<vmem>> -> memref<80x128xf32, #tpu.memory_space<vmem>>
      %dma_wait3A_132 = arith.constant 0 : i32
      %dma_wait3A_133 = tpu.memref_slice %arg9[%add3A_41, %dma_wait3A_132] : memref<10240x128xf32, #tpu.memory_space<vmem_shared>> -> memref<80x128xf32, #tpu.memory_space<vmem_shared>>
      %dma_wait3A_134 = arith.constant 0 : i32
      %dma_wait3A_135 = tpu.memref_slice %arg9[%add3A_41, %dma_wait3A_134] : memref<10240x128xf32, #tpu.memory_space<vmem_shared>> -> memref<80x128xf32, #tpu.memory_space<vmem_shared>>
      %dma_wait3A_136 = arith.constant 0 : i32
      %dma_wait3A_137 = arith.constant 0 : i32
      %dma_wait3A_138 = tpu.memref_slice %arg8[%run_scoped3A_42, %dma_wait3A_136, %dma_wait3A_137] : memref<2x125x128xf32, #tpu.memory_space<vmem>> -> memref<1x125x128xf32, #tpu.memory_space<vmem>>
      %dma_wait3A_139 = tpu.memref_squeeze %dma_wait3A_138 : memref<1x125x128xf32, #tpu.memory_space<vmem>> -> memref<125x128xf32, #tpu.memory_space<vmem>>
      %dma_wait3A_140 = arith.constant 0 : i32
      %dma_wait3A_141 = arith.constant 0 : i32
      %dma_wait3A_142 = tpu.memref_slice %dma_wait3A_139[%dma_wait3A_140, %dma_wait3A_141] : memref<125x128xf32, #tpu.memory_space<vmem>> -> memref<80x128xf32, #tpu.memory_space<vmem>>
      tpu.wait_dma2 semaphore(%run_scoped3A_107 : memref<!tpu.dma_semaphore, #tpu.memory_space<semaphore_mem>>) src(%dma_wait3A_142 : memref<80x128xf32, #tpu.memory_space<vmem>>) dst(%dma_wait3A_135 : memref<80x128xf32, #tpu.memory_space<vmem_shared>>)
      tpu.yield
    }) : () -> ()
    %barrier3A = arith.constant 0 : index
    tpu.barrier barrier_id(%barrier3A)
    %mul3A_43 = arith.constant 80 : i32
    %mul3A_44 = arith.muli %arg1, %mul3A_43 : i32
    %add3A_45 = arith.constant 0 : i32
    %add3A_46 = arith.addi %mul3A_44, %add3A_45 : i32
    "tpu.region"() ({
      %run_scoped3A_107 = tpu.sem_alloc : memref<!tpu.dma_semaphore, #tpu.memory_space<semaphore_mem>>
      %dma_start3A_108 = arith.constant 0 : i32
      %dma_start3A_109 = tpu.memref_slice %arg3[%add3A_46, %dma_start3A_108] : memref<1280x125xi32, #tpu.memory_space<hbm>> -> memref<40x125xi32, #tpu.memory_space<hbm>>
      %dma_start3A_110 = arith.constant 0 : i32
      %dma_start3A_111 = tpu.memref_slice %arg3[%add3A_46, %dma_start3A_110] : memref<1280x125xi32, #tpu.memory_space<hbm>> -> memref<40x125xi32, #tpu.memory_space<hbm>>
      tpu.enqueue_dma source(%dma_start3A_111 : memref<40x125xi32, #tpu.memory_space<hbm>>) target(%arg6 : memref<40x125xi32, #tpu.memory_space<vmem>>) target_semaphore(%run_scoped3A_107 : memref<!tpu.dma_semaphore, #tpu.memory_space<semaphore_mem>>)
      %dma_wait3A = arith.constant 0 : i32
      %dma_wait3A_112 = tpu.memref_slice %arg3[%add3A_46, %dma_wait3A] : memref<1280x125xi32, #tpu.memory_space<hbm>> -> memref<40x125xi32, #tpu.memory_space<hbm>>
      %dma_wait3A_113 = arith.constant 0 : i32
      %dma_wait3A_114 = tpu.memref_slice %arg3[%add3A_46, %dma_wait3A_113] : memref<1280x125xi32, #tpu.memory_space<hbm>> -> memref<40x125xi32, #tpu.memory_space<hbm>>
      tpu.wait_dma2 semaphore(%run_scoped3A_107 : memref<!tpu.dma_semaphore, #tpu.memory_space<semaphore_mem>>) src(%dma_wait3A_114 : memref<40x125xi32, #tpu.memory_space<hbm>>) dst(%arg6 : memref<40x125xi32, #tpu.memory_space<vmem>>)
      tpu.yield
    }) : () -> ()
    "tpu.region"() ({
      %run_scoped3A_107 = tpu.sem_alloc : memref<!tpu.dma_semaphore, #tpu.memory_space<semaphore_mem>>
      %dma_start3A_108 = arith.constant 0 : i32
      %dma_start3A_109 = tpu.memref_slice %arg4[%add3A_46, %dma_start3A_108] : memref<1280x125xi32, #tpu.memory_space<hbm>> -> memref<40x125xi32, #tpu.memory_space<hbm>>
      %dma_start3A_110 = arith.constant 0 : i32
      %dma_start3A_111 = tpu.memref_slice %arg4[%add3A_46, %dma_start3A_110] : memref<1280x125xi32, #tpu.memory_space<hbm>> -> memref<40x125xi32, #tpu.memory_space<hbm>>
      tpu.enqueue_dma source(%dma_start3A_111 : memref<40x125xi32, #tpu.memory_space<hbm>>) target(%arg7 : memref<40x125xi32, #tpu.memory_space<vmem>>) target_semaphore(%run_scoped3A_107 : memref<!tpu.dma_semaphore, #tpu.memory_space<semaphore_mem>>)
      %dma_wait3A = arith.constant 0 : i32
      %dma_wait3A_112 = tpu.memref_slice %arg4[%add3A_46, %dma_wait3A] : memref<1280x125xi32, #tpu.memory_space<hbm>> -> memref<40x125xi32, #tpu.memory_space<hbm>>
      %dma_wait3A_113 = arith.constant 0 : i32
      %dma_wait3A_114 = tpu.memref_slice %arg4[%add3A_46, %dma_wait3A_113] : memref<1280x125xi32, #tpu.memory_space<hbm>> -> memref<40x125xi32, #tpu.memory_space<hbm>>
      tpu.wait_dma2 semaphore(%run_scoped3A_107 : memref<!tpu.dma_semaphore, #tpu.memory_space<semaphore_mem>>) src(%dma_wait3A_114 : memref<40x125xi32, #tpu.memory_space<hbm>>) dst(%arg7 : memref<40x125xi32, #tpu.memory_space<vmem>>)
      tpu.yield
    }) : () -> ()
    %dma_start3A = arith.constant 0 : i32
    %dma_start3A_47 = arith.constant 0 : i32
    %dma_start3A_48 = arith.constant 0 : i32
    %dma_start3A_49 = arith.constant 0 : i32
    %dma_start3A_50 = arith.constant 0 : i32
    %dma_start3A_51 = tpu.memref_slice %arg8[%dma_start3A_47, %dma_start3A_49, %dma_start3A_50] : memref<2x125x128xf32, #tpu.memory_space<vmem>> -> memref<1x125x128xf32, #tpu.memory_space<vmem>>
    %dma_start3A_52 = tpu.memref_squeeze %dma_start3A_51 : memref<1x125x128xf32, #tpu.memory_space<vmem>> -> memref<125x128xf32, #tpu.memory_space<vmem>>
    %dma_start3A_53 = arith.constant 0 : i32
    %dma_start3A_54 = tpu.memref_slice %arg6[%dma_start3A, %dma_start3A_53] : memref<40x125xi32, #tpu.memory_space<vmem>> -> memref<1x125xi32, #tpu.memory_space<vmem>>
    %dma_start3A_55 = tpu.memref_squeeze %dma_start3A_54 : memref<1x125xi32, #tpu.memory_space<vmem>> -> memref<125xi32, #tpu.memory_space<vmem>>
    %dma_start3A_56 = arith.constant 0 : i32
    %dma_start3A_57 = arith.constant 0 : i32
    %dma_start3A_58 = tpu.memref_slice %arg2[%arg0, %dma_start3A_56, %dma_start3A_57] : memref<2x10000x128xf32, #tpu.memory_space<hbm>> -> memref<1x10000x128xf32, #tpu.memory_space<hbm>>
    %dma_start3A_59 = tpu.memref_squeeze %dma_start3A_58 : memref<1x10000x128xf32, #tpu.memory_space<hbm>> -> memref<10000x128xf32, #tpu.memory_space<hbm>>
    %dma_start3A_60 = arith.constant 0 : i32
    %dma_start3A_61 = arith.constant 0 : i32
    %dma_start3A_62 = tpu.memref_slice %dma_start3A_59[%dma_start3A_60, %dma_start3A_61] : memref<10000x128xf32, #tpu.memory_space<hbm>> -> memref<10000x128xf32, #tpu.memory_space<hbm>>
    %dma_start3A_63 = tpu.memref_slice %arg10[%dma_start3A_48] : memref<2x!tpu.dma_semaphore, #tpu.memory_space<semaphore_mem>> -> memref<1x!tpu.dma_semaphore, #tpu.memory_space<semaphore_mem>>
    %dma_start3A_64 = tpu.memref_squeeze %dma_start3A_63 : memref<1x!tpu.dma_semaphore, #tpu.memory_space<semaphore_mem>> -> memref<!tpu.dma_semaphore, #tpu.memory_space<semaphore_mem>>
    tpu.enqueue_indirect_dma source(%dma_start3A_62 : memref<10000x128xf32, #tpu.memory_space<hbm>>) target(%dma_start3A_52 : memref<125x128xf32, #tpu.memory_space<vmem>>) offsets(%dma_start3A_55 : memref<125xi32, #tpu.memory_space<vmem>>) semaphore(%dma_start3A_64 : memref<!tpu.dma_semaphore, #tpu.memory_space<semaphore_mem>>)
    %scan3A_65 = arith.constant 0 : i32
    %scan3A_66 = arith.constant 0 : i32
    %scan3A_67 = arith.constant 40 : i32
    %scan3A_68 = arith.addi %scan3A_66, %scan3A_67 : i32
    %scan3A_69 = arith.constant 1 : i32
    %scan3A_70 = scf.for %scan3A_107 = %scan3A_66 to %scan3A_68 step %scan3A_69 iter_args(%scan3A_108 = %scan3A_65) -> (i32)  : i32 {
      %rem3A = arith.constant 2 : i32
      %rem3A_109 = arith.remsi %scan3A_107, %rem3A : i32
      %add3A_110 = arith.constant 1 : i32
      %add3A_111 = arith.addi %scan3A_107, %add3A_110 : i32
      %rem3A_112 = arith.constant 2 : i32
      %rem3A_113 = arith.remsi %add3A_111, %rem3A_112 : i32
      %add3A_114 = arith.constant 1 : i32
      %add3A_115 = arith.addi %scan3A_107, %add3A_114 : i32
      %lt3A = arith.constant 40 : i32
      %lt3A_116 = arith.cmpi slt, %add3A_115, %lt3A : i32
      %convert_element_type3A = arith.extui %lt3A_116 : i1 to i32
      %cond3A = arith.constant 0 : i32
      %cond3A_117 = arith.cmpi ne, %convert_element_type3A, %cond3A : i32
      scf.if %cond3A_117 {
        %add3A_134 = arith.constant 1 : i32
        %add3A_135 = arith.addi %scan3A_107, %add3A_134 : i32
        %dma_start3A_136 = arith.constant 0 : i32
        %dma_start3A_137 = arith.constant 0 : i32
        %dma_start3A_138 = tpu.memref_slice %arg8[%rem3A_113, %dma_start3A_136, %dma_start3A_137] : memref<2x125x128xf32, #tpu.memory_space<vmem>> -> memref<1x125x128xf32, #tpu.memory_space<vmem>>
        %dma_start3A_139 = tpu.memref_squeeze %dma_start3A_138 : memref<1x125x128xf32, #tpu.memory_space<vmem>> -> memref<125x128xf32, #tpu.memory_space<vmem>>
        %dma_start3A_140 = arith.constant 0 : i32
        %dma_start3A_141 = tpu.memref_slice %arg6[%add3A_135, %dma_start3A_140] : memref<40x125xi32, #tpu.memory_space<vmem>> -> memref<1x125xi32, #tpu.memory_space<vmem>>
        %dma_start3A_142 = tpu.memref_squeeze %dma_start3A_141 : memref<1x125xi32, #tpu.memory_space<vmem>> -> memref<125xi32, #tpu.memory_space<vmem>>
        %dma_start3A_143 = arith.constant 0 : i32
        %dma_start3A_144 = arith.constant 0 : i32
        %dma_start3A_145 = tpu.memref_slice %arg2[%arg0, %dma_start3A_143, %dma_start3A_144] : memref<2x10000x128xf32, #tpu.memory_space<hbm>> -> memref<1x10000x128xf32, #tpu.memory_space<hbm>>
        %dma_start3A_146 = tpu.memref_squeeze %dma_start3A_145 : memref<1x10000x128xf32, #tpu.memory_space<hbm>> -> memref<10000x128xf32, #tpu.memory_space<hbm>>
        %dma_start3A_147 = arith.constant 0 : i32
        %dma_start3A_148 = arith.constant 0 : i32
        %dma_start3A_149 = tpu.memref_slice %dma_start3A_146[%dma_start3A_147, %dma_start3A_148] : memref<10000x128xf32, #tpu.memory_space<hbm>> -> memref<10000x128xf32, #tpu.memory_space<hbm>>
        %dma_start3A_150 = tpu.memref_slice %arg10[%rem3A_113] : memref<2x!tpu.dma_semaphore, #tpu.memory_space<semaphore_mem>> -> memref<1x!tpu.dma_semaphore, #tpu.memory_space<semaphore_mem>>
        %dma_start3A_151 = tpu.memref_squeeze %dma_start3A_150 : memref<1x!tpu.dma_semaphore, #tpu.memory_space<semaphore_mem>> -> memref<!tpu.dma_semaphore, #tpu.memory_space<semaphore_mem>>
        tpu.enqueue_indirect_dma source(%dma_start3A_149 : memref<10000x128xf32, #tpu.memory_space<hbm>>) target(%dma_start3A_139 : memref<125x128xf32, #tpu.memory_space<vmem>>) offsets(%dma_start3A_142 : memref<125xi32, #tpu.memory_space<vmem>>) semaphore(%dma_start3A_151 : memref<!tpu.dma_semaphore, #tpu.memory_space<semaphore_mem>>)
      } else {
      }
      %dma_wait3A = arith.constant 0 : i32
      %dma_wait3A_118 = arith.constant 0 : i32
      %dma_wait3A_119 = tpu.memref_slice %arg8[%rem3A_109, %dma_wait3A, %dma_wait3A_118] : memref<2x125x128xf32, #tpu.memory_space<vmem>> -> memref<1x125x128xf32, #tpu.memory_space<vmem>>
      %dma_wait3A_120 = tpu.memref_squeeze %dma_wait3A_119 : memref<1x125x128xf32, #tpu.memory_space<vmem>> -> memref<125x128xf32, #tpu.memory_space<vmem>>
      %dma_wait3A_121 = arith.constant 0 : i32
      %dma_wait3A_122 = tpu.memref_slice %arg6[%scan3A_107, %dma_wait3A_121] : memref<40x125xi32, #tpu.memory_space<vmem>> -> memref<1x125xi32, #tpu.memory_space<vmem>>
      %dma_wait3A_123 = tpu.memref_squeeze %dma_wait3A_122 : memref<1x125xi32, #tpu.memory_space<vmem>> -> memref<125xi32, #tpu.memory_space<vmem>>
      %dma_wait3A_124 = arith.constant 0 : i32
      %dma_wait3A_125 = arith.constant 0 : i32
      %dma_wait3A_126 = tpu.memref_slice %arg2[%arg0, %dma_wait3A_124, %dma_wait3A_125] : memref<2x10000x128xf32, #tpu.memory_space<hbm>> -> memref<1x10000x128xf32, #tpu.memory_space<hbm>>
      %dma_wait3A_127 = tpu.memref_squeeze %dma_wait3A_126 : memref<1x10000x128xf32, #tpu.memory_space<hbm>> -> memref<10000x128xf32, #tpu.memory_space<hbm>>
      %dma_wait3A_128 = arith.constant 0 : i32
      %dma_wait3A_129 = arith.constant 0 : i32
      %dma_wait3A_130 = tpu.memref_slice %dma_wait3A_127[%dma_wait3A_128, %dma_wait3A_129] : memref<10000x128xf32, #tpu.memory_space<hbm>> -> memref<10000x128xf32, #tpu.memory_space<hbm>>
      %dma_wait3A_131 = tpu.memref_slice %arg10[%rem3A_109] : memref<2x!tpu.dma_semaphore, #tpu.memory_space<semaphore_mem>> -> memref<1x!tpu.dma_semaphore, #tpu.memory_space<semaphore_mem>>
      %dma_wait3A_132 = tpu.memref_squeeze %dma_wait3A_131 : memref<1x!tpu.dma_semaphore, #tpu.memory_space<semaphore_mem>> -> memref<!tpu.dma_semaphore, #tpu.memory_space<semaphore_mem>>
      tpu.wait_indirect_dma semaphore(%dma_wait3A_132 : memref<!tpu.dma_semaphore, #tpu.memory_space<semaphore_mem>>) src(%dma_wait3A_130 : memref<10000x128xf32, #tpu.memory_space<hbm>>) dst(%dma_wait3A_120 : memref<125x128xf32, #tpu.memory_space<vmem>>)
      "tpu.region"() ({
        %run_scoped3A_134 = tpu.sem_alloc : memref<!tpu.dma_semaphore, #tpu.memory_space<semaphore_mem>>
        %dma_start3A_135 = arith.constant 0 : i32
        %dma_start3A_136 = arith.constant 0 : i32
        %dma_start3A_137 = tpu.memref_slice %arg8[%rem3A_109, %dma_start3A_135, %dma_start3A_136] : memref<2x125x128xf32, #tpu.memory_space<vmem>> -> memref<1x125x128xf32, #tpu.memory_space<vmem>>
        %dma_start3A_138 = tpu.memref_squeeze %dma_start3A_137 : memref<1x125x128xf32, #tpu.memory_space<vmem>> -> memref<125x128xf32, #tpu.memory_space<vmem>>
        %dma_start3A_139 = arith.constant 0 : i32
        %dma_start3A_140 = tpu.memref_slice %arg7[%scan3A_107, %dma_start3A_139] : memref<40x125xi32, #tpu.memory_space<vmem>> -> memref<1x125xi32, #tpu.memory_space<vmem>>
        %dma_start3A_141 = tpu.memref_squeeze %dma_start3A_140 : memref<1x125xi32, #tpu.memory_space<vmem>> -> memref<125xi32, #tpu.memory_space<vmem>>
        %dma_start3A_142 = arith.constant 0 : i32
        %dma_start3A_143 = arith.constant 0 : i32
        %dma_start3A_144 = tpu.memref_slice %arg9[%dma_start3A_142, %dma_start3A_143] : memref<10240x128xf32, #tpu.memory_space<vmem_shared>> -> memref<10240x128xf32, #tpu.memory_space<vmem_shared>>
        tpu.enqueue_indirect_dma source(%dma_start3A_138 : memref<125x128xf32, #tpu.memory_space<vmem>>) target(%dma_start3A_144 : memref<10240x128xf32, #tpu.memory_space<vmem_shared>>) offsets(%dma_start3A_141 : memref<125xi32, #tpu.memory_space<vmem>>) semaphore(%run_scoped3A_134 : memref<!tpu.dma_semaphore, #tpu.memory_space<semaphore_mem>>) {add = true}
        %dma_wait3A_145 = arith.constant 0 : i32
        %dma_wait3A_146 = arith.constant 0 : i32
        %dma_wait3A_147 = tpu.memref_slice %arg8[%rem3A_109, %dma_wait3A_145, %dma_wait3A_146] : memref<2x125x128xf32, #tpu.memory_space<vmem>> -> memref<1x125x128xf32, #tpu.memory_space<vmem>>
        %dma_wait3A_148 = tpu.memref_squeeze %dma_wait3A_147 : memref<1x125x128xf32, #tpu.memory_space<vmem>> -> memref<125x128xf32, #tpu.memory_space<vmem>>
        %dma_wait3A_149 = arith.constant 0 : i32
        %dma_wait3A_150 = tpu.memref_slice %arg7[%scan3A_107, %dma_wait3A_149] : memref<40x125xi32, #tpu.memory_space<vmem>> -> memref<1x125xi32, #tpu.memory_space<vmem>>
        %dma_wait3A_151 = tpu.memref_squeeze %dma_wait3A_150 : memref<1x125xi32, #tpu.memory_space<vmem>> -> memref<125xi32, #tpu.memory_space<vmem>>
        %dma_wait3A_152 = arith.constant 0 : i32
        %dma_wait3A_153 = arith.constant 0 : i32
        %dma_wait3A_154 = tpu.memref_slice %arg9[%dma_wait3A_152, %dma_wait3A_153] : memref<10240x128xf32, #tpu.memory_space<vmem_shared>> -> memref<10240x128xf32, #tpu.memory_space<vmem_shared>>
        tpu.wait_indirect_dma semaphore(%run_scoped3A_134 : memref<!tpu.dma_semaphore, #tpu.memory_space<semaphore_mem>>) src(%dma_wait3A_148 : memref<125x128xf32, #tpu.memory_space<vmem>>) dst(%dma_wait3A_154 : memref<10240x128xf32, #tpu.memory_space<vmem_shared>>)
        tpu.yield
      }) : () -> ()
      %scan3A_133 = arith.constant 0 : i32
      scf.yield %scan3A_133 : i32
    }
    %scan3A_71 = arith.constant 40 : i32
    %mul3A_72 = arith.constant 80 : i32
    %mul3A_73 = arith.muli %arg1, %mul3A_72 : i32
    %add3A_74 = arith.constant 40 : i32
    %add3A_75 = arith.addi %mul3A_73, %add3A_74 : i32
    "tpu.region"() ({
      %run_scoped3A_107 = tpu.sem_alloc : memref<!tpu.dma_semaphore, #tpu.memory_space<semaphore_mem>>
      %dma_start3A_108 = arith.constant 0 : i32
      %dma_start3A_109 = tpu.memref_slice %arg3[%add3A_75, %dma_start3A_108] : memref<1280x125xi32, #tpu.memory_space<hbm>> -> memref<40x125xi32, #tpu.memory_space<hbm>>
      %dma_start3A_110 = arith.constant 0 : i32
      %dma_start3A_111 = tpu.memref_slice %arg3[%add3A_75, %dma_start3A_110] : memref<1280x125xi32, #tpu.memory_space<hbm>> -> memref<40x125xi32, #tpu.memory_space<hbm>>
      tpu.enqueue_dma source(%dma_start3A_111 : memref<40x125xi32, #tpu.memory_space<hbm>>) target(%arg6 : memref<40x125xi32, #tpu.memory_space<vmem>>) target_semaphore(%run_scoped3A_107 : memref<!tpu.dma_semaphore, #tpu.memory_space<semaphore_mem>>)
      %dma_wait3A = arith.constant 0 : i32
      %dma_wait3A_112 = tpu.memref_slice %arg3[%add3A_75, %dma_wait3A] : memref<1280x125xi32, #tpu.memory_space<hbm>> -> memref<40x125xi32, #tpu.memory_space<hbm>>
      %dma_wait3A_113 = arith.constant 0 : i32
      %dma_wait3A_114 = tpu.memref_slice %arg3[%add3A_75, %dma_wait3A_113] : memref<1280x125xi32, #tpu.memory_space<hbm>> -> memref<40x125xi32, #tpu.memory_space<hbm>>
      tpu.wait_dma2 semaphore(%run_scoped3A_107 : memref<!tpu.dma_semaphore, #tpu.memory_space<semaphore_mem>>) src(%dma_wait3A_114 : memref<40x125xi32, #tpu.memory_space<hbm>>) dst(%arg6 : memref<40x125xi32, #tpu.memory_space<vmem>>)
      tpu.yield
    }) : () -> ()
    "tpu.region"() ({
      %run_scoped3A_107 = tpu.sem_alloc : memref<!tpu.dma_semaphore, #tpu.memory_space<semaphore_mem>>
      %dma_start3A_108 = arith.constant 0 : i32
      %dma_start3A_109 = tpu.memref_slice %arg4[%add3A_75, %dma_start3A_108] : memref<1280x125xi32, #tpu.memory_space<hbm>> -> memref<40x125xi32, #tpu.memory_space<hbm>>
      %dma_start3A_110 = arith.constant 0 : i32
      %dma_start3A_111 = tpu.memref_slice %arg4[%add3A_75, %dma_start3A_110] : memref<1280x125xi32, #tpu.memory_space<hbm>> -> memref<40x125xi32, #tpu.memory_space<hbm>>
      tpu.enqueue_dma source(%dma_start3A_111 : memref<40x125xi32, #tpu.memory_space<hbm>>) target(%arg7 : memref<40x125xi32, #tpu.memory_space<vmem>>) target_semaphore(%run_scoped3A_107 : memref<!tpu.dma_semaphore, #tpu.memory_space<semaphore_mem>>)
      %dma_wait3A = arith.constant 0 : i32
      %dma_wait3A_112 = tpu.memref_slice %arg4[%add3A_75, %dma_wait3A] : memref<1280x125xi32, #tpu.memory_space<hbm>> -> memref<40x125xi32, #tpu.memory_space<hbm>>
      %dma_wait3A_113 = arith.constant 0 : i32
      %dma_wait3A_114 = tpu.memref_slice %arg4[%add3A_75, %dma_wait3A_113] : memref<1280x125xi32, #tpu.memory_space<hbm>> -> memref<40x125xi32, #tpu.memory_space<hbm>>
      tpu.wait_dma2 semaphore(%run_scoped3A_107 : memref<!tpu.dma_semaphore, #tpu.memory_space<semaphore_mem>>) src(%dma_wait3A_114 : memref<40x125xi32, #tpu.memory_space<hbm>>) dst(%arg7 : memref<40x125xi32, #tpu.memory_space<vmem>>)
      tpu.yield
    }) : () -> ()
    %dma_start3A_76 = arith.constant 0 : i32
    %dma_start3A_77 = arith.constant 0 : i32
    %dma_start3A_78 = arith.constant 0 : i32
    %dma_start3A_79 = arith.constant 0 : i32
    %dma_start3A_80 = arith.constant 0 : i32
    %dma_start3A_81 = tpu.memref_slice %arg8[%dma_start3A_77, %dma_start3A_79, %dma_start3A_80] : memref<2x125x128xf32, #tpu.memory_space<vmem>> -> memref<1x125x128xf32, #tpu.memory_space<vmem>>
    %dma_start3A_82 = tpu.memref_squeeze %dma_start3A_81 : memref<1x125x128xf32, #tpu.memory_space<vmem>> -> memref<125x128xf32, #tpu.memory_space<vmem>>
    %dma_start3A_83 = arith.constant 0 : i32
    %dma_start3A_84 = tpu.memref_slice %arg6[%dma_start3A_76, %dma_start3A_83] : memref<40x125xi32, #tpu.memory_space<vmem>> -> memref<1x125xi32, #tpu.memory_space<vmem>>
    %dma_start3A_85 = tpu.memref_squeeze %dma_start3A_84 : memref<1x125xi32, #tpu.memory_space<vmem>> -> memref<125xi32, #tpu.memory_space<vmem>>
    %dma_start3A_86 = arith.constant 0 : i32
    %dma_start3A_87 = arith.constant 0 : i32
    %dma_start3A_88 = tpu.memref_slice %arg2[%arg0, %dma_start3A_86, %dma_start3A_87] : memref<2x10000x128xf32, #tpu.memory_space<hbm>> -> memref<1x10000x128xf32, #tpu.memory_space<hbm>>
    %dma_start3A_89 = tpu.memref_squeeze %dma_start3A_88 : memref<1x10000x128xf32, #tpu.memory_space<hbm>> -> memref<10000x128xf32, #tpu.memory_space<hbm>>
    %dma_start3A_90 = arith.constant 0 : i32
    %dma_start3A_91 = arith.constant 0 : i32
    %dma_start3A_92 = tpu.memref_slice %dma_start3A_89[%dma_start3A_90, %dma_start3A_91] : memref<10000x128xf32, #tpu.memory_space<hbm>> -> memref<10000x128xf32, #tpu.memory_space<hbm>>
    %dma_start3A_93 = tpu.memref_slice %arg10[%dma_start3A_78] : memref<2x!tpu.dma_semaphore, #tpu.memory_space<semaphore_mem>> -> memref<1x!tpu.dma_semaphore, #tpu.memory_space<semaphore_mem>>
    %dma_start3A_94 = tpu.memref_squeeze %dma_start3A_93 : memref<1x!tpu.dma_semaphore, #tpu.memory_space<semaphore_mem>> -> memref<!tpu.dma_semaphore, #tpu.memory_space<semaphore_mem>>
    tpu.enqueue_indirect_dma source(%dma_start3A_92 : memref<10000x128xf32, #tpu.memory_space<hbm>>) target(%dma_start3A_82 : memref<125x128xf32, #tpu.memory_space<vmem>>) offsets(%dma_start3A_85 : memref<125xi32, #tpu.memory_space<vmem>>) semaphore(%dma_start3A_94 : memref<!tpu.dma_semaphore, #tpu.memory_space<semaphore_mem>>)
    %scan3A_95 = arith.constant 0 : i32
    %scan3A_96 = arith.constant 0 : i32
    %scan3A_97 = arith.constant 40 : i32
    %scan3A_98 = arith.addi %scan3A_96, %scan3A_97 : i32
    %scan3A_99 = arith.constant 1 : i32
    %scan3A_100 = scf.for %scan3A_107 = %scan3A_96 to %scan3A_98 step %scan3A_99 iter_args(%scan3A_108 = %scan3A_95) -> (i32)  : i32 {
      %rem3A = arith.constant 2 : i32
      %rem3A_109 = arith.remsi %scan3A_107, %rem3A : i32
      %add3A_110 = arith.constant 1 : i32
      %add3A_111 = arith.addi %scan3A_107, %add3A_110 : i32
      %rem3A_112 = arith.constant 2 : i32
      %rem3A_113 = arith.remsi %add3A_111, %rem3A_112 : i32
      %add3A_114 = arith.constant 1 : i32
      %add3A_115 = arith.addi %scan3A_107, %add3A_114 : i32
      %lt3A = arith.constant 40 : i32
      %lt3A_116 = arith.cmpi slt, %add3A_115, %lt3A : i32
      %convert_element_type3A = arith.extui %lt3A_116 : i1 to i32
      %cond3A = arith.constant 0 : i32
      %cond3A_117 = arith.cmpi ne, %convert_element_type3A, %cond3A : i32
      scf.if %cond3A_117 {
        %add3A_134 = arith.constant 1 : i32
        %add3A_135 = arith.addi %scan3A_107, %add3A_134 : i32
        %dma_start3A_136 = arith.constant 0 : i32
        %dma_start3A_137 = arith.constant 0 : i32
        %dma_start3A_138 = tpu.memref_slice %arg8[%rem3A_113, %dma_start3A_136, %dma_start3A_137] : memref<2x125x128xf32, #tpu.memory_space<vmem>> -> memref<1x125x128xf32, #tpu.memory_space<vmem>>
        %dma_start3A_139 = tpu.memref_squeeze %dma_start3A_138 : memref<1x125x128xf32, #tpu.memory_space<vmem>> -> memref<125x128xf32, #tpu.memory_space<vmem>>
        %dma_start3A_140 = arith.constant 0 : i32
        %dma_start3A_141 = tpu.memref_slice %arg6[%add3A_135, %dma_start3A_140] : memref<40x125xi32, #tpu.memory_space<vmem>> -> memref<1x125xi32, #tpu.memory_space<vmem>>
        %dma_start3A_142 = tpu.memref_squeeze %dma_start3A_141 : memref<1x125xi32, #tpu.memory_space<vmem>> -> memref<125xi32, #tpu.memory_space<vmem>>
        %dma_start3A_143 = arith.constant 0 : i32
        %dma_start3A_144 = arith.constant 0 : i32
        %dma_start3A_145 = tpu.memref_slice %arg2[%arg0, %dma_start3A_143, %dma_start3A_144] : memref<2x10000x128xf32, #tpu.memory_space<hbm>> -> memref<1x10000x128xf32, #tpu.memory_space<hbm>>
        %dma_start3A_146 = tpu.memref_squeeze %dma_start3A_145 : memref<1x10000x128xf32, #tpu.memory_space<hbm>> -> memref<10000x128xf32, #tpu.memory_space<hbm>>
        %dma_start3A_147 = arith.constant 0 : i32
        %dma_start3A_148 = arith.constant 0 : i32
        %dma_start3A_149 = tpu.memref_slice %dma_start3A_146[%dma_start3A_147, %dma_start3A_148] : memref<10000x128xf32, #tpu.memory_space<hbm>> -> memref<10000x128xf32, #tpu.memory_space<hbm>>
        %dma_start3A_150 = tpu.memref_slice %arg10[%rem3A_113] : memref<2x!tpu.dma_semaphore, #tpu.memory_space<semaphore_mem>> -> memref<1x!tpu.dma_semaphore, #tpu.memory_space<semaphore_mem>>
        %dma_start3A_151 = tpu.memref_squeeze %dma_start3A_150 : memref<1x!tpu.dma_semaphore, #tpu.memory_space<semaphore_mem>> -> memref<!tpu.dma_semaphore, #tpu.memory_space<semaphore_mem>>
        tpu.enqueue_indirect_dma source(%dma_start3A_149 : memref<10000x128xf32, #tpu.memory_space<hbm>>) target(%dma_start3A_139 : memref<125x128xf32, #tpu.memory_space<vmem>>) offsets(%dma_start3A_142 : memref<125xi32, #tpu.memory_space<vmem>>) semaphore(%dma_start3A_151 : memref<!tpu.dma_semaphore, #tpu.memory_space<semaphore_mem>>)
      } else {
      }
      %dma_wait3A = arith.constant 0 : i32
      %dma_wait3A_118 = arith.constant 0 : i32
      %dma_wait3A_119 = tpu.memref_slice %arg8[%rem3A_109, %dma_wait3A, %dma_wait3A_118] : memref<2x125x128xf32, #tpu.memory_space<vmem>> -> memref<1x125x128xf32, #tpu.memory_space<vmem>>
      %dma_wait3A_120 = tpu.memref_squeeze %dma_wait3A_119 : memref<1x125x128xf32, #tpu.memory_space<vmem>> -> memref<125x128xf32, #tpu.memory_space<vmem>>
      %dma_wait3A_121 = arith.constant 0 : i32
      %dma_wait3A_122 = tpu.memref_slice %arg6[%scan3A_107, %dma_wait3A_121] : memref<40x125xi32, #tpu.memory_space<vmem>> -> memref<1x125xi32, #tpu.memory_space<vmem>>
      %dma_wait3A_123 = tpu.memref_squeeze %dma_wait3A_122 : memref<1x125xi32, #tpu.memory_space<vmem>> -> memref<125xi32, #tpu.memory_space<vmem>>
      %dma_wait3A_124 = arith.constant 0 : i32
      %dma_wait3A_125 = arith.constant 0 : i32
      %dma_wait3A_126 = tpu.memref_slice %arg2[%arg0, %dma_wait3A_124, %dma_wait3A_125] : memref<2x10000x128xf32, #tpu.memory_space<hbm>> -> memref<1x10000x128xf32, #tpu.memory_space<hbm>>
      %dma_wait3A_127 = tpu.memref_squeeze %dma_wait3A_126 : memref<1x10000x128xf32, #tpu.memory_space<hbm>> -> memref<10000x128xf32, #tpu.memory_space<hbm>>
      %dma_wait3A_128 = arith.constant 0 : i32
      %dma_wait3A_129 = arith.constant 0 : i32
      %dma_wait3A_130 = tpu.memref_slice %dma_wait3A_127[%dma_wait3A_128, %dma_wait3A_129] : memref<10000x128xf32, #tpu.memory_space<hbm>> -> memref<10000x128xf32, #tpu.memory_space<hbm>>
      %dma_wait3A_131 = tpu.memref_slice %arg10[%rem3A_109] : memref<2x!tpu.dma_semaphore, #tpu.memory_space<semaphore_mem>> -> memref<1x!tpu.dma_semaphore, #tpu.memory_space<semaphore_mem>>
      %dma_wait3A_132 = tpu.memref_squeeze %dma_wait3A_131 : memref<1x!tpu.dma_semaphore, #tpu.memory_space<semaphore_mem>> -> memref<!tpu.dma_semaphore, #tpu.memory_space<semaphore_mem>>
      tpu.wait_indirect_dma semaphore(%dma_wait3A_132 : memref<!tpu.dma_semaphore, #tpu.memory_space<semaphore_mem>>) src(%dma_wait3A_130 : memref<10000x128xf32, #tpu.memory_space<hbm>>) dst(%dma_wait3A_120 : memref<125x128xf32, #tpu.memory_space<vmem>>)
      "tpu.region"() ({
        %run_scoped3A_134 = tpu.sem_alloc : memref<!tpu.dma_semaphore, #tpu.memory_space<semaphore_mem>>
        %dma_start3A_135 = arith.constant 0 : i32
        %dma_start3A_136 = arith.constant 0 : i32
        %dma_start3A_137 = tpu.memref_slice %arg8[%rem3A_109, %dma_start3A_135, %dma_start3A_136] : memref<2x125x128xf32, #tpu.memory_space<vmem>> -> memref<1x125x128xf32, #tpu.memory_space<vmem>>
        %dma_start3A_138 = tpu.memref_squeeze %dma_start3A_137 : memref<1x125x128xf32, #tpu.memory_space<vmem>> -> memref<125x128xf32, #tpu.memory_space<vmem>>
        %dma_start3A_139 = arith.constant 0 : i32
        %dma_start3A_140 = tpu.memref_slice %arg7[%scan3A_107, %dma_start3A_139] : memref<40x125xi32, #tpu.memory_space<vmem>> -> memref<1x125xi32, #tpu.memory_space<vmem>>
        %dma_start3A_141 = tpu.memref_squeeze %dma_start3A_140 : memref<1x125xi32, #tpu.memory_space<vmem>> -> memref<125xi32, #tpu.memory_space<vmem>>
        %dma_start3A_142 = arith.constant 0 : i32
        %dma_start3A_143 = arith.constant 0 : i32
        %dma_start3A_144 = tpu.memref_slice %arg9[%dma_start3A_142, %dma_start3A_143] : memref<10240x128xf32, #tpu.memory_space<vmem_shared>> -> memref<10240x128xf32, #tpu.memory_space<vmem_shared>>
        tpu.enqueue_indirect_dma source(%dma_start3A_138 : memref<125x128xf32, #tpu.memory_space<vmem>>) target(%dma_start3A_144 : memref<10240x128xf32, #tpu.memory_space<vmem_shared>>) offsets(%dma_start3A_141 : memref<125xi32, #tpu.memory_space<vmem>>) semaphore(%run_scoped3A_134 : memref<!tpu.dma_semaphore, #tpu.memory_space<semaphore_mem>>) {add = true}
        %dma_wait3A_145 = arith.constant 0 : i32
        %dma_wait3A_146 = arith.constant 0 : i32
        %dma_wait3A_147 = tpu.memref_slice %arg8[%rem3A_109, %dma_wait3A_145, %dma_wait3A_146] : memref<2x125x128xf32, #tpu.memory_space<vmem>> -> memref<1x125x128xf32, #tpu.memory_space<vmem>>
        %dma_wait3A_148 = tpu.memref_squeeze %dma_wait3A_147 : memref<1x125x128xf32, #tpu.memory_space<vmem>> -> memref<125x128xf32, #tpu.memory_space<vmem>>
        %dma_wait3A_149 = arith.constant 0 : i32
        %dma_wait3A_150 = tpu.memref_slice %arg7[%scan3A_107, %dma_wait3A_149] : memref<40x125xi32, #tpu.memory_space<vmem>> -> memref<1x125xi32, #tpu.memory_space<vmem>>
        %dma_wait3A_151 = tpu.memref_squeeze %dma_wait3A_150 : memref<1x125xi32, #tpu.memory_space<vmem>> -> memref<125xi32, #tpu.memory_space<vmem>>
        %dma_wait3A_152 = arith.constant 0 : i32
        %dma_wait3A_153 = arith.constant 0 : i32
        %dma_wait3A_154 = tpu.memref_slice %arg9[%dma_wait3A_152, %dma_wait3A_153] : memref<10240x128xf32, #tpu.memory_space<vmem_shared>> -> memref<10240x128xf32, #tpu.memory_space<vmem_shared>>
        tpu.wait_indirect_dma semaphore(%run_scoped3A_134 : memref<!tpu.dma_semaphore, #tpu.memory_space<semaphore_mem>>) src(%dma_wait3A_148 : memref<125x128xf32, #tpu.memory_space<vmem>>) dst(%dma_wait3A_154 : memref<10240x128xf32, #tpu.memory_space<vmem_shared>>)
        tpu.yield
      }) : () -> ()
      %scan3A_133 = arith.constant 0 : i32
      scf.yield %scan3A_133 : i32
    }
    %scan3A_101 = arith.constant 40 : i32
    %barrier3A_102 = arith.constant 0 : index
    tpu.barrier barrier_id(%barrier3A_102)
    %mul3A_103 = arith.constant 640 : i32
    %mul3A_104 = arith.muli %arg1, %mul3A_103 : i32
    %mul3A_105 = arith.constant 640 : i32
    %mul3A_106 = arith.muli %arg1, %mul3A_105 : i32
    "tpu.region"() ({
      %run_scoped3A_107 = tpu.sem_alloc : memref<!tpu.dma_semaphore, #tpu.memory_space<semaphore_mem>>
      %dma_start3A_108 = arith.constant 0 : i32
      %dma_start3A_109 = arith.constant 0 : i32
      %dma_start3A_110 = tpu.memref_slice %arg5[%arg0, %dma_start3A_108, %dma_start3A_109] : memref<2x10240x128xf32, #tpu.memory_space<hbm>> -> memref<1x10240x128xf32, #tpu.memory_space<hbm>>
      %dma_start3A_111 = tpu.memref_squeeze %dma_start3A_110 : memref<1x10240x128xf32, #tpu.memory_space<hbm>> -> memref<10240x128xf32, #tpu.memory_space<hbm>>
      %dma_start3A_112 = arith.constant 0 : i32
      %dma_start3A_113 = tpu.memref_slice %dma_start3A_111[%mul3A_106, %dma_start3A_112] : memref<10240x128xf32, #tpu.memory_space<hbm>> -> memref<640x128xf32, #tpu.memory_space<hbm>>
      %dma_start3A_114 = arith.constant 0 : i32
      %dma_start3A_115 = tpu.memref_slice %arg9[%mul3A_104, %dma_start3A_114] : memref<10240x128xf32, #tpu.memory_space<vmem_shared>> -> memref<640x128xf32, #tpu.memory_space<vmem_shared>>
      tpu.enqueue_dma source(%dma_start3A_115 : memref<640x128xf32, #tpu.memory_space<vmem_shared>>) target(%dma_start3A_113 : memref<640x128xf32, #tpu.memory_space<hbm>>) target_semaphore(%run_scoped3A_107 : memref<!tpu.dma_semaphore, #tpu.memory_space<semaphore_mem>>)
      %dma_wait3A = arith.constant 0 : i32
      %dma_wait3A_116 = arith.constant 0 : i32
      %dma_wait3A_117 = tpu.memref_slice %arg5[%arg0, %dma_wait3A, %dma_wait3A_116] : memref<2x10240x128xf32, #tpu.memory_space<hbm>> -> memref<1x10240x128xf32, #tpu.memory_space<hbm>>
      %dma_wait3A_118 = tpu.memref_squeeze %dma_wait3A_117 : memref<1x10240x128xf32, #tpu.memory_space<hbm>> -> memref<10240x128xf32, #tpu.memory_space<hbm>>
      %dma_wait3A_119 = arith.constant 0 : i32
      %dma_wait3A_120 = tpu.memref_slice %dma_wait3A_118[%mul3A_106, %dma_wait3A_119] : memref<10240x128xf32, #tpu.memory_space<hbm>> -> memref<640x128xf32, #tpu.memory_space<hbm>>
      %dma_wait3A_121 = arith.constant 0 : i32
      %dma_wait3A_122 = tpu.memref_slice %arg9[%mul3A_104, %dma_wait3A_121] : memref<10240x128xf32, #tpu.memory_space<vmem_shared>> -> memref<640x128xf32, #tpu.memory_space<vmem_shared>>
      tpu.wait_dma2 semaphore(%run_scoped3A_107 : memref<!tpu.dma_semaphore, #tpu.memory_space<semaphore_mem>>) src(%dma_wait3A_122 : memref<640x128xf32, #tpu.memory_space<vmem_shared>>) dst(%dma_wait3A_120 : memref<640x128xf32, #tpu.memory_space<hbm>>)
      tpu.yield
    }) : () -> ()
    return
  }
}

#map = affine_map<(d0, d1) -> (0, 0, 0)>
#map1 = affine_map<(d0, d1) -> (0, 0)>
module attributes {stable_mosaic.version = 14 : i64} {
  func.func @_sc_aggregate(%arg0: i32, %arg1: i32, %arg2: memref<2x10000x128xf32, #tpu.memory_space<hbm>>, %arg3: memref<1280x125xi32, #tpu.memory_space<hbm>>, %arg4: memref<1280x125xi32, #tpu.memory_space<hbm>>, %arg5: memref<2x10240x128xf32, #tpu.memory_space<hbm>>, %arg6: memref<40x125xi32, #tpu.memory_space<vmem>>, %arg7: memref<40x125xi32, #tpu.memory_space<vmem>>, %arg8: memref<2x125x128xf32, #tpu.memory_space<vmem>>, %arg9: memref<10240x128xf32, #tpu.memory_space<vmem_shared>>, %arg10: memref<2x!tpu.dma_semaphore, #tpu.memory_space<semaphore_mem>>) attributes {dimension_semantics = [#tpu.dimension_semantics<core_parallel>, #tpu.dimension_semantics<subcore_parallel>], iteration_bounds = array<i64: 2, 16>, scalar_prefetch = 0 : i64, scratch_operands = 5 : i64, tpu.core_type = #tpu.core_type<sc_vector_subcore>, window_params = [{transform_indices = #map}, {transform_indices = #map1}, {transform_indices = #map1}, {transform_indices = #map}]} {
    %scan3A = arith.constant 0 : i32
    %scan3A_0 = arith.constant 0 : i32
    %scan3A_1 = arith.constant 80 : i32
    %scan3A_2 = arith.addi %scan3A_0, %scan3A_1 : i32
    %scan3A_3 = arith.constant 1 : i32
    %scan3A_4 = scf.for %scan3A_107 = %scan3A_0 to %scan3A_2 step %scan3A_3 iter_args(%scan3A_108 = %scan3A) -> (i32)  : i32 {
      %broadcast_in_dim3A = arith.constant 0.000000e+00 : f32
      %broadcast_in_dim3A_109 = vector.broadcast %broadcast_in_dim3A : f32 to vector<16xf32>
      %swap3A = arith.constant 0 : i32
      %swap3A_110 = arith.index_cast %swap3A : i32 to index
      %swap3A_111 = arith.index_cast %scan3A_107 : i32 to index
      %swap3A_112 = arith.constant 0 : index
      %swap3A_113 = tpu.vector_load %arg8[%swap3A_110, %swap3A_111, %swap3A_112] {strides = array<i32>} : memref<2x125x128xf32, #tpu.memory_space<vmem>>, vector<1x1x16xf32>,
      %swap3A_114 = vector.shape_cast %swap3A_113 : vector<1x1x16xf32> to vector<16xf32>
      %swap3A_115 = vector.shape_cast %broadcast_in_dim3A_109 : vector<16xf32> to vector<1x1x16xf32>
      tpu.vector_store %arg8[%swap3A_110, %swap3A_111, %swap3A_112], %swap3A_115 {strides = array<i32>} : memref<2x125x128xf32, #tpu.memory_space<vmem>>, vector<1x1x16xf32>,
      %broadcast_in_dim3A_116 = arith.constant 0.000000e+00 : f32
      %broadcast_in_dim3A_117 = vector.broadcast %broadcast_in_dim3A_116 : f32 to vector<16xf32>
      %swap3A_118 = arith.constant 0 : i32
      %swap3A_119 = arith.index_cast %swap3A_118 : i32 to index
      %swap3A_120 = arith.index_cast %scan3A_107 : i32 to index
      %swap3A_121 = arith.constant 16 : index
      %swap3A_122 = tpu.vector_load %arg8[%swap3A_119, %swap3A_120, %swap3A_121] {strides = array<i32>} : memref<2x125x128xf32, #tpu.memory_space<vmem>>, vector<1x1x16xf32>,
      %swap3A_123 = vector.shape_cast %swap3A_122 : vector<1x1x16xf32> to vector<16xf32>
      %swap3A_124 = vector.shape_cast %broadcast_in_dim3A_117 : vector<16xf32> to vector<1x1x16xf32>
      tpu.vector_store %arg8[%swap3A_119, %swap3A_120, %swap3A_121], %swap3A_124 {strides = array<i32>} : memref<2x125x128xf32, #tpu.memory_space<vmem>>, vector<1x1x16xf32>,
      %broadcast_in_dim3A_125 = arith.constant 0.000000e+00 : f32
      %broadcast_in_dim3A_126 = vector.broadcast %broadcast_in_dim3A_125 : f32 to vector<16xf32>
      %swap3A_127 = arith.constant 0 : i32
      %swap3A_128 = arith.index_cast %swap3A_127 : i32 to index
      %swap3A_129 = arith.index_cast %scan3A_107 : i32 to index
      %swap3A_130 = arith.constant 32 : index
      %swap3A_131 = tpu.vector_load %arg8[%swap3A_128, %swap3A_129, %swap3A_130] {strides = array<i32>} : memref<2x125x128xf32, #tpu.memory_space<vmem>>, vector<1x1x16xf32>,
      %swap3A_132 = vector.shape_cast %swap3A_131 : vector<1x1x16xf32> to vector<16xf32>
      %swap3A_133 = vector.shape_cast %broadcast_in_dim3A_126 : vector<16xf32> to vector<1x1x16xf32>
      tpu.vector_store %arg8[%swap3A_128, %swap3A_129, %swap3A_130], %swap3A_133 {strides = array<i32>} : memref<2x125x128xf32, #tpu.memory_space<vmem>>, vector<1x1x16xf32>,
      %broadcast_in_dim3A_134 = arith.constant 0.000000e+00 : f32
      %broadcast_in_dim3A_135 = vector.broadcast %broadcast_in_dim3A_134 : f32 to vector<16xf32>
      %swap3A_136 = arith.constant 0 : i32
      %swap3A_137 = arith.index_cast %swap3A_136 : i32 to index
      %swap3A_138 = arith.index_cast %scan3A_107 : i32 to index
      %swap3A_139 = arith.constant 48 : index
      %swap3A_140 = tpu.vector_load %arg8[%swap3A_137, %swap3A_138, %swap3A_139] {strides = array<i32>} : memref<2x125x128xf32, #tpu.memory_space<vmem>>, vector<1x1x16xf32>,
      %swap3A_141 = vector.shape_cast %swap3A_140 : vector<1x1x16xf32> to vector<16xf32>
      %swap3A_142 = vector.shape_cast %broadcast_in_dim3A_135 : vector<16xf32> to vector<1x1x16xf32>
      tpu.vector_store %arg8[%swap3A_137, %swap3A_138, %swap3A_139], %swap3A_142 {strides = array<i32>} : memref<2x125x128xf32, #tpu.memory_space<vmem>>, vector<1x1x16xf32>,
      %broadcast_in_dim3A_143 = arith.constant 0.000000e+00 : f32
      %broadcast_in_dim3A_144 = vector.broadcast %broadcast_in_dim3A_143 : f32 to vector<16xf32>
      %swap3A_145 = arith.constant 0 : i32
      %swap3A_146 = arith.index_cast %swap3A_145 : i32 to index
      %swap3A_147 = arith.index_cast %scan3A_107 : i32 to index
      %swap3A_148 = arith.constant 64 : index
      %swap3A_149 = tpu.vector_load %arg8[%swap3A_146, %swap3A_147, %swap3A_148] {strides = array<i32>} : memref<2x125x128xf32, #tpu.memory_space<vmem>>, vector<1x1x16xf32>,
      %swap3A_150 = vector.shape_cast %swap3A_149 : vector<1x1x16xf32> to vector<16xf32>
      %swap3A_151 = vector.shape_cast %broadcast_in_dim3A_144 : vector<16xf32> to vector<1x1x16xf32>
      tpu.vector_store %arg8[%swap3A_146, %swap3A_147, %swap3A_148], %swap3A_151 {strides = array<i32>} : memref<2x125x128xf32, #tpu.memory_space<vmem>>, vector<1x1x16xf32>,
      %broadcast_in_dim3A_152 = arith.constant 0.000000e+00 : f32
      %broadcast_in_dim3A_153 = vector.broadcast %broadcast_in_dim3A_152 : f32 to vector<16xf32>
      %swap3A_154 = arith.constant 0 : i32
      %swap3A_155 = arith.index_cast %swap3A_154 : i32 to index
      %swap3A_156 = arith.index_cast %scan3A_107 : i32 to index
      %swap3A_157 = arith.constant 80 : index
      %swap3A_158 = tpu.vector_load %arg8[%swap3A_155, %swap3A_156, %swap3A_157] {strides = array<i32>} : memref<2x125x128xf32, #tpu.memory_space<vmem>>, vector<1x1x16xf32>,
      %swap3A_159 = vector.shape_cast %swap3A_158 : vector<1x1x16xf32> to vector<16xf32>
      %swap3A_160 = vector.shape_cast %broadcast_in_dim3A_153 : vector<16xf32> to vector<1x1x16xf32>
      tpu.vector_store %arg8[%swap3A_155, %swap3A_156, %swap3A_157], %swap3A_160 {strides = array<i32>} : memref<2x125x128xf32, #tpu.memory_space<vmem>>, vector<1x1x16xf32>,
      %broadcast_in_dim3A_161 = arith.constant 0.000000e+00 : f32
      %broadcast_in_dim3A_162 = vector.broadcast %broadcast_in_dim3A_161 : f32 to vector<16xf32>
      %swap3A_163 = arith.constant 0 : i32
      %swap3A_164 = arith.index_cast %swap3A_163 : i32 to index
      %swap3A_165 = arith.index_cast %scan3A_107 : i32 to index
      %swap3A_166 = arith.constant 96 : index
      %swap3A_167 = tpu.vector_load %arg8[%swap3A_164, %swap3A_165, %swap3A_166] {strides = array<i32>} : memref<2x125x128xf32, #tpu.memory_space<vmem>>, vector<1x1x16xf32>,
      %swap3A_168 = vector.shape_cast %swap3A_167 : vector<1x1x16xf32> to vector<16xf32>
      %swap3A_169 = vector.shape_cast %broadcast_in_dim3A_162 : vector<16xf32> to vector<1x1x16xf32>
      tpu.vector_store %arg8[%swap3A_164, %swap3A_165, %swap3A_166], %swap3A_169 {strides = array<i32>} : memref<2x125x128xf32, #tpu.memory_space<vmem>>, vector<1x1x16xf32>,
      %broadcast_in_dim3A_170 = arith.constant 0.000000e+00 : f32
      %broadcast_in_dim3A_171 = vector.broadcast %broadcast_in_dim3A_170 : f32 to vector<16xf32>
      %swap3A_172 = arith.constant 0 : i32
      %swap3A_173 = arith.index_cast %swap3A_172 : i32 to index
      %swap3A_174 = arith.index_cast %scan3A_107 : i32 to index
      %swap3A_175 = arith.constant 112 : index
      %swap3A_176 = tpu.vector_load %arg8[%swap3A_173, %swap3A_174, %swap3A_175] {strides = array<i32>} : memref<2x125x128xf32, #tpu.memory_space<vmem>>, vector<1x1x16xf32>,
      %swap3A_177 = vector.shape_cast %swap3A_176 : vector<1x1x16xf32> to vector<16xf32>
      %swap3A_178 = vector.shape_cast %broadcast_in_dim3A_171 : vector<16xf32> to vector<1x1x16xf32>
      tpu.vector_store %arg8[%swap3A_173, %swap3A_174, %swap3A_175], %swap3A_178 {strides = array<i32>} : memref<2x125x128xf32, #tpu.memory_space<vmem>>, vector<1x1x16xf32>,
      %scan3A_179 = arith.constant 0 : i32
      scf.yield %scan3A_179 : i32
    }
    %scan3A_5 = arith.constant 80 : i32
    %mul3A = arith.constant 640 : i32
    %mul3A_6 = arith.muli %arg1, %mul3A : i32
    %add3A = arith.constant 0 : i32
    %add3A_7 = arith.addi %mul3A_6, %add3A : i32
    %run_scoped3A = arith.constant 0 : i32
    "tpu.region"() ({
      %run_scoped3A_107 = tpu.sem_alloc : memref<!tpu.dma_semaphore, #tpu.memory_space<semaphore_mem>>
      %dma_start3A_108 = arith.constant 0 : i32
      %dma_start3A_109 = arith.constant 0 : i32
      %dma_start3A_110 = tpu.memref_slice %arg8[%run_scoped3A, %dma_start3A_108, %dma_start3A_109] : memref<2x125x128xf32, #tpu.memory_space<vmem>> -> memref<1x125x128xf32, #tpu.memory_space<vmem>>
      %dma_start3A_111 = tpu.memref_squeeze %dma_start3A_110 : memref<1x125x128xf32, #tpu.memory_space<vmem>> -> memref<125x128xf32, #tpu.memory_space<vmem>>
      %dma_start3A_112 = arith.constant 0 : i32
      %dma_start3A_113 = arith.constant 0 : i32
      %dma_start3A_114 = tpu.memref_slice %dma_start3A_111[%dma_start3A_112, %dma_start3A_113] : memref<125x128xf32, #tpu.memory_space<vmem>> -> memref<80x128xf32, #tpu.memory_space<vmem>>
      %dma_start3A_115 = arith.constant 0 : i32
      %dma_start3A_116 = tpu.memref_slice %arg9[%add3A_7, %dma_start3A_115] : memref<10240x128xf32, #tpu.memory_space<vmem_shared>> -> memref<80x128xf32, #tpu.memory_space<vmem_shared>>
      %dma_start3A_117 = arith.constant 0 : i32
      %dma_start3A_118 = tpu.memref_slice %arg9[%add3A_7, %dma_start3A_117] : memref<10240x128xf32, #tpu.memory_space<vmem_shared>> -> memref<80x128xf32, #tpu.memory_space<vmem_shared>>
      %dma_start3A_119 = arith.constant 0 : i32
      %dma_start3A_120 = arith.constant 0 : i32
      %dma_start3A_121 = tpu.memref_slice %arg8[%run_scoped3A, %dma_start3A_119, %dma_start3A_120] : memref<2x125x128xf32, #tpu.memory_space<vmem>> -> memref<1x125x128xf32, #tpu.memory_space<vmem>>
      %dma_start3A_122 = tpu.memref_squeeze %dma_start3A_121 : memref<1x125x128xf32, #tpu.memory_space<vmem>> -> memref<125x128xf32, #tpu.memory_space<vmem>>
      %dma_start3A_123 = arith.constant 0 : i32
      %dma_start3A_124 = arith.constant 0 : i32
      %dma_start3A_125 = tpu.memref_slice %dma_start3A_122[%dma_start3A_123, %dma_start3A_124] : memref<125x128xf32, #tpu.memory_space<vmem>> -> memref<80x128xf32, #tpu.memory_space<vmem>>
      tpu.enqueue_dma source(%dma_start3A_125 : memref<80x128xf32, #tpu.memory_space<vmem>>) target(%dma_start3A_118 : memref<80x128xf32, #tpu.memory_space<vmem_shared>>) target_semaphore(%run_scoped3A_107 : memref<!tpu.dma_semaphore, #tpu.memory_space<semaphore_mem>>)
      %dma_wait3A = arith.constant 0 : i32
      %dma_wait3A_126 = arith.constant 0 : i32
      %dma_wait3A_127 = tpu.memref_slice %arg8[%run_scoped3A, %dma_wait3A, %dma_wait3A_126] : memref<2x125x128xf32, #tpu.memory_space<vmem>> -> memref<1x125x128xf32, #tpu.memory_space<vmem>>
      %dma_wait3A_128 = tpu.memref_squeeze %dma_wait3A_127 : memref<1x125x128xf32, #tpu.memory_space<vmem>> -> memref<125x128xf32, #tpu.memory_space<vmem>>
      %dma_wait3A_129 = arith.constant 0 : i32
      %dma_wait3A_130 = arith.constant 0 : i32
      %dma_wait3A_131 = tpu.memref_slice %dma_wait3A_128[%dma_wait3A_129, %dma_wait3A_130] : memref<125x128xf32, #tpu.memory_space<vmem>> -> memref<80x128xf32, #tpu.memory_space<vmem>>
      %dma_wait3A_132 = arith.constant 0 : i32
      %dma_wait3A_133 = tpu.memref_slice %arg9[%add3A_7, %dma_wait3A_132] : memref<10240x128xf32, #tpu.memory_space<vmem_shared>> -> memref<80x128xf32, #tpu.memory_space<vmem_shared>>
      %dma_wait3A_134 = arith.constant 0 : i32
      %dma_wait3A_135 = tpu.memref_slice %arg9[%add3A_7, %dma_wait3A_134] : memref<10240x128xf32, #tpu.memory_space<vmem_shared>> -> memref<80x128xf32, #tpu.memory_space<vmem_shared>>
      %dma_wait3A_136 = arith.constant 0 : i32
      %dma_wait3A_137 = arith.constant 0 : i32
      %dma_wait3A_138 = tpu.memref_slice %arg8[%run_scoped3A, %dma_wait3A_136, %dma_wait3A_137] : memref<2x125x128xf32, #tpu.memory_space<vmem>> -> memref<1x125x128xf32, #tpu.memory_space<vmem>>
      %dma_wait3A_139 = tpu.memref_squeeze %dma_wait3A_138 : memref<1x125x128xf32, #tpu.memory_space<vmem>> -> memref<125x128xf32, #tpu.memory_space<vmem>>
      %dma_wait3A_140 = arith.constant 0 : i32
      %dma_wait3A_141 = arith.constant 0 : i32
      %dma_wait3A_142 = tpu.memref_slice %dma_wait3A_139[%dma_wait3A_140, %dma_wait3A_141] : memref<125x128xf32, #tpu.memory_space<vmem>> -> memref<80x128xf32, #tpu.memory_space<vmem>>
      tpu.wait_dma2 semaphore(%run_scoped3A_107 : memref<!tpu.dma_semaphore, #tpu.memory_space<semaphore_mem>>) src(%dma_wait3A_142 : memref<80x128xf32, #tpu.memory_space<vmem>>) dst(%dma_wait3A_135 : memref<80x128xf32, #tpu.memory_space<vmem_shared>>)
      tpu.yield
    }) : () -> ()
    %mul3A_8 = arith.constant 640 : i32
    %mul3A_9 = arith.muli %arg1, %mul3A_8 : i32
    %add3A_10 = arith.constant 80 : i32
    %add3A_11 = arith.addi %mul3A_9, %add3A_10 : i32
    %run_scoped3A_12 = arith.constant 0 : i32
    "tpu.region"() ({
      %run_scoped3A_107 = tpu.sem_alloc : memref<!tpu.dma_semaphore, #tpu.memory_space<semaphore_mem>>
      %dma_start3A_108 = arith.constant 0 : i32
      %dma_start3A_109 = arith.constant 0 : i32
      %dma_start3A_110 = tpu.memref_slice %arg8[%run_scoped3A_12, %dma_start3A_108, %dma_start3A_109] : memref<2x125x128xf32, #tpu.memory_space<vmem>> -> memref<1x125x128xf32, #tpu.memory_space<vmem>>
      %dma_start3A_111 = tpu.memref_squeeze %dma_start3A_110 : memref<1x125x128xf32, #tpu.memory_space<vmem>> -> memref<125x128xf32, #tpu.memory_space<vmem>>
      %dma_start3A_112 = arith.constant 0 : i32
      %dma_start3A_113 = arith.constant 0 : i32
      %dma_start3A_114 = tpu.memref_slice %dma_start3A_111[%dma_start3A_112, %dma_start3A_113] : memref<125x128xf32, #tpu.memory_space<vmem>> -> memref<80x128xf32, #tpu.memory_space<vmem>>
      %dma_start3A_115 = arith.constant 0 : i32
      %dma_start3A_116 = tpu.memref_slice %arg9[%add3A_11, %dma_start3A_115] : memref<10240x128xf32, #tpu.memory_space<vmem_shared>> -> memref<80x128xf32, #tpu.memory_space<vmem_shared>>
      %dma_start3A_117 = arith.constant 0 : i32
      %dma_start3A_118 = tpu.memref_slice %arg9[%add3A_11, %dma_start3A_117] : memref<10240x128xf32, #tpu.memory_space<vmem_shared>> -> memref<80x128xf32, #tpu.memory_space<vmem_shared>>
      %dma_start3A_119 = arith.constant 0 : i32
      %dma_start3A_120 = arith.constant 0 : i32
      %dma_start3A_121 = tpu.memref_slice %arg8[%run_scoped3A_12, %dma_start3A_119, %dma_start3A_120] : memref<2x125x128xf32, #tpu.memory_space<vmem>> -> memref<1x125x128xf32, #tpu.memory_space<vmem>>
      %dma_start3A_122 = tpu.memref_squeeze %dma_start3A_121 : memref<1x125x128xf32, #tpu.memory_space<vmem>> -> memref<125x128xf32, #tpu.memory_space<vmem>>
      %dma_start3A_123 = arith.constant 0 : i32
      %dma_start3A_124 = arith.constant 0 : i32
      %dma_start3A_125 = tpu.memref_slice %dma_start3A_122[%dma_start3A_123, %dma_start3A_124] : memref<125x128xf32, #tpu.memory_space<vmem>> -> memref<80x128xf32, #tpu.memory_space<vmem>>
      tpu.enqueue_dma source(%dma_start3A_125 : memref<80x128xf32, #tpu.memory_space<vmem>>) target(%dma_start3A_118 : memref<80x128xf32, #tpu.memory_space<vmem_shared>>) target_semaphore(%run_scoped3A_107 : memref<!tpu.dma_semaphore, #tpu.memory_space<semaphore_mem>>)
      %dma_wait3A = arith.constant 0 : i32
      %dma_wait3A_126 = arith.constant 0 : i32
      %dma_wait3A_127 = tpu.memref_slice %arg8[%run_scoped3A_12, %dma_wait3A, %dma_wait3A_126] : memref<2x125x128xf32, #tpu.memory_space<vmem>> -> memref<1x125x128xf32, #tpu.memory_space<vmem>>
      %dma_wait3A_128 = tpu.memref_squeeze %dma_wait3A_127 : memref<1x125x128xf32, #tpu.memory_space<vmem>> -> memref<125x128xf32, #tpu.memory_space<vmem>>
      %dma_wait3A_129 = arith.constant 0 : i32
      %dma_wait3A_130 = arith.constant 0 : i32
      %dma_wait3A_131 = tpu.memref_slice %dma_wait3A_128[%dma_wait3A_129, %dma_wait3A_130] : memref<125x128xf32, #tpu.memory_space<vmem>> -> memref<80x128xf32, #tpu.memory_space<vmem>>
      %dma_wait3A_132 = arith.constant 0 : i32
      %dma_wait3A_133 = tpu.memref_slice %arg9[%add3A_11, %dma_wait3A_132] : memref<10240x128xf32, #tpu.memory_space<vmem_shared>> -> memref<80x128xf32, #tpu.memory_space<vmem_shared>>
      %dma_wait3A_134 = arith.constant 0 : i32
      %dma_wait3A_135 = tpu.memref_slice %arg9[%add3A_11, %dma_wait3A_134] : memref<10240x128xf32, #tpu.memory_space<vmem_shared>> -> memref<80x128xf32, #tpu.memory_space<vmem_shared>>
      %dma_wait3A_136 = arith.constant 0 : i32
      %dma_wait3A_137 = arith.constant 0 : i32
      %dma_wait3A_138 = tpu.memref_slice %arg8[%run_scoped3A_12, %dma_wait3A_136, %dma_wait3A_137] : memref<2x125x128xf32, #tpu.memory_space<vmem>> -> memref<1x125x128xf32, #tpu.memory_space<vmem>>
      %dma_wait3A_139 = tpu.memref_squeeze %dma_wait3A_138 : memref<1x125x128xf32, #tpu.memory_space<vmem>> -> memref<125x128xf32, #tpu.memory_space<vmem>>
      %dma_wait3A_140 = arith.constant 0 : i32
      %dma_wait3A_141 = arith.constant 0 : i32
      %dma_wait3A_142 = tpu.memref_slice %dma_wait3A_139[%dma_wait3A_140, %dma_wait3A_141] : memref<125x128xf32, #tpu.memory_space<vmem>> -> memref<80x128xf32, #tpu.memory_space<vmem>>
      tpu.wait_dma2 semaphore(%run_scoped3A_107 : memref<!tpu.dma_semaphore, #tpu.memory_space<semaphore_mem>>) src(%dma_wait3A_142 : memref<80x128xf32, #tpu.memory_space<vmem>>) dst(%dma_wait3A_135 : memref<80x128xf32, #tpu.memory_space<vmem_shared>>)
      tpu.yield
    }) : () -> ()
    %mul3A_13 = arith.constant 640 : i32
    %mul3A_14 = arith.muli %arg1, %mul3A_13 : i32
    %add3A_15 = arith.constant 160 : i32
    %add3A_16 = arith.addi %mul3A_14, %add3A_15 : i32
    %run_scoped3A_17 = arith.constant 0 : i32
    "tpu.region"() ({
      %run_scoped3A_107 = tpu.sem_alloc : memref<!tpu.dma_semaphore, #tpu.memory_space<semaphore_mem>>
      %dma_start3A_108 = arith.constant 0 : i32
      %dma_start3A_109 = arith.constant 0 : i32
      %dma_start3A_110 = tpu.memref_slice %arg8[%run_scoped3A_17, %dma_start3A_108, %dma_start3A_109] : memref<2x125x128xf32, #tpu.memory_space<vmem>> -> memref<1x125x128xf32, #tpu.memory_space<vmem>>
      %dma_start3A_111 = tpu.memref_squeeze %dma_start3A_110 : memref<1x125x128xf32, #tpu.memory_space<vmem>> -> memref<125x128xf32, #tpu.memory_space<vmem>>
      %dma_start3A_112 = arith.constant 0 : i32
      %dma_start3A_113 = arith.constant 0 : i32
      %dma_start3A_114 = tpu.memref_slice %dma_start3A_111[%dma_start3A_112, %dma_start3A_113] : memref<125x128xf32, #tpu.memory_space<vmem>> -> memref<80x128xf32, #tpu.memory_space<vmem>>
      %dma_start3A_115 = arith.constant 0 : i32
      %dma_start3A_116 = tpu.memref_slice %arg9[%add3A_16, %dma_start3A_115] : memref<10240x128xf32, #tpu.memory_space<vmem_shared>> -> memref<80x128xf32, #tpu.memory_space<vmem_shared>>
      %dma_start3A_117 = arith.constant 0 : i32
      %dma_start3A_118 = tpu.memref_slice %arg9[%add3A_16, %dma_start3A_117] : memref<10240x128xf32, #tpu.memory_space<vmem_shared>> -> memref<80x128xf32, #tpu.memory_space<vmem_shared>>
      %dma_start3A_119 = arith.constant 0 : i32
      %dma_start3A_120 = arith.constant 0 : i32
      %dma_start3A_121 = tpu.memref_slice %arg8[%run_scoped3A_17, %dma_start3A_119, %dma_start3A_120] : memref<2x125x128xf32, #tpu.memory_space<vmem>> -> memref<1x125x128xf32, #tpu.memory_space<vmem>>
      %dma_start3A_122 = tpu.memref_squeeze %dma_start3A_121 : memref<1x125x128xf32, #tpu.memory_space<vmem>> -> memref<125x128xf32, #tpu.memory_space<vmem>>
      %dma_start3A_123 = arith.constant 0 : i32
      %dma_start3A_124 = arith.constant 0 : i32
      %dma_start3A_125 = tpu.memref_slice %dma_start3A_122[%dma_start3A_123, %dma_start3A_124] : memref<125x128xf32, #tpu.memory_space<vmem>> -> memref<80x128xf32, #tpu.memory_space<vmem>>
      tpu.enqueue_dma source(%dma_start3A_125 : memref<80x128xf32, #tpu.memory_space<vmem>>) target(%dma_start3A_118 : memref<80x128xf32, #tpu.memory_space<vmem_shared>>) target_semaphore(%run_scoped3A_107 : memref<!tpu.dma_semaphore, #tpu.memory_space<semaphore_mem>>)
      %dma_wait3A = arith.constant 0 : i32
      %dma_wait3A_126 = arith.constant 0 : i32
      %dma_wait3A_127 = tpu.memref_slice %arg8[%run_scoped3A_17, %dma_wait3A, %dma_wait3A_126] : memref<2x125x128xf32, #tpu.memory_space<vmem>> -> memref<1x125x128xf32, #tpu.memory_space<vmem>>
      %dma_wait3A_128 = tpu.memref_squeeze %dma_wait3A_127 : memref<1x125x128xf32, #tpu.memory_space<vmem>> -> memref<125x128xf32, #tpu.memory_space<vmem>>
      %dma_wait3A_129 = arith.constant 0 : i32
      %dma_wait3A_130 = arith.constant 0 : i32
      %dma_wait3A_131 = tpu.memref_slice %dma_wait3A_128[%dma_wait3A_129, %dma_wait3A_130] : memref<125x128xf32, #tpu.memory_space<vmem>> -> memref<80x128xf32, #tpu.memory_space<vmem>>
      %dma_wait3A_132 = arith.constant 0 : i32
      %dma_wait3A_133 = tpu.memref_slice %arg9[%add3A_16, %dma_wait3A_132] : memref<10240x128xf32, #tpu.memory_space<vmem_shared>> -> memref<80x128xf32, #tpu.memory_space<vmem_shared>>
      %dma_wait3A_134 = arith.constant 0 : i32
      %dma_wait3A_135 = tpu.memref_slice %arg9[%add3A_16, %dma_wait3A_134] : memref<10240x128xf32, #tpu.memory_space<vmem_shared>> -> memref<80x128xf32, #tpu.memory_space<vmem_shared>>
      %dma_wait3A_136 = arith.constant 0 : i32
      %dma_wait3A_137 = arith.constant 0 : i32
      %dma_wait3A_138 = tpu.memref_slice %arg8[%run_scoped3A_17, %dma_wait3A_136, %dma_wait3A_137] : memref<2x125x128xf32, #tpu.memory_space<vmem>> -> memref<1x125x128xf32, #tpu.memory_space<vmem>>
      %dma_wait3A_139 = tpu.memref_squeeze %dma_wait3A_138 : memref<1x125x128xf32, #tpu.memory_space<vmem>> -> memref<125x128xf32, #tpu.memory_space<vmem>>
      %dma_wait3A_140 = arith.constant 0 : i32
      %dma_wait3A_141 = arith.constant 0 : i32
      %dma_wait3A_142 = tpu.memref_slice %dma_wait3A_139[%dma_wait3A_140, %dma_wait3A_141] : memref<125x128xf32, #tpu.memory_space<vmem>> -> memref<80x128xf32, #tpu.memory_space<vmem>>
      tpu.wait_dma2 semaphore(%run_scoped3A_107 : memref<!tpu.dma_semaphore, #tpu.memory_space<semaphore_mem>>) src(%dma_wait3A_142 : memref<80x128xf32, #tpu.memory_space<vmem>>) dst(%dma_wait3A_135 : memref<80x128xf32, #tpu.memory_space<vmem_shared>>)
      tpu.yield
    }) : () -> ()
    %mul3A_18 = arith.constant 640 : i32
    %mul3A_19 = arith.muli %arg1, %mul3A_18 : i32
    %add3A_20 = arith.constant 240 : i32
    %add3A_21 = arith.addi %mul3A_19, %add3A_20 : i32
    %run_scoped3A_22 = arith.constant 0 : i32
    "tpu.region"() ({
      %run_scoped3A_107 = tpu.sem_alloc : memref<!tpu.dma_semaphore, #tpu.memory_space<semaphore_mem>>
      %dma_start3A_108 = arith.constant 0 : i32
      %dma_start3A_109 = arith.constant 0 : i32
      %dma_start3A_110 = tpu.memref_slice %arg8[%run_scoped3A_22, %dma_start3A_108, %dma_start3A_109] : memref<2x125x128xf32, #tpu.memory_space<vmem>> -> memref<1x125x128xf32, #tpu.memory_space<vmem>>
      %dma_start3A_111 = tpu.memref_squeeze %dma_start3A_110 : memref<1x125x128xf32, #tpu.memory_space<vmem>> -> memref<125x128xf32, #tpu.memory_space<vmem>>
      %dma_start3A_112 = arith.constant 0 : i32
      %dma_start3A_113 = arith.constant 0 : i32
      %dma_start3A_114 = tpu.memref_slice %dma_start3A_111[%dma_start3A_112, %dma_start3A_113] : memref<125x128xf32, #tpu.memory_space<vmem>> -> memref<80x128xf32, #tpu.memory_space<vmem>>
      %dma_start3A_115 = arith.constant 0 : i32
      %dma_start3A_116 = tpu.memref_slice %arg9[%add3A_21, %dma_start3A_115] : memref<10240x128xf32, #tpu.memory_space<vmem_shared>> -> memref<80x128xf32, #tpu.memory_space<vmem_shared>>
      %dma_start3A_117 = arith.constant 0 : i32
      %dma_start3A_118 = tpu.memref_slice %arg9[%add3A_21, %dma_start3A_117] : memref<10240x128xf32, #tpu.memory_space<vmem_shared>> -> memref<80x128xf32, #tpu.memory_space<vmem_shared>>
      %dma_start3A_119 = arith.constant 0 : i32
      %dma_start3A_120 = arith.constant 0 : i32
      %dma_start3A_121 = tpu.memref_slice %arg8[%run_scoped3A_22, %dma_start3A_119, %dma_start3A_120] : memref<2x125x128xf32, #tpu.memory_space<vmem>> -> memref<1x125x128xf32, #tpu.memory_space<vmem>>
      %dma_start3A_122 = tpu.memref_squeeze %dma_start3A_121 : memref<1x125x128xf32, #tpu.memory_space<vmem>> -> memref<125x128xf32, #tpu.memory_space<vmem>>
      %dma_start3A_123 = arith.constant 0 : i32
      %dma_start3A_124 = arith.constant 0 : i32
      %dma_start3A_125 = tpu.memref_slice %dma_start3A_122[%dma_start3A_123, %dma_start3A_124] : memref<125x128xf32, #tpu.memory_space<vmem>> -> memref<80x128xf32, #tpu.memory_space<vmem>>
      tpu.enqueue_dma source(%dma_start3A_125 : memref<80x128xf32, #tpu.memory_space<vmem>>) target(%dma_start3A_118 : memref<80x128xf32, #tpu.memory_space<vmem_shared>>) target_semaphore(%run_scoped3A_107 : memref<!tpu.dma_semaphore, #tpu.memory_space<semaphore_mem>>)
      %dma_wait3A = arith.constant 0 : i32
      %dma_wait3A_126 = arith.constant 0 : i32
      %dma_wait3A_127 = tpu.memref_slice %arg8[%run_scoped3A_22, %dma_wait3A, %dma_wait3A_126] : memref<2x125x128xf32, #tpu.memory_space<vmem>> -> memref<1x125x128xf32, #tpu.memory_space<vmem>>
      %dma_wait3A_128 = tpu.memref_squeeze %dma_wait3A_127 : memref<1x125x128xf32, #tpu.memory_space<vmem>> -> memref<125x128xf32, #tpu.memory_space<vmem>>
      %dma_wait3A_129 = arith.constant 0 : i32
      %dma_wait3A_130 = arith.constant 0 : i32
      %dma_wait3A_131 = tpu.memref_slice %dma_wait3A_128[%dma_wait3A_129, %dma_wait3A_130] : memref<125x128xf32, #tpu.memory_space<vmem>> -> memref<80x128xf32, #tpu.memory_space<vmem>>
      %dma_wait3A_132 = arith.constant 0 : i32
      %dma_wait3A_133 = tpu.memref_slice %arg9[%add3A_21, %dma_wait3A_132] : memref<10240x128xf32, #tpu.memory_space<vmem_shared>> -> memref<80x128xf32, #tpu.memory_space<vmem_shared>>
      %dma_wait3A_134 = arith.constant 0 : i32
      %dma_wait3A_135 = tpu.memref_slice %arg9[%add3A_21, %dma_wait3A_134] : memref<10240x128xf32, #tpu.memory_space<vmem_shared>> -> memref<80x128xf32, #tpu.memory_space<vmem_shared>>
      %dma_wait3A_136 = arith.constant 0 : i32
      %dma_wait3A_137 = arith.constant 0 : i32
      %dma_wait3A_138 = tpu.memref_slice %arg8[%run_scoped3A_22, %dma_wait3A_136, %dma_wait3A_137] : memref<2x125x128xf32, #tpu.memory_space<vmem>> -> memref<1x125x128xf32, #tpu.memory_space<vmem>>
      %dma_wait3A_139 = tpu.memref_squeeze %dma_wait3A_138 : memref<1x125x128xf32, #tpu.memory_space<vmem>> -> memref<125x128xf32, #tpu.memory_space<vmem>>
      %dma_wait3A_140 = arith.constant 0 : i32
      %dma_wait3A_141 = arith.constant 0 : i32
      %dma_wait3A_142 = tpu.memref_slice %dma_wait3A_139[%dma_wait3A_140, %dma_wait3A_141] : memref<125x128xf32, #tpu.memory_space<vmem>> -> memref<80x128xf32, #tpu.memory_space<vmem>>
      tpu.wait_dma2 semaphore(%run_scoped3A_107 : memref<!tpu.dma_semaphore, #tpu.memory_space<semaphore_mem>>) src(%dma_wait3A_142 : memref<80x128xf32, #tpu.memory_space<vmem>>) dst(%dma_wait3A_135 : memref<80x128xf32, #tpu.memory_space<vmem_shared>>)
      tpu.yield
    }) : () -> ()
    %mul3A_23 = arith.constant 640 : i32
    %mul3A_24 = arith.muli %arg1, %mul3A_23 : i32
    %add3A_25 = arith.constant 320 : i32
    %add3A_26 = arith.addi %mul3A_24, %add3A_25 : i32
    %run_scoped3A_27 = arith.constant 0 : i32
    "tpu.region"() ({
      %run_scoped3A_107 = tpu.sem_alloc : memref<!tpu.dma_semaphore, #tpu.memory_space<semaphore_mem>>
      %dma_start3A_108 = arith.constant 0 : i32
      %dma_start3A_109 = arith.constant 0 : i32
      %dma_start3A_110 = tpu.memref_slice %arg8[%run_scoped3A_27, %dma_start3A_108, %dma_start3A_109] : memref<2x125x128xf32, #tpu.memory_space<vmem>> -> memref<1x125x128xf32, #tpu.memory_space<vmem>>
      %dma_start3A_111 = tpu.memref_squeeze %dma_start3A_110 : memref<1x125x128xf32, #tpu.memory_space<vmem>> -> memref<125x128xf32, #tpu.memory_space<vmem>>
      %dma_start3A_112 = arith.constant 0 : i32
      %dma_start3A_113 = arith.constant 0 : i32
      %dma_start3A_114 = tpu.memref_slice %dma_start3A_111[%dma_start3A_112, %dma_start3A_113] : memref<125x128xf32, #tpu.memory_space<vmem>> -> memref<80x128xf32, #tpu.memory_space<vmem>>
      %dma_start3A_115 = arith.constant 0 : i32
      %dma_start3A_116 = tpu.memref_slice %arg9[%add3A_26, %dma_start3A_115] : memref<10240x128xf32, #tpu.memory_space<vmem_shared>> -> memref<80x128xf32, #tpu.memory_space<vmem_shared>>
      %dma_start3A_117 = arith.constant 0 : i32
      %dma_start3A_118 = tpu.memref_slice %arg9[%add3A_26, %dma_start3A_117] : memref<10240x128xf32, #tpu.memory_space<vmem_shared>> -> memref<80x128xf32, #tpu.memory_space<vmem_shared>>
      %dma_start3A_119 = arith.constant 0 : i32
      %dma_start3A_120 = arith.constant 0 : i32
      %dma_start3A_121 = tpu.memref_slice %arg8[%run_scoped3A_27, %dma_start3A_119, %dma_start3A_120] : memref<2x125x128xf32, #tpu.memory_space<vmem>> -> memref<1x125x128xf32, #tpu.memory_space<vmem>>
      %dma_start3A_122 = tpu.memref_squeeze %dma_start3A_121 : memref<1x125x128xf32, #tpu.memory_space<vmem>> -> memref<125x128xf32, #tpu.memory_space<vmem>>
      %dma_start3A_123 = arith.constant 0 : i32
      %dma_start3A_124 = arith.constant 0 : i32
      %dma_start3A_125 = tpu.memref_slice %dma_start3A_122[%dma_start3A_123, %dma_start3A_124] : memref<125x128xf32, #tpu.memory_space<vmem>> -> memref<80x128xf32, #tpu.memory_space<vmem>>
      tpu.enqueue_dma source(%dma_start3A_125 : memref<80x128xf32, #tpu.memory_space<vmem>>) target(%dma_start3A_118 : memref<80x128xf32, #tpu.memory_space<vmem_shared>>) target_semaphore(%run_scoped3A_107 : memref<!tpu.dma_semaphore, #tpu.memory_space<semaphore_mem>>)
      %dma_wait3A = arith.constant 0 : i32
      %dma_wait3A_126 = arith.constant 0 : i32
      %dma_wait3A_127 = tpu.memref_slice %arg8[%run_scoped3A_27, %dma_wait3A, %dma_wait3A_126] : memref<2x125x128xf32, #tpu.memory_space<vmem>> -> memref<1x125x128xf32, #tpu.memory_space<vmem>>
      %dma_wait3A_128 = tpu.memref_squeeze %dma_wait3A_127 : memref<1x125x128xf32, #tpu.memory_space<vmem>> -> memref<125x128xf32, #tpu.memory_space<vmem>>
      %dma_wait3A_129 = arith.constant 0 : i32
      %dma_wait3A_130 = arith.constant 0 : i32
      %dma_wait3A_131 = tpu.memref_slice %dma_wait3A_128[%dma_wait3A_129, %dma_wait3A_130] : memref<125x128xf32, #tpu.memory_space<vmem>> -> memref<80x128xf32, #tpu.memory_space<vmem>>
      %dma_wait3A_132 = arith.constant 0 : i32
      %dma_wait3A_133 = tpu.memref_slice %arg9[%add3A_26, %dma_wait3A_132] : memref<10240x128xf32, #tpu.memory_space<vmem_shared>> -> memref<80x128xf32, #tpu.memory_space<vmem_shared>>
      %dma_wait3A_134 = arith.constant 0 : i32
      %dma_wait3A_135 = tpu.memref_slice %arg9[%add3A_26, %dma_wait3A_134] : memref<10240x128xf32, #tpu.memory_space<vmem_shared>> -> memref<80x128xf32, #tpu.memory_space<vmem_shared>>
      %dma_wait3A_136 = arith.constant 0 : i32
      %dma_wait3A_137 = arith.constant 0 : i32
      %dma_wait3A_138 = tpu.memref_slice %arg8[%run_scoped3A_27, %dma_wait3A_136, %dma_wait3A_137] : memref<2x125x128xf32, #tpu.memory_space<vmem>> -> memref<1x125x128xf32, #tpu.memory_space<vmem>>
      %dma_wait3A_139 = tpu.memref_squeeze %dma_wait3A_138 : memref<1x125x128xf32, #tpu.memory_space<vmem>> -> memref<125x128xf32, #tpu.memory_space<vmem>>
      %dma_wait3A_140 = arith.constant 0 : i32
      %dma_wait3A_141 = arith.constant 0 : i32
      %dma_wait3A_142 = tpu.memref_slice %dma_wait3A_139[%dma_wait3A_140, %dma_wait3A_141] : memref<125x128xf32, #tpu.memory_space<vmem>> -> memref<80x128xf32, #tpu.memory_space<vmem>>
      tpu.wait_dma2 semaphore(%run_scoped3A_107 : memref<!tpu.dma_semaphore, #tpu.memory_space<semaphore_mem>>) src(%dma_wait3A_142 : memref<80x128xf32, #tpu.memory_space<vmem>>) dst(%dma_wait3A_135 : memref<80x128xf32, #tpu.memory_space<vmem_shared>>)
      tpu.yield
    }) : () -> ()
    %mul3A_28 = arith.constant 640 : i32
    %mul3A_29 = arith.muli %arg1, %mul3A_28 : i32
    %add3A_30 = arith.constant 400 : i32
    %add3A_31 = arith.addi %mul3A_29, %add3A_30 : i32
    %run_scoped3A_32 = arith.constant 0 : i32
    "tpu.region"() ({
      %run_scoped3A_107 = tpu.sem_alloc : memref<!tpu.dma_semaphore, #tpu.memory_space<semaphore_mem>>
      %dma_start3A_108 = arith.constant 0 : i32
      %dma_start3A_109 = arith.constant 0 : i32
      %dma_start3A_110 = tpu.memref_slice %arg8[%run_scoped3A_32, %dma_start3A_108, %dma_start3A_109] : memref<2x125x128xf32, #tpu.memory_space<vmem>> -> memref<1x125x128xf32, #tpu.memory_space<vmem>>
      %dma_start3A_111 = tpu.memref_squeeze %dma_start3A_110 : memref<1x125x128xf32, #tpu.memory_space<vmem>> -> memref<125x128xf32, #tpu.memory_space<vmem>>
      %dma_start3A_112 = arith.constant 0 : i32
      %dma_start3A_113 = arith.constant 0 : i32
      %dma_start3A_114 = tpu.memref_slice %dma_start3A_111[%dma_start3A_112, %dma_start3A_113] : memref<125x128xf32, #tpu.memory_space<vmem>> -> memref<80x128xf32, #tpu.memory_space<vmem>>
      %dma_start3A_115 = arith.constant 0 : i32
      %dma_start3A_116 = tpu.memref_slice %arg9[%add3A_31, %dma_start3A_115] : memref<10240x128xf32, #tpu.memory_space<vmem_shared>> -> memref<80x128xf32, #tpu.memory_space<vmem_shared>>
      %dma_start3A_117 = arith.constant 0 : i32
      %dma_start3A_118 = tpu.memref_slice %arg9[%add3A_31, %dma_start3A_117] : memref<10240x128xf32, #tpu.memory_space<vmem_shared>> -> memref<80x128xf32, #tpu.memory_space<vmem_shared>>
      %dma_start3A_119 = arith.constant 0 : i32
      %dma_start3A_120 = arith.constant 0 : i32
      %dma_start3A_121 = tpu.memref_slice %arg8[%run_scoped3A_32, %dma_start3A_119, %dma_start3A_120] : memref<2x125x128xf32, #tpu.memory_space<vmem>> -> memref<1x125x128xf32, #tpu.memory_space<vmem>>
      %dma_start3A_122 = tpu.memref_squeeze %dma_start3A_121 : memref<1x125x128xf32, #tpu.memory_space<vmem>> -> memref<125x128xf32, #tpu.memory_space<vmem>>
      %dma_start3A_123 = arith.constant 0 : i32
      %dma_start3A_124 = arith.constant 0 : i32
      %dma_start3A_125 = tpu.memref_slice %dma_start3A_122[%dma_start3A_123, %dma_start3A_124] : memref<125x128xf32, #tpu.memory_space<vmem>> -> memref<80x128xf32, #tpu.memory_space<vmem>>
      tpu.enqueue_dma source(%dma_start3A_125 : memref<80x128xf32, #tpu.memory_space<vmem>>) target(%dma_start3A_118 : memref<80x128xf32, #tpu.memory_space<vmem_shared>>) target_semaphore(%run_scoped3A_107 : memref<!tpu.dma_semaphore, #tpu.memory_space<semaphore_mem>>)
      %dma_wait3A = arith.constant 0 : i32
      %dma_wait3A_126 = arith.constant 0 : i32
      %dma_wait3A_127 = tpu.memref_slice %arg8[%run_scoped3A_32, %dma_wait3A, %dma_wait3A_126] : memref<2x125x128xf32, #tpu.memory_space<vmem>> -> memref<1x125x128xf32, #tpu.memory_space<vmem>>
      %dma_wait3A_128 = tpu.memref_squeeze %dma_wait3A_127 : memref<1x125x128xf32, #tpu.memory_space<vmem>> -> memref<125x128xf32, #tpu.memory_space<vmem>>
      %dma_wait3A_129 = arith.constant 0 : i32
      %dma_wait3A_130 = arith.constant 0 : i32
      %dma_wait3A_131 = tpu.memref_slice %dma_wait3A_128[%dma_wait3A_129, %dma_wait3A_130] : memref<125x128xf32, #tpu.memory_space<vmem>> -> memref<80x128xf32, #tpu.memory_space<vmem>>
      %dma_wait3A_132 = arith.constant 0 : i32
      %dma_wait3A_133 = tpu.memref_slice %arg9[%add3A_31, %dma_wait3A_132] : memref<10240x128xf32, #tpu.memory_space<vmem_shared>> -> memref<80x128xf32, #tpu.memory_space<vmem_shared>>
      %dma_wait3A_134 = arith.constant 0 : i32
      %dma_wait3A_135 = tpu.memref_slice %arg9[%add3A_31, %dma_wait3A_134] : memref<10240x128xf32, #tpu.memory_space<vmem_shared>> -> memref<80x128xf32, #tpu.memory_space<vmem_shared>>
      %dma_wait3A_136 = arith.constant 0 : i32
      %dma_wait3A_137 = arith.constant 0 : i32
      %dma_wait3A_138 = tpu.memref_slice %arg8[%run_scoped3A_32, %dma_wait3A_136, %dma_wait3A_137] : memref<2x125x128xf32, #tpu.memory_space<vmem>> -> memref<1x125x128xf32, #tpu.memory_space<vmem>>
      %dma_wait3A_139 = tpu.memref_squeeze %dma_wait3A_138 : memref<1x125x128xf32, #tpu.memory_space<vmem>> -> memref<125x128xf32, #tpu.memory_space<vmem>>
      %dma_wait3A_140 = arith.constant 0 : i32
      %dma_wait3A_141 = arith.constant 0 : i32
      %dma_wait3A_142 = tpu.memref_slice %dma_wait3A_139[%dma_wait3A_140, %dma_wait3A_141] : memref<125x128xf32, #tpu.memory_space<vmem>> -> memref<80x128xf32, #tpu.memory_space<vmem>>
      tpu.wait_dma2 semaphore(%run_scoped3A_107 : memref<!tpu.dma_semaphore, #tpu.memory_space<semaphore_mem>>) src(%dma_wait3A_142 : memref<80x128xf32, #tpu.memory_space<vmem>>) dst(%dma_wait3A_135 : memref<80x128xf32, #tpu.memory_space<vmem_shared>>)
      tpu.yield
    }) : () -> ()
    %mul3A_33 = arith.constant 640 : i32
    %mul3A_34 = arith.muli %arg1, %mul3A_33 : i32
    %add3A_35 = arith.constant 480 : i32
    %add3A_36 = arith.addi %mul3A_34, %add3A_35 : i32
    %run_scoped3A_37 = arith.constant 0 : i32
    "tpu.region"() ({
      %run_scoped3A_107 = tpu.sem_alloc : memref<!tpu.dma_semaphore, #tpu.memory_space<semaphore_mem>>
      %dma_start3A_108 = arith.constant 0 : i32
      %dma_start3A_109 = arith.constant 0 : i32
      %dma_start3A_110 = tpu.memref_slice %arg8[%run_scoped3A_37, %dma_start3A_108, %dma_start3A_109] : memref<2x125x128xf32, #tpu.memory_space<vmem>> -> memref<1x125x128xf32, #tpu.memory_space<vmem>>
      %dma_start3A_111 = tpu.memref_squeeze %dma_start3A_110 : memref<1x125x128xf32, #tpu.memory_space<vmem>> -> memref<125x128xf32, #tpu.memory_space<vmem>>
      %dma_start3A_112 = arith.constant 0 : i32
      %dma_start3A_113 = arith.constant 0 : i32
      %dma_start3A_114 = tpu.memref_slice %dma_start3A_111[%dma_start3A_112, %dma_start3A_113] : memref<125x128xf32, #tpu.memory_space<vmem>> -> memref<80x128xf32, #tpu.memory_space<vmem>>
      %dma_start3A_115 = arith.constant 0 : i32
      %dma_start3A_116 = tpu.memref_slice %arg9[%add3A_36, %dma_start3A_115] : memref<10240x128xf32, #tpu.memory_space<vmem_shared>> -> memref<80x128xf32, #tpu.memory_space<vmem_shared>>
      %dma_start3A_117 = arith.constant 0 : i32
      %dma_start3A_118 = tpu.memref_slice %arg9[%add3A_36, %dma_start3A_117] : memref<10240x128xf32, #tpu.memory_space<vmem_shared>> -> memref<80x128xf32, #tpu.memory_space<vmem_shared>>
      %dma_start3A_119 = arith.constant 0 : i32
      %dma_start3A_120 = arith.constant 0 : i32
      %dma_start3A_121 = tpu.memref_slice %arg8[%run_scoped3A_37, %dma_start3A_119, %dma_start3A_120] : memref<2x125x128xf32, #tpu.memory_space<vmem>> -> memref<1x125x128xf32, #tpu.memory_space<vmem>>
      %dma_start3A_122 = tpu.memref_squeeze %dma_start3A_121 : memref<1x125x128xf32, #tpu.memory_space<vmem>> -> memref<125x128xf32, #tpu.memory_space<vmem>>
      %dma_start3A_123 = arith.constant 0 : i32
      %dma_start3A_124 = arith.constant 0 : i32
      %dma_start3A_125 = tpu.memref_slice %dma_start3A_122[%dma_start3A_123, %dma_start3A_124] : memref<125x128xf32, #tpu.memory_space<vmem>> -> memref<80x128xf32, #tpu.memory_space<vmem>>
      tpu.enqueue_dma source(%dma_start3A_125 : memref<80x128xf32, #tpu.memory_space<vmem>>) target(%dma_start3A_118 : memref<80x128xf32, #tpu.memory_space<vmem_shared>>) target_semaphore(%run_scoped3A_107 : memref<!tpu.dma_semaphore, #tpu.memory_space<semaphore_mem>>)
      %dma_wait3A = arith.constant 0 : i32
      %dma_wait3A_126 = arith.constant 0 : i32
      %dma_wait3A_127 = tpu.memref_slice %arg8[%run_scoped3A_37, %dma_wait3A, %dma_wait3A_126] : memref<2x125x128xf32, #tpu.memory_space<vmem>> -> memref<1x125x128xf32, #tpu.memory_space<vmem>>
      %dma_wait3A_128 = tpu.memref_squeeze %dma_wait3A_127 : memref<1x125x128xf32, #tpu.memory_space<vmem>> -> memref<125x128xf32, #tpu.memory_space<vmem>>
      %dma_wait3A_129 = arith.constant 0 : i32
      %dma_wait3A_130 = arith.constant 0 : i32
      %dma_wait3A_131 = tpu.memref_slice %dma_wait3A_128[%dma_wait3A_129, %dma_wait3A_130] : memref<125x128xf32, #tpu.memory_space<vmem>> -> memref<80x128xf32, #tpu.memory_space<vmem>>
      %dma_wait3A_132 = arith.constant 0 : i32
      %dma_wait3A_133 = tpu.memref_slice %arg9[%add3A_36, %dma_wait3A_132] : memref<10240x128xf32, #tpu.memory_space<vmem_shared>> -> memref<80x128xf32, #tpu.memory_space<vmem_shared>>
      %dma_wait3A_134 = arith.constant 0 : i32
      %dma_wait3A_135 = tpu.memref_slice %arg9[%add3A_36, %dma_wait3A_134] : memref<10240x128xf32, #tpu.memory_space<vmem_shared>> -> memref<80x128xf32, #tpu.memory_space<vmem_shared>>
      %dma_wait3A_136 = arith.constant 0 : i32
      %dma_wait3A_137 = arith.constant 0 : i32
      %dma_wait3A_138 = tpu.memref_slice %arg8[%run_scoped3A_37, %dma_wait3A_136, %dma_wait3A_137] : memref<2x125x128xf32, #tpu.memory_space<vmem>> -> memref<1x125x128xf32, #tpu.memory_space<vmem>>
      %dma_wait3A_139 = tpu.memref_squeeze %dma_wait3A_138 : memref<1x125x128xf32, #tpu.memory_space<vmem>> -> memref<125x128xf32, #tpu.memory_space<vmem>>
      %dma_wait3A_140 = arith.constant 0 : i32
      %dma_wait3A_141 = arith.constant 0 : i32
      %dma_wait3A_142 = tpu.memref_slice %dma_wait3A_139[%dma_wait3A_140, %dma_wait3A_141] : memref<125x128xf32, #tpu.memory_space<vmem>> -> memref<80x128xf32, #tpu.memory_space<vmem>>
      tpu.wait_dma2 semaphore(%run_scoped3A_107 : memref<!tpu.dma_semaphore, #tpu.memory_space<semaphore_mem>>) src(%dma_wait3A_142 : memref<80x128xf32, #tpu.memory_space<vmem>>) dst(%dma_wait3A_135 : memref<80x128xf32, #tpu.memory_space<vmem_shared>>)
      tpu.yield
    }) : () -> ()
    %mul3A_38 = arith.constant 640 : i32
    %mul3A_39 = arith.muli %arg1, %mul3A_38 : i32
    %add3A_40 = arith.constant 560 : i32
    %add3A_41 = arith.addi %mul3A_39, %add3A_40 : i32
    %run_scoped3A_42 = arith.constant 0 : i32
    "tpu.region"() ({
      %run_scoped3A_107 = tpu.sem_alloc : memref<!tpu.dma_semaphore, #tpu.memory_space<semaphore_mem>>
      %dma_start3A_108 = arith.constant 0 : i32
      %dma_start3A_109 = arith.constant 0 : i32
      %dma_start3A_110 = tpu.memref_slice %arg8[%run_scoped3A_42, %dma_start3A_108, %dma_start3A_109] : memref<2x125x128xf32, #tpu.memory_space<vmem>> -> memref<1x125x128xf32, #tpu.memory_space<vmem>>
      %dma_start3A_111 = tpu.memref_squeeze %dma_start3A_110 : memref<1x125x128xf32, #tpu.memory_space<vmem>> -> memref<125x128xf32, #tpu.memory_space<vmem>>
      %dma_start3A_112 = arith.constant 0 : i32
      %dma_start3A_113 = arith.constant 0 : i32
      %dma_start3A_114 = tpu.memref_slice %dma_start3A_111[%dma_start3A_112, %dma_start3A_113] : memref<125x128xf32, #tpu.memory_space<vmem>> -> memref<80x128xf32, #tpu.memory_space<vmem>>
      %dma_start3A_115 = arith.constant 0 : i32
      %dma_start3A_116 = tpu.memref_slice %arg9[%add3A_41, %dma_start3A_115] : memref<10240x128xf32, #tpu.memory_space<vmem_shared>> -> memref<80x128xf32, #tpu.memory_space<vmem_shared>>
      %dma_start3A_117 = arith.constant 0 : i32
      %dma_start3A_118 = tpu.memref_slice %arg9[%add3A_41, %dma_start3A_117] : memref<10240x128xf32, #tpu.memory_space<vmem_shared>> -> memref<80x128xf32, #tpu.memory_space<vmem_shared>>
      %dma_start3A_119 = arith.constant 0 : i32
      %dma_start3A_120 = arith.constant 0 : i32
      %dma_start3A_121 = tpu.memref_slice %arg8[%run_scoped3A_42, %dma_start3A_119, %dma_start3A_120] : memref<2x125x128xf32, #tpu.memory_space<vmem>> -> memref<1x125x128xf32, #tpu.memory_space<vmem>>
      %dma_start3A_122 = tpu.memref_squeeze %dma_start3A_121 : memref<1x125x128xf32, #tpu.memory_space<vmem>> -> memref<125x128xf32, #tpu.memory_space<vmem>>
      %dma_start3A_123 = arith.constant 0 : i32
      %dma_start3A_124 = arith.constant 0 : i32
      %dma_start3A_125 = tpu.memref_slice %dma_start3A_122[%dma_start3A_123, %dma_start3A_124] : memref<125x128xf32, #tpu.memory_space<vmem>> -> memref<80x128xf32, #tpu.memory_space<vmem>>
      tpu.enqueue_dma source(%dma_start3A_125 : memref<80x128xf32, #tpu.memory_space<vmem>>) target(%dma_start3A_118 : memref<80x128xf32, #tpu.memory_space<vmem_shared>>) target_semaphore(%run_scoped3A_107 : memref<!tpu.dma_semaphore, #tpu.memory_space<semaphore_mem>>)
      %dma_wait3A = arith.constant 0 : i32
      %dma_wait3A_126 = arith.constant 0 : i32
      %dma_wait3A_127 = tpu.memref_slice %arg8[%run_scoped3A_42, %dma_wait3A, %dma_wait3A_126] : memref<2x125x128xf32, #tpu.memory_space<vmem>> -> memref<1x125x128xf32, #tpu.memory_space<vmem>>
      %dma_wait3A_128 = tpu.memref_squeeze %dma_wait3A_127 : memref<1x125x128xf32, #tpu.memory_space<vmem>> -> memref<125x128xf32, #tpu.memory_space<vmem>>
      %dma_wait3A_129 = arith.constant 0 : i32
      %dma_wait3A_130 = arith.constant 0 : i32
      %dma_wait3A_131 = tpu.memref_slice %dma_wait3A_128[%dma_wait3A_129, %dma_wait3A_130] : memref<125x128xf32, #tpu.memory_space<vmem>> -> memref<80x128xf32, #tpu.memory_space<vmem>>
      %dma_wait3A_132 = arith.constant 0 : i32
      %dma_wait3A_133 = tpu.memref_slice %arg9[%add3A_41, %dma_wait3A_132] : memref<10240x128xf32, #tpu.memory_space<vmem_shared>> -> memref<80x128xf32, #tpu.memory_space<vmem_shared>>
      %dma_wait3A_134 = arith.constant 0 : i32
      %dma_wait3A_135 = tpu.memref_slice %arg9[%add3A_41, %dma_wait3A_134] : memref<10240x128xf32, #tpu.memory_space<vmem_shared>> -> memref<80x128xf32, #tpu.memory_space<vmem_shared>>
      %dma_wait3A_136 = arith.constant 0 : i32
      %dma_wait3A_137 = arith.constant 0 : i32
      %dma_wait3A_138 = tpu.memref_slice %arg8[%run_scoped3A_42, %dma_wait3A_136, %dma_wait3A_137] : memref<2x125x128xf32, #tpu.memory_space<vmem>> -> memref<1x125x128xf32, #tpu.memory_space<vmem>>
      %dma_wait3A_139 = tpu.memref_squeeze %dma_wait3A_138 : memref<1x125x128xf32, #tpu.memory_space<vmem>> -> memref<125x128xf32, #tpu.memory_space<vmem>>
      %dma_wait3A_140 = arith.constant 0 : i32
      %dma_wait3A_141 = arith.constant 0 : i32
      %dma_wait3A_142 = tpu.memref_slice %dma_wait3A_139[%dma_wait3A_140, %dma_wait3A_141] : memref<125x128xf32, #tpu.memory_space<vmem>> -> memref<80x128xf32, #tpu.memory_space<vmem>>
      tpu.wait_dma2 semaphore(%run_scoped3A_107 : memref<!tpu.dma_semaphore, #tpu.memory_space<semaphore_mem>>) src(%dma_wait3A_142 : memref<80x128xf32, #tpu.memory_space<vmem>>) dst(%dma_wait3A_135 : memref<80x128xf32, #tpu.memory_space<vmem_shared>>)
      tpu.yield
    }) : () -> ()
    %barrier3A = arith.constant 0 : index
    tpu.barrier barrier_id(%barrier3A)
    %mul3A_43 = arith.constant 80 : i32
    %mul3A_44 = arith.muli %arg1, %mul3A_43 : i32
    %add3A_45 = arith.constant 0 : i32
    %add3A_46 = arith.addi %mul3A_44, %add3A_45 : i32
    "tpu.region"() ({
      %run_scoped3A_107 = tpu.sem_alloc : memref<!tpu.dma_semaphore, #tpu.memory_space<semaphore_mem>>
      %dma_start3A_108 = arith.constant 0 : i32
      %dma_start3A_109 = tpu.memref_slice %arg3[%add3A_46, %dma_start3A_108] : memref<1280x125xi32, #tpu.memory_space<hbm>> -> memref<40x125xi32, #tpu.memory_space<hbm>>
      %dma_start3A_110 = arith.constant 0 : i32
      %dma_start3A_111 = tpu.memref_slice %arg3[%add3A_46, %dma_start3A_110] : memref<1280x125xi32, #tpu.memory_space<hbm>> -> memref<40x125xi32, #tpu.memory_space<hbm>>
      tpu.enqueue_dma source(%dma_start3A_111 : memref<40x125xi32, #tpu.memory_space<hbm>>) target(%arg6 : memref<40x125xi32, #tpu.memory_space<vmem>>) target_semaphore(%run_scoped3A_107 : memref<!tpu.dma_semaphore, #tpu.memory_space<semaphore_mem>>)
      %dma_wait3A = arith.constant 0 : i32
      %dma_wait3A_112 = tpu.memref_slice %arg3[%add3A_46, %dma_wait3A] : memref<1280x125xi32, #tpu.memory_space<hbm>> -> memref<40x125xi32, #tpu.memory_space<hbm>>
      %dma_wait3A_113 = arith.constant 0 : i32
      %dma_wait3A_114 = tpu.memref_slice %arg3[%add3A_46, %dma_wait3A_113] : memref<1280x125xi32, #tpu.memory_space<hbm>> -> memref<40x125xi32, #tpu.memory_space<hbm>>
      tpu.wait_dma2 semaphore(%run_scoped3A_107 : memref<!tpu.dma_semaphore, #tpu.memory_space<semaphore_mem>>) src(%dma_wait3A_114 : memref<40x125xi32, #tpu.memory_space<hbm>>) dst(%arg6 : memref<40x125xi32, #tpu.memory_space<vmem>>)
      tpu.yield
    }) : () -> ()
    "tpu.region"() ({
      %run_scoped3A_107 = tpu.sem_alloc : memref<!tpu.dma_semaphore, #tpu.memory_space<semaphore_mem>>
      %dma_start3A_108 = arith.constant 0 : i32
      %dma_start3A_109 = tpu.memref_slice %arg4[%add3A_46, %dma_start3A_108] : memref<1280x125xi32, #tpu.memory_space<hbm>> -> memref<40x125xi32, #tpu.memory_space<hbm>>
      %dma_start3A_110 = arith.constant 0 : i32
      %dma_start3A_111 = tpu.memref_slice %arg4[%add3A_46, %dma_start3A_110] : memref<1280x125xi32, #tpu.memory_space<hbm>> -> memref<40x125xi32, #tpu.memory_space<hbm>>
      tpu.enqueue_dma source(%dma_start3A_111 : memref<40x125xi32, #tpu.memory_space<hbm>>) target(%arg7 : memref<40x125xi32, #tpu.memory_space<vmem>>) target_semaphore(%run_scoped3A_107 : memref<!tpu.dma_semaphore, #tpu.memory_space<semaphore_mem>>)
      %dma_wait3A = arith.constant 0 : i32
      %dma_wait3A_112 = tpu.memref_slice %arg4[%add3A_46, %dma_wait3A] : memref<1280x125xi32, #tpu.memory_space<hbm>> -> memref<40x125xi32, #tpu.memory_space<hbm>>
      %dma_wait3A_113 = arith.constant 0 : i32
      %dma_wait3A_114 = tpu.memref_slice %arg4[%add3A_46, %dma_wait3A_113] : memref<1280x125xi32, #tpu.memory_space<hbm>> -> memref<40x125xi32, #tpu.memory_space<hbm>>
      tpu.wait_dma2 semaphore(%run_scoped3A_107 : memref<!tpu.dma_semaphore, #tpu.memory_space<semaphore_mem>>) src(%dma_wait3A_114 : memref<40x125xi32, #tpu.memory_space<hbm>>) dst(%arg7 : memref<40x125xi32, #tpu.memory_space<vmem>>)
      tpu.yield
    }) : () -> ()
    %dma_start3A = arith.constant 0 : i32
    %dma_start3A_47 = arith.constant 0 : i32
    %dma_start3A_48 = arith.constant 0 : i32
    %dma_start3A_49 = arith.constant 0 : i32
    %dma_start3A_50 = arith.constant 0 : i32
    %dma_start3A_51 = tpu.memref_slice %arg8[%dma_start3A_47, %dma_start3A_49, %dma_start3A_50] : memref<2x125x128xf32, #tpu.memory_space<vmem>> -> memref<1x125x128xf32, #tpu.memory_space<vmem>>
    %dma_start3A_52 = tpu.memref_squeeze %dma_start3A_51 : memref<1x125x128xf32, #tpu.memory_space<vmem>> -> memref<125x128xf32, #tpu.memory_space<vmem>>
    %dma_start3A_53 = arith.constant 0 : i32
    %dma_start3A_54 = tpu.memref_slice %arg6[%dma_start3A, %dma_start3A_53] : memref<40x125xi32, #tpu.memory_space<vmem>> -> memref<1x125xi32, #tpu.memory_space<vmem>>
    %dma_start3A_55 = tpu.memref_squeeze %dma_start3A_54 : memref<1x125xi32, #tpu.memory_space<vmem>> -> memref<125xi32, #tpu.memory_space<vmem>>
    %dma_start3A_56 = arith.constant 0 : i32
    %dma_start3A_57 = arith.constant 0 : i32
    %dma_start3A_58 = tpu.memref_slice %arg2[%arg0, %dma_start3A_56, %dma_start3A_57] : memref<2x10000x128xf32, #tpu.memory_space<hbm>> -> memref<1x10000x128xf32, #tpu.memory_space<hbm>>
    %dma_start3A_59 = tpu.memref_squeeze %dma_start3A_58 : memref<1x10000x128xf32, #tpu.memory_space<hbm>> -> memref<10000x128xf32, #tpu.memory_space<hbm>>
    %dma_start3A_60 = arith.constant 0 : i32
    %dma_start3A_61 = arith.constant 0 : i32
    %dma_start3A_62 = tpu.memref_slice %dma_start3A_59[%dma_start3A_60, %dma_start3A_61] : memref<10000x128xf32, #tpu.memory_space<hbm>> -> memref<10000x128xf32, #tpu.memory_space<hbm>>
    %dma_start3A_63 = tpu.memref_slice %arg10[%dma_start3A_48] : memref<2x!tpu.dma_semaphore, #tpu.memory_space<semaphore_mem>> -> memref<1x!tpu.dma_semaphore, #tpu.memory_space<semaphore_mem>>
    %dma_start3A_64 = tpu.memref_squeeze %dma_start3A_63 : memref<1x!tpu.dma_semaphore, #tpu.memory_space<semaphore_mem>> -> memref<!tpu.dma_semaphore, #tpu.memory_space<semaphore_mem>>
    tpu.enqueue_indirect_dma source(%dma_start3A_62 : memref<10000x128xf32, #tpu.memory_space<hbm>>) target(%dma_start3A_52 : memref<125x128xf32, #tpu.memory_space<vmem>>) offsets(%dma_start3A_55 : memref<125xi32, #tpu.memory_space<vmem>>) semaphore(%dma_start3A_64 : memref<!tpu.dma_semaphore, #tpu.memory_space<semaphore_mem>>)
    %scan3A_65 = arith.constant 0 : i32
    %scan3A_66 = arith.constant 0 : i32
    %scan3A_67 = arith.constant 40 : i32
    %scan3A_68 = arith.addi %scan3A_66, %scan3A_67 : i32
    %scan3A_69 = arith.constant 1 : i32
    %scan3A_70 = scf.for %scan3A_107 = %scan3A_66 to %scan3A_68 step %scan3A_69 iter_args(%scan3A_108 = %scan3A_65) -> (i32)  : i32 {
      %rem3A = arith.constant 2 : i32
      %rem3A_109 = arith.remsi %scan3A_107, %rem3A : i32
      %add3A_110 = arith.constant 1 : i32
      %add3A_111 = arith.addi %scan3A_107, %add3A_110 : i32
      %rem3A_112 = arith.constant 2 : i32
      %rem3A_113 = arith.remsi %add3A_111, %rem3A_112 : i32
      %add3A_114 = arith.constant 1 : i32
      %add3A_115 = arith.addi %scan3A_107, %add3A_114 : i32
      %lt3A = arith.constant 40 : i32
      %lt3A_116 = arith.cmpi slt, %add3A_115, %lt3A : i32
      %convert_element_type3A = arith.extui %lt3A_116 : i1 to i32
      %cond3A = arith.constant 0 : i32
      %cond3A_117 = arith.cmpi ne, %convert_element_type3A, %cond3A : i32
      scf.if %cond3A_117 {
        %add3A_134 = arith.constant 1 : i32
        %add3A_135 = arith.addi %scan3A_107, %add3A_134 : i32
        %dma_start3A_136 = arith.constant 0 : i32
        %dma_start3A_137 = arith.constant 0 : i32
        %dma_start3A_138 = tpu.memref_slice %arg8[%rem3A_113, %dma_start3A_136, %dma_start3A_137] : memref<2x125x128xf32, #tpu.memory_space<vmem>> -> memref<1x125x128xf32, #tpu.memory_space<vmem>>
        %dma_start3A_139 = tpu.memref_squeeze %dma_start3A_138 : memref<1x125x128xf32, #tpu.memory_space<vmem>> -> memref<125x128xf32, #tpu.memory_space<vmem>>
        %dma_start3A_140 = arith.constant 0 : i32
        %dma_start3A_141 = tpu.memref_slice %arg6[%add3A_135, %dma_start3A_140] : memref<40x125xi32, #tpu.memory_space<vmem>> -> memref<1x125xi32, #tpu.memory_space<vmem>>
        %dma_start3A_142 = tpu.memref_squeeze %dma_start3A_141 : memref<1x125xi32, #tpu.memory_space<vmem>> -> memref<125xi32, #tpu.memory_space<vmem>>
        %dma_start3A_143 = arith.constant 0 : i32
        %dma_start3A_144 = arith.constant 0 : i32
        %dma_start3A_145 = tpu.memref_slice %arg2[%arg0, %dma_start3A_143, %dma_start3A_144] : memref<2x10000x128xf32, #tpu.memory_space<hbm>> -> memref<1x10000x128xf32, #tpu.memory_space<hbm>>
        %dma_start3A_146 = tpu.memref_squeeze %dma_start3A_145 : memref<1x10000x128xf32, #tpu.memory_space<hbm>> -> memref<10000x128xf32, #tpu.memory_space<hbm>>
        %dma_start3A_147 = arith.constant 0 : i32
        %dma_start3A_148 = arith.constant 0 : i32
        %dma_start3A_149 = tpu.memref_slice %dma_start3A_146[%dma_start3A_147, %dma_start3A_148] : memref<10000x128xf32, #tpu.memory_space<hbm>> -> memref<10000x128xf32, #tpu.memory_space<hbm>>
        %dma_start3A_150 = tpu.memref_slice %arg10[%rem3A_113] : memref<2x!tpu.dma_semaphore, #tpu.memory_space<semaphore_mem>> -> memref<1x!tpu.dma_semaphore, #tpu.memory_space<semaphore_mem>>
        %dma_start3A_151 = tpu.memref_squeeze %dma_start3A_150 : memref<1x!tpu.dma_semaphore, #tpu.memory_space<semaphore_mem>> -> memref<!tpu.dma_semaphore, #tpu.memory_space<semaphore_mem>>
        tpu.enqueue_indirect_dma source(%dma_start3A_149 : memref<10000x128xf32, #tpu.memory_space<hbm>>) target(%dma_start3A_139 : memref<125x128xf32, #tpu.memory_space<vmem>>) offsets(%dma_start3A_142 : memref<125xi32, #tpu.memory_space<vmem>>) semaphore(%dma_start3A_151 : memref<!tpu.dma_semaphore, #tpu.memory_space<semaphore_mem>>)
      } else {
      }
      %dma_wait3A = arith.constant 0 : i32
      %dma_wait3A_118 = arith.constant 0 : i32
      %dma_wait3A_119 = tpu.memref_slice %arg8[%rem3A_109, %dma_wait3A, %dma_wait3A_118] : memref<2x125x128xf32, #tpu.memory_space<vmem>> -> memref<1x125x128xf32, #tpu.memory_space<vmem>>
      %dma_wait3A_120 = tpu.memref_squeeze %dma_wait3A_119 : memref<1x125x128xf32, #tpu.memory_space<vmem>> -> memref<125x128xf32, #tpu.memory_space<vmem>>
      %dma_wait3A_121 = arith.constant 0 : i32
      %dma_wait3A_122 = tpu.memref_slice %arg6[%scan3A_107, %dma_wait3A_121] : memref<40x125xi32, #tpu.memory_space<vmem>> -> memref<1x125xi32, #tpu.memory_space<vmem>>
      %dma_wait3A_123 = tpu.memref_squeeze %dma_wait3A_122 : memref<1x125xi32, #tpu.memory_space<vmem>> -> memref<125xi32, #tpu.memory_space<vmem>>
      %dma_wait3A_124 = arith.constant 0 : i32
      %dma_wait3A_125 = arith.constant 0 : i32
      %dma_wait3A_126 = tpu.memref_slice %arg2[%arg0, %dma_wait3A_124, %dma_wait3A_125] : memref<2x10000x128xf32, #tpu.memory_space<hbm>> -> memref<1x10000x128xf32, #tpu.memory_space<hbm>>
      %dma_wait3A_127 = tpu.memref_squeeze %dma_wait3A_126 : memref<1x10000x128xf32, #tpu.memory_space<hbm>> -> memref<10000x128xf32, #tpu.memory_space<hbm>>
      %dma_wait3A_128 = arith.constant 0 : i32
      %dma_wait3A_129 = arith.constant 0 : i32
      %dma_wait3A_130 = tpu.memref_slice %dma_wait3A_127[%dma_wait3A_128, %dma_wait3A_129] : memref<10000x128xf32, #tpu.memory_space<hbm>> -> memref<10000x128xf32, #tpu.memory_space<hbm>>
      %dma_wait3A_131 = tpu.memref_slice %arg10[%rem3A_109] : memref<2x!tpu.dma_semaphore, #tpu.memory_space<semaphore_mem>> -> memref<1x!tpu.dma_semaphore, #tpu.memory_space<semaphore_mem>>
      %dma_wait3A_132 = tpu.memref_squeeze %dma_wait3A_131 : memref<1x!tpu.dma_semaphore, #tpu.memory_space<semaphore_mem>> -> memref<!tpu.dma_semaphore, #tpu.memory_space<semaphore_mem>>
      tpu.wait_indirect_dma semaphore(%dma_wait3A_132 : memref<!tpu.dma_semaphore, #tpu.memory_space<semaphore_mem>>) src(%dma_wait3A_130 : memref<10000x128xf32, #tpu.memory_space<hbm>>) dst(%dma_wait3A_120 : memref<125x128xf32, #tpu.memory_space<vmem>>)
      "tpu.region"() ({
        %run_scoped3A_134 = tpu.sem_alloc : memref<!tpu.dma_semaphore, #tpu.memory_space<semaphore_mem>>
        %dma_start3A_135 = arith.constant 0 : i32
        %dma_start3A_136 = arith.constant 0 : i32
        %dma_start3A_137 = tpu.memref_slice %arg8[%rem3A_109, %dma_start3A_135, %dma_start3A_136] : memref<2x125x128xf32, #tpu.memory_space<vmem>> -> memref<1x125x128xf32, #tpu.memory_space<vmem>>
        %dma_start3A_138 = tpu.memref_squeeze %dma_start3A_137 : memref<1x125x128xf32, #tpu.memory_space<vmem>> -> memref<125x128xf32, #tpu.memory_space<vmem>>
        %dma_start3A_139 = arith.constant 0 : i32
        %dma_start3A_140 = tpu.memref_slice %arg7[%scan3A_107, %dma_start3A_139] : memref<40x125xi32, #tpu.memory_space<vmem>> -> memref<1x125xi32, #tpu.memory_space<vmem>>
        %dma_start3A_141 = tpu.memref_squeeze %dma_start3A_140 : memref<1x125xi32, #tpu.memory_space<vmem>> -> memref<125xi32, #tpu.memory_space<vmem>>
        %dma_start3A_142 = arith.constant 0 : i32
        %dma_start3A_143 = arith.constant 0 : i32
        %dma_start3A_144 = tpu.memref_slice %arg9[%dma_start3A_142, %dma_start3A_143] : memref<10240x128xf32, #tpu.memory_space<vmem_shared>> -> memref<10240x128xf32, #tpu.memory_space<vmem_shared>>
        tpu.enqueue_indirect_dma source(%dma_start3A_138 : memref<125x128xf32, #tpu.memory_space<vmem>>) target(%dma_start3A_144 : memref<10240x128xf32, #tpu.memory_space<vmem_shared>>) offsets(%dma_start3A_141 : memref<125xi32, #tpu.memory_space<vmem>>) semaphore(%run_scoped3A_134 : memref<!tpu.dma_semaphore, #tpu.memory_space<semaphore_mem>>) {add = true}
        %dma_wait3A_145 = arith.constant 0 : i32
        %dma_wait3A_146 = arith.constant 0 : i32
        %dma_wait3A_147 = tpu.memref_slice %arg8[%rem3A_109, %dma_wait3A_145, %dma_wait3A_146] : memref<2x125x128xf32, #tpu.memory_space<vmem>> -> memref<1x125x128xf32, #tpu.memory_space<vmem>>
        %dma_wait3A_148 = tpu.memref_squeeze %dma_wait3A_147 : memref<1x125x128xf32, #tpu.memory_space<vmem>> -> memref<125x128xf32, #tpu.memory_space<vmem>>
        %dma_wait3A_149 = arith.constant 0 : i32
        %dma_wait3A_150 = tpu.memref_slice %arg7[%scan3A_107, %dma_wait3A_149] : memref<40x125xi32, #tpu.memory_space<vmem>> -> memref<1x125xi32, #tpu.memory_space<vmem>>
        %dma_wait3A_151 = tpu.memref_squeeze %dma_wait3A_150 : memref<1x125xi32, #tpu.memory_space<vmem>> -> memref<125xi32, #tpu.memory_space<vmem>>
        %dma_wait3A_152 = arith.constant 0 : i32
        %dma_wait3A_153 = arith.constant 0 : i32
        %dma_wait3A_154 = tpu.memref_slice %arg9[%dma_wait3A_152, %dma_wait3A_153] : memref<10240x128xf32, #tpu.memory_space<vmem_shared>> -> memref<10240x128xf32, #tpu.memory_space<vmem_shared>>
        tpu.wait_indirect_dma semaphore(%run_scoped3A_134 : memref<!tpu.dma_semaphore, #tpu.memory_space<semaphore_mem>>) src(%dma_wait3A_148 : memref<125x128xf32, #tpu.memory_space<vmem>>) dst(%dma_wait3A_154 : memref<10240x128xf32, #tpu.memory_space<vmem_shared>>)
        tpu.yield
      }) : () -> ()
      %scan3A_133 = arith.constant 0 : i32
      scf.yield %scan3A_133 : i32
    }
    %scan3A_71 = arith.constant 40 : i32
    %mul3A_72 = arith.constant 80 : i32
    %mul3A_73 = arith.muli %arg1, %mul3A_72 : i32
    %add3A_74 = arith.constant 40 : i32
    %add3A_75 = arith.addi %mul3A_73, %add3A_74 : i32
    "tpu.region"() ({
      %run_scoped3A_107 = tpu.sem_alloc : memref<!tpu.dma_semaphore, #tpu.memory_space<semaphore_mem>>
      %dma_start3A_108 = arith.constant 0 : i32
      %dma_start3A_109 = tpu.memref_slice %arg3[%add3A_75, %dma_start3A_108] : memref<1280x125xi32, #tpu.memory_space<hbm>> -> memref<40x125xi32, #tpu.memory_space<hbm>>
      %dma_start3A_110 = arith.constant 0 : i32
      %dma_start3A_111 = tpu.memref_slice %arg3[%add3A_75, %dma_start3A_110] : memref<1280x125xi32, #tpu.memory_space<hbm>> -> memref<40x125xi32, #tpu.memory_space<hbm>>
      tpu.enqueue_dma source(%dma_start3A_111 : memref<40x125xi32, #tpu.memory_space<hbm>>) target(%arg6 : memref<40x125xi32, #tpu.memory_space<vmem>>) target_semaphore(%run_scoped3A_107 : memref<!tpu.dma_semaphore, #tpu.memory_space<semaphore_mem>>)
      %dma_wait3A = arith.constant 0 : i32
      %dma_wait3A_112 = tpu.memref_slice %arg3[%add3A_75, %dma_wait3A] : memref<1280x125xi32, #tpu.memory_space<hbm>> -> memref<40x125xi32, #tpu.memory_space<hbm>>
      %dma_wait3A_113 = arith.constant 0 : i32
      %dma_wait3A_114 = tpu.memref_slice %arg3[%add3A_75, %dma_wait3A_113] : memref<1280x125xi32, #tpu.memory_space<hbm>> -> memref<40x125xi32, #tpu.memory_space<hbm>>
      tpu.wait_dma2 semaphore(%run_scoped3A_107 : memref<!tpu.dma_semaphore, #tpu.memory_space<semaphore_mem>>) src(%dma_wait3A_114 : memref<40x125xi32, #tpu.memory_space<hbm>>) dst(%arg6 : memref<40x125xi32, #tpu.memory_space<vmem>>)
      tpu.yield
    }) : () -> ()
    "tpu.region"() ({
      %run_scoped3A_107 = tpu.sem_alloc : memref<!tpu.dma_semaphore, #tpu.memory_space<semaphore_mem>>
      %dma_start3A_108 = arith.constant 0 : i32
      %dma_start3A_109 = tpu.memref_slice %arg4[%add3A_75, %dma_start3A_108] : memref<1280x125xi32, #tpu.memory_space<hbm>> -> memref<40x125xi32, #tpu.memory_space<hbm>>
      %dma_start3A_110 = arith.constant 0 : i32
      %dma_start3A_111 = tpu.memref_slice %arg4[%add3A_75, %dma_start3A_110] : memref<1280x125xi32, #tpu.memory_space<hbm>> -> memref<40x125xi32, #tpu.memory_space<hbm>>
      tpu.enqueue_dma source(%dma_start3A_111 : memref<40x125xi32, #tpu.memory_space<hbm>>) target(%arg7 : memref<40x125xi32, #tpu.memory_space<vmem>>) target_semaphore(%run_scoped3A_107 : memref<!tpu.dma_semaphore, #tpu.memory_space<semaphore_mem>>)
      %dma_wait3A = arith.constant 0 : i32
      %dma_wait3A_112 = tpu.memref_slice %arg4[%add3A_75, %dma_wait3A] : memref<1280x125xi32, #tpu.memory_space<hbm>> -> memref<40x125xi32, #tpu.memory_space<hbm>>
      %dma_wait3A_113 = arith.constant 0 : i32
      %dma_wait3A_114 = tpu.memref_slice %arg4[%add3A_75, %dma_wait3A_113] : memref<1280x125xi32, #tpu.memory_space<hbm>> -> memref<40x125xi32, #tpu.memory_space<hbm>>
      tpu.wait_dma2 semaphore(%run_scoped3A_107 : memref<!tpu.dma_semaphore, #tpu.memory_space<semaphore_mem>>) src(%dma_wait3A_114 : memref<40x125xi32, #tpu.memory_space<hbm>>) dst(%arg7 : memref<40x125xi32, #tpu.memory_space<vmem>>)
      tpu.yield
    }) : () -> ()
    %dma_start3A_76 = arith.constant 0 : i32
    %dma_start3A_77 = arith.constant 0 : i32
    %dma_start3A_78 = arith.constant 0 : i32
    %dma_start3A_79 = arith.constant 0 : i32
    %dma_start3A_80 = arith.constant 0 : i32
    %dma_start3A_81 = tpu.memref_slice %arg8[%dma_start3A_77, %dma_start3A_79, %dma_start3A_80] : memref<2x125x128xf32, #tpu.memory_space<vmem>> -> memref<1x125x128xf32, #tpu.memory_space<vmem>>
    %dma_start3A_82 = tpu.memref_squeeze %dma_start3A_81 : memref<1x125x128xf32, #tpu.memory_space<vmem>> -> memref<125x128xf32, #tpu.memory_space<vmem>>
    %dma_start3A_83 = arith.constant 0 : i32
    %dma_start3A_84 = tpu.memref_slice %arg6[%dma_start3A_76, %dma_start3A_83] : memref<40x125xi32, #tpu.memory_space<vmem>> -> memref<1x125xi32, #tpu.memory_space<vmem>>
    %dma_start3A_85 = tpu.memref_squeeze %dma_start3A_84 : memref<1x125xi32, #tpu.memory_space<vmem>> -> memref<125xi32, #tpu.memory_space<vmem>>
    %dma_start3A_86 = arith.constant 0 : i32
    %dma_start3A_87 = arith.constant 0 : i32
    %dma_start3A_88 = tpu.memref_slice %arg2[%arg0, %dma_start3A_86, %dma_start3A_87] : memref<2x10000x128xf32, #tpu.memory_space<hbm>> -> memref<1x10000x128xf32, #tpu.memory_space<hbm>>
    %dma_start3A_89 = tpu.memref_squeeze %dma_start3A_88 : memref<1x10000x128xf32, #tpu.memory_space<hbm>> -> memref<10000x128xf32, #tpu.memory_space<hbm>>
    %dma_start3A_90 = arith.constant 0 : i32
    %dma_start3A_91 = arith.constant 0 : i32
    %dma_start3A_92 = tpu.memref_slice %dma_start3A_89[%dma_start3A_90, %dma_start3A_91] : memref<10000x128xf32, #tpu.memory_space<hbm>> -> memref<10000x128xf32, #tpu.memory_space<hbm>>
    %dma_start3A_93 = tpu.memref_slice %arg10[%dma_start3A_78] : memref<2x!tpu.dma_semaphore, #tpu.memory_space<semaphore_mem>> -> memref<1x!tpu.dma_semaphore, #tpu.memory_space<semaphore_mem>>
    %dma_start3A_94 = tpu.memref_squeeze %dma_start3A_93 : memref<1x!tpu.dma_semaphore, #tpu.memory_space<semaphore_mem>> -> memref<!tpu.dma_semaphore, #tpu.memory_space<semaphore_mem>>
    tpu.enqueue_indirect_dma source(%dma_start3A_92 : memref<10000x128xf32, #tpu.memory_space<hbm>>) target(%dma_start3A_82 : memref<125x128xf32, #tpu.memory_space<vmem>>) offsets(%dma_start3A_85 : memref<125xi32, #tpu.memory_space<vmem>>) semaphore(%dma_start3A_94 : memref<!tpu.dma_semaphore, #tpu.memory_space<semaphore_mem>>)
    %scan3A_95 = arith.constant 0 : i32
    %scan3A_96 = arith.constant 0 : i32
    %scan3A_97 = arith.constant 40 : i32
    %scan3A_98 = arith.addi %scan3A_96, %scan3A_97 : i32
    %scan3A_99 = arith.constant 1 : i32
    %scan3A_100 = scf.for %scan3A_107 = %scan3A_96 to %scan3A_98 step %scan3A_99 iter_args(%scan3A_108 = %scan3A_95) -> (i32)  : i32 {
      %rem3A = arith.constant 2 : i32
      %rem3A_109 = arith.remsi %scan3A_107, %rem3A : i32
      %add3A_110 = arith.constant 1 : i32
      %add3A_111 = arith.addi %scan3A_107, %add3A_110 : i32
      %rem3A_112 = arith.constant 2 : i32
      %rem3A_113 = arith.remsi %add3A_111, %rem3A_112 : i32
      %add3A_114 = arith.constant 1 : i32
      %add3A_115 = arith.addi %scan3A_107, %add3A_114 : i32
      %lt3A = arith.constant 40 : i32
      %lt3A_116 = arith.cmpi slt, %add3A_115, %lt3A : i32
      %convert_element_type3A = arith.extui %lt3A_116 : i1 to i32
      %cond3A = arith.constant 0 : i32
      %cond3A_117 = arith.cmpi ne, %convert_element_type3A, %cond3A : i32
      scf.if %cond3A_117 {
        %add3A_134 = arith.constant 1 : i32
        %add3A_135 = arith.addi %scan3A_107, %add3A_134 : i32
        %dma_start3A_136 = arith.constant 0 : i32
        %dma_start3A_137 = arith.constant 0 : i32
        %dma_start3A_138 = tpu.memref_slice %arg8[%rem3A_113, %dma_start3A_136, %dma_start3A_137] : memref<2x125x128xf32, #tpu.memory_space<vmem>> -> memref<1x125x128xf32, #tpu.memory_space<vmem>>
        %dma_start3A_139 = tpu.memref_squeeze %dma_start3A_138 : memref<1x125x128xf32, #tpu.memory_space<vmem>> -> memref<125x128xf32, #tpu.memory_space<vmem>>
        %dma_start3A_140 = arith.constant 0 : i32
        %dma_start3A_141 = tpu.memref_slice %arg6[%add3A_135, %dma_start3A_140] : memref<40x125xi32, #tpu.memory_space<vmem>> -> memref<1x125xi32, #tpu.memory_space<vmem>>
        %dma_start3A_142 = tpu.memref_squeeze %dma_start3A_141 : memref<1x125xi32, #tpu.memory_space<vmem>> -> memref<125xi32, #tpu.memory_space<vmem>>
        %dma_start3A_143 = arith.constant 0 : i32
        %dma_start3A_144 = arith.constant 0 : i32
        %dma_start3A_145 = tpu.memref_slice %arg2[%arg0, %dma_start3A_143, %dma_start3A_144] : memref<2x10000x128xf32, #tpu.memory_space<hbm>> -> memref<1x10000x128xf32, #tpu.memory_space<hbm>>
        %dma_start3A_146 = tpu.memref_squeeze %dma_start3A_145 : memref<1x10000x128xf32, #tpu.memory_space<hbm>> -> memref<10000x128xf32, #tpu.memory_space<hbm>>
        %dma_start3A_147 = arith.constant 0 : i32
        %dma_start3A_148 = arith.constant 0 : i32
        %dma_start3A_149 = tpu.memref_slice %dma_start3A_146[%dma_start3A_147, %dma_start3A_148] : memref<10000x128xf32, #tpu.memory_space<hbm>> -> memref<10000x128xf32, #tpu.memory_space<hbm>>
        %dma_start3A_150 = tpu.memref_slice %arg10[%rem3A_113] : memref<2x!tpu.dma_semaphore, #tpu.memory_space<semaphore_mem>> -> memref<1x!tpu.dma_semaphore, #tpu.memory_space<semaphore_mem>>
        %dma_start3A_151 = tpu.memref_squeeze %dma_start3A_150 : memref<1x!tpu.dma_semaphore, #tpu.memory_space<semaphore_mem>> -> memref<!tpu.dma_semaphore, #tpu.memory_space<semaphore_mem>>
        tpu.enqueue_indirect_dma source(%dma_start3A_149 : memref<10000x128xf32, #tpu.memory_space<hbm>>) target(%dma_start3A_139 : memref<125x128xf32, #tpu.memory_space<vmem>>) offsets(%dma_start3A_142 : memref<125xi32, #tpu.memory_space<vmem>>) semaphore(%dma_start3A_151 : memref<!tpu.dma_semaphore, #tpu.memory_space<semaphore_mem>>)
      } else {
      }
      %dma_wait3A = arith.constant 0 : i32
      %dma_wait3A_118 = arith.constant 0 : i32
      %dma_wait3A_119 = tpu.memref_slice %arg8[%rem3A_109, %dma_wait3A, %dma_wait3A_118] : memref<2x125x128xf32, #tpu.memory_space<vmem>> -> memref<1x125x128xf32, #tpu.memory_space<vmem>>
      %dma_wait3A_120 = tpu.memref_squeeze %dma_wait3A_119 : memref<1x125x128xf32, #tpu.memory_space<vmem>> -> memref<125x128xf32, #tpu.memory_space<vmem>>
      %dma_wait3A_121 = arith.constant 0 : i32
      %dma_wait3A_122 = tpu.memref_slice %arg6[%scan3A_107, %dma_wait3A_121] : memref<40x125xi32, #tpu.memory_space<vmem>> -> memref<1x125xi32, #tpu.memory_space<vmem>>
      %dma_wait3A_123 = tpu.memref_squeeze %dma_wait3A_122 : memref<1x125xi32, #tpu.memory_space<vmem>> -> memref<125xi32, #tpu.memory_space<vmem>>
      %dma_wait3A_124 = arith.constant 0 : i32
      %dma_wait3A_125 = arith.constant 0 : i32
      %dma_wait3A_126 = tpu.memref_slice %arg2[%arg0, %dma_wait3A_124, %dma_wait3A_125] : memref<2x10000x128xf32, #tpu.memory_space<hbm>> -> memref<1x10000x128xf32, #tpu.memory_space<hbm>>
      %dma_wait3A_127 = tpu.memref_squeeze %dma_wait3A_126 : memref<1x10000x128xf32, #tpu.memory_space<hbm>> -> memref<10000x128xf32, #tpu.memory_space<hbm>>
      %dma_wait3A_128 = arith.constant 0 : i32
      %dma_wait3A_129 = arith.constant 0 : i32
      %dma_wait3A_130 = tpu.memref_slice %dma_wait3A_127[%dma_wait3A_128, %dma_wait3A_129] : memref<10000x128xf32, #tpu.memory_space<hbm>> -> memref<10000x128xf32, #tpu.memory_space<hbm>>
      %dma_wait3A_131 = tpu.memref_slice %arg10[%rem3A_109] : memref<2x!tpu.dma_semaphore, #tpu.memory_space<semaphore_mem>> -> memref<1x!tpu.dma_semaphore, #tpu.memory_space<semaphore_mem>>
      %dma_wait3A_132 = tpu.memref_squeeze %dma_wait3A_131 : memref<1x!tpu.dma_semaphore, #tpu.memory_space<semaphore_mem>> -> memref<!tpu.dma_semaphore, #tpu.memory_space<semaphore_mem>>
      tpu.wait_indirect_dma semaphore(%dma_wait3A_132 : memref<!tpu.dma_semaphore, #tpu.memory_space<semaphore_mem>>) src(%dma_wait3A_130 : memref<10000x128xf32, #tpu.memory_space<hbm>>) dst(%dma_wait3A_120 : memref<125x128xf32, #tpu.memory_space<vmem>>)
      "tpu.region"() ({
        %run_scoped3A_134 = tpu.sem_alloc : memref<!tpu.dma_semaphore, #tpu.memory_space<semaphore_mem>>
        %dma_start3A_135 = arith.constant 0 : i32
        %dma_start3A_136 = arith.constant 0 : i32
        %dma_start3A_137 = tpu.memref_slice %arg8[%rem3A_109, %dma_start3A_135, %dma_start3A_136] : memref<2x125x128xf32, #tpu.memory_space<vmem>> -> memref<1x125x128xf32, #tpu.memory_space<vmem>>
        %dma_start3A_138 = tpu.memref_squeeze %dma_start3A_137 : memref<1x125x128xf32, #tpu.memory_space<vmem>> -> memref<125x128xf32, #tpu.memory_space<vmem>>
        %dma_start3A_139 = arith.constant 0 : i32
        %dma_start3A_140 = tpu.memref_slice %arg7[%scan3A_107, %dma_start3A_139] : memref<40x125xi32, #tpu.memory_space<vmem>> -> memref<1x125xi32, #tpu.memory_space<vmem>>
        %dma_start3A_141 = tpu.memref_squeeze %dma_start3A_140 : memref<1x125xi32, #tpu.memory_space<vmem>> -> memref<125xi32, #tpu.memory_space<vmem>>
        %dma_start3A_142 = arith.constant 0 : i32
        %dma_start3A_143 = arith.constant 0 : i32
        %dma_start3A_144 = tpu.memref_slice %arg9[%dma_start3A_142, %dma_start3A_143] : memref<10240x128xf32, #tpu.memory_space<vmem_shared>> -> memref<10240x128xf32, #tpu.memory_space<vmem_shared>>
        tpu.enqueue_indirect_dma source(%dma_start3A_138 : memref<125x128xf32, #tpu.memory_space<vmem>>) target(%dma_start3A_144 : memref<10240x128xf32, #tpu.memory_space<vmem_shared>>) offsets(%dma_start3A_141 : memref<125xi32, #tpu.memory_space<vmem>>) semaphore(%run_scoped3A_134 : memref<!tpu.dma_semaphore, #tpu.memory_space<semaphore_mem>>) {add = true}
        %dma_wait3A_145 = arith.constant 0 : i32
        %dma_wait3A_146 = arith.constant 0 : i32
        %dma_wait3A_147 = tpu.memref_slice %arg8[%rem3A_109, %dma_wait3A_145, %dma_wait3A_146] : memref<2x125x128xf32, #tpu.memory_space<vmem>> -> memref<1x125x128xf32, #tpu.memory_space<vmem>>
        %dma_wait3A_148 = tpu.memref_squeeze %dma_wait3A_147 : memref<1x125x128xf32, #tpu.memory_space<vmem>> -> memref<125x128xf32, #tpu.memory_space<vmem>>
        %dma_wait3A_149 = arith.constant 0 : i32
        %dma_wait3A_150 = tpu.memref_slice %arg7[%scan3A_107, %dma_wait3A_149] : memref<40x125xi32, #tpu.memory_space<vmem>> -> memref<1x125xi32, #tpu.memory_space<vmem>>
        %dma_wait3A_151 = tpu.memref_squeeze %dma_wait3A_150 : memref<1x125xi32, #tpu.memory_space<vmem>> -> memref<125xi32, #tpu.memory_space<vmem>>
        %dma_wait3A_152 = arith.constant 0 : i32
        %dma_wait3A_153 = arith.constant 0 : i32
        %dma_wait3A_154 = tpu.memref_slice %arg9[%dma_wait3A_152, %dma_wait3A_153] : memref<10240x128xf32, #tpu.memory_space<vmem_shared>> -> memref<10240x128xf32, #tpu.memory_space<vmem_shared>>
        tpu.wait_indirect_dma semaphore(%run_scoped3A_134 : memref<!tpu.dma_semaphore, #tpu.memory_space<semaphore_mem>>) src(%dma_wait3A_148 : memref<125x128xf32, #tpu.memory_space<vmem>>) dst(%dma_wait3A_154 : memref<10240x128xf32, #tpu.memory_space<vmem_shared>>)
        tpu.yield
      }) : () -> ()
      %scan3A_133 = arith.constant 0 : i32
      scf.yield %scan3A_133 : i32
    }
    %scan3A_101 = arith.constant 40 : i32
    %barrier3A_102 = arith.constant 0 : index
    tpu.barrier barrier_id(%barrier3A_102)
    %mul3A_103 = arith.constant 640 : i32
    %mul3A_104 = arith.muli %arg1, %mul3A_103 : i32
    %mul3A_105 = arith.constant 640 : i32
    %mul3A_106 = arith.muli %arg1, %mul3A_105 : i32
    "tpu.region"() ({
      %run_scoped3A_107 = tpu.sem_alloc : memref<!tpu.dma_semaphore, #tpu.memory_space<semaphore_mem>>
      %dma_start3A_108 = arith.constant 0 : i32
      %dma_start3A_109 = arith.constant 0 : i32
      %dma_start3A_110 = tpu.memref_slice %arg5[%arg0, %dma_start3A_108, %dma_start3A_109] : memref<2x10240x128xf32, #tpu.memory_space<hbm>> -> memref<1x10240x128xf32, #tpu.memory_space<hbm>>
      %dma_start3A_111 = tpu.memref_squeeze %dma_start3A_110 : memref<1x10240x128xf32, #tpu.memory_space<hbm>> -> memref<10240x128xf32, #tpu.memory_space<hbm>>
      %dma_start3A_112 = arith.constant 0 : i32
      %dma_start3A_113 = tpu.memref_slice %dma_start3A_111[%mul3A_106, %dma_start3A_112] : memref<10240x128xf32, #tpu.memory_space<hbm>> -> memref<640x128xf32, #tpu.memory_space<hbm>>
      %dma_start3A_114 = arith.constant 0 : i32
      %dma_start3A_115 = tpu.memref_slice %arg9[%mul3A_104, %dma_start3A_114] : memref<10240x128xf32, #tpu.memory_space<vmem_shared>> -> memref<640x128xf32, #tpu.memory_space<vmem_shared>>
      tpu.enqueue_dma source(%dma_start3A_115 : memref<640x128xf32, #tpu.memory_space<vmem_shared>>) target(%dma_start3A_113 : memref<640x128xf32, #tpu.memory_space<hbm>>) target_semaphore(%run_scoped3A_107 : memref<!tpu.dma_semaphore, #tpu.memory_space<semaphore_mem>>)
      %dma_wait3A = arith.constant 0 : i32
      %dma_wait3A_116 = arith.constant 0 : i32
      %dma_wait3A_117 = tpu.memref_slice %arg5[%arg0, %dma_wait3A, %dma_wait3A_116] : memref<2x10240x128xf32, #tpu.memory_space<hbm>> -> memref<1x10240x128xf32, #tpu.memory_space<hbm>>
      %dma_wait3A_118 = tpu.memref_squeeze %dma_wait3A_117 : memref<1x10240x128xf32, #tpu.memory_space<hbm>> -> memref<10240x128xf32, #tpu.memory_space<hbm>>
      %dma_wait3A_119 = arith.constant 0 : i32
      %dma_wait3A_120 = tpu.memref_slice %dma_wait3A_118[%mul3A_106, %dma_wait3A_119] : memref<10240x128xf32, #tpu.memory_space<hbm>> -> memref<640x128xf32, #tpu.memory_space<hbm>>
      %dma_wait3A_121 = arith.constant 0 : i32
      %dma_wait3A_122 = tpu.memref_slice %arg9[%mul3A_104, %dma_wait3A_121] : memref<10240x128xf32, #tpu.memory_space<vmem_shared>> -> memref<640x128xf32, #tpu.memory_space<vmem_shared>>
      tpu.wait_dma2 semaphore(%run_scoped3A_107 : memref<!tpu.dma_semaphore, #tpu.memory_space<semaphore_mem>>) src(%dma_wait3A_122 : memref<640x128xf32, #tpu.memory_space<vmem_shared>>) dst(%dma_wait3A_120 : memref<640x128xf32, #tpu.memory_space<hbm>>)
      tpu.yield
    }) : () -> ()
    return
  }
}

module attributes {stable_mosaic.version = 14 : i64} {
  func.func @_mlp_stats_body(%arg0: i32, %arg1: memref<2x5000x128xf32, #tpu.memory_space<vmem>>, %arg2: memref<2x5000x128xf32, #tpu.memory_space<vmem>>, %arg3: memref<256x256xf32, #tpu.memory_space<vmem>>, %arg4: memref<1x256xf32, #tpu.memory_space<vmem>>, %arg5: memref<256x256xf32, #tpu.memory_space<vmem>>, %arg6: memref<1x256xf32, #tpu.memory_space<vmem>>, %arg7: memref<5000x256xf32, #tpu.memory_space<vmem>>, %arg8: memref<2x256xf32, #tpu.memory_space<vmem>>) attributes {dimension_semantics = [#tpu.dimension_semantics<arbitrary>], iteration_bounds = array<i64: 2>, scalar_prefetch = 0 : i64, scratch_operands = 0 : i64, tpu.core_type = #tpu.core_type<tc>, window_params = [{transform_indices = @transform_0, window_bounds = array<i64: 2, 5000, 128>}, {transform_indices = @transform_1, window_bounds = array<i64: 2, 5000, 128>}, {pipeline_mode = #tpu.pipeline_mode<synchronous>, transform_indices = @transform_2, window_bounds = array<i64: 256, 256>}, {pipeline_mode = #tpu.pipeline_mode<synchronous>, transform_indices = @transform_3, window_bounds = array<i64: 1, 256>}, {pipeline_mode = #tpu.pipeline_mode<synchronous>, transform_indices = @transform_4, window_bounds = array<i64: 256, 256>}, {pipeline_mode = #tpu.pipeline_mode<synchronous>, transform_indices = @transform_5, window_bounds = array<i64: 1, 256>}, {transform_indices = @transform_6, window_bounds = array<i64: 5000, 256>}, {pipeline_mode = #tpu.pipeline_mode<synchronous>, transform_indices = @transform_7, window_bounds = array<i64: 2, 256>}]} {
    %get3A = arith.constant 0 : index
    %get3A_0 = arith.constant 0 : index
    %get3A_1 = arith.constant 0 : index
    %get3A_2 = vector.load %arg1[%get3A, %get3A_0, %get3A_1] : memref<2x5000x128xf32, #tpu.memory_space<vmem>>, vector<1x5000x128xf32>
    %get3A_3 = vector.shape_cast %get3A_2 : vector<1x5000x128xf32> to vector<5000x128xf32>
    %get3A_4 = arith.constant 0 : index
    %get3A_5 = arith.constant 0 : index
    %get3A_6 = arith.constant 0 : index
    %get3A_7 = vector.load %arg2[%get3A_4, %get3A_5, %get3A_6] : memref<2x5000x128xf32, #tpu.memory_space<vmem>>, vector<1x5000x128xf32>
    %get3A_8 = vector.shape_cast %get3A_7 : vector<1x5000x128xf32> to vector<5000x128xf32>
    %add3A = arith.addf %get3A_3, %get3A_8 : vector<5000x128xf32>
    %get3A_9 = arith.constant 1 : index
    %get3A_10 = arith.constant 0 : index
    %get3A_11 = arith.constant 0 : index
    %get3A_12 = vector.load %arg1[%get3A_9, %get3A_10, %get3A_11] : memref<2x5000x128xf32, #tpu.memory_space<vmem>>, vector<1x5000x128xf32>
    %get3A_13 = vector.shape_cast %get3A_12 : vector<1x5000x128xf32> to vector<5000x128xf32>
    %get3A_14 = arith.constant 1 : index
    %get3A_15 = arith.constant 0 : index
    %get3A_16 = arith.constant 0 : index
    %get3A_17 = vector.load %arg2[%get3A_14, %get3A_15, %get3A_16] : memref<2x5000x128xf32, #tpu.memory_space<vmem>>, vector<1x5000x128xf32>
    %get3A_18 = vector.shape_cast %get3A_17 : vector<1x5000x128xf32> to vector<5000x128xf32>
    %add3A_19 = arith.addf %get3A_13, %get3A_18 : vector<5000x128xf32>
    %concatenate3A = tpu.concatenate %add3A, %add3A_19 in 1 : vector<5000x128xf32>, vector<5000x128xf32> -> vector<5000x256xf32>
    %get3A_20 = arith.constant 0 : index
    %get3A_21 = arith.constant 0 : index
    %get3A_22 = vector.load %arg3[%get3A_20, %get3A_21] : memref<256x256xf32, #tpu.memory_space<vmem>>, vector<256x256xf32>
    %dot_general3A = arith.constant dense<0.000000e+00> : vector<5000x256xf32>
    %dot_general3A_23 = tpu.matmul %concatenate3A, %get3A_22, %dot_general3A {dimension_numbers = #tpu.dot_dimension_numbers<[1], [0], [0], [1], [0, 0, 1, 1], [], []>, transpose_lhs_hint = false} : vector<5000x256xf32>, vector<256x256xf32>, vector<5000x256xf32> -> vector<5000x256xf32>
    %get3A_24 = arith.constant 0 : index
    %get3A_25 = arith.constant 0 : index
    %get3A_26 = vector.load %arg4[%get3A_24, %get3A_25] : memref<1x256xf32, #tpu.memory_space<vmem>>, vector<1x256xf32>
    %add3A_27 = vector.broadcast %get3A_26 : vector<1x256xf32> to vector<5000x256xf32>
    %add3A_28 = arith.addf %dot_general3A_23, %add3A_27 : vector<5000x256xf32>
    %max3A = arith.constant 0.000000e+00 : f32
    %max3A_29 = vector.broadcast %max3A : f32 to vector<5000x256xf32>
    %max3A_30 = arith.maximumf %add3A_28, %max3A_29 : vector<5000x256xf32>
    %get3A_31 = arith.constant 0 : index
    %get3A_32 = arith.constant 0 : index
    %get3A_33 = vector.load %arg5[%get3A_31, %get3A_32] : memref<256x256xf32, #tpu.memory_space<vmem>>, vector<256x256xf32>
    %dot_general3A_34 = arith.constant dense<0.000000e+00> : vector<5000x256xf32>
    %dot_general3A_35 = tpu.matmul %max3A_30, %get3A_33, %dot_general3A_34 {dimension_numbers = #tpu.dot_dimension_numbers<[1], [0], [0], [1], [0, 0, 1, 1], [], []>, transpose_lhs_hint = false} : vector<5000x256xf32>, vector<256x256xf32>, vector<5000x256xf32> -> vector<5000x256xf32>
    %get3A_36 = arith.constant 0 : index
    %get3A_37 = arith.constant 0 : index
    %get3A_38 = vector.load %arg6[%get3A_36, %get3A_37] : memref<1x256xf32, #tpu.memory_space<vmem>>, vector<1x256xf32>
    %add3A_39 = vector.broadcast %get3A_38 : vector<1x256xf32> to vector<5000x256xf32>
    %add3A_40 = arith.addf %dot_general3A_35, %add3A_39 : vector<5000x256xf32>
    %max3A_41 = arith.constant 0.000000e+00 : f32
    %max3A_42 = vector.broadcast %max3A_41 : f32 to vector<5000x256xf32>
    %max3A_43 = arith.maximumf %add3A_40, %max3A_42 : vector<5000x256xf32>
    %swap3A = arith.constant 0 : index
    %swap3A_44 = arith.constant 0 : index
    %swap3A_45 = vector.load %arg7[%swap3A, %swap3A_44] : memref<5000x256xf32, #tpu.memory_space<vmem>>, vector<5000x256xf32>
    tpu.vector_store %arg7[%swap3A, %swap3A_44], %max3A_43 {strides = array<i32>} : memref<5000x256xf32, #tpu.memory_space<vmem>>, vector<5000x256xf32>,
    %eq3A = arith.constant 0 : i32
    %eq3A_46 = arith.cmpi eq, %arg0, %eq3A : i32
    %convert_element_type3A = arith.extui %eq3A_46 : i1 to i32
    %cond3A = arith.constant 0 : i32
    %cond3A_47 = arith.cmpi ne, %convert_element_type3A, %cond3A : i32
    scf.if %cond3A_47 {
      %broadcast_in_dim3A_60 = arith.constant 0.000000e+00 : f32
      %broadcast_in_dim3A_61 = vector.broadcast %broadcast_in_dim3A_60 : f32 to vector<2x256xf32>
      %swap3A_62 = arith.constant 0 : index
      %swap3A_63 = arith.constant 0 : index
      %swap3A_64 = vector.load %arg8[%swap3A_62, %swap3A_63] : memref<2x256xf32, #tpu.memory_space<vmem>>, vector<2x256xf32>
      tpu.vector_store %arg8[%swap3A_62, %swap3A_63], %broadcast_in_dim3A_61 {strides = array<i32>} : memref<2x256xf32, #tpu.memory_space<vmem>>, vector<2x256xf32>,
    } else {
    }
    %get3A_48 = arith.constant 0 : index
    %get3A_49 = arith.constant 0 : index
    %get3A_50 = vector.load %arg8[%get3A_48, %get3A_49] : memref<2x256xf32, #tpu.memory_space<vmem>>, vector<2x256xf32>
    %reduce_sum3A = arith.constant dense<0.000000e+00> : vector<256xf32>
    %reduce_sum3A_51 = vector.multi_reduction <add>, %max3A_43, %reduce_sum3A [0] : vector<5000x256xf32> to vector<256xf32>
    %broadcast_in_dim3A = vector.shape_cast %reduce_sum3A_51 : vector<256xf32> to vector<1x256xf32>
    %mul3A = arith.mulf %max3A_43, %max3A_43 : vector<5000x256xf32>
    %reduce_sum3A_52 = arith.constant dense<0.000000e+00> : vector<256xf32>
    %reduce_sum3A_53 = vector.multi_reduction <add>, %mul3A, %reduce_sum3A_52 [0] : vector<5000x256xf32> to vector<256xf32>
    %broadcast_in_dim3A_54 = vector.shape_cast %reduce_sum3A_53 : vector<256xf32> to vector<1x256xf32>
    %concatenate3A_55 = tpu.concatenate %broadcast_in_dim3A, %broadcast_in_dim3A_54 in 0 : vector<1x256xf32>, vector<1x256xf32> -> vector<2x256xf32>
    %add3A_56 = arith.addf %get3A_50, %concatenate3A_55 : vector<2x256xf32>
    %swap3A_57 = arith.constant 0 : index
    %swap3A_58 = arith.constant 0 : index
    %swap3A_59 = vector.load %arg8[%swap3A_57, %swap3A_58] : memref<2x256xf32, #tpu.memory_space<vmem>>, vector<2x256xf32>
    tpu.vector_store %arg8[%swap3A_57, %swap3A_58], %add3A_56 {strides = array<i32>} : memref<2x256xf32, #tpu.memory_space<vmem>>, vector<2x256xf32>,
    return
  }
  func.func @transform_0(%arg0: i32) -> (i32, i32, i32) {
    %c0_i32 = arith.constant 0 : i32
    %c0_i32_0 = arith.constant 0 : i32
    %c0_i32_1 = arith.constant 0 : i32
    return %c0_i32, %arg0, %c0_i32_0 : i32, i32, i32
  }
  func.func @transform_1(%arg0: i32) -> (i32, i32, i32) {
    %c0_i32 = arith.constant 0 : i32
    %c0_i32_0 = arith.constant 0 : i32
    %c0_i32_1 = arith.constant 0 : i32
    return %c0_i32, %arg0, %c0_i32_0 : i32, i32, i32
  }
  func.func @transform_2(%arg0: i32) -> (i32, i32) {
    %c0_i32 = arith.constant 0 : i32
    %c0_i32_0 = arith.constant 0 : i32
    %c0_i32_1 = arith.constant 0 : i32
    return %c0_i32, %c0_i32_0 : i32, i32
  }
  func.func @transform_3(%arg0: i32) -> (i32, i32) {
    %c0_i32 = arith.constant 0 : i32
    %c0_i32_0 = arith.constant 0 : i32
    %c0_i32_1 = arith.constant 0 : i32
    return %c0_i32, %c0_i32_0 : i32, i32
  }
  func.func @transform_4(%arg0: i32) -> (i32, i32) {
    %c0_i32 = arith.constant 0 : i32
    %c0_i32_0 = arith.constant 0 : i32
    %c0_i32_1 = arith.constant 0 : i32
    return %c0_i32, %c0_i32_0 : i32, i32
  }
  func.func @transform_5(%arg0: i32) -> (i32, i32) {
    %c0_i32 = arith.constant 0 : i32
    %c0_i32_0 = arith.constant 0 : i32
    %c0_i32_1 = arith.constant 0 : i32
    return %c0_i32, %c0_i32_0 : i32, i32
  }
  func.func @transform_6(%arg0: i32) -> (i32, i32) {
    %c0_i32 = arith.constant 0 : i32
    %c0_i32_0 = arith.constant 0 : i32
    return %arg0, %c0_i32 : i32, i32
  }
  func.func @transform_7(%arg0: i32) -> (i32, i32) {
    %c0_i32 = arith.constant 0 : i32
    %c0_i32_0 = arith.constant 0 : i32
    %c0_i32_1 = arith.constant 0 : i32
    return %c0_i32, %c0_i32_0 : i32, i32
  }
}

module attributes {stable_mosaic.version = 14 : i64} {
  func.func @_norm_pool_body(%arg0: i32, %arg1: memref<5000x256xf32, #tpu.memory_space<vmem>>, %arg2: memref<2x256xf32, #tpu.memory_space<vmem>>, %arg3: memref<1x256xf32, #tpu.memory_space<vmem>>, %arg4: memref<1x256xf32, #tpu.memory_space<vmem>>, %arg5: memref<1x1x5000xi32, #tpu.memory_space<vmem>>, %arg6: memref<2x5000x128xf32, #tpu.memory_space<vmem>>, %arg7: memref<64x256xf32, #tpu.memory_space<vmem>>, %arg8: memref<64x128xf32, #tpu.memory_space<vmem>>) attributes {dimension_semantics = [#tpu.dimension_semantics<arbitrary>], iteration_bounds = array<i64: 2>, scalar_prefetch = 0 : i64, scratch_operands = 0 : i64, tpu.core_type = #tpu.core_type<tc>, window_params = [{transform_indices = @transform_0, window_bounds = array<i64: 5000, 256>}, {pipeline_mode = #tpu.pipeline_mode<synchronous>, transform_indices = @transform_1, window_bounds = array<i64: 2, 256>}, {pipeline_mode = #tpu.pipeline_mode<synchronous>, transform_indices = @transform_2, window_bounds = array<i64: 1, 256>}, {pipeline_mode = #tpu.pipeline_mode<synchronous>, transform_indices = @transform_3, window_bounds = array<i64: 1, 256>}, {transform_indices = @transform_4, window_bounds = array<i64: 1, 1, 5000>}, {transform_indices = @transform_5, window_bounds = array<i64: 2, 5000, 128>}, {pipeline_mode = #tpu.pipeline_mode<synchronous>, transform_indices = @transform_6, window_bounds = array<i64: 64, 256>}, {pipeline_mode = #tpu.pipeline_mode<synchronous>, transform_indices = @transform_7, window_bounds = array<i64: 64, 128>}]} {
    %get3A = arith.constant 0 : index
    %get3A_0 = arith.constant 0 : index
    %get3A_1 = vector.load %arg2[%get3A, %get3A_0] : memref<2x256xf32, #tpu.memory_space<vmem>>, vector<1x256xf32>
    %get3A_2 = vector.shape_cast %get3A_1 : vector<1x256xf32> to vector<256xf32>
    %mul3A = arith.constant 9.99999974E-5 : f32
    %mul3A_3 = vector.broadcast %mul3A : f32 to vector<256xf32>
    %mul3A_4 = arith.mulf %get3A_2, %mul3A_3 : vector<256xf32>
    %get3A_5 = arith.constant 1 : index
    %get3A_6 = arith.constant 0 : index
    %get3A_7 = vector.load %arg2[%get3A_5, %get3A_6] : memref<2x256xf32, #tpu.memory_space<vmem>>, vector<1x256xf32>
    %get3A_8 = vector.shape_cast %get3A_7 : vector<1x256xf32> to vector<256xf32>
    %mul3A_9 = arith.constant 9.99999974E-5 : f32
    %mul3A_10 = vector.broadcast %mul3A_9 : f32 to vector<256xf32>
    %mul3A_11 = arith.mulf %get3A_8, %mul3A_10 : vector<256xf32>
    %mul3A_12 = arith.mulf %mul3A_4, %mul3A_4 : vector<256xf32>
    %sub3A = arith.subf %mul3A_11, %mul3A_12 : vector<256xf32>
    %add3A = arith.constant 9.99999974E-6 : f32
    %add3A_13 = vector.broadcast %add3A : f32 to vector<256xf32>
    %add3A_14 = arith.addf %sub3A, %add3A_13 : vector<256xf32>
    %rsqrt3A = math.rsqrt %add3A_14 : vector<256xf32>
    %get3A_15 = arith.constant 0 : index
    %get3A_16 = arith.constant 0 : index
    %get3A_17 = vector.load %arg3[%get3A_15, %get3A_16] : memref<1x256xf32, #tpu.memory_space<vmem>>, vector<1x256xf32>
    %get3A_18 = arith.constant 0 : index
    %get3A_19 = arith.constant 0 : index
    %get3A_20 = vector.load %arg1[%get3A_18, %get3A_19] : memref<5000x256xf32, #tpu.memory_space<vmem>>, vector<5000x256xf32>
    %broadcast_in_dim3A = vector.shape_cast %mul3A_4 : vector<256xf32> to vector<1x256xf32>
    %sub3A_21 = vector.broadcast %broadcast_in_dim3A : vector<1x256xf32> to vector<5000x256xf32>
    %sub3A_22 = arith.subf %get3A_20, %sub3A_21 : vector<5000x256xf32>
    %mul3A_23 = vector.broadcast %get3A_17 : vector<1x256xf32> to vector<5000x256xf32>
    %mul3A_24 = arith.mulf %mul3A_23, %sub3A_22 : vector<5000x256xf32>
    %broadcast_in_dim3A_25 = vector.shape_cast %rsqrt3A : vector<256xf32> to vector<1x256xf32>
    %mul3A_26 = vector.broadcast %broadcast_in_dim3A_25 : vector<1x256xf32> to vector<5000x256xf32>
    %mul3A_27 = arith.mulf %mul3A_24, %mul3A_26 : vector<5000x256xf32>
    %get3A_28 = arith.constant 0 : index
    %get3A_29 = arith.constant 0 : index
    %get3A_30 = vector.load %arg4[%get3A_28, %get3A_29] : memref<1x256xf32, #tpu.memory_space<vmem>>, vector<1x256xf32>
    %add3A_31 = vector.broadcast %get3A_30 : vector<1x256xf32> to vector<5000x256xf32>
    %add3A_32 = arith.addf %mul3A_27, %add3A_31 : vector<5000x256xf32>
    %slice3A = vector.extract_strided_slice %add3A_32 {offsets = [0, 0], sizes = [5000, 128], strides = [1, 1]} : vector<5000x256xf32> to vector<5000x128xf32>
    %swap3A = arith.constant 0 : index
    %swap3A_33 = arith.constant 0 : index
    %swap3A_34 = arith.constant 0 : index
    %swap3A_35 = vector.load %arg6[%swap3A, %swap3A_33, %swap3A_34] : memref<2x5000x128xf32, #tpu.memory_space<vmem>>, vector<1x5000x128xf32>
    %swap3A_36 = vector.shape_cast %swap3A_35 : vector<1x5000x128xf32> to vector<5000x128xf32>
    %swap3A_37 = vector.shape_cast %slice3A : vector<5000x128xf32> to vector<1x5000x128xf32>
    tpu.vector_store %arg6[%swap3A, %swap3A_33, %swap3A_34], %swap3A_37 {strides = array<i32>} : memref<2x5000x128xf32, #tpu.memory_space<vmem>>, vector<1x5000x128xf32>,
    %slice3A_38 = vector.extract_strided_slice %add3A_32 {offsets = [0, 128], sizes = [5000, 128], strides = [1, 1]} : vector<5000x256xf32> to vector<5000x128xf32>
    %swap3A_39 = arith.constant 1 : index
    %swap3A_40 = arith.constant 0 : index
    %swap3A_41 = arith.constant 0 : index
    %swap3A_42 = vector.load %arg6[%swap3A_39, %swap3A_40, %swap3A_41] : memref<2x5000x128xf32, #tpu.memory_space<vmem>>, vector<1x5000x128xf32>
    %swap3A_43 = vector.shape_cast %swap3A_42 : vector<1x5000x128xf32> to vector<5000x128xf32>
    %swap3A_44 = vector.shape_cast %slice3A_38 : vector<5000x128xf32> to vector<1x5000x128xf32>
    tpu.vector_store %arg6[%swap3A_39, %swap3A_40, %swap3A_41], %swap3A_44 {strides = array<i32>} : memref<2x5000x128xf32, #tpu.memory_space<vmem>>, vector<1x5000x128xf32>,
    %iota3A = tpu.iota {dimensions = array<i32: 0>} : vector<64x5000xi32>
    %get3A_45 = arith.constant 0 : index
    %get3A_46 = arith.constant 0 : index
    %get3A_47 = arith.constant 0 : index
    %get3A_48 = vector.load %arg5[%get3A_45, %get3A_46, %get3A_47] : memref<1x1x5000xi32, #tpu.memory_space<vmem>>, vector<1x1x5000xi32>
    %get3A_49 = vector.shape_cast %get3A_48 : vector<1x1x5000xi32> to vector<1x5000xi32>
    %eq3A = vector.broadcast %get3A_49 : vector<1x5000xi32> to vector<64x5000xi32>
    %eq3A_50 = arith.cmpi eq, %iota3A, %eq3A : vector<64x5000xi32>
    %convert_element_type3A = arith.extui %eq3A_50 : vector<64x5000xi1> to vector<64x5000xi32>
    %convert_element_type3A_51 = arith.sitofp %convert_element_type3A : vector<64x5000xi32> to vector<64x5000xf32>
    %eq3A_52 = arith.constant 0 : i32
    %eq3A_53 = arith.cmpi eq, %arg0, %eq3A_52 : i32
    %convert_element_type3A_54 = arith.extui %eq3A_53 : i1 to i32
    %cond3A = arith.constant 0 : i32
    %cond3A_55 = arith.cmpi ne, %convert_element_type3A_54, %cond3A : i32
    scf.if %cond3A_55 {
      %broadcast_in_dim3A_75 = arith.constant 0.000000e+00 : f32
      %broadcast_in_dim3A_76 = vector.broadcast %broadcast_in_dim3A_75 : f32 to vector<64x256xf32>
      %swap3A_77 = arith.constant 0 : index
      %swap3A_78 = arith.constant 0 : index
      %swap3A_79 = vector.load %arg7[%swap3A_77, %swap3A_78] : memref<64x256xf32, #tpu.memory_space<vmem>>, vector<64x256xf32>
      tpu.vector_store %arg7[%swap3A_77, %swap3A_78], %broadcast_in_dim3A_76 {strides = array<i32>} : memref<64x256xf32, #tpu.memory_space<vmem>>, vector<64x256xf32>,
      %broadcast_in_dim3A_80 = arith.constant 0.000000e+00 : f32
      %broadcast_in_dim3A_81 = vector.broadcast %broadcast_in_dim3A_80 : f32 to vector<64x128xf32>
      %swap3A_82 = arith.constant 0 : index
      %swap3A_83 = arith.constant 0 : index
      %swap3A_84 = vector.load %arg8[%swap3A_82, %swap3A_83] : memref<64x128xf32, #tpu.memory_space<vmem>>, vector<64x128xf32>
      tpu.vector_store %arg8[%swap3A_82, %swap3A_83], %broadcast_in_dim3A_81 {strides = array<i32>} : memref<64x128xf32, #tpu.memory_space<vmem>>, vector<64x128xf32>,
    } else {
    }
    %get3A_56 = arith.constant 0 : index
    %get3A_57 = arith.constant 0 : index
    %get3A_58 = vector.load %arg7[%get3A_56, %get3A_57] : memref<64x256xf32, #tpu.memory_space<vmem>>, vector<64x256xf32>
    %dot_general3A = arith.constant dense<0.000000e+00> : vector<64x256xf32>
    %dot_general3A_59 = tpu.matmul %convert_element_type3A_51, %add3A_32, %dot_general3A {dimension_numbers = #tpu.dot_dimension_numbers<[1], [0], [0], [1], [0, 0, 1, 1], [], []>, transpose_lhs_hint = false} : vector<64x5000xf32>, vector<5000x256xf32>, vector<64x256xf32> -> vector<64x256xf32>
    %add3A_60 = arith.addf %get3A_58, %dot_general3A_59 : vector<64x256xf32>
    %swap3A_61 = arith.constant 0 : index
    %swap3A_62 = arith.constant 0 : index
    %swap3A_63 = vector.load %arg7[%swap3A_61, %swap3A_62] : memref<64x256xf32, #tpu.memory_space<vmem>>, vector<64x256xf32>
    tpu.vector_store %arg7[%swap3A_61, %swap3A_62], %add3A_60 {strides = array<i32>} : memref<64x256xf32, #tpu.memory_space<vmem>>, vector<64x256xf32>,
    %get3A_64 = arith.constant 0 : index
    %get3A_65 = arith.constant 0 : index
    %get3A_66 = vector.load %arg8[%get3A_64, %get3A_65] : memref<64x128xf32, #tpu.memory_space<vmem>>, vector<64x128xf32>
    %broadcast_in_dim3A_67 = arith.constant 1.000000e+00 : f32
    %broadcast_in_dim3A_68 = vector.broadcast %broadcast_in_dim3A_67 : f32 to vector<5000x128xf32>
    %dot_general3A_69 = arith.constant dense<0.000000e+00> : vector<64x128xf32>
    %dot_general3A_70 = tpu.matmul %convert_element_type3A_51, %broadcast_in_dim3A_68, %dot_general3A_69 {dimension_numbers = #tpu.dot_dimension_numbers<[1], [0], [0], [1], [0, 0, 1, 1], [], []>, transpose_lhs_hint = false} : vector<64x5000xf32>, vector<5000x128xf32>, vector<64x128xf32> -> vector<64x128xf32>
    %add3A_71 = arith.addf %get3A_66, %dot_general3A_70 : vector<64x128xf32>
    %swap3A_72 = arith.constant 0 : index
    %swap3A_73 = arith.constant 0 : index
    %swap3A_74 = vector.load %arg8[%swap3A_72, %swap3A_73] : memref<64x128xf32, #tpu.memory_space<vmem>>, vector<64x128xf32>
    tpu.vector_store %arg8[%swap3A_72, %swap3A_73], %add3A_71 {strides = array<i32>} : memref<64x128xf32, #tpu.memory_space<vmem>>, vector<64x128xf32>,
    return
  }
  func.func @transform_0(%arg0: i32) -> (i32, i32) {
    %c0_i32 = arith.constant 0 : i32
    %c0_i32_0 = arith.constant 0 : i32
    return %arg0, %c0_i32 : i32, i32
  }
  func.func @transform_1(%arg0: i32) -> (i32, i32) {
    %c0_i32 = arith.constant 0 : i32
    %c0_i32_0 = arith.constant 0 : i32
    %c0_i32_1 = arith.constant 0 : i32
    return %c0_i32, %c0_i32_0 : i32, i32
  }
  func.func @transform_2(%arg0: i32) -> (i32, i32) {
    %c0_i32 = arith.constant 0 : i32
    %c0_i32_0 = arith.constant 0 : i32
    %c0_i32_1 = arith.constant 0 : i32
    return %c0_i32, %c0_i32_0 : i32, i32
  }
  func.func @transform_3(%arg0: i32) -> (i32, i32) {
    %c0_i32 = arith.constant 0 : i32
    %c0_i32_0 = arith.constant 0 : i32
    %c0_i32_1 = arith.constant 0 : i32
    return %c0_i32, %c0_i32_0 : i32, i32
  }
  func.func @transform_4(%arg0: i32) -> (i32, i32, i32) {
    %c0_i32 = arith.constant 0 : i32
    %c0_i32_0 = arith.constant 0 : i32
    %c0_i32_1 = arith.constant 0 : i32
    return %arg0, %c0_i32, %c0_i32_0 : i32, i32, i32
  }
  func.func @transform_5(%arg0: i32) -> (i32, i32, i32) {
    %c0_i32 = arith.constant 0 : i32
    %c0_i32_0 = arith.constant 0 : i32
    %c0_i32_1 = arith.constant 0 : i32
    return %c0_i32, %arg0, %c0_i32_0 : i32, i32, i32
  }
  func.func @transform_6(%arg0: i32) -> (i32, i32) {
    %c0_i32 = arith.constant 0 : i32
    %c0_i32_0 = arith.constant 0 : i32
    %c0_i32_1 = arith.constant 0 : i32
    return %c0_i32, %c0_i32_0 : i32, i32
  }
  func.func @transform_7(%arg0: i32) -> (i32, i32) {
    %c0_i32 = arith.constant 0 : i32
    %c0_i32_0 = arith.constant 0 : i32
    %c0_i32_1 = arith.constant 0 : i32
    return %c0_i32, %c0_i32_0 : i32, i32
  }
}

module attributes {stable_mosaic.version = 14 : i64} {
  func.func @_norm_pool_body(%arg0: i32, %arg1: memref<5000x256xf32, #tpu.memory_space<vmem>>, %arg2: memref<2x256xf32, #tpu.memory_space<vmem>>, %arg3: memref<1x256xf32, #tpu.memory_space<vmem>>, %arg4: memref<1x256xf32, #tpu.memory_space<vmem>>, %arg5: memref<1x1x5000xi32, #tpu.memory_space<vmem>>, %arg6: memref<2x5000x128xf32, #tpu.memory_space<vmem>>, %arg7: memref<64x256xf32, #tpu.memory_space<vmem>>, %arg8: memref<64x128xf32, #tpu.memory_space<vmem>>) attributes {dimension_semantics = [#tpu.dimension_semantics<arbitrary>], iteration_bounds = array<i64: 2>, scalar_prefetch = 0 : i64, scratch_operands = 0 : i64, tpu.core_type = #tpu.core_type<tc>, window_params = [{transform_indices = @transform_0, window_bounds = array<i64: 5000, 256>}, {pipeline_mode = #tpu.pipeline_mode<synchronous>, transform_indices = @transform_1, window_bounds = array<i64: 2, 256>}, {pipeline_mode = #tpu.pipeline_mode<synchronous>, transform_indices = @transform_2, window_bounds = array<i64: 1, 256>}, {pipeline_mode = #tpu.pipeline_mode<synchronous>, transform_indices = @transform_3, window_bounds = array<i64: 1, 256>}, {transform_indices = @transform_4, window_bounds = array<i64: 1, 1, 5000>}, {transform_indices = @transform_5, window_bounds = array<i64: 2, 5000, 128>}, {pipeline_mode = #tpu.pipeline_mode<synchronous>, transform_indices = @transform_6, window_bounds = array<i64: 64, 256>}, {pipeline_mode = #tpu.pipeline_mode<synchronous>, transform_indices = @transform_7, window_bounds = array<i64: 64, 128>}]} {
    %get3A = arith.constant 0 : index
    %get3A_0 = arith.constant 0 : index
    %get3A_1 = vector.load %arg2[%get3A, %get3A_0] : memref<2x256xf32, #tpu.memory_space<vmem>>, vector<1x256xf32>
    %get3A_2 = vector.shape_cast %get3A_1 : vector<1x256xf32> to vector<256xf32>
    %mul3A = arith.constant 9.99999974E-5 : f32
    %mul3A_3 = vector.broadcast %mul3A : f32 to vector<256xf32>
    %mul3A_4 = arith.mulf %get3A_2, %mul3A_3 : vector<256xf32>
    %get3A_5 = arith.constant 1 : index
    %get3A_6 = arith.constant 0 : index
    %get3A_7 = vector.load %arg2[%get3A_5, %get3A_6] : memref<2x256xf32, #tpu.memory_space<vmem>>, vector<1x256xf32>
    %get3A_8 = vector.shape_cast %get3A_7 : vector<1x256xf32> to vector<256xf32>
    %mul3A_9 = arith.constant 9.99999974E-5 : f32
    %mul3A_10 = vector.broadcast %mul3A_9 : f32 to vector<256xf32>
    %mul3A_11 = arith.mulf %get3A_8, %mul3A_10 : vector<256xf32>
    %mul3A_12 = arith.mulf %mul3A_4, %mul3A_4 : vector<256xf32>
    %sub3A = arith.subf %mul3A_11, %mul3A_12 : vector<256xf32>
    %add3A = arith.constant 9.99999974E-6 : f32
    %add3A_13 = vector.broadcast %add3A : f32 to vector<256xf32>
    %add3A_14 = arith.addf %sub3A, %add3A_13 : vector<256xf32>
    %rsqrt3A = math.rsqrt %add3A_14 : vector<256xf32>
    %get3A_15 = arith.constant 0 : index
    %get3A_16 = arith.constant 0 : index
    %get3A_17 = vector.load %arg3[%get3A_15, %get3A_16] : memref<1x256xf32, #tpu.memory_space<vmem>>, vector<1x256xf32>
    %get3A_18 = arith.constant 0 : index
    %get3A_19 = arith.constant 0 : index
    %get3A_20 = vector.load %arg1[%get3A_18, %get3A_19] : memref<5000x256xf32, #tpu.memory_space<vmem>>, vector<5000x256xf32>
    %broadcast_in_dim3A = vector.shape_cast %mul3A_4 : vector<256xf32> to vector<1x256xf32>
    %sub3A_21 = vector.broadcast %broadcast_in_dim3A : vector<1x256xf32> to vector<5000x256xf32>
    %sub3A_22 = arith.subf %get3A_20, %sub3A_21 : vector<5000x256xf32>
    %mul3A_23 = vector.broadcast %get3A_17 : vector<1x256xf32> to vector<5000x256xf32>
    %mul3A_24 = arith.mulf %mul3A_23, %sub3A_22 : vector<5000x256xf32>
    %broadcast_in_dim3A_25 = vector.shape_cast %rsqrt3A : vector<256xf32> to vector<1x256xf32>
    %mul3A_26 = vector.broadcast %broadcast_in_dim3A_25 : vector<1x256xf32> to vector<5000x256xf32>
    %mul3A_27 = arith.mulf %mul3A_24, %mul3A_26 : vector<5000x256xf32>
    %get3A_28 = arith.constant 0 : index
    %get3A_29 = arith.constant 0 : index
    %get3A_30 = vector.load %arg4[%get3A_28, %get3A_29] : memref<1x256xf32, #tpu.memory_space<vmem>>, vector<1x256xf32>
    %add3A_31 = vector.broadcast %get3A_30 : vector<1x256xf32> to vector<5000x256xf32>
    %add3A_32 = arith.addf %mul3A_27, %add3A_31 : vector<5000x256xf32>
    %slice3A = vector.extract_strided_slice %add3A_32 {offsets = [0, 0], sizes = [5000, 128], strides = [1, 1]} : vector<5000x256xf32> to vector<5000x128xf32>
    %swap3A = arith.constant 0 : index
    %swap3A_33 = arith.constant 0 : index
    %swap3A_34 = arith.constant 0 : index
    %swap3A_35 = vector.load %arg6[%swap3A, %swap3A_33, %swap3A_34] : memref<2x5000x128xf32, #tpu.memory_space<vmem>>, vector<1x5000x128xf32>
    %swap3A_36 = vector.shape_cast %swap3A_35 : vector<1x5000x128xf32> to vector<5000x128xf32>
    %swap3A_37 = vector.shape_cast %slice3A : vector<5000x128xf32> to vector<1x5000x128xf32>
    tpu.vector_store %arg6[%swap3A, %swap3A_33, %swap3A_34], %swap3A_37 {strides = array<i32>} : memref<2x5000x128xf32, #tpu.memory_space<vmem>>, vector<1x5000x128xf32>,
    %slice3A_38 = vector.extract_strided_slice %add3A_32 {offsets = [0, 128], sizes = [5000, 128], strides = [1, 1]} : vector<5000x256xf32> to vector<5000x128xf32>
    %swap3A_39 = arith.constant 1 : index
    %swap3A_40 = arith.constant 0 : index
    %swap3A_41 = arith.constant 0 : index
    %swap3A_42 = vector.load %arg6[%swap3A_39, %swap3A_40, %swap3A_41] : memref<2x5000x128xf32, #tpu.memory_space<vmem>>, vector<1x5000x128xf32>
    %swap3A_43 = vector.shape_cast %swap3A_42 : vector<1x5000x128xf32> to vector<5000x128xf32>
    %swap3A_44 = vector.shape_cast %slice3A_38 : vector<5000x128xf32> to vector<1x5000x128xf32>
    tpu.vector_store %arg6[%swap3A_39, %swap3A_40, %swap3A_41], %swap3A_44 {strides = array<i32>} : memref<2x5000x128xf32, #tpu.memory_space<vmem>>, vector<1x5000x128xf32>,
    %iota3A = tpu.iota {dimensions = array<i32: 0>} : vector<64x5000xi32>
    %get3A_45 = arith.constant 0 : index
    %get3A_46 = arith.constant 0 : index
    %get3A_47 = arith.constant 0 : index
    %get3A_48 = vector.load %arg5[%get3A_45, %get3A_46, %get3A_47] : memref<1x1x5000xi32, #tpu.memory_space<vmem>>, vector<1x1x5000xi32>
    %get3A_49 = vector.shape_cast %get3A_48 : vector<1x1x5000xi32> to vector<1x5000xi32>
    %eq3A = vector.broadcast %get3A_49 : vector<1x5000xi32> to vector<64x5000xi32>
    %eq3A_50 = arith.cmpi eq, %iota3A, %eq3A : vector<64x5000xi32>
    %convert_element_type3A = arith.extui %eq3A_50 : vector<64x5000xi1> to vector<64x5000xi32>
    %convert_element_type3A_51 = arith.sitofp %convert_element_type3A : vector<64x5000xi32> to vector<64x5000xf32>
    %eq3A_52 = arith.constant 0 : i32
    %eq3A_53 = arith.cmpi eq, %arg0, %eq3A_52 : i32
    %convert_element_type3A_54 = arith.extui %eq3A_53 : i1 to i32
    %cond3A = arith.constant 0 : i32
    %cond3A_55 = arith.cmpi ne, %convert_element_type3A_54, %cond3A : i32
    scf.if %cond3A_55 {
      %broadcast_in_dim3A_75 = arith.constant 0.000000e+00 : f32
      %broadcast_in_dim3A_76 = vector.broadcast %broadcast_in_dim3A_75 : f32 to vector<64x256xf32>
      %swap3A_77 = arith.constant 0 : index
      %swap3A_78 = arith.constant 0 : index
      %swap3A_79 = vector.load %arg7[%swap3A_77, %swap3A_78] : memref<64x256xf32, #tpu.memory_space<vmem>>, vector<64x256xf32>
      tpu.vector_store %arg7[%swap3A_77, %swap3A_78], %broadcast_in_dim3A_76 {strides = array<i32>} : memref<64x256xf32, #tpu.memory_space<vmem>>, vector<64x256xf32>,
      %broadcast_in_dim3A_80 = arith.constant 0.000000e+00 : f32
      %broadcast_in_dim3A_81 = vector.broadcast %broadcast_in_dim3A_80 : f32 to vector<64x128xf32>
      %swap3A_82 = arith.constant 0 : index
      %swap3A_83 = arith.constant 0 : index
      %swap3A_84 = vector.load %arg8[%swap3A_82, %swap3A_83] : memref<64x128xf32, #tpu.memory_space<vmem>>, vector<64x128xf32>
      tpu.vector_store %arg8[%swap3A_82, %swap3A_83], %broadcast_in_dim3A_81 {strides = array<i32>} : memref<64x128xf32, #tpu.memory_space<vmem>>, vector<64x128xf32>,
    } else {
    }
    %get3A_56 = arith.constant 0 : index
    %get3A_57 = arith.constant 0 : index
    %get3A_58 = vector.load %arg7[%get3A_56, %get3A_57] : memref<64x256xf32, #tpu.memory_space<vmem>>, vector<64x256xf32>
    %dot_general3A = arith.constant dense<0.000000e+00> : vector<64x256xf32>
    %dot_general3A_59 = tpu.matmul %convert_element_type3A_51, %add3A_32, %dot_general3A {dimension_numbers = #tpu.dot_dimension_numbers<[1], [0], [0], [1], [0, 0, 1, 1], [], []>, transpose_lhs_hint = false} : vector<64x5000xf32>, vector<5000x256xf32>, vector<64x256xf32> -> vector<64x256xf32>
    %add3A_60 = arith.addf %get3A_58, %dot_general3A_59 : vector<64x256xf32>
    %swap3A_61 = arith.constant 0 : index
    %swap3A_62 = arith.constant 0 : index
    %swap3A_63 = vector.load %arg7[%swap3A_61, %swap3A_62] : memref<64x256xf32, #tpu.memory_space<vmem>>, vector<64x256xf32>
    tpu.vector_store %arg7[%swap3A_61, %swap3A_62], %add3A_60 {strides = array<i32>} : memref<64x256xf32, #tpu.memory_space<vmem>>, vector<64x256xf32>,
    %get3A_64 = arith.constant 0 : index
    %get3A_65 = arith.constant 0 : index
    %get3A_66 = vector.load %arg8[%get3A_64, %get3A_65] : memref<64x128xf32, #tpu.memory_space<vmem>>, vector<64x128xf32>
    %broadcast_in_dim3A_67 = arith.constant 1.000000e+00 : f32
    %broadcast_in_dim3A_68 = vector.broadcast %broadcast_in_dim3A_67 : f32 to vector<5000x128xf32>
    %dot_general3A_69 = arith.constant dense<0.000000e+00> : vector<64x128xf32>
    %dot_general3A_70 = tpu.matmul %convert_element_type3A_51, %broadcast_in_dim3A_68, %dot_general3A_69 {dimension_numbers = #tpu.dot_dimension_numbers<[1], [0], [0], [1], [0, 0, 1, 1], [], []>, transpose_lhs_hint = false} : vector<64x5000xf32>, vector<5000x128xf32>, vector<64x128xf32> -> vector<64x128xf32>
    %add3A_71 = arith.addf %get3A_66, %dot_general3A_70 : vector<64x128xf32>
    %swap3A_72 = arith.constant 0 : index
    %swap3A_73 = arith.constant 0 : index
    %swap3A_74 = vector.load %arg8[%swap3A_72, %swap3A_73] : memref<64x128xf32, #tpu.memory_space<vmem>>, vector<64x128xf32>
    tpu.vector_store %arg8[%swap3A_72, %swap3A_73], %add3A_71 {strides = array<i32>} : memref<64x128xf32, #tpu.memory_space<vmem>>, vector<64x128xf32>,
    return
  }
  func.func @transform_0(%arg0: i32) -> (i32, i32) {
    %c0_i32 = arith.constant 0 : i32
    %c0_i32_0 = arith.constant 0 : i32
    return %arg0, %c0_i32 : i32, i32
  }
  func.func @transform_1(%arg0: i32) -> (i32, i32) {
    %c0_i32 = arith.constant 0 : i32
    %c0_i32_0 = arith.constant 0 : i32
    %c0_i32_1 = arith.constant 0 : i32
    return %c0_i32, %c0_i32_0 : i32, i32
  }
  func.func @transform_2(%arg0: i32) -> (i32, i32) {
    %c0_i32 = arith.constant 0 : i32
    %c0_i32_0 = arith.constant 0 : i32
    %c0_i32_1 = arith.constant 0 : i32
    return %c0_i32, %c0_i32_0 : i32, i32
  }
  func.func @transform_3(%arg0: i32) -> (i32, i32) {
    %c0_i32 = arith.constant 0 : i32
    %c0_i32_0 = arith.constant 0 : i32
    %c0_i32_1 = arith.constant 0 : i32
    return %c0_i32, %c0_i32_0 : i32, i32
  }
  func.func @transform_4(%arg0: i32) -> (i32, i32, i32) {
    %c0_i32 = arith.constant 0 : i32
    %c0_i32_0 = arith.constant 0 : i32
    %c0_i32_1 = arith.constant 0 : i32
    return %arg0, %c0_i32, %c0_i32_0 : i32, i32, i32
  }
  func.func @transform_5(%arg0: i32) -> (i32, i32, i32) {
    %c0_i32 = arith.constant 0 : i32
    %c0_i32_0 = arith.constant 0 : i32
    %c0_i32_1 = arith.constant 0 : i32
    return %c0_i32, %arg0, %c0_i32_0 : i32, i32, i32
  }
  func.func @transform_6(%arg0: i32) -> (i32, i32) {
    %c0_i32 = arith.constant 0 : i32
    %c0_i32_0 = arith.constant 0 : i32
    %c0_i32_1 = arith.constant 0 : i32
    return %c0_i32, %c0_i32_0 : i32, i32
  }
  func.func @transform_7(%arg0: i32) -> (i32, i32) {
    %c0_i32 = arith.constant 0 : i32
    %c0_i32_0 = arith.constant 0 : i32
    %c0_i32_1 = arith.constant 0 : i32
    return %c0_i32, %c0_i32_0 : i32, i32
  }
}

module attributes {stable_mosaic.version = 14 : i64} {
  func.func @_mlp_pool_body(%arg0: i32, %arg1: memref<2x5000x128xf32, #tpu.memory_space<vmem>>, %arg2: memref<2x5000x128xf32, #tpu.memory_space<vmem>>, %arg3: memref<1x1x5000xi32, #tpu.memory_space<vmem>>, %arg4: memref<256x256xf32, #tpu.memory_space<vmem>>, %arg5: memref<1x256xf32, #tpu.memory_space<vmem>>, %arg6: memref<256x256xf32, #tpu.memory_space<vmem>>, %arg7: memref<1x256xf32, #tpu.memory_space<vmem>>, %arg8: memref<2x256xf32, #tpu.memory_space<vmem>>, %arg9: memref<64x256xf32, #tpu.memory_space<vmem>>) attributes {dimension_semantics = [#tpu.dimension_semantics<arbitrary>], iteration_bounds = array<i64: 2>, scalar_prefetch = 0 : i64, scratch_operands = 0 : i64, tpu.core_type = #tpu.core_type<tc>, window_params = [{transform_indices = @transform_0, window_bounds = array<i64: 2, 5000, 128>}, {transform_indices = @transform_1, window_bounds = array<i64: 2, 5000, 128>}, {transform_indices = @transform_2, window_bounds = array<i64: 1, 1, 5000>}, {pipeline_mode = #tpu.pipeline_mode<synchronous>, transform_indices = @transform_3, window_bounds = array<i64: 256, 256>}, {pipeline_mode = #tpu.pipeline_mode<synchronous>, transform_indices = @transform_4, window_bounds = array<i64: 1, 256>}, {pipeline_mode = #tpu.pipeline_mode<synchronous>, transform_indices = @transform_5, window_bounds = array<i64: 256, 256>}, {pipeline_mode = #tpu.pipeline_mode<synchronous>, transform_indices = @transform_6, window_bounds = array<i64: 1, 256>}, {pipeline_mode = #tpu.pipeline_mode<synchronous>, transform_indices = @transform_7, window_bounds = array<i64: 2, 256>}, {pipeline_mode = #tpu.pipeline_mode<synchronous>, transform_indices = @transform_8, window_bounds = array<i64: 64, 256>}]} {
    %get3A = arith.constant 0 : index
    %get3A_0 = arith.constant 0 : index
    %get3A_1 = arith.constant 0 : index
    %get3A_2 = vector.load %arg1[%get3A, %get3A_0, %get3A_1] : memref<2x5000x128xf32, #tpu.memory_space<vmem>>, vector<1x5000x128xf32>
    %get3A_3 = vector.shape_cast %get3A_2 : vector<1x5000x128xf32> to vector<5000x128xf32>
    %get3A_4 = arith.constant 0 : index
    %get3A_5 = arith.constant 0 : index
    %get3A_6 = arith.constant 0 : index
    %get3A_7 = vector.load %arg2[%get3A_4, %get3A_5, %get3A_6] : memref<2x5000x128xf32, #tpu.memory_space<vmem>>, vector<1x5000x128xf32>
    %get3A_8 = vector.shape_cast %get3A_7 : vector<1x5000x128xf32> to vector<5000x128xf32>
    %add3A = arith.addf %get3A_3, %get3A_8 : vector<5000x128xf32>
    %get3A_9 = arith.constant 1 : index
    %get3A_10 = arith.constant 0 : index
    %get3A_11 = arith.constant 0 : index
    %get3A_12 = vector.load %arg1[%get3A_9, %get3A_10, %get3A_11] : memref<2x5000x128xf32, #tpu.memory_space<vmem>>, vector<1x5000x128xf32>
    %get3A_13 = vector.shape_cast %get3A_12 : vector<1x5000x128xf32> to vector<5000x128xf32>
    %get3A_14 = arith.constant 1 : index
    %get3A_15 = arith.constant 0 : index
    %get3A_16 = arith.constant 0 : index
    %get3A_17 = vector.load %arg2[%get3A_14, %get3A_15, %get3A_16] : memref<2x5000x128xf32, #tpu.memory_space<vmem>>, vector<1x5000x128xf32>
    %get3A_18 = vector.shape_cast %get3A_17 : vector<1x5000x128xf32> to vector<5000x128xf32>
    %add3A_19 = arith.addf %get3A_13, %get3A_18 : vector<5000x128xf32>
    %concatenate3A = tpu.concatenate %add3A, %add3A_19 in 1 : vector<5000x128xf32>, vector<5000x128xf32> -> vector<5000x256xf32>
    %get3A_20 = arith.constant 0 : index
    %get3A_21 = arith.constant 0 : index
    %get3A_22 = vector.load %arg4[%get3A_20, %get3A_21] : memref<256x256xf32, #tpu.memory_space<vmem>>, vector<256x256xf32>
    %dot_general3A = arith.constant dense<0.000000e+00> : vector<5000x256xf32>
    %dot_general3A_23 = tpu.matmul %concatenate3A, %get3A_22, %dot_general3A {dimension_numbers = #tpu.dot_dimension_numbers<[1], [0], [0], [1], [0, 0, 1, 1], [], []>, transpose_lhs_hint = false} : vector<5000x256xf32>, vector<256x256xf32>, vector<5000x256xf32> -> vector<5000x256xf32>
    %get3A_24 = arith.constant 0 : index
    %get3A_25 = arith.constant 0 : index
    %get3A_26 = vector.load %arg5[%get3A_24, %get3A_25] : memref<1x256xf32, #tpu.memory_space<vmem>>, vector<1x256xf32>
    %add3A_27 = vector.broadcast %get3A_26 : vector<1x256xf32> to vector<5000x256xf32>
    %add3A_28 = arith.addf %dot_general3A_23, %add3A_27 : vector<5000x256xf32>
    %max3A = arith.constant 0.000000e+00 : f32
    %max3A_29 = vector.broadcast %max3A : f32 to vector<5000x256xf32>
    %max3A_30 = arith.maximumf %add3A_28, %max3A_29 : vector<5000x256xf32>
    %get3A_31 = arith.constant 0 : index
    %get3A_32 = arith.constant 0 : index
    %get3A_33 = vector.load %arg6[%get3A_31, %get3A_32] : memref<256x256xf32, #tpu.memory_space<vmem>>, vector<256x256xf32>
    %dot_general3A_34 = arith.constant dense<0.000000e+00> : vector<5000x256xf32>
    %dot_general3A_35 = tpu.matmul %max3A_30, %get3A_33, %dot_general3A_34 {dimension_numbers = #tpu.dot_dimension_numbers<[1], [0], [0], [1], [0, 0, 1, 1], [], []>, transpose_lhs_hint = false} : vector<5000x256xf32>, vector<256x256xf32>, vector<5000x256xf32> -> vector<5000x256xf32>
    %get3A_36 = arith.constant 0 : index
    %get3A_37 = arith.constant 0 : index
    %get3A_38 = vector.load %arg7[%get3A_36, %get3A_37] : memref<1x256xf32, #tpu.memory_space<vmem>>, vector<1x256xf32>
    %add3A_39 = vector.broadcast %get3A_38 : vector<1x256xf32> to vector<5000x256xf32>
    %add3A_40 = arith.addf %dot_general3A_35, %add3A_39 : vector<5000x256xf32>
    %max3A_41 = arith.constant 0.000000e+00 : f32
    %max3A_42 = vector.broadcast %max3A_41 : f32 to vector<5000x256xf32>
    %max3A_43 = arith.maximumf %add3A_40, %max3A_42 : vector<5000x256xf32>
    %iota3A = tpu.iota {dimensions = array<i32: 0>} : vector<64x5000xi32>
    %get3A_44 = arith.constant 0 : index
    %get3A_45 = arith.constant 0 : index
    %get3A_46 = arith.constant 0 : index
    %get3A_47 = vector.load %arg3[%get3A_44, %get3A_45, %get3A_46] : memref<1x1x5000xi32, #tpu.memory_space<vmem>>, vector<1x1x5000xi32>
    %get3A_48 = vector.shape_cast %get3A_47 : vector<1x1x5000xi32> to vector<1x5000xi32>
    %eq3A = vector.broadcast %get3A_48 : vector<1x5000xi32> to vector<64x5000xi32>
    %eq3A_49 = arith.cmpi eq, %iota3A, %eq3A : vector<64x5000xi32>
    %convert_element_type3A = arith.extui %eq3A_49 : vector<64x5000xi1> to vector<64x5000xi32>
    %convert_element_type3A_50 = arith.sitofp %convert_element_type3A : vector<64x5000xi32> to vector<64x5000xf32>
    %eq3A_51 = arith.constant 0 : i32
    %eq3A_52 = arith.cmpi eq, %arg0, %eq3A_51 : i32
    %convert_element_type3A_53 = arith.extui %eq3A_52 : i1 to i32
    %cond3A = arith.constant 0 : i32
    %cond3A_54 = arith.cmpi ne, %convert_element_type3A_53, %cond3A : i32
    scf.if %cond3A_54 {
      %broadcast_in_dim3A_75 = arith.constant 0.000000e+00 : f32
      %broadcast_in_dim3A_76 = vector.broadcast %broadcast_in_dim3A_75 : f32 to vector<2x256xf32>
      %swap3A_77 = arith.constant 0 : index
      %swap3A_78 = arith.constant 0 : index
      %swap3A_79 = vector.load %arg8[%swap3A_77, %swap3A_78] : memref<2x256xf32, #tpu.memory_space<vmem>>, vector<2x256xf32>
      tpu.vector_store %arg8[%swap3A_77, %swap3A_78], %broadcast_in_dim3A_76 {strides = array<i32>} : memref<2x256xf32, #tpu.memory_space<vmem>>, vector<2x256xf32>,
      %broadcast_in_dim3A_80 = arith.constant 0.000000e+00 : f32
      %broadcast_in_dim3A_81 = vector.broadcast %broadcast_in_dim3A_80 : f32 to vector<64x256xf32>
      %swap3A_82 = arith.constant 0 : index
      %swap3A_83 = arith.constant 0 : index
      %swap3A_84 = vector.load %arg9[%swap3A_82, %swap3A_83] : memref<64x256xf32, #tpu.memory_space<vmem>>, vector<64x256xf32>
      tpu.vector_store %arg9[%swap3A_82, %swap3A_83], %broadcast_in_dim3A_81 {strides = array<i32>} : memref<64x256xf32, #tpu.memory_space<vmem>>, vector<64x256xf32>,
    } else {
    }
    %get3A_55 = arith.constant 0 : index
    %get3A_56 = arith.constant 0 : index
    %get3A_57 = vector.load %arg8[%get3A_55, %get3A_56] : memref<2x256xf32, #tpu.memory_space<vmem>>, vector<2x256xf32>
    %reduce_sum3A = arith.constant dense<0.000000e+00> : vector<256xf32>
    %reduce_sum3A_58 = vector.multi_reduction <add>, %max3A_43, %reduce_sum3A [0] : vector<5000x256xf32> to vector<256xf32>
    %broadcast_in_dim3A = vector.shape_cast %reduce_sum3A_58 : vector<256xf32> to vector<1x256xf32>
    %mul3A = arith.mulf %max3A_43, %max3A_43 : vector<5000x256xf32>
    %reduce_sum3A_59 = arith.constant dense<0.000000e+00> : vector<256xf32>
    %reduce_sum3A_60 = vector.multi_reduction <add>, %mul3A, %reduce_sum3A_59 [0] : vector<5000x256xf32> to vector<256xf32>
    %broadcast_in_dim3A_61 = vector.shape_cast %reduce_sum3A_60 : vector<256xf32> to vector<1x256xf32>
    %concatenate3A_62 = tpu.concatenate %broadcast_in_dim3A, %broadcast_in_dim3A_61 in 0 : vector<1x256xf32>, vector<1x256xf32> -> vector<2x256xf32>
    %add3A_63 = arith.addf %get3A_57, %concatenate3A_62 : vector<2x256xf32>
    %swap3A = arith.constant 0 : index
    %swap3A_64 = arith.constant 0 : index
    %swap3A_65 = vector.load %arg8[%swap3A, %swap3A_64] : memref<2x256xf32, #tpu.memory_space<vmem>>, vector<2x256xf32>
    tpu.vector_store %arg8[%swap3A, %swap3A_64], %add3A_63 {strides = array<i32>} : memref<2x256xf32, #tpu.memory_space<vmem>>, vector<2x256xf32>,
    %get3A_66 = arith.constant 0 : index
    %get3A_67 = arith.constant 0 : index
    %get3A_68 = vector.load %arg9[%get3A_66, %get3A_67] : memref<64x256xf32, #tpu.memory_space<vmem>>, vector<64x256xf32>
    %dot_general3A_69 = arith.constant dense<0.000000e+00> : vector<64x256xf32>
    %dot_general3A_70 = tpu.matmul %convert_element_type3A_50, %max3A_43, %dot_general3A_69 {dimension_numbers = #tpu.dot_dimension_numbers<[1], [0], [0], [1], [0, 0, 1, 1], [], []>, transpose_lhs_hint = false} : vector<64x5000xf32>, vector<5000x256xf32>, vector<64x256xf32> -> vector<64x256xf32>
    %add3A_71 = arith.addf %get3A_68, %dot_general3A_70 : vector<64x256xf32>
    %swap3A_72 = arith.constant 0 : index
    %swap3A_73 = arith.constant 0 : index
    %swap3A_74 = vector.load %arg9[%swap3A_72, %swap3A_73] : memref<64x256xf32, #tpu.memory_space<vmem>>, vector<64x256xf32>
    tpu.vector_store %arg9[%swap3A_72, %swap3A_73], %add3A_71 {strides = array<i32>} : memref<64x256xf32, #tpu.memory_space<vmem>>, vector<64x256xf32>,
    return
  }
  func.func @transform_0(%arg0: i32) -> (i32, i32, i32) {
    %c0_i32 = arith.constant 0 : i32
    %c0_i32_0 = arith.constant 0 : i32
    %c0_i32_1 = arith.constant 0 : i32
    return %c0_i32, %arg0, %c0_i32_0 : i32, i32, i32
  }
  func.func @transform_1(%arg0: i32) -> (i32, i32, i32) {
    %c0_i32 = arith.constant 0 : i32
    %c0_i32_0 = arith.constant 0 : i32
    %c0_i32_1 = arith.constant 0 : i32
    return %c0_i32, %arg0, %c0_i32_0 : i32, i32, i32
  }
  func.func @transform_2(%arg0: i32) -> (i32, i32, i32) {
    %c0_i32 = arith.constant 0 : i32
    %c0_i32_0 = arith.constant 0 : i32
    %c0_i32_1 = arith.constant 0 : i32
    return %arg0, %c0_i32, %c0_i32_0 : i32, i32, i32
  }
  func.func @transform_3(%arg0: i32) -> (i32, i32) {
    %c0_i32 = arith.constant 0 : i32
    %c0_i32_0 = arith.constant 0 : i32
    %c0_i32_1 = arith.constant 0 : i32
    return %c0_i32, %c0_i32_0 : i32, i32
  }
  func.func @transform_4(%arg0: i32) -> (i32, i32) {
    %c0_i32 = arith.constant 0 : i32
    %c0_i32_0 = arith.constant 0 : i32
    %c0_i32_1 = arith.constant 0 : i32
    return %c0_i32, %c0_i32_0 : i32, i32
  }
  func.func @transform_5(%arg0: i32) -> (i32, i32) {
    %c0_i32 = arith.constant 0 : i32
    %c0_i32_0 = arith.constant 0 : i32
    %c0_i32_1 = arith.constant 0 : i32
    return %c0_i32, %c0_i32_0 : i32, i32
  }
  func.func @transform_6(%arg0: i32) -> (i32, i32) {
    %c0_i32 = arith.constant 0 : i32
    %c0_i32_0 = arith.constant 0 : i32
    %c0_i32_1 = arith.constant 0 : i32
    return %c0_i32, %c0_i32_0 : i32, i32
  }
  func.func @transform_7(%arg0: i32) -> (i32, i32) {
    %c0_i32 = arith.constant 0 : i32
    %c0_i32_0 = arith.constant 0 : i32
    %c0_i32_1 = arith.constant 0 : i32
    return %c0_i32, %c0_i32_0 : i32, i32
  }
  func.func @transform_8(%arg0: i32) -> (i32, i32) {
    %c0_i32 = arith.constant 0 : i32
    %c0_i32_0 = arith.constant 0 : i32
    %c0_i32_1 = arith.constant 0 : i32
    return %c0_i32, %c0_i32_0 : i32, i32
  }
}

module attributes {stable_mosaic.version = 14 : i64} {
  func.func @_final_body(%arg0: memref<64x256xf32, #tpu.memory_space<vmem>>, %arg1: memref<64x256xf32, #tpu.memory_space<vmem>>, %arg2: memref<64x256xf32, #tpu.memory_space<vmem>>, %arg3: memref<2x256xf32, #tpu.memory_space<vmem>>, %arg4: memref<1x256xf32, #tpu.memory_space<vmem>>, %arg5: memref<1x256xf32, #tpu.memory_space<vmem>>, %arg6: memref<64x128xf32, #tpu.memory_space<vmem>>, %arg7: memref<768x256xf32, #tpu.memory_space<vmem>>, %arg8: memref<1x256xf32, #tpu.memory_space<vmem>>, %arg9: memref<64x256xf32, #tpu.memory_space<vmem>>) attributes {dimension_semantics = [], scalar_prefetch = 0 : i64, scratch_operands = 0 : i64, tpu.core_type = #tpu.core_type<tc>} {
    %get3A = arith.constant 0 : index
    %get3A_0 = arith.constant 0 : index
    %get3A_1 = vector.load %arg6[%get3A, %get3A_0] : memref<64x128xf32, #tpu.memory_space<vmem>>, vector<64x128xf32>
    %slice3A = vector.extract_strided_slice %get3A_1 {offsets = [0, 0], sizes = [64, 1], strides = [1, 1]} : vector<64x128xf32> to vector<64x1xf32>
    %max3A = arith.constant 1.000000e+00 : f32
    %max3A_2 = vector.broadcast %max3A : f32 to vector<64x1xf32>
    %max3A_3 = arith.maximumf %slice3A, %max3A_2 : vector<64x1xf32>
    %div3A = arith.constant 1.000000e+00 : f32
    %div3A_4 = vector.broadcast %div3A : f32 to vector<64x1xf32>
    %div3A_5 = arith.divf %div3A_4, %max3A_3 : vector<64x1xf32>
    %get3A_6 = arith.constant 0 : index
    %get3A_7 = arith.constant 0 : index
    %get3A_8 = vector.load %arg3[%get3A_6, %get3A_7] : memref<2x256xf32, #tpu.memory_space<vmem>>, vector<1x256xf32>
    %get3A_9 = vector.shape_cast %get3A_8 : vector<1x256xf32> to vector<256xf32>
    %mul3A = arith.constant 9.99999974E-5 : f32
    %mul3A_10 = vector.broadcast %mul3A : f32 to vector<256xf32>
    %mul3A_11 = arith.mulf %get3A_9, %mul3A_10 : vector<256xf32>
    %get3A_12 = arith.constant 1 : index
    %get3A_13 = arith.constant 0 : index
    %get3A_14 = vector.load %arg3[%get3A_12, %get3A_13] : memref<2x256xf32, #tpu.memory_space<vmem>>, vector<1x256xf32>
    %get3A_15 = vector.shape_cast %get3A_14 : vector<1x256xf32> to vector<256xf32>
    %mul3A_16 = arith.constant 9.99999974E-5 : f32
    %mul3A_17 = vector.broadcast %mul3A_16 : f32 to vector<256xf32>
    %mul3A_18 = arith.mulf %get3A_15, %mul3A_17 : vector<256xf32>
    %mul3A_19 = arith.mulf %mul3A_11, %mul3A_11 : vector<256xf32>
    %sub3A = arith.subf %mul3A_18, %mul3A_19 : vector<256xf32>
    %get3A_20 = arith.constant 0 : index
    %get3A_21 = arith.constant 0 : index
    %get3A_22 = vector.load %arg4[%get3A_20, %get3A_21] : memref<1x256xf32, #tpu.memory_space<vmem>>, vector<1x256xf32>
    %get3A_23 = vector.shape_cast %get3A_22 : vector<1x256xf32> to vector<256xf32>
    %add3A = arith.constant 9.99999974E-6 : f32
    %add3A_24 = vector.broadcast %add3A : f32 to vector<256xf32>
    %add3A_25 = arith.addf %sub3A, %add3A_24 : vector<256xf32>
    %rsqrt3A = math.rsqrt %add3A_25 : vector<256xf32>
    %mul3A_26 = arith.mulf %get3A_23, %rsqrt3A : vector<256xf32>
    %get3A_27 = arith.constant 0 : index
    %get3A_28 = arith.constant 0 : index
    %get3A_29 = vector.load %arg5[%get3A_27, %get3A_28] : memref<1x256xf32, #tpu.memory_space<vmem>>, vector<1x256xf32>
    %get3A_30 = vector.shape_cast %get3A_29 : vector<1x256xf32> to vector<256xf32>
    %mul3A_31 = arith.mulf %mul3A_11, %mul3A_26 : vector<256xf32>
    %sub3A_32 = arith.subf %get3A_30, %mul3A_31 : vector<256xf32>
    %get3A_33 = arith.constant 0 : index
    %get3A_34 = arith.constant 0 : index
    %get3A_35 = vector.load %arg2[%get3A_33, %get3A_34] : memref<64x256xf32, #tpu.memory_space<vmem>>, vector<64x256xf32>
    %broadcast_in_dim3A = vector.shape_cast %mul3A_26 : vector<256xf32> to vector<1x256xf32>
    %mul3A_36 = vector.broadcast %broadcast_in_dim3A : vector<1x256xf32> to vector<64x256xf32>
    %mul3A_37 = arith.mulf %get3A_35, %mul3A_36 : vector<64x256xf32>
    %broadcast_in_dim3A_38 = vector.shape_cast %sub3A_32 : vector<256xf32> to vector<1x256xf32>
    %mul3A_39 = vector.broadcast %slice3A : vector<64x1xf32> to vector<64x256xf32>
    %mul3A_40 = vector.broadcast %broadcast_in_dim3A_38 : vector<1x256xf32> to vector<64x256xf32>
    %mul3A_41 = arith.mulf %mul3A_39, %mul3A_40 : vector<64x256xf32>
    %add3A_42 = arith.addf %mul3A_37, %mul3A_41 : vector<64x256xf32>
    %mul3A_43 = vector.broadcast %div3A_5 : vector<64x1xf32> to vector<64x256xf32>
    %mul3A_44 = arith.mulf %add3A_42, %mul3A_43 : vector<64x256xf32>
    %get3A_45 = arith.constant 0 : index
    %get3A_46 = arith.constant 0 : index
    %get3A_47 = vector.load %arg0[%get3A_45, %get3A_46] : memref<64x256xf32, #tpu.memory_space<vmem>>, vector<64x256xf32>
    %mul3A_48 = vector.broadcast %div3A_5 : vector<64x1xf32> to vector<64x256xf32>
    %mul3A_49 = arith.mulf %get3A_47, %mul3A_48 : vector<64x256xf32>
    %get3A_50 = arith.constant 0 : index
    %get3A_51 = arith.constant 0 : index
    %get3A_52 = vector.load %arg1[%get3A_50, %get3A_51] : memref<64x256xf32, #tpu.memory_space<vmem>>, vector<64x256xf32>
    %mul3A_53 = vector.broadcast %div3A_5 : vector<64x1xf32> to vector<64x256xf32>
    %mul3A_54 = arith.mulf %get3A_52, %mul3A_53 : vector<64x256xf32>
    %concatenate3A = tpu.concatenate %mul3A_49, %mul3A_54, %mul3A_44 in 1 : vector<64x256xf32>, vector<64x256xf32>, vector<64x256xf32> -> vector<64x768xf32>
    %get3A_55 = arith.constant 0 : index
    %get3A_56 = arith.constant 0 : index
    %get3A_57 = vector.load %arg7[%get3A_55, %get3A_56] : memref<768x256xf32, #tpu.memory_space<vmem>>, vector<768x256xf32>
    %dot_general3A = arith.constant dense<0.000000e+00> : vector<64x256xf32>
    %dot_general3A_58 = tpu.matmul %concatenate3A, %get3A_57, %dot_general3A {dimension_numbers = #tpu.dot_dimension_numbers<[1], [0], [0], [1], [0, 0, 1, 1], [], []>, transpose_lhs_hint = false} : vector<64x768xf32>, vector<768x256xf32>, vector<64x256xf32> -> vector<64x256xf32>
    %get3A_59 = arith.constant 0 : index
    %get3A_60 = arith.constant 0 : index
    %get3A_61 = vector.load %arg8[%get3A_59, %get3A_60] : memref<1x256xf32, #tpu.memory_space<vmem>>, vector<1x256xf32>
    %add3A_62 = vector.broadcast %get3A_61 : vector<1x256xf32> to vector<64x256xf32>
    %add3A_63 = arith.addf %dot_general3A_58, %add3A_62 : vector<64x256xf32>
    %swap3A = arith.constant 0 : index
    %swap3A_64 = arith.constant 0 : index
    %swap3A_65 = vector.load %arg9[%swap3A, %swap3A_64] : memref<64x256xf32, #tpu.memory_space<vmem>>, vector<64x256xf32>
    tpu.vector_store %arg9[%swap3A, %swap3A_64], %add3A_63 {strides = array<i32>} : memref<64x256xf32, #tpu.memory_space<vmem>>, vector<64x256xf32>,
    return
  }
}

</mosaic_0001>

<sc_bundles>
// kernel: kernel.11.cloned.1.call-start
scs
__scs_entry_jumppad:
0x0: {  	(pc) =	sbr.rel $0x88, $3  }
0x1: {  	(tag) =	ssettag $0x0;
	lr =	simm.s32 $0x1  }
0x2: {  	[smem:$0x3F96] =	sst lr;
	_ =	strace $0xD0000000  }
0x3: {  	_ = 	snop  }
0x4: {  	_ = 	snop  }
0x5: {  	_ = 	snop  }
0x6: {  	_ = 	snop  }
0x7: {  	_ = 	snop  }
__scs_overlays_trampoline_lowered:
0x8: {  	[smem:$0x3FA5] =	sst s0  }
0x9: {  	[smem:$0x3FA6] =	sst s1  }
0xa: {  	[smem:$0x3FA7] =	sst s2  }
0xb: {  	[smem:$0x3FA8] =	sst s3  }
0xc: {  	[smem:$0x3FA9] =	sst s4  }
0xd: {  	[smem:$0x3FAA] =	sst s5  }
0xe: {  	[smem:$0x3FAB] =	sst s6  }
0xf: {  	[smem:$0x3FAC] =	sst s7  }
0x10: {  	[smem:$0x3FAD] =	sst s8  }
0x11: {  	[smem:$0x3FAE] =	sst s9;
	s0 =	simm.s32 @!p0 $0x0  }
0x12: {  	s1 =	sld [smem:$0x3F94];
	s0 =	simm.s32 @p0 $0x1  }
0x13: {  	[smem:$0x3FAF] =	sst s0;
	s0 =	simm.s32 @!p1 $0x0  }
0x14: {  	s2 =	sld [smem:$0x3F93];
	s0 =	simm.s32 @p1 $0x1  }
0x15: {  	[smem:$0x3FB0] =	sst s0;
	s0 =	simm.s32 @!p2 $0x0  }
0x16: {  	s3 =	sld [smem:$0x3FDB];
	s0 =	simm.s32 @p2 $0x1  }
0x17: {  	s4 =	simm.s32 $0x1BF5;
	[smem:$0x3FB2] =	sst s0  }
0x18: {  	s0 =	sld [smem:$0x3F95];
	_ =	swait.ge [sflag:s4], $0x0  }
0x19: {  	s7 =	sld [smem:$0x3F96]  }
0x1a: {  	s8 =	sadd.s32 $0xFFFFE003, lr  }
0x1b: {  	s9 =	sadd.s32 $0xFFFFFEF7, lr;
	s5 =	simm.s32 $0xFFFFFFFF;
	p2 =	slt.u32 s8, $0xFFFFF086  }
0x1c: {  	p1 =	slt.u32 s9, $0xF7A;
	s5 =	simm.s32 @!p2 $0x0  }
0x1d: {  	s5 =	simm.s32 @p1 $0x1;
	p0 =	seq.s32 s7, s2  }
0x1e: {  	s7 =	smul.u32 @!p0 $0xF7A, s2;
	p2 =	seq.s32 @!p0 s5, $0x0  }
0x1f: {  	s9 =	smul.u32 $0xF7A, s1;
	s8 =	simm.s32 @!p0 $0x1BF5;
	p2 =	por !p2, p0  }
0x20: {  	[sflag:s8] =	ssyncset.s32 @!p0 $0xFFFFF086;
	s6 =	sadd.s32 @!p0 s3, s7;
	s7 =	simm.s32 @!p0 $0x108  }
0x21: {  	s3 =	sadd.s32 s3, s9;
	s6 =	sadd.s32 @!p0 $0x88, s6;
	s7 =	simm.s32 @p2 $0x1082  }
0x22: {  	[simem:s7], [sflag:s8] =	dma.local @!p0 [hbm:s6], $0xF7A  }
0x23: {  	s9 =	sor.u32 $0xD0000000, s2;
	s6 =	simm.s32 $0x108;
	_ =	swait.ge @!p0 [sflag:s8], $0x0  }
0x24: {  	s3 =	sadd.s32 $0x88, s3;
	s6 =	simm.s32 @!p1 $0x1082;
	[sflag:s4] =	ssyncset.s32 $0xFFFFF086  }
0x25: {  	[simem:s6], [sflag:s4] =	dma.local [hbm:s3], $0xF7A  }
0x26: {  	[smem:$0x3F96] =	sst s1;
	(tag) =	ssettag s2;
	_ =	strace s9  }
0x27: {  	s1 =	sld [smem:$0x3FA6]  }
0x28: {  	s2 =	sld [smem:$0x3FA7]  }
0x29: {  	s4 =	sld [smem:$0x3FA9]  }
0x2a: {  	p0 =	seq.s32 s5, $0x0;
	s5 =	sld [smem:$0x3FAA]  }
0x2b: {  	s6 =	sld [smem:$0x3FAB]  }
0x2c: {  	s7 =	sld [smem:$0x3FAC]  }
0x2d: {  	s3 =	simm.s32 $0x108;
	s8 =	sld [smem:$0x3FAD]  }
0x2e: {  	s3 =	simm.s32 @!p0 $0x1082;
	s9 =	sld [smem:$0x3FAE]  }
0x2f: {  	lr =	sadd.s32 s0, s3;
	s0 =	sld [smem:$0x3FA5]  }
0x30: {  	s3 =	sld [smem:$0x3FA8]  }
0x31: {  	[smem:$0x3FB1] =	sst s10  }
0x32: {  	s10 =	sld [smem:$0x3FAF];
	_ =	sdelay $0x3  }
0x33: {  	p0 =	seq.s32 s10, $0x1;
	s10 =	sld [smem:$0x3FB1];
	_ =	sdelay $0x3  }
0x34: {  	[smem:$0x3FB1] =	sst s10  }
0x35: {  	s10 =	sld [smem:$0x3FB0];
	_ =	sdelay $0x3  }
0x36: {  	p1 =	seq.s32 s10, $0x1;
	s10 =	sld [smem:$0x3FB1];
	_ =	sdelay $0x3  }
0x37: {  	[smem:$0x3FB1] =	sst s10  }
0x38: {  	s10 =	sld [smem:$0x3FB2]  }
0x39: {  	_ = 	snop;
	(pc) =	sbr.ind lr, $3  }
0x3a: {  	_ = 	snop  }
0x3b: {  	_ = 	snop  }
0x3c: {  	p2 =	seq.s32 s10, $0x1;
	s10 =	sld [smem:$0x3FB1]  }
0x3d: {  	_ =	shalt  }
0x3e: {  	_ =	shalt  }
0x3f: {  	_ =	shalt  }
0x40: {  	_ =	shalt  }
0x41: {  	_ =	shalt  }
0x42: {  	_ =	shalt  }
0x43: {  	_ =	shalt  }
0x44: {  	_ =	shalt  }
0x45: {  	_ =	shalt  }
0x46: {  	_ =	shalt  }
0x47: {  	_ =	shalt  }
0x48: {  	_ =	shalt  }
0x49: {  	_ =	shalt  }
0x4a: {  	_ =	shalt  }
0x4b: {  	_ =	shalt  }
0x4c: {  	_ =	shalt  }
0x4d: {  	_ =	shalt  }
0x4e: {  	_ =	shalt  }
0x4f: {  	_ =	shalt  }
0x50: {  	_ =	shalt  }
0x51: {  	_ =	shalt  }
0x52: {  	_ =	shalt  }
0x53: {  	_ =	shalt  }
0x54: {  	_ =	shalt  }
0x55: {  	_ =	shalt  }
0x56: {  	_ =	shalt  }
0x57: {  	_ =	shalt  }
0x58: {  	_ =	shalt  }
0x59: {  	_ =	shalt  }
0x5a: {  	_ =	shalt  }
0x5b: {  	_ =	shalt  }
0x5c: {  	_ =	shalt  }
0x5d: {  	_ =	shalt  }
0x5e: {  	_ =	shalt  }
0x5f: {  	_ =	shalt  }
0x60: {  	_ =	shalt  }
0x61: {  	_ =	shalt  }
0x62: {  	_ =	shalt  }
0x63: {  	_ =	shalt  }
0x64: {  	_ =	shalt  }
0x65: {  	_ =	shalt  }
0x66: {  	_ =	shalt  }
0x67: {  	_ =	shalt  }
0x68: {  	_ =	shalt  }
0x69: {  	_ =	shalt  }
0x6a: {  	_ =	shalt  }
0x6b: {  	_ =	shalt  }
0x6c: {  	_ =	shalt  }
0x6d: {  	_ =	shalt  }
0x6e: {  	_ =	shalt  }
0x6f: {  	_ =	shalt  }
0x70: {  	_ =	shalt  }
0x71: {  	_ =	shalt  }
0x72: {  	_ =	shalt  }
0x73: {  	_ =	shalt  }
0x74: {  	_ =	shalt  }
0x75: {  	_ =	shalt  }
0x76: {  	_ =	shalt  }
0x77: {  	_ =	shalt  }
0x78: {  	_ =	shalt  }
0x79: {  	_ =	shalt  }
0x7a: {  	_ =	shalt  }
0x7b: {  	_ =	shalt  }
0x7c: {  	_ =	shalt  }
0x7d: {  	_ =	shalt  }
0x7e: {  	_ =	shalt  }
0x7f: {  	_ =	shalt  }
0x80: {  	_ =	shalt  }
0x81: {  	_ =	shalt  }
0x82: {  	_ =	shalt  }
0x83: {  	_ =	shalt  }
0x84: {  	_ =	shalt  }
0x85: {  	_ =	shalt  }
0x86: {  	_ =	shalt  }
0x87: {  	_ =	shalt  }
.Lfunc_end0:
.L_simem_size_0:
called_computation_lowered:
.L_overlay_start_0:
0x88: {  	s2 =	sld [smem:$0x3FD9]  }
0x89: {  	s3 =	sld [smem:$0x3FFE];
	_ =	sdelay $0x1  }
0x8a: {  	s1 =	srdreg.scid  }
0x8b: {  	s0 =	sand.u32 $0x1, s1  }
0x8c: {  	s16 =	sshll.u32 s0, $0xA;
	s2 =	sadd.s32 s3, s2  }
0x8d: {  	s2 =	sadd.s32 s2, s16  }
0x8e: {  	[smem:$0x3FBD] =	sst s2  }
0x8f: {  	_ = 	snop  }
0x90: {  	(tm) =	ssettm $0x1  }
0x91: {  	s17 =	sld [smem:$0x3FFB];
	_ =	sdelay $0x3  }
0x92: {  	_ =	strace s17  }
0x93: {  	s2 =	sld [smem:$0x3FFC];
	_ =	sdelay $0x3  }
0x94: {  	_ =	strace s2  }
0x95: {  	s2 =	sld [smem:$0x3FFD];
	_ =	sdelay $0x3  }
0x96: {  	_ =	strace s2  }
0x97: {  	_ =	strace $0x8FFFFFFF  }
0x98: {  	s18 =	sld [smem:$0x3FDB];
	_ =	sdelay $0x1  }
0x99: {  	s19 =	simm.s32 $_scs_section_size  }
0x9a: {  	s4 =	simm.s32 $_size__tile_overlayer_lowered;
	s5 =	simm.s32 $_tile_overlayer_lowered  }
0x9b: {  	s22 =	simm.s32 $0x1BFF;
	s21 =	sshll.u32 s5, $0x1;
	s2 =	sadd.s32 s19, s18  }
0x9c: {  	s6 =	simm.s32 $0x0;
	s20 =	sshll.u32 s4, $0x1;
	s4 =	sadd.s32 s21, s2  }
0x9d: {  	[timem:s6], [sflag:s22] =	dma.local [hbm:s4], s20  }
0x9e: {  	_ =	swait.ge [sflag:s22], s20  }
0x9f: {  	s3 =	ssub.s32 $0x0, s20;
	[sflag:s22] =	ssyncset.done $0x0  }
0xa0: {  	[sflag:s22] =	ssyncadd.s32 s3;
	_ =	sdelay $0x1  }
0xa1: {  	s23 =	simm.s32 $0x1B8B  }
0xa2: {  	_ =	swait.ge [sflag:s23], $0x1  }
0xa3: {  	[sflag:s23] =	ssyncset.done $0x0  }
0xa4: {  	s25 =	simm.s32 $0x1B8E;
	s24 =	sld [smem:$0x3FFE];
	[sflag:s23] =	ssyncadd.s32 $0xFFFFFFFF  }
0xa5: {  	s26 =	simm.s32 $execute0_lowered;
	[smem:$0x3FD2] =	sst s25  }
0xa6: {  	s4 =	sshll.u32 s26, $0x1;
	_ =	strace $0x80000046;
	[dreg:$0x1] =	wrdreg $0xFFFFFFFF  }
0xa7: {  	s28 =	simm.s32 $_size_execute0_lowered;
	s2 =	sadd.s32 s2, s4;
	[dreg:$0x0] =	wrdreg $0x0  }
0xa8: {  	s4 =	sshll.u32 s28, $0x1;
	[dreg:$0x2] =	wrdreg s2  }
0xa9: {  	[dreg:$0x3] =	wrdreg s4  }
0xaa: {  	[dreg:$0x4] =	wrdreg $0xC0  }
0xab: {  	_ =	task [dreg:s6], $0x5FFFF  }
0xac: {  	[dreg:$0x1] =	wrdreg $0xFFFFFFFF  }
0xad: {  	[dreg:$0x0] =	wrdreg $0x60  }
0xae: {  	[dreg:$0x2] =	wrdreg s24  }
0xaf: {  	[dreg:$0x3] =	wrdreg $0xA8000  }
0xb0: {  	[dreg:$0x4] =	wrdreg $0x9  }
0xb1: {  	_ =	task.clear_ibuf [dreg:s6], $0x5FFFF;
	_ =	strace $0x90000046  }
0xb2: {  	s29 =	simm.s32 $0x9;
	_ =	strace $0x80000048  }
0xb3: {  	_ =	swait.ge [sflag:s29], $0x1  }
0xb4: {  	[sflag:s29] =	ssyncadd.s32 $0xFFFFFFFF  }
0xb5: {  	_ =	strace $0x90000048  }
0xb6: {  	_ =	sfence  }
0xb7: {  	s30 =	sld [smem:$0x0];
	_ =	sdelay $0x2  }
0xb8: {  	s31 =	sshll.u32 s1, $0xD;
	s1 =	sshrl.u32 s1, $0x2  }
0xb9: {  	s3 =	sand.u32 $0x4000, s31;
	s1 =	sadd.s32 s1, s30  }
0xba: {  	s0 =	sor.u32 s3, s0;
	s1 =	sshll.u32 s1, $0x11  }
0xbb: {  	s0 =	sor.u32 s1, s0  }
0xbc: {  	s0 =	sadd.s32 $0x8F2B, s0  }
0xbd: {  	[sflag:s0] =	ssyncadd.remote.s32 $0x1  }
0xbe: {  	_ =	sfence.sel $0xFFFF  }
0xbf: {  	[dreg:$0x0] =	wrdreg $0xFFFFFFFF;
	(pc) =	sbr.abs _section_cstart, $3  }
0xc0: {  	[dreg:$0x1] =	wrdreg $0xFFFFFFFF  }
0xc1: {  	_ =	task.clear_ibuf [dreg:s6], $0x2FFFF;
	_ =	strace $0x9FFFFFFF  }
0xc2: {  	(tm) =	ssettm $0x7FFFFFFF  }
0xc3: {  	_ =	shalt  }
tec
execute0_lowered:
.L_overlay_start_1:
0x0: {  	(tag) =	ssettag $0x1  }
0x1: {  	s4 =	rddreg [dreg:$0x0]  }
0x2: {  	s1 =	rddreg [dreg:$0x1]  }
0x3: {  	s2 =	simm.s32 $0x0;
	s3 =	srdreg.scid;
	s0 =	stileid.u32  }
0x4: {  	s20 =	simm.s32 $0x7D;
	s21 =	simm.s32 $0x2;
	s7 =	smul.u32 $0x50000, s0  }
0x5: {  	s22 =	simm.s32 $0x2780;
	s23 =	simm.s32 $0x6800;
	s13 =	smul.u32 $0x500, s0  }
0x6: {  	[smem:$0x7FF] =	sst s2;
	s5 =	sand.u32 $0x1, s3;
	s24 =	smul.u32 $0x2800, s0  }
0x7: {  	s15 =	sadd.s32 $0x3200, s4;
	s16 =	sadd.s32 $0x8200, s4;
	s6 =	smul.u32 $0x27100, s5  }
0x8: {  	_ =	strace $0x80000047;
	s29 =	smul.u32 $0x28000, s5;
	s5 =	ssub.s32 $0x2, s5  }
0x9: {  	s7 =	sshrl.u32 s7, $0x2;
	s30 =	sshrl.u32 s5, $0x1;
	s12 =	sadd.s32 s15, s13  }
0xa: {  	s19 =	sshrl.u32 s24, $0x3;
	s13 =	sadd.s32 s16, s13;
	s14 =	sadd.s32 s6, s4  }
0xb: {  	s17 =	sadd.s32 s29, s4;
	s4 =	sadd.s32 s7, s1;
	s18 =	ssub.s32 s5, s30  }
0xc: {  	s19 =	sadd.s32 $0x280, s19;
	s31 =	sadd.s32 $0x2800, s4;
	s6 =	sadd.s32 $0x5000, s4  }
0xd: {  	s7 =	sadd.s32 $0x7800, s4;
	s8 =	sadd.s32 $0xA000, s4;
	s9 =	sadd.s32 $0xC800, s4  }
0xe: {  	s10 =	sadd.s32 $0xF000, s4;
	s11 =	sadd.s32 $0x11800, s4;
	s14 =	sadd.s32 $0xD200, s14  }
0xf: {  	s15 =	sadd.s32 s15, s19;
	s16 =	sadd.s32 s16, s19;
	s25 =	sadd.s32 $0x5B400, s17  }
0x10: {  	s17 =	smax.u32 s18, $0x1;
	s18 =	simm.s32 $0x2800;
	s19 =	simm.s32 $0x3  }
0x11: {  	v0 =	vimm.f32 $0.0e+00;
	[dreg:$0x3] =	wrdreg s31;
	s24 =	sadd.s32 s24, s25;
	s25 =	simm.s32 $0x0  }
.LBB2_1:
0x12: {  	s26 =	simm.s32 $0x0;
	s28 =	simm.s32 $0x200  }
.LBB2_2:
0x13: {  	p0 =	sne.s32 s28, $0x9E00;
	[tilespmem:s26+$0x2870] =	vst v0  }
0x14: {  	[tilespmem:s26+$0x2800] =	vst v0  }
0x15: {  	[tilespmem:s26+$0x2810] =	vst v0  }
.Ltmp0:
0x16: {  	[tilespmem:s26+$0x2820] =	vst v0;
	(pc) =	sbr.rel @p0 .LBB2_2-.Ltmp0, $4  }
0x17: {  	[tilespmem:s26+$0x2830] =	vst v0  }
0x18: {  	[tilespmem:s26+$0x2840] =	vst v0  }
0x19: {  	[tilespmem:s26+$0x2850] =	vst v0  }
0x1a: {  	[tilespmem:s26+$0x2860] =	vst v0;
	s26 =	sshra.s32 s28, $0x2;
	s28 =	sadd.s32 $0x200, s28  }
0x1b: {  	[tilespmem:s26+$0x2870] =	vst v0  }
0x1c: {  	[tilespmem:s26+$0x2800] =	vst v0  }
0x1d: {  	[tilespmem:s26+$0x2810] =	vst v0  }
0x1e: {  	[tilespmem:s26+$0x2820] =	vst v0  }
0x1f: {  	[tilespmem:s26+$0x2830] =	vst v0  }
0x20: {  	[tilespmem:s26+$0x2840] =	vst v0  }
0x21: {  	[tilespmem:s26+$0x2850] =	vst v0  }
0x22: {  	[tilespmem:s26+$0x2860] =	vst v0  }
0x23: {  	[spmem:s4] =	stream.linear.scatter [tilespmem:s18], [sflag:$0x3], $0x2800, $0x38;
	[tilespmem:$0x1E800] =	vst v63  }
0x24: {  	_ =	swait.ge [sflag:s19], $0x2800  }
0x25: {  	[sflag:s19] =	ssyncset.done $0x0  }
0x26: {  	s0 =	rddreg [dreg:$0x3];
	[sflag:s19] =	ssyncadd.s32 $0xFFFFD800  }
0x27: {  	[spmem:s0] =	stream.linear.scatter [tilespmem:s18], [sflag:$0x3], $0x2800, $0x38;
	[tilespmem:$0x1E800] =	vst v63  }
0x28: {  	_ =	swait.ge [sflag:s19], $0x2800  }
0x29: {  	[sflag:s19] =	ssyncset.done $0x0  }
0x2a: {  	[sflag:s19] =	ssyncadd.s32 $0xFFFFD800  }
0x2b: {  	[spmem:s6] =	stream.linear.scatter [tilespmem:s18], [sflag:$0x3], $0x2800, $0x38;
	[tilespmem:$0x1E800] =	vst v63  }
0x2c: {  	_ =	swait.ge [sflag:s19], $0x2800  }
0x2d: {  	[sflag:s19] =	ssyncset.done $0x0  }
0x2e: {  	[sflag:s19] =	ssyncadd.s32 $0xFFFFD800  }
0x2f: {  	[spmem:s7] =	stream.linear.scatter [tilespmem:s18], [sflag:$0x3], $0x2800, $0x38;
	[tilespmem:$0x1E800] =	vst v63  }
0x30: {  	_ =	swait.ge [sflag:s19], $0x2800  }
0x31: {  	[sflag:s19] =	ssyncset.done $0x0  }
0x32: {  	[sflag:s19] =	ssyncadd.s32 $0xFFFFD800  }
0x33: {  	[spmem:s8] =	stream.linear.scatter [tilespmem:s18], [sflag:$0x3], $0x2800, $0x38;
	[tilespmem:$0x1E800] =	vst v63  }
0x34: {  	_ =	swait.ge [sflag:s19], $0x2800  }
0x35: {  	[sflag:s19] =	ssyncset.done $0x0  }
0x36: {  	[sflag:s19] =	ssyncadd.s32 $0xFFFFD800  }
0x37: {  	[spmem:s9] =	stream.linear.scatter [tilespmem:s18], [sflag:$0x3], $0x2800, $0x38;
	[tilespmem:$0x1E800] =	vst v63  }
0x38: {  	_ =	swait.ge [sflag:s19], $0x2800  }
0x39: {  	[sflag:s19] =	ssyncset.done $0x0  }
0x3a: {  	[sflag:s19] =	ssyncadd.s32 $0xFFFFD800  }
0x3b: {  	[spmem:s10] =	stream.linear.scatter [tilespmem:s18], [sflag:$0x3], $0x2800, $0x38;
	[tilespmem:$0x1E800] =	vst v63  }
0x3c: {  	_ =	swait.ge [sflag:s19], $0x2800  }
0x3d: {  	[sflag:s19] =	ssyncset.done $0x0  }
0x3e: {  	[sflag:s19] =	ssyncadd.s32 $0xFFFFD800  }
0x3f: {  	[spmem:s11] =	stream.linear.scatter [tilespmem:s18], [sflag:$0x3], $0x2800, $0x38;
	[tilespmem:$0x1E800] =	vst v63  }
0x40: {  	_ =	swait.ge [sflag:s19], $0x2800  }
0x41: {  	[sflag:s19] =	ssyncset.done $0x0  }
0x42: {  	[sflag:s19] =	ssyncadd.s32 $0xFFFFD800  }
0x43: {  	[bflag:$0x0] =	sbarrier.arrive $0xFFFF  }
0x44: {  	[tilespmem:s2], [sflag:$0x3] =	stream.linear.gather [hbm4b:s12+s2], $0x1400, $0x38;
	[tilespmem:$0x1E800] =	vst v63  }
0x45: {  	_ =	swait.ge [sflag:s19], $0x1400  }
0x46: {  	[sflag:s19] =	ssyncset.done $0x0  }
0x47: {  	s3 =	simm.s32 $0x1400;
	[sflag:s19] =	ssyncadd.s32 $0xFFFFEC00  }
0x48: {  	[tilespmem:s3], [sflag:$0x3] =	stream.linear.gather [hbm4b:s13+s2], $0x1400, $0x38;
	[tilespmem:$0x1E800] =	vst v63  }
0x49: {  	s28 =	simm.s32 $0x1;
	s29 =	simm.s32 $0x0;
	_ =	swait.ge [sflag:s19], $0x1400  }
0x4a: {  	s30 =	simm.s32 $0x80;
	s28 =	sand.u32 $0x1, s28;
	[sflag:s19] =	ssyncset.done $0x0  }
0x4b: {  	s29 =	sand.u32 $0x1, s29;
	s31 =	sshll.u32 s28, $0xE;
	[sflag:s19] =	ssyncadd.s32 $0xFFFFEC00  }
0x4c: {  	[tilespmem:s18], [sflag:$0x1] =	stream.indirect.gather [hbm4b:s14+s20], $0x80, s2, s20, $0xb8;
	[tilespmem:$0x1E800] =	vst v63  }
0x4d: {  	s28 =	sadd.s32 $0x1, s28;
	s5 =	sadd.s32 $0x1, s29;
	s31 =	sor.u32 $0x2800, s31  }
0x4e: {  	[tilespmem:s31], [sflag:s28] =	stream.indirect.gather [hbm4b:s14+s20], $0x80, s30, s20, $0xb8;
	[tilespmem:$0x1E800] =	vst v63  }
0x4f: {  	s26 =	simm.s32 $0x1480;
	_ =	swait.ge [sflag:s5], $0x3E80  }
0x50: {  	s28 =	sshll.u32 s29, $0xE;
	s29 =	simm.s32 $0x2;
	[sflag:s5] =	ssyncset.done $0x0  }
0x51: {  	s30 =	simm.s32 $0x3;
	s28 =	sor.u32 $0x2800, s28;
	[sflag:s5] =	ssyncadd.s32 $0xFFFFC180  }
0x52: {  	[spmem:s1] =	stream.indirect.scatter.add.f32 [tilespmem:s28], [sflag:$0x3], $0x80, s3, s20, $0xb8;
	[tilespmem:$0x1E800] =	vst v63  }
0x53: {  	s31 =	sand.u32 $0x1, s29;
	s28 =	simm.s32 $0x100;
	_ =	swait.ge [sflag:s19], $0x3E80  }
.LBB2_4:
0x54: {  	s0 =	sadd.s32 $0xFFFFFFFF, s29;
	s3 =	sshll.u32 s31, $0xE  }
0x55: {  	[sflag:s19] =	ssyncset.done $0x0;
	s29 =	smov.u32 s30;
	s31 =	sadd.s32 $0x1, s31  }
0x56: {  	p0 =	sne.s32 s30, $0x27;
	s0 =	sand.u32 $0x1, s0;
	s3 =	sor.u32 $0x2800, s3  }
0x57: {  	s5 =	sshll.u32 s0, $0xE;
	s0 =	sadd.s32 $0x1, s0;
	[sflag:s19] =	ssyncadd.s32 $0xFFFFC180  }
0x58: {  	[tilespmem:s3], [sflag:s31] =	stream.indirect.gather [hbm4b:s14+s20], $0x80, s28, s20, $0xb8;
	[tilespmem:$0x1E800] =	vst v63  }
.Ltmp1:
0x59: {  	s3 =	sadd.s32 $0x1, s30;
	_ =	swait.ge [sflag:s0], $0x3E80;
	(pc) =	sbr.rel @p0 .LBB2_4-.Ltmp1, $4  }
0x5a: {  	s5 =	sor.u32 $0x2800, s5;
	[sflag:s0] =	ssyncset.done $0x0  }
0x5b: {  	s28 =	sadd.s32 $0x80, s28;
	s31 =	sand.u32 $0x1, s29;
	[sflag:s0] =	ssyncadd.s32 $0xFFFFC180  }
0x5c: {  	[spmem:s1] =	stream.indirect.scatter.add.f32 [tilespmem:s5], [sflag:$0x3], $0x80, s26, s20, $0xb8;
	[tilespmem:$0x1E800] =	vst v63  }
0x5d: {  	s30 =	smov.u32 s3;
	s26 =	sadd.s32 $0x80, s26;
	_ =	swait.ge [sflag:s19], $0x3E80  }
0x5e: {  	s0 =	sadd.s32 $0xFFFFFFFF, s29;
	s3 =	sshll.u32 s31, $0xE  }
0x5f: {  	[sflag:s19] =	ssyncset.done $0x0;
	s5 =	sadd.s32 $0x1, s31;
	s0 =	sand.u32 $0x1, s0  }
0x60: {  	s3 =	sor.u32 $0x2800, s3;
	[sflag:s19] =	ssyncadd.s32 $0xFFFFC180;
	s29 =	sadd.s32 $0x1, s0  }
0x61: {  	[tilespmem:s3], [sflag:s5] =	stream.indirect.gather [hbm4b:s14+s20], $0x80, s28, s20, $0xb8;
	[tilespmem:$0x1E800] =	vst v63  }
0x62: {  	_ =	swait.ge [sflag:s29], $0x3E80  }
0x63: {  	s0 =	sshll.u32 s0, $0xE;
	[sflag:s29] =	ssyncset.done $0x0  }
0x64: {  	s0 =	sor.u32 $0x2800, s0;
	[sflag:s29] =	ssyncadd.s32 $0xFFFFC180  }
0x65: {  	[spmem:s1] =	stream.indirect.scatter.add.f32 [tilespmem:s0], [sflag:$0x3], $0x80, s26, s20, $0xb8;
	[tilespmem:$0x1E800] =	vst v63  }
0x66: {  	_ =	swait.ge [sflag:s19], $0x3E80  }
0x67: {  	[sflag:s19] =	ssyncset.done $0x0  }
0x68: {  	[sflag:s19] =	ssyncadd.s32 $0xFFFFC180  }
0x69: {  	_ =	swait.ge [sflag:s21], $0x3E80  }
0x6a: {  	[sflag:s21] =	ssyncset.done $0x0  }
0x6b: {  	[sflag:s21] =	ssyncadd.s32 $0xFFFFC180  }
0x6c: {  	[spmem:s1] =	stream.indirect.scatter.add.f32 [tilespmem:s23], [sflag:$0x3], $0x80, s22, s20, $0xb8;
	[tilespmem:$0x1E800] =	vst v63  }
0x6d: {  	_ =	swait.ge [sflag:s19], $0x3E80  }
0x6e: {  	[sflag:s19] =	ssyncset.done $0x0  }
0x6f: {  	[sflag:s19] =	ssyncadd.s32 $0xFFFFC180  }
0x70: {  	[tilespmem:s2], [sflag:$0x3] =	stream.linear.gather [hbm4b:s15+s2], $0x1400, $0x38;
	[tilespmem:$0x1E800] =	vst v63  }
0x71: {  	_ =	swait.ge [sflag:s19], $0x1400  }
0x72: {  	[sflag:s19] =	ssyncset.done $0x0  }
0x73: {  	s5 =	simm.s32 $0x1;
	s0 =	simm.s32 $0x1400;
	[sflag:s19] =	ssyncadd.s32 $0xFFFFEC00  }
0x74: {  	[tilespmem:s0], [sflag:$0x3] =	stream.linear.gather [hbm4b:s16+s2], $0x1400, $0x38;
	[tilespmem:$0x1E800] =	vst v63  }
0x75: {  	s3 =	sand.u32 $0x1, s5;
	_ =	swait.ge [sflag:s19], $0x1400  }
0x76: {  	s5 =	simm.s32 $0x0;
	s28 =	sshll.u32 s3, $0xE;
	[sflag:s19] =	ssyncset.done $0x0  }
0x77: {  	s5 =	sand.u32 $0x1, s5;
	s3 =	sadd.s32 $0x1, s3;
	[sflag:s19] =	ssyncadd.s32 $0xFFFFEC00  }
0x78: {  	[tilespmem:s18], [sflag:$0x1] =	stream.indirect.gather [hbm4b:s14+s20], $0x80, s2, s20, $0xb8;
	[tilespmem:$0x1E800] =	vst v63  }
0x79: {  	s28 =	sor.u32 $0x2800, s28;
	s29 =	sadd.s32 $0x1, s5;
	s26 =	simm.s32 $0x80  }
0x7a: {  	[tilespmem:s28], [sflag:s3] =	stream.indirect.gather [hbm4b:s14+s20], $0x80, s26, s20, $0xb8;
	[tilespmem:$0x1E800] =	vst v63  }
0x7b: {  	s30 =	simm.s32 $0x3;
	_ =	swait.ge [sflag:s29], $0x3E80  }
0x7c: {  	s26 =	sshll.u32 s5, $0xE;
	s28 =	simm.s32 $0x100;
	[sflag:s29] =	ssyncset.done $0x0  }
0x7d: {  	s3 =	sor.u32 $0x2800, s26;
	[sflag:s29] =	ssyncadd.s32 $0xFFFFC180;
	s29 =	simm.s32 $0x2  }
0x7e: {  	[spmem:s1] =	stream.indirect.scatter.add.f32 [tilespmem:s3], [sflag:$0x3], $0x80, s0, s20, $0xb8;
	[tilespmem:$0x1E800] =	vst v63  }
0x7f: {  	s26 =	simm.s32 $0x1480;
	s31 =	sand.u32 $0x1, s29;
	_ =	swait.ge [sflag:s19], $0x3E80  }
.LBB2_6:
0x80: {  	s0 =	sadd.s32 $0xFFFFFFFF, s29;
	s3 =	sshll.u32 s31, $0xE  }
0x81: {  	[sflag:s19] =	ssyncset.done $0x0;
	s29 =	smov.u32 s30;
	s5 =	sadd.s32 $0x1, s31  }
0x82: {  	p0 =	sne.s32 s30, $0x27;
	s0 =	sand.u32 $0x1, s0;
	s3 =	sor.u32 $0x2800, s3  }
0x83: {  	s31 =	sshll.u32 s0, $0xE;
	s0 =	sadd.s32 $0x1, s0;
	[sflag:s19] =	ssyncadd.s32 $0xFFFFC180  }
0x84: {  	[tilespmem:s3], [sflag:s5] =	stream.indirect.gather [hbm4b:s14+s20], $0x80, s28, s20, $0xb8;
	[tilespmem:$0x1E800] =	vst v63  }
.Ltmp2:
0x85: {  	s3 =	sadd.s32 $0x1, s30;
	_ =	swait.ge [sflag:s0], $0x3E80;
	(pc) =	sbr.rel @p0 .LBB2_6-.Ltmp2, $4  }
0x86: {  	s5 =	sor.u32 $0x2800, s31;
	[sflag:s0] =	ssyncset.done $0x0  }
0x87: {  	s28 =	sadd.s32 $0x80, s28;
	s31 =	sand.u32 $0x1, s29;
	[sflag:s0] =	ssyncadd.s32 $0xFFFFC180  }
0x88: {  	[spmem:s1] =	stream.indirect.scatter.add.f32 [tilespmem:s5], [sflag:$0x3], $0x80, s26, s20, $0xb8;
	[tilespmem:$0x1E800] =	vst v63  }
0x89: {  	s30 =	smov.u32 s3;
	s26 =	sadd.s32 $0x80, s26;
	_ =	swait.ge [sflag:s19], $0x3E80  }
0x8a: {  	s0 =	sadd.s32 $0xFFFFFFFF, s29;
	s3 =	sshll.u32 s31, $0xE  }
0x8b: {  	[sflag:s19] =	ssyncset.done $0x0;
	s5 =	sadd.s32 $0x1, s31;
	s0 =	sand.u32 $0x1, s0  }
0x8c: {  	s3 =	sor.u32 $0x2800, s3;
	[sflag:s19] =	ssyncadd.s32 $0xFFFFC180;
	s31 =	sadd.s32 $0x1, s0  }
0x8d: {  	[tilespmem:s3], [sflag:s5] =	stream.indirect.gather [hbm4b:s14+s20], $0x80, s28, s20, $0xb8;
	[tilespmem:$0x1E800] =	vst v63  }
0x8e: {  	_ =	swait.ge [sflag:s31], $0x3E80  }
0x8f: {  	s0 =	sshll.u32 s0, $0xE;
	[sflag:s31] =	ssyncset.done $0x0  }
0x90: {  	s0 =	sor.u32 $0x2800, s0;
	[sflag:s31] =	ssyncadd.s32 $0xFFFFC180  }
0x91: {  	[spmem:s1] =	stream.indirect.scatter.add.f32 [tilespmem:s0], [sflag:$0x3], $0x80, s26, s20, $0xb8;
	[tilespmem:$0x1E800] =	vst v63  }
0x92: {  	_ =	swait.ge [sflag:s19], $0x3E80  }
0x93: {  	[sflag:s19] =	ssyncset.done $0x0  }
0x94: {  	[sflag:s19] =	ssyncadd.s32 $0xFFFFC180  }
0x95: {  	_ =	swait.ge [sflag:s21], $0x3E80  }
0x96: {  	[sflag:s21] =	ssyncset.done $0x0  }
0x97: {  	[sflag:s21] =	ssyncadd.s32 $0xFFFFC180  }
0x98: {  	[spmem:s1] =	stream.indirect.scatter.add.f32 [tilespmem:s23], [sflag:$0x3], $0x80, s22, s20, $0xb8;
	[tilespmem:$0x1E800] =	vst v63  }
0x99: {  	s25 =	sadd.s32 $0x1, s25;
	_ =	swait.ge [sflag:s19], $0x3E80  }
0x9a: {  	s30 =	stileid.u32;
	p0 =	sne.s32 s25, s17;
	[sflag:s19] =	ssyncset.done $0x0  }
0x9b: {  	s31 =	sshrl.u32 s4, $0x3;
	s0 =	sshll.u32 s30, $0x6;
	[sflag:s19] =	ssyncadd.s32 $0xFFFFC180  }
.Ltmp3:
0x9c: {  	s0 =	sor.u32 $0x1C03, s0;
	[bflag:$0x0] =	sbarrier.arrive $0xFFFF;
	(pc) =	sbr.rel @p0 .LBB2_1-.Ltmp3, $4  }
0x9d: {  	[hbm:s24], [sflag:s0] =	dma.local [spmem:s31], $0x2800  }
0x9e: {  	_ =	swait.ge [sflag:s19], $0x2800  }
0x9f: {  	[sflag:s19] =	ssyncset.done $0x0  }
0xa0: {  	[sflag:s19] =	ssyncadd.s32 $0xFFFFD800  }
0xa1: {  	_ =	sfence.sel $0x180000  }
0xa2: {  	[bflag:$0x0] =	sbarrier.arrive $0xFFFF  }
0xa3: {  	_ =	strace $0x90000047  }
0xa4: {  	s0 =	stileid.u32;
	[bflag:$0x2] =	sbarrier.arrive $0xFFFF  }
0xa5: {  	p0 =	sne.s32 s0, $0x0;
	s0 =	rddreg [dreg:$0x2]  }
0xa6: {  	s0 =	sadd.s32 @!p0 $0x100000, s0  }
0xa7: {  	[sflag:s0] =	ssyncadd.tile.s32 @!p0 $0x1;
	_ =	shalt  }
.Lfunc_end2:
_tile_overlayer_lowered:
.L_overlay_start_2:
0xa8: {  	(tag) =	ssettag $0x2  }
0xa9: {  	s0 =	rddreg [dreg:$0x0];
	s2 =	stileid.u32  }
0xaa: {  	s1 =	rddreg [dreg:$0x1];
	p0 =	sne.s32 s2, $0x0  }
0xab: {  	s3 =	rddreg [dreg:$0x2];
	[bflag:$0x3] =	sbarrier.arrive $0xFFFF;
	s2 =	simm.s32 @!p0 $0x1C03  }
0xac: {  	[timem:s3], [sflag:s2] =	dma.local @!p0 [hbm:s0], s1  }
0xad: {  	s0 =	simm.s32 @!p0 $0x3  }
0xae: {  	_ =	swait.ge @!p0 [sflag:s0], s1  }
0xaf: {  	s1 =	ssub.s32 @!p0 $0x0, s1;
	[sflag:s0] =	ssyncset.done @!p0 $0x0  }
0xb0: {  	[sflag:s0] =	ssyncadd.s32 @!p0 s1  }
0xb1: {  	[bflag:$0x3] =	sbarrier.arrive $0xFFFF  }
0xb2: {  	_ =	shalt  }

// kernel: kernel.14.cloned.1.call-start
scs
__scs_entry_jumppad:
0x0: {  	(pc) =	sbr.rel $0x88, $3  }
0x1: {  	(tag) =	ssettag $0x0;
	lr =	simm.s32 $0x1  }
0x2: {  	[smem:$0x3F96] =	sst lr;
	_ =	strace $0xD0000000  }
0x3: {  	_ = 	snop  }
0x4: {  	_ = 	snop  }
0x5: {  	_ = 	snop  }
0x6: {  	_ = 	snop  }
0x7: {  	_ = 	snop  }
__scs_overlays_trampoline_lowered:
0x8: {  	[smem:$0x3FA5] =	sst s0  }
0x9: {  	[smem:$0x3FA6] =	sst s1  }
0xa: {  	[smem:$0x3FA7] =	sst s2  }
0xb: {  	[smem:$0x3FA8] =	sst s3  }
0xc: {  	[smem:$0x3FA9] =	sst s4  }
0xd: {  	[smem:$0x3FAA] =	sst s5  }
0xe: {  	[smem:$0x3FAB] =	sst s6  }
0xf: {  	[smem:$0x3FAC] =	sst s7  }
0x10: {  	[smem:$0x3FAD] =	sst s8  }
0x11: {  	[smem:$0x3FAE] =	sst s9;
	s0 =	simm.s32 @!p0 $0x0  }
0x12: {  	s1 =	sld [smem:$0x3F94];
	s0 =	simm.s32 @p0 $0x1  }
0x13: {  	[smem:$0x3FAF] =	sst s0;
	s0 =	simm.s32 @!p1 $0x0  }
0x14: {  	s2 =	sld [smem:$0x3F93];
	s0 =	simm.s32 @p1 $0x1  }
0x15: {  	[smem:$0x3FB0] =	sst s0;
	s0 =	simm.s32 @!p2 $0x0  }
0x16: {  	s3 =	sld [smem:$0x3FDB];
	s0 =	simm.s32 @p2 $0x1  }
0x17: {  	s4 =	simm.s32 $0x1BF5;
	[smem:$0x3FB2] =	sst s0  }
0x18: {  	s0 =	sld [smem:$0x3F95];
	_ =	swait.ge [sflag:s4], $0x0  }
0x19: {  	s7 =	sld [smem:$0x3F96]  }
0x1a: {  	s8 =	sadd.s32 $0xFFFFE003, lr  }
0x1b: {  	s9 =	sadd.s32 $0xFFFFFEF7, lr;
	s5 =	simm.s32 $0xFFFFFFFF;
	p2 =	slt.u32 s8, $0xFFFFF086  }
0x1c: {  	p1 =	slt.u32 s9, $0xF7A;
	s5 =	simm.s32 @!p2 $0x0  }
0x1d: {  	s5 =	simm.s32 @p1 $0x1;
	p0 =	seq.s32 s7, s2  }
0x1e: {  	s7 =	smul.u32 @!p0 $0xF7A, s2;
	p2 =	seq.s32 @!p0 s5, $0x0  }
0x1f: {  	s9 =	smul.u32 $0xF7A, s1;
	s8 =	simm.s32 @!p0 $0x1BF5;
	p2 =	por !p2, p0  }
0x20: {  	[sflag:s8] =	ssyncset.s32 @!p0 $0xFFFFF086;
	s6 =	sadd.s32 @!p0 s3, s7;
	s7 =	simm.s32 @!p0 $0x108  }
0x21: {  	s3 =	sadd.s32 s3, s9;
	s6 =	sadd.s32 @!p0 $0x88, s6;
	s7 =	simm.s32 @p2 $0x1082  }
0x22: {  	[simem:s7], [sflag:s8] =	dma.local @!p0 [hbm:s6], $0xF7A  }
0x23: {  	s9 =	sor.u32 $0xD0000000, s2;
	s6 =	simm.s32 $0x108;
	_ =	swait.ge @!p0 [sflag:s8], $0x0  }
0x24: {  	s3 =	sadd.s32 $0x88, s3;
	s6 =	simm.s32 @!p1 $0x1082;
	[sflag:s4] =	ssyncset.s32 $0xFFFFF086  }
0x25: {  	[simem:s6], [sflag:s4] =	dma.local [hbm:s3], $0xF7A  }
0x26: {  	[smem:$0x3F96] =	sst s1;
	(tag) =	ssettag s2;
	_ =	strace s9  }
0x27: {  	s1 =	sld [smem:$0x3FA6]  }
0x28: {  	s2 =	sld [smem:$0x3FA7]  }
0x29: {  	s4 =	sld [smem:$0x3FA9]  }
0x2a: {  	p0 =	seq.s32 s5, $0x0;
	s5 =	sld [smem:$0x3FAA]  }
0x2b: {  	s6 =	sld [smem:$0x3FAB]  }
0x2c: {  	s7 =	sld [smem:$0x3FAC]  }
0x2d: {  	s3 =	simm.s32 $0x108;
	s8 =	sld [smem:$0x3FAD]  }
0x2e: {  	s3 =	simm.s32 @!p0 $0x1082;
	s9 =	sld [smem:$0x3FAE]  }
0x2f: {  	lr =	sadd.s32 s0, s3;
	s0 =	sld [smem:$0x3FA5]  }
0x30: {  	s3 =	sld [smem:$0x3FA8]  }
0x31: {  	[smem:$0x3FB1] =	sst s10  }
0x32: {  	s10 =	sld [smem:$0x3FAF];
	_ =	sdelay $0x3  }
0x33: {  	p0 =	seq.s32 s10, $0x1;
	s10 =	sld [smem:$0x3FB1];
	_ =	sdelay $0x3  }
0x34: {  	[smem:$0x3FB1] =	sst s10  }
0x35: {  	s10 =	sld [smem:$0x3FB0];
	_ =	sdelay $0x3  }
0x36: {  	p1 =	seq.s32 s10, $0x1;
	s10 =	sld [smem:$0x3FB1];
	_ =	sdelay $0x3  }
0x37: {  	[smem:$0x3FB1] =	sst s10  }
0x38: {  	s10 =	sld [smem:$0x3FB2]  }
0x39: {  	_ = 	snop;
	(pc) =	sbr.ind lr, $3  }
0x3a: {  	_ = 	snop  }
0x3b: {  	_ = 	snop  }
0x3c: {  	p2 =	seq.s32 s10, $0x1;
	s10 =	sld [smem:$0x3FB1]  }
0x3d: {  	_ =	shalt  }
0x3e: {  	_ =	shalt  }
0x3f: {  	_ =	shalt  }
0x40: {  	_ =	shalt  }
0x41: {  	_ =	shalt  }
0x42: {  	_ =	shalt  }
0x43: {  	_ =	shalt  }
0x44: {  	_ =	shalt  }
0x45: {  	_ =	shalt  }
0x46: {  	_ =	shalt  }
0x47: {  	_ =	shalt  }
0x48: {  	_ =	shalt  }
0x49: {  	_ =	shalt  }
0x4a: {  	_ =	shalt  }
0x4b: {  	_ =	shalt  }
0x4c: {  	_ =	shalt  }
0x4d: {  	_ =	shalt  }
0x4e: {  	_ =	shalt  }
0x4f: {  	_ =	shalt  }
0x50: {  	_ =	shalt  }
0x51: {  	_ =	shalt  }
0x52: {  	_ =	shalt  }
0x53: {  	_ =	shalt  }
0x54: {  	_ =	shalt  }
0x55: {  	_ =	shalt  }
0x56: {  	_ =	shalt  }
0x57: {  	_ =	shalt  }
0x58: {  	_ =	shalt  }
0x59: {  	_ =	shalt  }
0x5a: {  	_ =	shalt  }
0x5b: {  	_ =	shalt  }
0x5c: {  	_ =	shalt  }
0x5d: {  	_ =	shalt  }
0x5e: {  	_ =	shalt  }
0x5f: {  	_ =	shalt  }
0x60: {  	_ =	shalt  }
0x61: {  	_ =	shalt  }
0x62: {  	_ =	shalt  }
0x63: {  	_ =	shalt  }
0x64: {  	_ =	shalt  }
0x65: {  	_ =	shalt  }
0x66: {  	_ =	shalt  }
0x67: {  	_ =	shalt  }
0x68: {  	_ =	shalt  }
0x69: {  	_ =	shalt  }
0x6a: {  	_ =	shalt  }
0x6b: {  	_ =	shalt  }
0x6c: {  	_ =	shalt  }
0x6d: {  	_ =	shalt  }
0x6e: {  	_ =	shalt  }
0x6f: {  	_ =	shalt  }
0x70: {  	_ =	shalt  }
0x71: {  	_ =	shalt  }
0x72: {  	_ =	shalt  }
0x73: {  	_ =	shalt  }
0x74: {  	_ =	shalt  }
0x75: {  	_ =	shalt  }
0x76: {  	_ =	shalt  }
0x77: {  	_ =	shalt  }
0x78: {  	_ =	shalt  }
0x79: {  	_ =	shalt  }
0x7a: {  	_ =	shalt  }
0x7b: {  	_ =	shalt  }
0x7c: {  	_ =	shalt  }
0x7d: {  	_ =	shalt  }
0x7e: {  	_ =	shalt  }
0x7f: {  	_ =	shalt  }
0x80: {  	_ =	shalt  }
0x81: {  	_ =	shalt  }
0x82: {  	_ =	shalt  }
0x83: {  	_ =	shalt  }
0x84: {  	_ =	shalt  }
0x85: {  	_ =	shalt  }
0x86: {  	_ =	shalt  }
0x87: {  	_ =	shalt  }
.Lfunc_end0:
.L_simem_size_0:
called_computation.1_lowered:
.L_overlay_start_0:
0x88: {  	s2 =	sld [smem:$0x3FD9]  }
0x89: {  	s3 =	sld [smem:$0x3FFE];
	_ =	sdelay $0x1  }
0x8a: {  	s1 =	srdreg.scid  }
0x8b: {  	s0 =	sand.u32 $0x1, s1  }
0x8c: {  	s16 =	sshll.u32 s0, $0xA;
	s2 =	sadd.s32 s3, s2  }
0x8d: {  	s2 =	sadd.s32 s2, s16  }
0x8e: {  	[smem:$0x3FBD] =	sst s2  }
0x8f: {  	_ = 	snop  }
0x90: {  	(tm) =	ssettm $0x1  }
0x91: {  	s17 =	sld [smem:$0x3FFB];
	_ =	sdelay $0x3  }
0x92: {  	_ =	strace s17  }
0x93: {  	s2 =	sld [smem:$0x3FFC];
	_ =	sdelay $0x3  }
0x94: {  	_ =	strace s2  }
0x95: {  	s2 =	sld [smem:$0x3FFD];
	_ =	sdelay $0x3  }
0x96: {  	_ =	strace s2  }
0x97: {  	_ =	strace $0x8FFFFFFF  }
0x98: {  	s18 =	sld [smem:$0x3FDB];
	_ =	sdelay $0x1  }
0x99: {  	s19 =	simm.s32 $_scs_section_size  }
0x9a: {  	s4 =	simm.s32 $_size__tile_overlayer_lowered;
	s5 =	simm.s32 $_tile_overlayer_lowered  }
0x9b: {  	s22 =	simm.s32 $0x1BFF;
	s21 =	sshll.u32 s5, $0x1;
	s2 =	sadd.s32 s19, s18  }
0x9c: {  	s6 =	simm.s32 $0x0;
	s20 =	sshll.u32 s4, $0x1;
	s4 =	sadd.s32 s21, s2  }
0x9d: {  	[timem:s6], [sflag:s22] =	dma.local [hbm:s4], s20  }
0x9e: {  	_ =	swait.ge [sflag:s22], s20  }
0x9f: {  	s3 =	ssub.s32 $0x0, s20;
	[sflag:s22] =	ssyncset.done $0x0  }
0xa0: {  	[sflag:s22] =	ssyncadd.s32 s3;
	_ =	sdelay $0x1  }
0xa1: {  	s23 =	simm.s32 $0x1B8B  }
0xa2: {  	_ =	swait.ge [sflag:s23], $0x1  }
0xa3: {  	[sflag:s23] =	ssyncset.done $0x0  }
0xa4: {  	s25 =	simm.s32 $0x1B8E;
	s24 =	sld [smem:$0x3FFE];
	[sflag:s23] =	ssyncadd.s32 $0xFFFFFFFF  }
0xa5: {  	s26 =	simm.s32 $execute0_lowered;
	[smem:$0x3FD2] =	sst s25  }
0xa6: {  	s4 =	sshll.u32 s26, $0x1;
	_ =	strace $0x80000049;
	[dreg:$0x1] =	wrdreg $0xFFFFFFFF  }
0xa7: {  	s28 =	simm.s32 $_size_execute0_lowered;
	s2 =	sadd.s32 s2, s4;
	[dreg:$0x0] =	wrdreg $0x0  }
0xa8: {  	s4 =	sshll.u32 s28, $0x1;
	[dreg:$0x2] =	wrdreg s2  }
0xa9: {  	[dreg:$0x3] =	wrdreg s4  }
0xaa: {  	[dreg:$0x4] =	wrdreg $0xC0  }
0xab: {  	_ =	task [dreg:s6], $0x5FFFF  }
0xac: {  	[dreg:$0x1] =	wrdreg $0xFFFFFFFF  }
0xad: {  	[dreg:$0x0] =	wrdreg $0x60  }
0xae: {  	[dreg:$0x2] =	wrdreg s24  }
0xaf: {  	[dreg:$0x3] =	wrdreg $0xA8000  }
0xb0: {  	[dreg:$0x4] =	wrdreg $0x9  }
0xb1: {  	_ =	task.clear_ibuf [dreg:s6], $0x5FFFF;
	_ =	strace $0x90000049  }
0xb2: {  	s29 =	simm.s32 $0x9;
	_ =	strace $0x8000004B  }
0xb3: {  	_ =	swait.ge [sflag:s29], $0x1  }
0xb4: {  	[sflag:s29] =	ssyncadd.s32 $0xFFFFFFFF  }
0xb5: {  	_ =	strace $0x9000004B  }
0xb6: {  	_ =	sfence  }
0xb7: {  	s30 =	sld [smem:$0x0];
	_ =	sdelay $0x2  }
0xb8: {  	s31 =	sshll.u32 s1, $0xD;
	s1 =	sshrl.u32 s1, $0x2  }
0xb9: {  	s3 =	sand.u32 $0x4000, s31;
	s1 =	sadd.s32 s1, s30  }
0xba: {  	s0 =	sor.u32 s3, s0;
	s1 =	sshll.u32 s1, $0x11  }
0xbb: {  	s0 =	sor.u32 s1, s0  }
0xbc: {  	s0 =	sadd.s32 $0x8F2B, s0  }
0xbd: {  	[sflag:s0] =	ssyncadd.remote.s32 $0x1  }
0xbe: {  	_ =	sfence.sel $0xFFFF  }
0xbf: {  	[dreg:$0x0] =	wrdreg $0xFFFFFFFF;
	(pc) =	sbr.abs _section_cstart, $3  }
0xc0: {  	[dreg:$0x1] =	wrdreg $0xFFFFFFFF  }
0xc1: {  	_ =	task.clear_ibuf [dreg:s6], $0x2FFFF;
	_ =	strace $0x9FFFFFFF  }
0xc2: {  	(tm) =	ssettm $0x7FFFFFFF  }
0xc3: {  	_ =	shalt  }
tec
execute0_lowered:
.L_overlay_start_1:
0x0: {  	(tag) =	ssettag $0x1  }
0x1: {  	s4 =	rddreg [dreg:$0x0]  }
0x2: {  	s1 =	rddreg [dreg:$0x1]  }
0x3: {  	s2 =	simm.s32 $0x0;
	s3 =	srdreg.scid;
	s0 =	stileid.u32  }
0x4: {  	s20 =	simm.s32 $0x7D;
	s21 =	simm.s32 $0x2;
	s7 =	smul.u32 $0x50000, s0  }
0x5: {  	s22 =	simm.s32 $0x2780;
	s23 =	simm.s32 $0x6800;
	s13 =	smul.u32 $0x500, s0  }
0x6: {  	[smem:$0x7FF] =	sst s2;
	s5 =	sand.u32 $0x1, s3;
	s24 =	smul.u32 $0x2800, s0  }
0x7: {  	s15 =	sadd.s32 $0x3200, s4;
	s16 =	sadd.s32 $0x8200, s4;
	s6 =	smul.u32 $0x27100, s5  }
0x8: {  	_ =	strace $0x8000004A;
	s29 =	smul.u32 $0x28000, s5;
	s5 =	ssub.s32 $0x2, s5  }
0x9: {  	s7 =	sshrl.u32 s7, $0x2;
	s30 =	sshrl.u32 s5, $0x1;
	s12 =	sadd.s32 s15, s13  }
0xa: {  	s19 =	sshrl.u32 s24, $0x3;
	s13 =	sadd.s32 s16, s13;
	s14 =	sadd.s32 s6, s4  }
0xb: {  	s17 =	sadd.s32 s29, s4;
	s4 =	sadd.s32 s7, s1;
	s18 =	ssub.s32 s5, s30  }
0xc: {  	s19 =	sadd.s32 $0x280, s19;
	s31 =	sadd.s32 $0x2800, s4;
	s6 =	sadd.s32 $0x5000, s4  }
0xd: {  	s7 =	sadd.s32 $0x7800, s4;
	s8 =	sadd.s32 $0xA000, s4;
	s9 =	sadd.s32 $0xC800, s4  }
0xe: {  	s10 =	sadd.s32 $0xF000, s4;
	s11 =	sadd.s32 $0x11800, s4;
	s14 =	sadd.s32 $0xD200, s14  }
0xf: {  	s15 =	sadd.s32 s15, s19;
	s16 =	sadd.s32 s16, s19;
	s25 =	sadd.s32 $0x5B400, s17  }
0x10: {  	s17 =	smax.u32 s18, $0x1;
	s18 =	simm.s32 $0x2800;
	s19 =	simm.s32 $0x3  }
0x11: {  	v0 =	vimm.f32 $0.0e+00;
	[dreg:$0x3] =	wrdreg s31;
	s24 =	sadd.s32 s24, s25;
	s25 =	simm.s32 $0x0  }
.LBB2_1:
0x12: {  	s26 =	simm.s32 $0x0;
	s28 =	simm.s32 $0x200  }
.LBB2_2:
0x13: {  	p0 =	sne.s32 s28, $0x9E00;
	[tilespmem:s26+$0x2870] =	vst v0  }
0x14: {  	[tilespmem:s26+$0x2800] =	vst v0  }
0x15: {  	[tilespmem:s26+$0x2810] =	vst v0  }
.Ltmp0:
0x16: {  	[tilespmem:s26+$0x2820] =	vst v0;
	(pc) =	sbr.rel @p0 .LBB2_2-.Ltmp0, $4  }
0x17: {  	[tilespmem:s26+$0x2830] =	vst v0  }
0x18: {  	[tilespmem:s26+$0x2840] =	vst v0  }
0x19: {  	[tilespmem:s26+$0x2850] =	vst v0  }
0x1a: {  	[tilespmem:s26+$0x2860] =	vst v0;
	s26 =	sshra.s32 s28, $0x2;
	s28 =	sadd.s32 $0x200, s28  }
0x1b: {  	[tilespmem:s26+$0x2870] =	vst v0  }
0x1c: {  	[tilespmem:s26+$0x2800] =	vst v0  }
0x1d: {  	[tilespmem:s26+$0x2810] =	vst v0  }
0x1e: {  	[tilespmem:s26+$0x2820] =	vst v0  }
0x1f: {  	[tilespmem:s26+$0x2830] =	vst v0  }
0x20: {  	[tilespmem:s26+$0x2840] =	vst v0  }
0x21: {  	[tilespmem:s26+$0x2850] =	vst v0  }
0x22: {  	[tilespmem:s26+$0x2860] =	vst v0  }
0x23: {  	[spmem:s4] =	stream.linear.scatter [tilespmem:s18], [sflag:$0x3], $0x2800, $0x38;
	[tilespmem:$0x1E800] =	vst v63  }
0x24: {  	_ =	swait.ge [sflag:s19], $0x2800  }
0x25: {  	[sflag:s19] =	ssyncset.done $0x0  }
0x26: {  	s0 =	rddreg [dreg:$0x3];
	[sflag:s19] =	ssyncadd.s32 $0xFFFFD800  }
0x27: {  	[spmem:s0] =	stream.linear.scatter [tilespmem:s18], [sflag:$0x3], $0x2800, $0x38;
	[tilespmem:$0x1E800] =	vst v63  }
0x28: {  	_ =	swait.ge [sflag:s19], $0x2800  }
0x29: {  	[sflag:s19] =	ssyncset.done $0x0  }
0x2a: {  	[sflag:s19] =	ssyncadd.s32 $0xFFFFD800  }
0x2b: {  	[spmem:s6] =	stream.linear.scatter [tilespmem:s18], [sflag:$0x3], $0x2800, $0x38;
	[tilespmem:$0x1E800] =	vst v63  }
0x2c: {  	_ =	swait.ge [sflag:s19], $0x2800  }
0x2d: {  	[sflag:s19] =	ssyncset.done $0x0  }
0x2e: {  	[sflag:s19] =	ssyncadd.s32 $0xFFFFD800  }
0x2f: {  	[spmem:s7] =	stream.linear.scatter [tilespmem:s18], [sflag:$0x3], $0x2800, $0x38;
	[tilespmem:$0x1E800] =	vst v63  }
0x30: {  	_ =	swait.ge [sflag:s19], $0x2800  }
0x31: {  	[sflag:s19] =	ssyncset.done $0x0  }
0x32: {  	[sflag:s19] =	ssyncadd.s32 $0xFFFFD800  }
0x33: {  	[spmem:s8] =	stream.linear.scatter [tilespmem:s18], [sflag:$0x3], $0x2800, $0x38;
	[tilespmem:$0x1E800] =	vst v63  }
0x34: {  	_ =	swait.ge [sflag:s19], $0x2800  }
0x35: {  	[sflag:s19] =	ssyncset.done $0x0  }
0x36: {  	[sflag:s19] =	ssyncadd.s32 $0xFFFFD800  }
0x37: {  	[spmem:s9] =	stream.linear.scatter [tilespmem:s18], [sflag:$0x3], $0x2800, $0x38;
	[tilespmem:$0x1E800] =	vst v63  }
0x38: {  	_ =	swait.ge [sflag:s19], $0x2800  }
0x39: {  	[sflag:s19] =	ssyncset.done $0x0  }
0x3a: {  	[sflag:s19] =	ssyncadd.s32 $0xFFFFD800  }
0x3b: {  	[spmem:s10] =	stream.linear.scatter [tilespmem:s18], [sflag:$0x3], $0x2800, $0x38;
	[tilespmem:$0x1E800] =	vst v63  }
0x3c: {  	_ =	swait.ge [sflag:s19], $0x2800  }
0x3d: {  	[sflag:s19] =	ssyncset.done $0x0  }
0x3e: {  	[sflag:s19] =	ssyncadd.s32 $0xFFFFD800  }
0x3f: {  	[spmem:s11] =	stream.linear.scatter [tilespmem:s18], [sflag:$0x3], $0x2800, $0x38;
	[tilespmem:$0x1E800] =	vst v63  }
0x40: {  	_ =	swait.ge [sflag:s19], $0x2800  }
0x41: {  	[sflag:s19] =	ssyncset.done $0x0  }
0x42: {  	[sflag:s19] =	ssyncadd.s32 $0xFFFFD800  }
0x43: {  	[bflag:$0x0] =	sbarrier.arrive $0xFFFF  }
0x44: {  	[tilespmem:s2], [sflag:$0x3] =	stream.linear.gather [hbm4b:s12+s2], $0x1400, $0x38;
	[tilespmem:$0x1E800] =	vst v63  }
0x45: {  	_ =	swait.ge [sflag:s19], $0x1400  }
0x46: {  	[sflag:s19] =	ssyncset.done $0x0  }
0x47: {  	s3 =	simm.s32 $0x1400;
	[sflag:s19] =	ssyncadd.s32 $0xFFFFEC00  }
0x48: {  	[tilespmem:s3], [sflag:$0x3] =	stream.linear.gather [hbm4b:s13+s2], $0x1400, $0x38;
	[tilespmem:$0x1E800] =	vst v63  }
0x49: {  	s28 =	simm.s32 $0x1;
	s29 =	simm.s32 $0x0;
	_ =	swait.ge [sflag:s19], $0x1400  }
0x4a: {  	s30 =	simm.s32 $0x80;
	s28 =	sand.u32 $0x1, s28;
	[sflag:s19] =	ssyncset.done $0x0  }
0x4b: {  	s29 =	sand.u32 $0x1, s29;
	s31 =	sshll.u32 s28, $0xE;
	[sflag:s19] =	ssyncadd.s32 $0xFFFFEC00  }
0x4c: {  	[tilespmem:s18], [sflag:$0x1] =	stream.indirect.gather [hbm4b:s14+s20], $0x80, s2, s20, $0xb8;
	[tilespmem:$0x1E800] =	vst v63  }
0x4d: {  	s28 =	sadd.s32 $0x1, s28;
	s5 =	sadd.s32 $0x1, s29;
	s31 =	sor.u32 $0x2800, s31  }
0x4e: {  	[tilespmem:s31], [sflag:s28] =	stream.indirect.gather [hbm4b:s14+s20], $0x80, s30, s20, $0xb8;
	[tilespmem:$0x1E800] =	vst v63  }
0x4f: {  	s26 =	simm.s32 $0x1480;
	_ =	swait.ge [sflag:s5], $0x3E80  }
0x50: {  	s28 =	sshll.u32 s29, $0xE;
	s29 =	simm.s32 $0x2;
	[sflag:s5] =	ssyncset.done $0x0  }
0x51: {  	s30 =	simm.s32 $0x3;
	s28 =	sor.u32 $0x2800, s28;
	[sflag:s5] =	ssyncadd.s32 $0xFFFFC180  }
0x52: {  	[spmem:s1] =	stream.indirect.scatter.add.f32 [tilespmem:s28], [sflag:$0x3], $0x80, s3, s20, $0xb8;
	[tilespmem:$0x1E800] =	vst v63  }
0x53: {  	s31 =	sand.u32 $0x1, s29;
	s28 =	simm.s32 $0x100;
	_ =	swait.ge [sflag:s19], $0x3E80  }
.LBB2_4:
0x54: {  	s0 =	sadd.s32 $0xFFFFFFFF, s29;
	s3 =	sshll.u32 s31, $0xE  }
0x55: {  	[sflag:s19] =	ssyncset.done $0x0;
	s29 =	smov.u32 s30;
	s31 =	sadd.s32 $0x1, s31  }
0x56: {  	p0 =	sne.s32 s30, $0x27;
	s0 =	sand.u32 $0x1, s0;
	s3 =	sor.u32 $0x2800, s3  }
0x57: {  	s5 =	sshll.u32 s0, $0xE;
	s0 =	sadd.s32 $0x1, s0;
	[sflag:s19] =	ssyncadd.s32 $0xFFFFC180  }
0x58: {  	[tilespmem:s3], [sflag:s31] =	stream.indirect.gather [hbm4b:s14+s20], $0x80, s28, s20, $0xb8;
	[tilespmem:$0x1E800] =	vst v63  }
.Ltmp1:
0x59: {  	s3 =	sadd.s32 $0x1, s30;
	_ =	swait.ge [sflag:s0], $0x3E80;
	(pc) =	sbr.rel @p0 .LBB2_4-.Ltmp1, $4  }
0x5a: {  	s5 =	sor.u32 $0x2800, s5;
	[sflag:s0] =	ssyncset.done $0x0  }
0x5b: {  	s28 =	sadd.s32 $0x80, s28;
	s31 =	sand.u32 $0x1, s29;
	[sflag:s0] =	ssyncadd.s32 $0xFFFFC180  }
0x5c: {  	[spmem:s1] =	stream.indirect.scatter.add.f32 [tilespmem:s5], [sflag:$0x3], $0x80, s26, s20, $0xb8;
	[tilespmem:$0x1E800] =	vst v63  }
0x5d: {  	s30 =	smov.u32 s3;
	s26 =	sadd.s32 $0x80, s26;
	_ =	swait.ge [sflag:s19], $0x3E80  }
0x5e: {  	s0 =	sadd.s32 $0xFFFFFFFF, s29;
	s3 =	sshll.u32 s31, $0xE  }
0x5f: {  	[sflag:s19] =	ssyncset.done $0x0;
	s5 =	sadd.s32 $0x1, s31;
	s0 =	sand.u32 $0x1, s0  }
0x60: {  	s3 =	sor.u32 $0x2800, s3;
	[sflag:s19] =	ssyncadd.s32 $0xFFFFC180;
	s29 =	sadd.s32 $0x1, s0  }
0x61: {  	[tilespmem:s3], [sflag:s5] =	stream.indirect.gather [hbm4b:s14+s20], $0x80, s28, s20, $0xb8;
	[tilespmem:$0x1E800] =	vst v63  }
0x62: {  	_ =	swait.ge [sflag:s29], $0x3E80  }
0x63: {  	s0 =	sshll.u32 s0, $0xE;
	[sflag:s29] =	ssyncset.done $0x0  }
0x64: {  	s0 =	sor.u32 $0x2800, s0;
	[sflag:s29] =	ssyncadd.s32 $0xFFFFC180  }
0x65: {  	[spmem:s1] =	stream.indirect.scatter.add.f32 [tilespmem:s0], [sflag:$0x3], $0x80, s26, s20, $0xb8;
	[tilespmem:$0x1E800] =	vst v63  }
0x66: {  	_ =	swait.ge [sflag:s19], $0x3E80  }
0x67: {  	[sflag:s19] =	ssyncset.done $0x0  }
0x68: {  	[sflag:s19] =	ssyncadd.s32 $0xFFFFC180  }
0x69: {  	_ =	swait.ge [sflag:s21], $0x3E80  }
0x6a: {  	[sflag:s21] =	ssyncset.done $0x0  }
0x6b: {  	[sflag:s21] =	ssyncadd.s32 $0xFFFFC180  }
0x6c: {  	[spmem:s1] =	stream.indirect.scatter.add.f32 [tilespmem:s23], [sflag:$0x3], $0x80, s22, s20, $0xb8;
	[tilespmem:$0x1E800] =	vst v63  }
0x6d: {  	_ =	swait.ge [sflag:s19], $0x3E80  }
0x6e: {  	[sflag:s19] =	ssyncset.done $0x0  }
0x6f: {  	[sflag:s19] =	ssyncadd.s32 $0xFFFFC180  }
0x70: {  	[tilespmem:s2], [sflag:$0x3] =	stream.linear.gather [hbm4b:s15+s2], $0x1400, $0x38;
	[tilespmem:$0x1E800] =	vst v63  }
0x71: {  	_ =	swait.ge [sflag:s19], $0x1400  }
0x72: {  	[sflag:s19] =	ssyncset.done $0x0  }
0x73: {  	s5 =	simm.s32 $0x1;
	s0 =	simm.s32 $0x1400;
	[sflag:s19] =	ssyncadd.s32 $0xFFFFEC00  }
0x74: {  	[tilespmem:s0], [sflag:$0x3] =	stream.linear.gather [hbm4b:s16+s2], $0x1400, $0x38;
	[tilespmem:$0x1E800] =	vst v63  }
0x75: {  	s3 =	sand.u32 $0x1, s5;
	_ =	swait.ge [sflag:s19], $0x1400  }
0x76: {  	s5 =	simm.s32 $0x0;
	s28 =	sshll.u32 s3, $0xE;
	[sflag:s19] =	ssyncset.done $0x0  }
0x77: {  	s5 =	sand.u32 $0x1, s5;
	s3 =	sadd.s32 $0x1, s3;
	[sflag:s19] =	ssyncadd.s32 $0xFFFFEC00  }
0x78: {  	[tilespmem:s18], [sflag:$0x1] =	stream.indirect.gather [hbm4b:s14+s20], $0x80, s2, s20, $0xb8;
	[tilespmem:$0x1E800] =	vst v63  }
0x79: {  	s28 =	sor.u32 $0x2800, s28;
	s29 =	sadd.s32 $0x1, s5;
	s26 =	simm.s32 $0x80  }
0x7a: {  	[tilespmem:s28], [sflag:s3] =	stream.indirect.gather [hbm4b:s14+s20], $0x80, s26, s20, $0xb8;
	[tilespmem:$0x1E800] =	vst v63  }
0x7b: {  	s30 =	simm.s32 $0x3;
	_ =	swait.ge [sflag:s29], $0x3E80  }
0x7c: {  	s26 =	sshll.u32 s5, $0xE;
	s28 =	simm.s32 $0x100;
	[sflag:s29] =	ssyncset.done $0x0  }
0x7d: {  	s3 =	sor.u32 $0x2800, s26;
	[sflag:s29] =	ssyncadd.s32 $0xFFFFC180;
	s29 =	simm.s32 $0x2  }
0x7e: {  	[spmem:s1] =	stream.indirect.scatter.add.f32 [tilespmem:s3], [sflag:$0x3], $0x80, s0, s20, $0xb8;
	[tilespmem:$0x1E800] =	vst v63  }
0x7f: {  	s26 =	simm.s32 $0x1480;
	s31 =	sand.u32 $0x1, s29;
	_ =	swait.ge [sflag:s19], $0x3E80  }
.LBB2_6:
0x80: {  	s0 =	sadd.s32 $0xFFFFFFFF, s29;
	s3 =	sshll.u32 s31, $0xE  }
0x81: {  	[sflag:s19] =	ssyncset.done $0x0;
	s29 =	smov.u32 s30;
	s5 =	sadd.s32 $0x1, s31  }
0x82: {  	p0 =	sne.s32 s30, $0x27;
	s0 =	sand.u32 $0x1, s0;
	s3 =	sor.u32 $0x2800, s3  }
0x83: {  	s31 =	sshll.u32 s0, $0xE;
	s0 =	sadd.s32 $0x1, s0;
	[sflag:s19] =	ssyncadd.s32 $0xFFFFC180  }
0x84: {  	[tilespmem:s3], [sflag:s5] =	stream.indirect.gather [hbm4b:s14+s20], $0x80, s28, s20, $0xb8;
	[tilespmem:$0x1E800] =	vst v63  }
.Ltmp2:
0x85: {  	s3 =	sadd.s32 $0x1, s30;
	_ =	swait.ge [sflag:s0], $0x3E80;
	(pc) =	sbr.rel @p0 .LBB2_6-.Ltmp2, $4  }
0x86: {  	s5 =	sor.u32 $0x2800, s31;
	[sflag:s0] =	ssyncset.done $0x0  }
0x87: {  	s28 =	sadd.s32 $0x80, s28;
	s31 =	sand.u32 $0x1, s29;
	[sflag:s0] =	ssyncadd.s32 $0xFFFFC180  }
0x88: {  	[spmem:s1] =	stream.indirect.scatter.add.f32 [tilespmem:s5], [sflag:$0x3], $0x80, s26, s20, $0xb8;
	[tilespmem:$0x1E800] =	vst v63  }
0x89: {  	s30 =	smov.u32 s3;
	s26 =	sadd.s32 $0x80, s26;
	_ =	swait.ge [sflag:s19], $0x3E80  }
0x8a: {  	s0 =	sadd.s32 $0xFFFFFFFF, s29;
	s3 =	sshll.u32 s31, $0xE  }
0x8b: {  	[sflag:s19] =	ssyncset.done $0x0;
	s5 =	sadd.s32 $0x1, s31;
	s0 =	sand.u32 $0x1, s0  }
0x8c: {  	s3 =	sor.u32 $0x2800, s3;
	[sflag:s19] =	ssyncadd.s32 $0xFFFFC180;
	s31 =	sadd.s32 $0x1, s0  }
0x8d: {  	[tilespmem:s3], [sflag:s5] =	stream.indirect.gather [hbm4b:s14+s20], $0x80, s28, s20, $0xb8;
	[tilespmem:$0x1E800] =	vst v63  }
0x8e: {  	_ =	swait.ge [sflag:s31], $0x3E80  }
0x8f: {  	s0 =	sshll.u32 s0, $0xE;
	[sflag:s31] =	ssyncset.done $0x0  }
0x90: {  	s0 =	sor.u32 $0x2800, s0;
	[sflag:s31] =	ssyncadd.s32 $0xFFFFC180  }
0x91: {  	[spmem:s1] =	stream.indirect.scatter.add.f32 [tilespmem:s0], [sflag:$0x3], $0x80, s26, s20, $0xb8;
	[tilespmem:$0x1E800] =	vst v63  }
0x92: {  	_ =	swait.ge [sflag:s19], $0x3E80  }
0x93: {  	[sflag:s19] =	ssyncset.done $0x0  }
0x94: {  	[sflag:s19] =	ssyncadd.s32 $0xFFFFC180  }
0x95: {  	_ =	swait.ge [sflag:s21], $0x3E80  }
0x96: {  	[sflag:s21] =	ssyncset.done $0x0  }
0x97: {  	[sflag:s21] =	ssyncadd.s32 $0xFFFFC180  }
0x98: {  	[spmem:s1] =	stream.indirect.scatter.add.f32 [tilespmem:s23], [sflag:$0x3], $0x80, s22, s20, $0xb8;
	[tilespmem:$0x1E800] =	vst v63  }
0x99: {  	s25 =	sadd.s32 $0x1, s25;
	_ =	swait.ge [sflag:s19], $0x3E80  }
0x9a: {  	s30 =	stileid.u32;
	p0 =	sne.s32 s25, s17;
	[sflag:s19] =	ssyncset.done $0x0  }
0x9b: {  	s31 =	sshrl.u32 s4, $0x3;
	s0 =	sshll.u32 s30, $0x6;
	[sflag:s19] =	ssyncadd.s32 $0xFFFFC180  }
.Ltmp3:
0x9c: {  	s0 =	sor.u32 $0x1C03, s0;
	[bflag:$0x0] =	sbarrier.arrive $0xFFFF;
	(pc) =	sbr.rel @p0 .LBB2_1-.Ltmp3, $4  }
0x9d: {  	[hbm:s24], [sflag:s0] =	dma.local [spmem:s31], $0x2800  }
0x9e: {  	_ =	swait.ge [sflag:s19], $0x2800  }
0x9f: {  	[sflag:s19] =	ssyncset.done $0x0  }
0xa0: {  	[sflag:s19] =	ssyncadd.s32 $0xFFFFD800  }
0xa1: {  	_ =	sfence.sel $0x180000  }
0xa2: {  	[bflag:$0x0] =	sbarrier.arrive $0xFFFF  }
0xa3: {  	_ =	strace $0x9000004A  }
0xa4: {  	s0 =	stileid.u32;
	[bflag:$0x2] =	sbarrier.arrive $0xFFFF  }
0xa5: {  	p0 =	sne.s32 s0, $0x0;
	s0 =	rddreg [dreg:$0x2]  }
0xa6: {  	s0 =	sadd.s32 @!p0 $0x100000, s0  }
0xa7: {  	[sflag:s0] =	ssyncadd.tile.s32 @!p0 $0x1;
	_ =	shalt  }
.Lfunc_end2:
_tile_overlayer_lowered:
.L_overlay_start_2:
0xa8: {  	(tag) =	ssettag $0x2  }
0xa9: {  	s0 =	rddreg [dreg:$0x0];
	s2 =	stileid.u32  }
0xaa: {  	s1 =	rddreg [dreg:$0x1];
	p0 =	sne.s32 s2, $0x0  }
0xab: {  	s3 =	rddreg [dreg:$0x2];
	[bflag:$0x3] =	sbarrier.arrive $0xFFFF;
	s2 =	simm.s32 @!p0 $0x1C03  }
0xac: {  	[timem:s3], [sflag:s2] =	dma.local @!p0 [hbm:s0], s1  }
0xad: {  	s0 =	simm.s32 @!p0 $0x3  }
0xae: {  	_ =	swait.ge @!p0 [sflag:s0], s1  }
0xaf: {  	s1 =	ssub.s32 @!p0 $0x0, s1;
	[sflag:s0] =	ssyncset.done @!p0 $0x0  }
0xb0: {  	[sflag:s0] =	ssyncadd.s32 @!p0 s1  }
0xb1: {  	[bflag:$0x3] =	sbarrier.arrive $0xFFFF  }
0xb2: {  	_ =	shalt  }

// kernel: kernel.17.cloned.1.call-start
scs
__scs_entry_jumppad:
0x0: {  	(pc) =	sbr.rel $0x88, $3  }
0x1: {  	(tag) =	ssettag $0x0;
	lr =	simm.s32 $0x1  }
0x2: {  	[smem:$0x3F96] =	sst lr;
	_ =	strace $0xD0000000  }
0x3: {  	_ = 	snop  }
0x4: {  	_ = 	snop  }
0x5: {  	_ = 	snop  }
0x6: {  	_ = 	snop  }
0x7: {  	_ = 	snop  }
__scs_overlays_trampoline_lowered:
0x8: {  	[smem:$0x3FA5] =	sst s0  }
0x9: {  	[smem:$0x3FA6] =	sst s1  }
0xa: {  	[smem:$0x3FA7] =	sst s2  }
0xb: {  	[smem:$0x3FA8] =	sst s3  }
0xc: {  	[smem:$0x3FA9] =	sst s4  }
0xd: {  	[smem:$0x3FAA] =	sst s5  }
0xe: {  	[smem:$0x3FAB] =	sst s6  }
0xf: {  	[smem:$0x3FAC] =	sst s7  }
0x10: {  	[smem:$0x3FAD] =	sst s8  }
0x11: {  	[smem:$0x3FAE] =	sst s9;
	s0 =	simm.s32 @!p0 $0x0  }
0x12: {  	s1 =	sld [smem:$0x3F94];
	s0 =	simm.s32 @p0 $0x1  }
0x13: {  	[smem:$0x3FAF] =	sst s0;
	s0 =	simm.s32 @!p1 $0x0  }
0x14: {  	s2 =	sld [smem:$0x3F93];
	s0 =	simm.s32 @p1 $0x1  }
0x15: {  	[smem:$0x3FB0] =	sst s0;
	s0 =	simm.s32 @!p2 $0x0  }
0x16: {  	s3 =	sld [smem:$0x3FDB];
	s0 =	simm.s32 @p2 $0x1  }
0x17: {  	s4 =	simm.s32 $0x1BF5;
	[smem:$0x3FB2] =	sst s0  }
0x18: {  	s0 =	sld [smem:$0x3F95];
	_ =	swait.ge [sflag:s4], $0x0  }
0x19: {  	s7 =	sld [smem:$0x3F96]  }
0x1a: {  	s8 =	sadd.s32 $0xFFFFE003, lr  }
0x1b: {  	s9 =	sadd.s32 $0xFFFFFEF7, lr;
	s5 =	simm.s32 $0xFFFFFFFF;
	p2 =	slt.u32 s8, $0xFFFFF086  }
0x1c: {  	p1 =	slt.u32 s9, $0xF7A;
	s5 =	simm.s32 @!p2 $0x0  }
0x1d: {  	s5 =	simm.s32 @p1 $0x1;
	p0 =	seq.s32 s7, s2  }
0x1e: {  	s7 =	smul.u32 @!p0 $0xF7A, s2;
	p2 =	seq.s32 @!p0 s5, $0x0  }
0x1f: {  	s9 =	smul.u32 $0xF7A, s1;
	s8 =	simm.s32 @!p0 $0x1BF5;
	p2 =	por !p2, p0  }
0x20: {  	[sflag:s8] =	ssyncset.s32 @!p0 $0xFFFFF086;
	s6 =	sadd.s32 @!p0 s3, s7;
	s7 =	simm.s32 @!p0 $0x108  }
0x21: {  	s3 =	sadd.s32 s3, s9;
	s6 =	sadd.s32 @!p0 $0x88, s6;
	s7 =	simm.s32 @p2 $0x1082  }
0x22: {  	[simem:s7], [sflag:s8] =	dma.local @!p0 [hbm:s6], $0xF7A  }
0x23: {  	s9 =	sor.u32 $0xD0000000, s2;
	s6 =	simm.s32 $0x108;
	_ =	swait.ge @!p0 [sflag:s8], $0x0  }
0x24: {  	s3 =	sadd.s32 $0x88, s3;
	s6 =	simm.s32 @!p1 $0x1082;
	[sflag:s4] =	ssyncset.s32 $0xFFFFF086  }
0x25: {  	[simem:s6], [sflag:s4] =	dma.local [hbm:s3], $0xF7A  }
0x26: {  	[smem:$0x3F96] =	sst s1;
	(tag) =	ssettag s2;
	_ =	strace s9  }
0x27: {  	s1 =	sld [smem:$0x3FA6]  }
0x28: {  	s2 =	sld [smem:$0x3FA7]  }
0x29: {  	s4 =	sld [smem:$0x3FA9]  }
0x2a: {  	p0 =	seq.s32 s5, $0x0;
	s5 =	sld [smem:$0x3FAA]  }
0x2b: {  	s6 =	sld [smem:$0x3FAB]  }
0x2c: {  	s7 =	sld [smem:$0x3FAC]  }
0x2d: {  	s3 =	simm.s32 $0x108;
	s8 =	sld [smem:$0x3FAD]  }
0x2e: {  	s3 =	simm.s32 @!p0 $0x1082;
	s9 =	sld [smem:$0x3FAE]  }
0x2f: {  	lr =	sadd.s32 s0, s3;
	s0 =	sld [smem:$0x3FA5]  }
0x30: {  	s3 =	sld [smem:$0x3FA8]  }
0x31: {  	[smem:$0x3FB1] =	sst s10  }
0x32: {  	s10 =	sld [smem:$0x3FAF];
	_ =	sdelay $0x3  }
0x33: {  	p0 =	seq.s32 s10, $0x1;
	s10 =	sld [smem:$0x3FB1];
	_ =	sdelay $0x3  }
0x34: {  	[smem:$0x3FB1] =	sst s10  }
0x35: {  	s10 =	sld [smem:$0x3FB0];
	_ =	sdelay $0x3  }
0x36: {  	p1 =	seq.s32 s10, $0x1;
	s10 =	sld [smem:$0x3FB1];
	_ =	sdelay $0x3  }
0x37: {  	[smem:$0x3FB1] =	sst s10  }
0x38: {  	s10 =	sld [smem:$0x3FB2]  }
0x39: {  	_ = 	snop;
	(pc) =	sbr.ind lr, $3  }
0x3a: {  	_ = 	snop  }
0x3b: {  	_ = 	snop  }
0x3c: {  	p2 =	seq.s32 s10, $0x1;
	s10 =	sld [smem:$0x3FB1]  }
0x3d: {  	_ =	shalt  }
0x3e: {  	_ =	shalt  }
0x3f: {  	_ =	shalt  }
0x40: {  	_ =	shalt  }
0x41: {  	_ =	shalt  }
0x42: {  	_ =	shalt  }
0x43: {  	_ =	shalt  }
0x44: {  	_ =	shalt  }
0x45: {  	_ =	shalt  }
0x46: {  	_ =	shalt  }
0x47: {  	_ =	shalt  }
0x48: {  	_ =	shalt  }
0x49: {  	_ =	shalt  }
0x4a: {  	_ =	shalt  }
0x4b: {  	_ =	shalt  }
0x4c: {  	_ =	shalt  }
0x4d: {  	_ =	shalt  }
0x4e: {  	_ =	shalt  }
0x4f: {  	_ =	shalt  }
0x50: {  	_ =	shalt  }
0x51: {  	_ =	shalt  }
0x52: {  	_ =	shalt  }
0x53: {  	_ =	shalt  }
0x54: {  	_ =	shalt  }
0x55: {  	_ =	shalt  }
0x56: {  	_ =	shalt  }
0x57: {  	_ =	shalt  }
0x58: {  	_ =	shalt  }
0x59: {  	_ =	shalt  }
0x5a: {  	_ =	shalt  }
0x5b: {  	_ =	shalt  }
0x5c: {  	_ =	shalt  }
0x5d: {  	_ =	shalt  }
0x5e: {  	_ =	shalt  }
0x5f: {  	_ =	shalt  }
0x60: {  	_ =	shalt  }
0x61: {  	_ =	shalt  }
0x62: {  	_ =	shalt  }
0x63: {  	_ =	shalt  }
0x64: {  	_ =	shalt  }
0x65: {  	_ =	shalt  }
0x66: {  	_ =	shalt  }
0x67: {  	_ =	shalt  }
0x68: {  	_ =	shalt  }
0x69: {  	_ =	shalt  }
0x6a: {  	_ =	shalt  }
0x6b: {  	_ =	shalt  }
0x6c: {  	_ =	shalt  }
0x6d: {  	_ =	shalt  }
0x6e: {  	_ =	shalt  }
0x6f: {  	_ =	shalt  }
0x70: {  	_ =	shalt  }
0x71: {  	_ =	shalt  }
0x72: {  	_ =	shalt  }
0x73: {  	_ =	shalt  }
0x74: {  	_ =	shalt  }
0x75: {  	_ =	shalt  }
0x76: {  	_ =	shalt  }
0x77: {  	_ =	shalt  }
0x78: {  	_ =	shalt  }
0x79: {  	_ =	shalt  }
0x7a: {  	_ =	shalt  }
0x7b: {  	_ =	shalt  }
0x7c: {  	_ =	shalt  }
0x7d: {  	_ =	shalt  }
0x7e: {  	_ =	shalt  }
0x7f: {  	_ =	shalt  }
0x80: {  	_ =	shalt  }
0x81: {  	_ =	shalt  }
0x82: {  	_ =	shalt  }
0x83: {  	_ =	shalt  }
0x84: {  	_ =	shalt  }
0x85: {  	_ =	shalt  }
0x86: {  	_ =	shalt  }
0x87: {  	_ =	shalt  }
.Lfunc_end0:
.L_simem_size_0:
called_computation.2_lowered:
.L_overlay_start_0:
0x88: {  	s2 =	sld [smem:$0x3FD9]  }
0x89: {  	s3 =	sld [smem:$0x3FFE];
	_ =	sdelay $0x1  }
0x8a: {  	s1 =	srdreg.scid  }
0x8b: {  	s0 =	sand.u32 $0x1, s1  }
0x8c: {  	s16 =	sshll.u32 s0, $0xA;
	s2 =	sadd.s32 s3, s2  }
0x8d: {  	s2 =	sadd.s32 s2, s16  }
0x8e: {  	[smem:$0x3FBD] =	sst s2  }
0x8f: {  	_ = 	snop  }
0x90: {  	(tm) =	ssettm $0x1  }
0x91: {  	s17 =	sld [smem:$0x3FFB];
	_ =	sdelay $0x3  }
0x92: {  	_ =	strace s17  }
0x93: {  	s2 =	sld [smem:$0x3FFC];
	_ =	sdelay $0x3  }
0x94: {  	_ =	strace s2  }
0x95: {  	s2 =	sld [smem:$0x3FFD];
	_ =	sdelay $0x3  }
0x96: {  	_ =	strace s2  }
0x97: {  	_ =	strace $0x8FFFFFFF  }
0x98: {  	s18 =	sld [smem:$0x3FDB];
	_ =	sdelay $0x1  }
0x99: {  	s19 =	simm.s32 $_scs_section_size  }
0x9a: {  	s4 =	simm.s32 $_size__tile_overlayer_lowered;
	s5 =	simm.s32 $_tile_overlayer_lowered  }
0x9b: {  	s22 =	simm.s32 $0x1BFF;
	s21 =	sshll.u32 s5, $0x1;
	s2 =	sadd.s32 s19, s18  }
0x9c: {  	s6 =	simm.s32 $0x0;
	s20 =	sshll.u32 s4, $0x1;
	s4 =	sadd.s32 s21, s2  }
0x9d: {  	[timem:s6], [sflag:s22] =	dma.local [hbm:s4], s20  }
0x9e: {  	_ =	swait.ge [sflag:s22], s20  }
0x9f: {  	s3 =	ssub.s32 $0x0, s20;
	[sflag:s22] =	ssyncset.done $0x0  }
0xa0: {  	[sflag:s22] =	ssyncadd.s32 s3;
	_ =	sdelay $0x1  }
0xa1: {  	s23 =	simm.s32 $0x1B8B  }
0xa2: {  	_ =	swait.ge [sflag:s23], $0x1  }
0xa3: {  	[sflag:s23] =	ssyncset.done $0x0  }
0xa4: {  	s25 =	simm.s32 $0x1B8E;
	s24 =	sld [smem:$0x3FFE];
	[sflag:s23] =	ssyncadd.s32 $0xFFFFFFFF  }
0xa5: {  	s26 =	simm.s32 $execute0_lowered;
	[smem:$0x3FD2] =	sst s25  }
0xa6: {  	s4 =	sshll.u32 s26, $0x1;
	_ =	strace $0x8000004C;
	[dreg:$0x1] =	wrdreg $0xFFFFFFFF  }
0xa7: {  	s28 =	simm.s32 $_size_execute0_lowered;
	s2 =	sadd.s32 s2, s4;
	[dreg:$0x0] =	wrdreg $0x0  }
0xa8: {  	s4 =	sshll.u32 s28, $0x1;
	[dreg:$0x2] =	wrdreg s2  }
0xa9: {  	[dreg:$0x3] =	wrdreg s4  }
0xaa: {  	[dreg:$0x4] =	wrdreg $0xC0  }
0xab: {  	_ =	task [dreg:s6], $0x5FFFF  }
0xac: {  	[dreg:$0x1] =	wrdreg $0xFFFFFFFF  }
0xad: {  	[dreg:$0x0] =	wrdreg $0x60  }
0xae: {  	[dreg:$0x2] =	wrdreg s24  }
0xaf: {  	[dreg:$0x3] =	wrdreg $0xA8000  }
0xb0: {  	[dreg:$0x4] =	wrdreg $0x9  }
0xb1: {  	_ =	task.clear_ibuf [dreg:s6], $0x5FFFF;
	_ =	strace $0x9000004C  }
0xb2: {  	s29 =	simm.s32 $0x9;
	_ =	strace $0x8000004E  }
0xb3: {  	_ =	swait.ge [sflag:s29], $0x1  }
0xb4: {  	[sflag:s29] =	ssyncadd.s32 $0xFFFFFFFF  }
0xb5: {  	_ =	strace $0x9000004E  }
0xb6: {  	_ =	sfence  }
0xb7: {  	s30 =	sld [smem:$0x0];
	_ =	sdelay $0x2  }
0xb8: {  	s31 =	sshll.u32 s1, $0xD;
	s1 =	sshrl.u32 s1, $0x2  }
0xb9: {  	s3 =	sand.u32 $0x4000, s31;
	s1 =	sadd.s32 s1, s30  }
0xba: {  	s0 =	sor.u32 s3, s0;
	s1 =	sshll.u32 s1, $0x11  }
0xbb: {  	s0 =	sor.u32 s1, s0  }
0xbc: {  	s0 =	sadd.s32 $0x8F2B, s0  }
0xbd: {  	[sflag:s0] =	ssyncadd.remote.s32 $0x1  }
0xbe: {  	_ =	sfence.sel $0xFFFF  }
0xbf: {  	[dreg:$0x0] =	wrdreg $0xFFFFFFFF;
	(pc) =	sbr.abs _section_cstart, $3  }
0xc0: {  	[dreg:$0x1] =	wrdreg $0xFFFFFFFF  }
0xc1: {  	_ =	task.clear_ibuf [dreg:s6], $0x2FFFF;
	_ =	strace $0x9FFFFFFF  }
0xc2: {  	(tm) =	ssettm $0x7FFFFFFF  }
0xc3: {  	_ =	shalt  }
tec
execute0_lowered:
.L_overlay_start_1:
0x0: {  	(tag) =	ssettag $0x1  }
0x1: {  	s4 =	rddreg [dreg:$0x0]  }
0x2: {  	s1 =	rddreg [dreg:$0x1]  }
0x3: {  	s2 =	simm.s32 $0x0;
	s3 =	srdreg.scid;
	s0 =	stileid.u32  }
0x4: {  	s20 =	simm.s32 $0x7D;
	s21 =	simm.s32 $0x2;
	s7 =	smul.u32 $0x50000, s0  }
0x5: {  	s22 =	simm.s32 $0x2780;
	s23 =	simm.s32 $0x6800;
	s13 =	smul.u32 $0x500, s0  }
0x6: {  	[smem:$0x7FF] =	sst s2;
	s5 =	sand.u32 $0x1, s3;
	s24 =	smul.u32 $0x2800, s0  }
0x7: {  	s15 =	sadd.s32 $0x3200, s4;
	s16 =	sadd.s32 $0x8200, s4;
	s6 =	smul.u32 $0x27100, s5  }
0x8: {  	_ =	strace $0x8000004D;
	s29 =	smul.u32 $0x28000, s5;
	s5 =	ssub.s32 $0x2, s5  }
0x9: {  	s7 =	sshrl.u32 s7, $0x2;
	s30 =	sshrl.u32 s5, $0x1;
	s12 =	sadd.s32 s15, s13  }
0xa: {  	s19 =	sshrl.u32 s24, $0x3;
	s13 =	sadd.s32 s16, s13;
	s14 =	sadd.s32 s6, s4  }
0xb: {  	s17 =	sadd.s32 s29, s4;
	s4 =	sadd.s32 s7, s1;
	s18 =	ssub.s32 s5, s30  }
0xc: {  	s19 =	sadd.s32 $0x280, s19;
	s31 =	sadd.s32 $0x2800, s4;
	s6 =	sadd.s32 $0x5000, s4  }
0xd: {  	s7 =	sadd.s32 $0x7800, s4;
	s8 =	sadd.s32 $0xA000, s4;
	s9 =	sadd.s32 $0xC800, s4  }
0xe: {  	s10 =	sadd.s32 $0xF000, s4;
	s11 =	sadd.s32 $0x11800, s4;
	s14 =	sadd.s32 $0xD200, s14  }
0xf: {  	s15 =	sadd.s32 s15, s19;
	s16 =	sadd.s32 s16, s19;
	s25 =	sadd.s32 $0x5B400, s17  }
0x10: {  	s17 =	smax.u32 s18, $0x1;
	s18 =	simm.s32 $0x2800;
	s19 =	simm.s32 $0x3  }
0x11: {  	v0 =	vimm.f32 $0.0e+00;
	[dreg:$0x3] =	wrdreg s31;
	s24 =	sadd.s32 s24, s25;
	s25 =	simm.s32 $0x0  }
.LBB2_1:
0x12: {  	s26 =	simm.s32 $0x0;
	s28 =	simm.s32 $0x200  }
.LBB2_2:
0x13: {  	p0 =	sne.s32 s28, $0x9E00;
	[tilespmem:s26+$0x2870] =	vst v0  }
0x14: {  	[tilespmem:s26+$0x2800] =	vst v0  }
0x15: {  	[tilespmem:s26+$0x2810] =	vst v0  }
.Ltmp0:
0x16: {  	[tilespmem:s26+$0x2820] =	vst v0;
	(pc) =	sbr.rel @p0 .LBB2_2-.Ltmp0, $4  }
0x17: {  	[tilespmem:s26+$0x2830] =	vst v0  }
0x18: {  	[tilespmem:s26+$0x2840] =	vst v0  }
0x19: {  	[tilespmem:s26+$0x2850] =	vst v0  }
0x1a: {  	[tilespmem:s26+$0x2860] =	vst v0;
	s26 =	sshra.s32 s28, $0x2;
	s28 =	sadd.s32 $0x200, s28  }
0x1b: {  	[tilespmem:s26+$0x2870] =	vst v0  }
0x1c: {  	[tilespmem:s26+$0x2800] =	vst v0  }
0x1d: {  	[tilespmem:s26+$0x2810] =	vst v0  }
0x1e: {  	[tilespmem:s26+$0x2820] =	vst v0  }
0x1f: {  	[tilespmem:s26+$0x2830] =	vst v0  }
0x20: {  	[tilespmem:s26+$0x2840] =	vst v0  }
0x21: {  	[tilespmem:s26+$0x2850] =	vst v0  }
0x22: {  	[tilespmem:s26+$0x2860] =	vst v0  }
0x23: {  	[spmem:s4] =	stream.linear.scatter [tilespmem:s18], [sflag:$0x3], $0x2800, $0x38;
	[tilespmem:$0x1E800] =	vst v63  }
0x24: {  	_ =	swait.ge [sflag:s19], $0x2800  }
0x25: {  	[sflag:s19] =	ssyncset.done $0x0  }
0x26: {  	s0 =	rddreg [dreg:$0x3];
	[sflag:s19] =	ssyncadd.s32 $0xFFFFD800  }
0x27: {  	[spmem:s0] =	stream.linear.scatter [tilespmem:s18], [sflag:$0x3], $0x2800, $0x38;
	[tilespmem:$0x1E800] =	vst v63  }
0x28: {  	_ =	swait.ge [sflag:s19], $0x2800  }
0x29: {  	[sflag:s19] =	ssyncset.done $0x0  }
0x2a: {  	[sflag:s19] =	ssyncadd.s32 $0xFFFFD800  }
0x2b: {  	[spmem:s6] =	stream.linear.scatter [tilespmem:s18], [sflag:$0x3], $0x2800, $0x38;
	[tilespmem:$0x1E800] =	vst v63  }
0x2c: {  	_ =	swait.ge [sflag:s19], $0x2800  }
0x2d: {  	[sflag:s19] =	ssyncset.done $0x0  }
0x2e: {  	[sflag:s19] =	ssyncadd.s32 $0xFFFFD800  }
0x2f: {  	[spmem:s7] =	stream.linear.scatter [tilespmem:s18], [sflag:$0x3], $0x2800, $0x38;
	[tilespmem:$0x1E800] =	vst v63  }
0x30: {  	_ =	swait.ge [sflag:s19], $0x2800  }
0x31: {  	[sflag:s19] =	ssyncset.done $0x0  }
0x32: {  	[sflag:s19] =	ssyncadd.s32 $0xFFFFD800  }
0x33: {  	[spmem:s8] =	stream.linear.scatter [tilespmem:s18], [sflag:$0x3], $0x2800, $0x38;
	[tilespmem:$0x1E800] =	vst v63  }
0x34: {  	_ =	swait.ge [sflag:s19], $0x2800  }
0x35: {  	[sflag:s19] =	ssyncset.done $0x0  }
0x36: {  	[sflag:s19] =	ssyncadd.s32 $0xFFFFD800  }
0x37: {  	[spmem:s9] =	stream.linear.scatter [tilespmem:s18], [sflag:$0x3], $0x2800, $0x38;
	[tilespmem:$0x1E800] =	vst v63  }
0x38: {  	_ =	swait.ge [sflag:s19], $0x2800  }
0x39: {  	[sflag:s19] =	ssyncset.done $0x0  }
0x3a: {  	[sflag:s19] =	ssyncadd.s32 $0xFFFFD800  }
0x3b: {  	[spmem:s10] =	stream.linear.scatter [tilespmem:s18], [sflag:$0x3], $0x2800, $0x38;
	[tilespmem:$0x1E800] =	vst v63  }
0x3c: {  	_ =	swait.ge [sflag:s19], $0x2800  }
0x3d: {  	[sflag:s19] =	ssyncset.done $0x0  }
0x3e: {  	[sflag:s19] =	ssyncadd.s32 $0xFFFFD800  }
0x3f: {  	[spmem:s11] =	stream.linear.scatter [tilespmem:s18], [sflag:$0x3], $0x2800, $0x38;
	[tilespmem:$0x1E800] =	vst v63  }
0x40: {  	_ =	swait.ge [sflag:s19], $0x2800  }
0x41: {  	[sflag:s19] =	ssyncset.done $0x0  }
0x42: {  	[sflag:s19] =	ssyncadd.s32 $0xFFFFD800  }
0x43: {  	[bflag:$0x0] =	sbarrier.arrive $0xFFFF  }
0x44: {  	[tilespmem:s2], [sflag:$0x3] =	stream.linear.gather [hbm4b:s12+s2], $0x1400, $0x38;
	[tilespmem:$0x1E800] =	vst v63  }
0x45: {  	_ =	swait.ge [sflag:s19], $0x1400  }
0x46: {  	[sflag:s19] =	ssyncset.done $0x0  }
0x47: {  	s3 =	simm.s32 $0x1400;
	[sflag:s19] =	ssyncadd.s32 $0xFFFFEC00  }
0x48: {  	[tilespmem:s3], [sflag:$0x3] =	stream.linear.gather [hbm4b:s13+s2], $0x1400, $0x38;
	[tilespmem:$0x1E800] =	vst v63  }
0x49: {  	s28 =	simm.s32 $0x1;
	s29 =	simm.s32 $0x0;
	_ =	swait.ge [sflag:s19], $0x1400  }
0x4a: {  	s30 =	simm.s32 $0x80;
	s28 =	sand.u32 $0x1, s28;
	[sflag:s19] =	ssyncset.done $0x0  }
0x4b: {  	s29 =	sand.u32 $0x1, s29;
	s31 =	sshll.u32 s28, $0xE;
	[sflag:s19] =	ssyncadd.s32 $0xFFFFEC00  }
0x4c: {  	[tilespmem:s18], [sflag:$0x1] =	stream.indirect.gather [hbm4b:s14+s20], $0x80, s2, s20, $0xb8;
	[tilespmem:$0x1E800] =	vst v63  }
0x4d: {  	s28 =	sadd.s32 $0x1, s28;
	s5 =	sadd.s32 $0x1, s29;
	s31 =	sor.u32 $0x2800, s31  }
0x4e: {  	[tilespmem:s31], [sflag:s28] =	stream.indirect.gather [hbm4b:s14+s20], $0x80, s30, s20, $0xb8;
	[tilespmem:$0x1E800] =	vst v63  }
0x4f: {  	s26 =	simm.s32 $0x1480;
	_ =	swait.ge [sflag:s5], $0x3E80  }
0x50: {  	s28 =	sshll.u32 s29, $0xE;
	s29 =	simm.s32 $0x2;
	[sflag:s5] =	ssyncset.done $0x0  }
0x51: {  	s30 =	simm.s32 $0x3;
	s28 =	sor.u32 $0x2800, s28;
	[sflag:s5] =	ssyncadd.s32 $0xFFFFC180  }
0x52: {  	[spmem:s1] =	stream.indirect.scatter.add.f32 [tilespmem:s28], [sflag:$0x3], $0x80, s3, s20, $0xb8;
	[tilespmem:$0x1E800] =	vst v63  }
0x53: {  	s31 =	sand.u32 $0x1, s29;
	s28 =	simm.s32 $0x100;
	_ =	swait.ge [sflag:s19], $0x3E80  }
.LBB2_4:
0x54: {  	s0 =	sadd.s32 $0xFFFFFFFF, s29;
	s3 =	sshll.u32 s31, $0xE  }
0x55: {  	[sflag:s19] =	ssyncset.done $0x0;
	s29 =	smov.u32 s30;
	s31 =	sadd.s32 $0x1, s31  }
0x56: {  	p0 =	sne.s32 s30, $0x27;
	s0 =	sand.u32 $0x1, s0;
	s3 =	sor.u32 $0x2800, s3  }
0x57: {  	s5 =	sshll.u32 s0, $0xE;
	s0 =	sadd.s32 $0x1, s0;
	[sflag:s19] =	ssyncadd.s32 $0xFFFFC180  }
0x58: {  	[tilespmem:s3], [sflag:s31] =	stream.indirect.gather [hbm4b:s14+s20], $0x80, s28, s20, $0xb8;
	[tilespmem:$0x1E800] =	vst v63  }
.Ltmp1:
0x59: {  	s3 =	sadd.s32 $0x1, s30;
	_ =	swait.ge [sflag:s0], $0x3E80;
	(pc) =	sbr.rel @p0 .LBB2_4-.Ltmp1, $4  }
0x5a: {  	s5 =	sor.u32 $0x2800, s5;
	[sflag:s0] =	ssyncset.done $0x0  }
0x5b: {  	s28 =	sadd.s32 $0x80, s28;
	s31 =	sand.u32 $0x1, s29;
	[sflag:s0] =	ssyncadd.s32 $0xFFFFC180  }
0x5c: {  	[spmem:s1] =	stream.indirect.scatter.add.f32 [tilespmem:s5], [sflag:$0x3], $0x80, s26, s20, $0xb8;
	[tilespmem:$0x1E800] =	vst v63  }
0x5d: {  	s30 =	smov.u32 s3;
	s26 =	sadd.s32 $0x80, s26;
	_ =	swait.ge [sflag:s19], $0x3E80  }
0x5e: {  	s0 =	sadd.s32 $0xFFFFFFFF, s29;
	s3 =	sshll.u32 s31, $0xE  }
0x5f: {  	[sflag:s19] =	ssyncset.done $0x0;
	s5 =	sadd.s32 $0x1, s31;
	s0 =	sand.u32 $0x1, s0  }
0x60: {  	s3 =	sor.u32 $0x2800, s3;
	[sflag:s19] =	ssyncadd.s32 $0xFFFFC180;
	s29 =	sadd.s32 $0x1, s0  }
0x61: {  	[tilespmem:s3], [sflag:s5] =	stream.indirect.gather [hbm4b:s14+s20], $0x80, s28, s20, $0xb8;
	[tilespmem:$0x1E800] =	vst v63  }
0x62: {  	_ =	swait.ge [sflag:s29], $0x3E80  }
0x63: {  	s0 =	sshll.u32 s0, $0xE;
	[sflag:s29] =	ssyncset.done $0x0  }
0x64: {  	s0 =	sor.u32 $0x2800, s0;
	[sflag:s29] =	ssyncadd.s32 $0xFFFFC180  }
0x65: {  	[spmem:s1] =	stream.indirect.scatter.add.f32 [tilespmem:s0], [sflag:$0x3], $0x80, s26, s20, $0xb8;
	[tilespmem:$0x1E800] =	vst v63  }
0x66: {  	_ =	swait.ge [sflag:s19], $0x3E80  }
0x67: {  	[sflag:s19] =	ssyncset.done $0x0  }
0x68: {  	[sflag:s19] =	ssyncadd.s32 $0xFFFFC180  }
0x69: {  	_ =	swait.ge [sflag:s21], $0x3E80  }
0x6a: {  	[sflag:s21] =	ssyncset.done $0x0  }
0x6b: {  	[sflag:s21] =	ssyncadd.s32 $0xFFFFC180  }
0x6c: {  	[spmem:s1] =	stream.indirect.scatter.add.f32 [tilespmem:s23], [sflag:$0x3], $0x80, s22, s20, $0xb8;
	[tilespmem:$0x1E800] =	vst v63  }
0x6d: {  	_ =	swait.ge [sflag:s19], $0x3E80  }
0x6e: {  	[sflag:s19] =	ssyncset.done $0x0  }
0x6f: {  	[sflag:s19] =	ssyncadd.s32 $0xFFFFC180  }
0x70: {  	[tilespmem:s2], [sflag:$0x3] =	stream.linear.gather [hbm4b:s15+s2], $0x1400, $0x38;
	[tilespmem:$0x1E800] =	vst v63  }
0x71: {  	_ =	swait.ge [sflag:s19], $0x1400  }
0x72: {  	[sflag:s19] =	ssyncset.done $0x0  }
0x73: {  	s5 =	simm.s32 $0x1;
	s0 =	simm.s32 $0x1400;
	[sflag:s19] =	ssyncadd.s32 $0xFFFFEC00  }
0x74: {  	[tilespmem:s0], [sflag:$0x3] =	stream.linear.gather [hbm4b:s16+s2], $0x1400, $0x38;
	[tilespmem:$0x1E800] =	vst v63  }
0x75: {  	s3 =	sand.u32 $0x1, s5;
	_ =	swait.ge [sflag:s19], $0x1400  }
0x76: {  	s5 =	simm.s32 $0x0;
	s28 =	sshll.u32 s3, $0xE;
	[sflag:s19] =	ssyncset.done $0x0  }
0x77: {  	s5 =	sand.u32 $0x1, s5;
	s3 =	sadd.s32 $0x1, s3;
	[sflag:s19] =	ssyncadd.s32 $0xFFFFEC00  }
0x78: {  	[tilespmem:s18], [sflag:$0x1] =	stream.indirect.gather [hbm4b:s14+s20], $0x80, s2, s20, $0xb8;
	[tilespmem:$0x1E800] =	vst v63  }
0x79: {  	s28 =	sor.u32 $0x2800, s28;
	s29 =	sadd.s32 $0x1, s5;
	s26 =	simm.s32 $0x80  }
0x7a: {  	[tilespmem:s28], [sflag:s3] =	stream.indirect.gather [hbm4b:s14+s20], $0x80, s26, s20, $0xb8;
	[tilespmem:$0x1E800] =	vst v63  }
0x7b: {  	s30 =	simm.s32 $0x3;
	_ =	swait.ge [sflag:s29], $0x3E80  }
0x7c: {  	s26 =	sshll.u32 s5, $0xE;
	s28 =	simm.s32 $0x100;
	[sflag:s29] =	ssyncset.done $0x0  }
0x7d: {  	s3 =	sor.u32 $0x2800, s26;
	[sflag:s29] =	ssyncadd.s32 $0xFFFFC180;
	s29 =	simm.s32 $0x2  }
0x7e: {  	[spmem:s1] =	stream.indirect.scatter.add.f32 [tilespmem:s3], [sflag:$0x3], $0x80, s0, s20, $0xb8;
	[tilespmem:$0x1E800] =	vst v63  }
0x7f: {  	s26 =	simm.s32 $0x1480;
	s31 =	sand.u32 $0x1, s29;
	_ =	swait.ge [sflag:s19], $0x3E80  }
.LBB2_6:
0x80: {  	s0 =	sadd.s32 $0xFFFFFFFF, s29;
	s3 =	sshll.u32 s31, $0xE  }
0x81: {  	[sflag:s19] =	ssyncset.done $0x0;
	s29 =	smov.u32 s30;
	s5 =	sadd.s32 $0x1, s31  }
0x82: {  	p0 =	sne.s32 s30, $0x27;
	s0 =	sand.u32 $0x1, s0;
	s3 =	sor.u32 $0x2800, s3  }
0x83: {  	s31 =	sshll.u32 s0, $0xE;
	s0 =	sadd.s32 $0x1, s0;
	[sflag:s19] =	ssyncadd.s32 $0xFFFFC180  }
0x84: {  	[tilespmem:s3], [sflag:s5] =	stream.indirect.gather [hbm4b:s14+s20], $0x80, s28, s20, $0xb8;
	[tilespmem:$0x1E800] =	vst v63  }
.Ltmp2:
0x85: {  	s3 =	sadd.s32 $0x1, s30;
	_ =	swait.ge [sflag:s0], $0x3E80;
	(pc) =	sbr.rel @p0 .LBB2_6-.Ltmp2, $4  }
0x86: {  	s5 =	sor.u32 $0x2800, s31;
	[sflag:s0] =	ssyncset.done $0x0  }
0x87: {  	s28 =	sadd.s32 $0x80, s28;
	s31 =	sand.u32 $0x1, s29;
	[sflag:s0] =	ssyncadd.s32 $0xFFFFC180  }
0x88: {  	[spmem:s1] =	stream.indirect.scatter.add.f32 [tilespmem:s5], [sflag:$0x3], $0x80, s26, s20, $0xb8;
	[tilespmem:$0x1E800] =	vst v63  }
0x89: {  	s30 =	smov.u32 s3;
	s26 =	sadd.s32 $0x80, s26;
	_ =	swait.ge [sflag:s19], $0x3E80  }
0x8a: {  	s0 =	sadd.s32 $0xFFFFFFFF, s29;
	s3 =	sshll.u32 s31, $0xE  }
0x8b: {  	[sflag:s19] =	ssyncset.done $0x0;
	s5 =	sadd.s32 $0x1, s31;
	s0 =	sand.u32 $0x1, s0  }
0x8c: {  	s3 =	sor.u32 $0x2800, s3;
	[sflag:s19] =	ssyncadd.s32 $0xFFFFC180;
	s31 =	sadd.s32 $0x1, s0  }
0x8d: {  	[tilespmem:s3], [sflag:s5] =	stream.indirect.gather [hbm4b:s14+s20], $0x80, s28, s20, $0xb8;
	[tilespmem:$0x1E800] =	vst v63  }
0x8e: {  	_ =	swait.ge [sflag:s31], $0x3E80  }
0x8f: {  	s0 =	sshll.u32 s0, $0xE;
	[sflag:s31] =	ssyncset.done $0x0  }
0x90: {  	s0 =	sor.u32 $0x2800, s0;
	[sflag:s31] =	ssyncadd.s32 $0xFFFFC180  }
0x91: {  	[spmem:s1] =	stream.indirect.scatter.add.f32 [tilespmem:s0], [sflag:$0x3], $0x80, s26, s20, $0xb8;
	[tilespmem:$0x1E800] =	vst v63  }
0x92: {  	_ =	swait.ge [sflag:s19], $0x3E80  }
0x93: {  	[sflag:s19] =	ssyncset.done $0x0  }
0x94: {  	[sflag:s19] =	ssyncadd.s32 $0xFFFFC180  }
0x95: {  	_ =	swait.ge [sflag:s21], $0x3E80  }
0x96: {  	[sflag:s21] =	ssyncset.done $0x0  }
0x97: {  	[sflag:s21] =	ssyncadd.s32 $0xFFFFC180  }
0x98: {  	[spmem:s1] =	stream.indirect.scatter.add.f32 [tilespmem:s23], [sflag:$0x3], $0x80, s22, s20, $0xb8;
	[tilespmem:$0x1E800] =	vst v63  }
0x99: {  	s25 =	sadd.s32 $0x1, s25;
	_ =	swait.ge [sflag:s19], $0x3E80  }
0x9a: {  	s30 =	stileid.u32;
	p0 =	sne.s32 s25, s17;
	[sflag:s19] =	ssyncset.done $0x0  }
0x9b: {  	s31 =	sshrl.u32 s4, $0x3;
	s0 =	sshll.u32 s30, $0x6;
	[sflag:s19] =	ssyncadd.s32 $0xFFFFC180  }
.Ltmp3:
0x9c: {  	s0 =	sor.u32 $0x1C03, s0;
	[bflag:$0x0] =	sbarrier.arrive $0xFFFF;
	(pc) =	sbr.rel @p0 .LBB2_1-.Ltmp3, $4  }
0x9d: {  	[hbm:s24], [sflag:s0] =	dma.local [spmem:s31], $0x2800  }
0x9e: {  	_ =	swait.ge [sflag:s19], $0x2800  }
0x9f: {  	[sflag:s19] =	ssyncset.done $0x0  }
0xa0: {  	[sflag:s19] =	ssyncadd.s32 $0xFFFFD800  }
0xa1: {  	_ =	sfence.sel $0x180000  }
0xa2: {  	[bflag:$0x0] =	sbarrier.arrive $0xFFFF  }
0xa3: {  	_ =	strace $0x9000004D  }
0xa4: {  	s0 =	stileid.u32;
	[bflag:$0x2] =	sbarrier.arrive $0xFFFF  }
0xa5: {  	p0 =	sne.s32 s0, $0x0;
	s0 =	rddreg [dreg:$0x2]  }
0xa6: {  	s0 =	sadd.s32 @!p0 $0x100000, s0  }
0xa7: {  	[sflag:s0] =	ssyncadd.tile.s32 @!p0 $0x1;
	_ =	shalt  }
.Lfunc_end2:
_tile_overlayer_lowered:
.L_overlay_start_2:
0xa8: {  	(tag) =	ssettag $0x2  }
0xa9: {  	s0 =	rddreg [dreg:$0x0];
	s2 =	stileid.u32  }
0xaa: {  	s1 =	rddreg [dreg:$0x1];
	p0 =	sne.s32 s2, $0x0  }
0xab: {  	s3 =	rddreg [dreg:$0x2];
	[bflag:$0x3] =	sbarrier.arrive $0xFFFF;
	s2 =	simm.s32 @!p0 $0x1C03  }
0xac: {  	[timem:s3], [sflag:s2] =	dma.local @!p0 [hbm:s0], s1  }
0xad: {  	s0 =	simm.s32 @!p0 $0x3  }
0xae: {  	_ =	swait.ge @!p0 [sflag:s0], s1  }
0xaf: {  	s1 =	ssub.s32 @!p0 $0x0, s1;
	[sflag:s0] =	ssyncset.done @!p0 $0x0  }
0xb0: {  	[sflag:s0] =	ssyncadd.s32 @!p0 s1  }
0xb1: {  	[bflag:$0x3] =	sbarrier.arrive $0xFFFF  }
0xb2: {  	_ =	shalt  }

</sc_bundles>
